<compile_context>
chip_gen: v7x
topology: tpu7x:2x2x1
jax: 0.10.2.dev20260603
libtpu: 0.0.44.dev20260713+nightly
codegen_flags: <defaults>
</compile_context>

<pallas_src>
import functools

import jax
import jax.numpy as jnp
from jax import lax
from jax.experimental import pallas as pl
from jax.experimental.pallas import tpu as pltpu
from jax.experimental.pallas import tpu_sc as plsc

ENT_NUM = 1000000
REL_NUM = 1000
EMB_DIM = 64
BATCH = 16384

NC = 2
NS = 16
NW = NC * NS
B_PER_W = BATCH // NW
L = 16
CHUNK = L
NCHUNK = B_PER_W // CHUNK
NCH = EMB_DIM // L


def _body(heads_hbm, rels_hbm, tails_hbm, ent_hbm, rel_hbm, out_hbm,
          hidx, ridx, tidx, hbuf, rbuf, tbuf, outv, sem):
    wid = lax.axis_index("s") * NC + lax.axis_index("c")
    base = pl.multiple_of(wid * B_PER_W, B_PER_W)

    pltpu.sync_copy(heads_hbm.at[pl.ds(base, B_PER_W)], hidx)
    pltpu.sync_copy(rels_hbm.at[pl.ds(base, B_PER_W)], ridx)
    pltpu.sync_copy(tails_hbm.at[pl.ds(base, B_PER_W)], tidx)

    lanes = lax.iota(jnp.int32, L)

    def chunk(c, _):
        cbase = c * CHUNK
        gsl = pl.ds(pl.multiple_of(cbase, CHUNK), CHUNK)
        hv = hidx[gsl]
        rv = ridx[gsl]
        tv = tidx[gsl]
        cps = []
        for k in range(L):
            cps.append(pltpu.async_copy(ent_hbm.at[hv[k]], hbuf.at[k], sem))
            cps.append(pltpu.async_copy(ent_hbm.at[tv[k]], tbuf.at[k], sem))
            cps.append(pltpu.async_copy(rel_hbm.at[rv[k]], rbuf.at[k], sem))
        for cp in cps:
            cp.wait()
        acc16 = jnp.zeros((L,), jnp.float32)
        for k in range(L):
            acc = (hbuf[k, pl.ds(0, L)] * rbuf[k, pl.ds(0, L)]
                   * tbuf[k, pl.ds(0, L)])
            for cc in range(1, NCH):
                acc = acc + (hbuf[k, pl.ds(cc * L, L)]
                             * rbuf[k, pl.ds(cc * L, L)]
                             * tbuf[k, pl.ds(cc * L, L)])
            s = lax.reduce_sum(acc, axes=(0,))
            acc16 = jnp.where(lanes == k, s, acc16)
        outv[gsl] = acc16
        return 0

    lax.fori_loop(0, NCHUNK, chunk, 0)

    pltpu.sync_copy(outv, out_hbm.at[pl.ds(base, B_PER_W)])


@jax.jit
def _distmult(heads, rels, tails, ent_embeds, rel_embeds):
    mesh = plsc.VectorSubcoreMesh(core_axis_name="c", subcore_axis_name="s")
    return pl.kernel(
        _body,
        out_type=jax.ShapeDtypeStruct((BATCH,), jnp.float32),
        mesh=mesh,
        compiler_params=pltpu.CompilerParams(
            needs_layout_passes=False, use_tc_tiling_on_sc=True),
        scratch_types=[
            pltpu.VMEM((B_PER_W,), jnp.int32),
            pltpu.VMEM((B_PER_W,), jnp.int32),
            pltpu.VMEM((B_PER_W,), jnp.int32),
            pltpu.VMEM((CHUNK, EMB_DIM), jnp.float32),
            pltpu.VMEM((CHUNK, EMB_DIM), jnp.float32),
            pltpu.VMEM((CHUNK, EMB_DIM), jnp.float32),
            pltpu.VMEM((B_PER_W,), jnp.float32),
            pltpu.SemaphoreType.DMA,
        ],
    )(heads, rels, tails, ent_embeds, rel_embeds)


def kernel(heads, rels, tails, ent_embeds, rel_embeds):
    return _distmult(heads.astype(jnp.int32), rels.astype(jnp.int32),
                     tails.astype(jnp.int32), ent_embeds, rel_embeds)

# --- scband reference (transcript-rebuilt; emitter-appended) ---
"""Pipeline reference for scband-dist-mult-38671885533201 (READ-ONLY COPY).

The authoritative reference and input builder live on the scoring server;
editing this copy changes nothing except your own understanding.
"""

import jax, jax.numpy as jnp
import numpy as np

ENT_NUM = 1000000
REL_NUM = 1000
EMB_DIM = 64
BATCH = 16384

def setup_inputs(seed: int = 0) -> dict:
    key = jax.random.key(seed)
    k1, k2, k3, k4, k5 = jax.random.split(key, 5)
    heads = jax.random.randint(k1, (BATCH,), 0, ENT_NUM, dtype=jnp.int64) if jax.config.jax_enable_x64 else jax.random.randint(k1, (BATCH,), 0, ENT_NUM).astype(jnp.int32)
    rels = jax.random.randint(k2, (BATCH,), 0, REL_NUM).astype(heads.dtype)
    tails = jax.random.randint(k3, (BATCH,), 0, ENT_NUM).astype(heads.dtype)
    ent_embeds = jax.random.normal(k4, (ENT_NUM, EMB_DIM), dtype=jnp.float32)
    rel_embeds = jax.random.normal(k5, (REL_NUM, EMB_DIM), dtype=jnp.float32)
    return {"heads": heads, "rels": rels, "tails": tails, "ent_embeds": ent_embeds, "rel_embeds": rel_embeds}

def reference(heads, rels, tails, ent_embeds, rel_embeds):
    # DistMult forward (eval mode: dropout is identity)
    h_embs = jnp.take(ent_embeds, heads, axis=0)
    r_embs = jnp.take(rel_embeds, rels, axis=0)
    t_embs = jnp.take(ent_embeds, tails, axis=0)
    scores = h_embs * r_embs * t_embs
    scores = jnp.sum(scores, axis=1)
    return scores

if __name__ == "__main__":
    import jax
    _d = setup_inputs()
    print(jax.jit(kernel)(*tuple(_d.values())))

</pallas_src>

<mosaic_0001>
#map = affine_map<(d0, d1) -> (0)>
#map1 = affine_map<(d0, d1) -> (0, 0)>
module attributes {stable_mosaic.version = 14 : i64} {
  func.func @_body(%arg0: i32, %arg1: i32, %arg2: memref<16384xi32, #tpu.memory_space<hbm>>, %arg3: memref<16384xi32, #tpu.memory_space<hbm>>, %arg4: memref<16384xi32, #tpu.memory_space<hbm>>, %arg5: memref<1000000x64xf32, #tpu.memory_space<hbm>>, %arg6: memref<1000x64xf32, #tpu.memory_space<hbm>>, %arg7: memref<16384xf32, #tpu.memory_space<hbm>>, %arg8: memref<512xi32, #tpu.memory_space<vmem>>, %arg9: memref<512xi32, #tpu.memory_space<vmem>>, %arg10: memref<512xi32, #tpu.memory_space<vmem>>, %arg11: memref<16x64xf32, #tpu.memory_space<vmem>>, %arg12: memref<16x64xf32, #tpu.memory_space<vmem>>, %arg13: memref<16x64xf32, #tpu.memory_space<vmem>>, %arg14: memref<512xf32, #tpu.memory_space<vmem>>, %arg15: memref<!tpu.dma_semaphore, #tpu.memory_space<semaphore_mem>>) attributes {dimension_semantics = [#tpu.dimension_semantics<core_parallel>, #tpu.dimension_semantics<subcore_parallel>], iteration_bounds = array<i64: 2, 16>, scalar_prefetch = 0 : i64, scratch_operands = 8 : i64, tpu.core_type = #tpu.core_type<sc_vector_subcore>, window_params = [{transform_indices = #map}, {transform_indices = #map}, {transform_indices = #map}, {transform_indices = #map1}, {transform_indices = #map1}, {transform_indices = #map}]} {
    %mul3A = arith.constant 2 : i32
    %mul3A_0 = arith.muli %arg1, %mul3A : i32
    %add3A = arith.addi %mul3A_0, %arg0 : i32
    %mul3A_1 = arith.constant 512 : i32
    %mul3A_2 = arith.muli %add3A, %mul3A_1 : i32
    %multiple_of3A = tpu.assume_multiple %mul3A_2, 512 : i32
    "tpu.region"() ({
      %run_scoped3A = tpu.sem_alloc : memref<!tpu.dma_semaphore, #tpu.memory_space<semaphore_mem>>
      %dma_start3A = tpu.memref_slice %arg2[%multiple_of3A] : memref<16384xi32, #tpu.memory_space<hbm>> -> memref<512xi32, #tpu.memory_space<hbm>>
      %dma_start3A_9 = tpu.memref_slice %arg2[%multiple_of3A] : memref<16384xi32, #tpu.memory_space<hbm>> -> memref<512xi32, #tpu.memory_space<hbm>>
      tpu.enqueue_dma source(%dma_start3A_9 : memref<512xi32, #tpu.memory_space<hbm>>) target(%arg8 : memref<512xi32, #tpu.memory_space<vmem>>) target_semaphore(%run_scoped3A : memref<!tpu.dma_semaphore, #tpu.memory_space<semaphore_mem>>)
      %dma_wait3A = tpu.memref_slice %arg2[%multiple_of3A] : memref<16384xi32, #tpu.memory_space<hbm>> -> memref<512xi32, #tpu.memory_space<hbm>>
      %dma_wait3A_10 = tpu.memref_slice %arg2[%multiple_of3A] : memref<16384xi32, #tpu.memory_space<hbm>> -> memref<512xi32, #tpu.memory_space<hbm>>
      tpu.wait_dma2 semaphore(%run_scoped3A : memref<!tpu.dma_semaphore, #tpu.memory_space<semaphore_mem>>) src(%dma_wait3A_10 : memref<512xi32, #tpu.memory_space<hbm>>) dst(%arg8 : memref<512xi32, #tpu.memory_space<vmem>>)
      tpu.yield
    }) : () -> ()
    "tpu.region"() ({
      %run_scoped3A = tpu.sem_alloc : memref<!tpu.dma_semaphore, #tpu.memory_space<semaphore_mem>>
      %dma_start3A = tpu.memref_slice %arg3[%multiple_of3A] : memref<16384xi32, #tpu.memory_space<hbm>> -> memref<512xi32, #tpu.memory_space<hbm>>
      %dma_start3A_9 = tpu.memref_slice %arg3[%multiple_of3A] : memref<16384xi32, #tpu.memory_space<hbm>> -> memref<512xi32, #tpu.memory_space<hbm>>
      tpu.enqueue_dma source(%dma_start3A_9 : memref<512xi32, #tpu.memory_space<hbm>>) target(%arg9 : memref<512xi32, #tpu.memory_space<vmem>>) target_semaphore(%run_scoped3A : memref<!tpu.dma_semaphore, #tpu.memory_space<semaphore_mem>>)
      %dma_wait3A = tpu.memref_slice %arg3[%multiple_of3A] : memref<16384xi32, #tpu.memory_space<hbm>> -> memref<512xi32, #tpu.memory_space<hbm>>
      %dma_wait3A_10 = tpu.memref_slice %arg3[%multiple_of3A] : memref<16384xi32, #tpu.memory_space<hbm>> -> memref<512xi32, #tpu.memory_space<hbm>>
      tpu.wait_dma2 semaphore(%run_scoped3A : memref<!tpu.dma_semaphore, #tpu.memory_space<semaphore_mem>>) src(%dma_wait3A_10 : memref<512xi32, #tpu.memory_space<hbm>>) dst(%arg9 : memref<512xi32, #tpu.memory_space<vmem>>)
      tpu.yield
    }) : () -> ()
    "tpu.region"() ({
      %run_scoped3A = tpu.sem_alloc : memref<!tpu.dma_semaphore, #tpu.memory_space<semaphore_mem>>
      %dma_start3A = tpu.memref_slice %arg4[%multiple_of3A] : memref<16384xi32, #tpu.memory_space<hbm>> -> memref<512xi32, #tpu.memory_space<hbm>>
      %dma_start3A_9 = tpu.memref_slice %arg4[%multiple_of3A] : memref<16384xi32, #tpu.memory_space<hbm>> -> memref<512xi32, #tpu.memory_space<hbm>>
      tpu.enqueue_dma source(%dma_start3A_9 : memref<512xi32, #tpu.memory_space<hbm>>) target(%arg10 : memref<512xi32, #tpu.memory_space<vmem>>) target_semaphore(%run_scoped3A : memref<!tpu.dma_semaphore, #tpu.memory_space<semaphore_mem>>)
      %dma_wait3A = tpu.memref_slice %arg4[%multiple_of3A] : memref<16384xi32, #tpu.memory_space<hbm>> -> memref<512xi32, #tpu.memory_space<hbm>>
      %dma_wait3A_10 = tpu.memref_slice %arg4[%multiple_of3A] : memref<16384xi32, #tpu.memory_space<hbm>> -> memref<512xi32, #tpu.memory_space<hbm>>
      tpu.wait_dma2 semaphore(%run_scoped3A : memref<!tpu.dma_semaphore, #tpu.memory_space<semaphore_mem>>) src(%dma_wait3A_10 : memref<512xi32, #tpu.memory_space<hbm>>) dst(%arg10 : memref<512xi32, #tpu.memory_space<vmem>>)
      tpu.yield
    }) : () -> ()
    %iota3A = tpu.iota {dimensions = array<i32: 0>} : vector<16xi32>
    %scan3A = arith.constant 0 : i32
    %scan3A_3 = arith.constant 0 : i32
    %scan3A_4 = arith.constant 32 : i32
    %scan3A_5 = arith.addi %scan3A_3, %scan3A_4 : i32
    %scan3A_6 = arith.constant 1 : i32
    %scan3A_7 = scf.for %scan3A_9 = %scan3A_3 to %scan3A_5 step %scan3A_6 iter_args(%scan3A_10 = %scan3A) -> (i32)  : i32 {
      %mul3A_11 = arith.constant 16 : i32
      %mul3A_12 = arith.muli %scan3A_9, %mul3A_11 : i32
      %multiple_of3A_13 = tpu.assume_multiple %mul3A_12, 16 : i32
      %get3A = arith.index_cast %multiple_of3A_13 : i32 to index
      %get3A_14 = tpu.vector_load %arg8[%get3A] {strides = array<i32>} : memref<512xi32, #tpu.memory_space<vmem>>, vector<16xi32>,
      %get3A_15 = arith.index_cast %multiple_of3A_13 : i32 to index
      %get3A_16 = tpu.vector_load %arg9[%get3A_15] {strides = array<i32>} : memref<512xi32, #tpu.memory_space<vmem>>, vector<16xi32>,
      %get3A_17 = arith.index_cast %multiple_of3A_13 : i32 to index
      %get3A_18 = tpu.vector_load %arg10[%get3A_17] {strides = array<i32>} : memref<512xi32, #tpu.memory_space<vmem>>, vector<16xi32>,
      %slice3A = vector.extract_strided_slice %get3A_14 {offsets = [0], sizes = [1], strides = [1]} : vector<16xi32> to vector<1xi32>
      %squeeze3A = vector.extract %slice3A[0] : i32 from vector<1xi32>
      %dma_start3A = arith.constant 0 : i32
      %dma_start3A_19 = arith.constant 0 : i32
      %dma_start3A_20 = tpu.memref_slice %arg11[%dma_start3A, %dma_start3A_19] : memref<16x64xf32, #tpu.memory_space<vmem>> -> memref<1x64xf32, #tpu.memory_space<vmem>>
      %dma_start3A_21 = tpu.memref_squeeze %dma_start3A_20 : memref<1x64xf32, #tpu.memory_space<vmem>> -> memref<64xf32, #tpu.memory_space<vmem>>
      %dma_start3A_22 = arith.constant 0 : i32
      %dma_start3A_23 = tpu.memref_slice %arg5[%squeeze3A, %dma_start3A_22] : memref<1000000x64xf32, #tpu.memory_space<hbm>> -> memref<1x64xf32, #tpu.memory_space<hbm>>
      %dma_start3A_24 = tpu.memref_squeeze %dma_start3A_23 : memref<1x64xf32, #tpu.memory_space<hbm>> -> memref<64xf32, #tpu.memory_space<hbm>>
      %dma_start3A_25 = arith.constant 0 : i32
      %dma_start3A_26 = tpu.memref_slice %arg11[%dma_start3A, %dma_start3A_25] : memref<16x64xf32, #tpu.memory_space<vmem>> -> memref<1x64xf32, #tpu.memory_space<vmem>>
      %dma_start3A_27 = tpu.memref_squeeze %dma_start3A_26 : memref<1x64xf32, #tpu.memory_space<vmem>> -> memref<64xf32, #tpu.memory_space<vmem>>
      %dma_start3A_28 = arith.constant 0 : i32
      %dma_start3A_29 = tpu.memref_slice %arg5[%squeeze3A, %dma_start3A_28] : memref<1000000x64xf32, #tpu.memory_space<hbm>> -> memref<1x64xf32, #tpu.memory_space<hbm>>
      %dma_start3A_30 = tpu.memref_squeeze %dma_start3A_29 : memref<1x64xf32, #tpu.memory_space<hbm>> -> memref<64xf32, #tpu.memory_space<hbm>>
      tpu.enqueue_dma source(%dma_start3A_30 : memref<64xf32, #tpu.memory_space<hbm>>) target(%dma_start3A_27 : memref<64xf32, #tpu.memory_space<vmem>>) target_semaphore(%arg15 : memref<!tpu.dma_semaphore, #tpu.memory_space<semaphore_mem>>)
      %slice3A_31 = vector.extract_strided_slice %get3A_18 {offsets = [0], sizes = [1], strides = [1]} : vector<16xi32> to vector<1xi32>
      %squeeze3A_32 = vector.extract %slice3A_31[0] : i32 from vector<1xi32>
      %dma_start3A_33 = arith.constant 0 : i32
      %dma_start3A_34 = arith.constant 0 : i32
      %dma_start3A_35 = tpu.memref_slice %arg13[%dma_start3A_33, %dma_start3A_34] : memref<16x64xf32, #tpu.memory_space<vmem>> -> memref<1x64xf32, #tpu.memory_space<vmem>>
      %dma_start3A_36 = tpu.memref_squeeze %dma_start3A_35 : memref<1x64xf32, #tpu.memory_space<vmem>> -> memref<64xf32, #tpu.memory_space<vmem>>
      %dma_start3A_37 = arith.constant 0 : i32
      %dma_start3A_38 = tpu.memref_slice %arg5[%squeeze3A_32, %dma_start3A_37] : memref<1000000x64xf32, #tpu.memory_space<hbm>> -> memref<1x64xf32, #tpu.memory_space<hbm>>
      %dma_start3A_39 = tpu.memref_squeeze %dma_start3A_38 : memref<1x64xf32, #tpu.memory_space<hbm>> -> memref<64xf32, #tpu.memory_space<hbm>>
      %dma_start3A_40 = arith.constant 0 : i32
      %dma_start3A_41 = tpu.memref_slice %arg13[%dma_start3A_33, %dma_start3A_40] : memref<16x64xf32, #tpu.memory_space<vmem>> -> memref<1x64xf32, #tpu.memory_space<vmem>>
      %dma_start3A_42 = tpu.memref_squeeze %dma_start3A_41 : memref<1x64xf32, #tpu.memory_space<vmem>> -> memref<64xf32, #tpu.memory_space<vmem>>
      %dma_start3A_43 = arith.constant 0 : i32
      %dma_start3A_44 = tpu.memref_slice %arg5[%squeeze3A_32, %dma_start3A_43] : memref<1000000x64xf32, #tpu.memory_space<hbm>> -> memref<1x64xf32, #tpu.memory_space<hbm>>
      %dma_start3A_45 = tpu.memref_squeeze %dma_start3A_44 : memref<1x64xf32, #tpu.memory_space<hbm>> -> memref<64xf32, #tpu.memory_space<hbm>>
      tpu.enqueue_dma source(%dma_start3A_45 : memref<64xf32, #tpu.memory_space<hbm>>) target(%dma_start3A_42 : memref<64xf32, #tpu.memory_space<vmem>>) target_semaphore(%arg15 : memref<!tpu.dma_semaphore, #tpu.memory_space<semaphore_mem>>)
      %slice3A_46 = vector.extract_strided_slice %get3A_16 {offsets = [0], sizes = [1], strides = [1]} : vector<16xi32> to vector<1xi32>
      %squeeze3A_47 = vector.extract %slice3A_46[0] : i32 from vector<1xi32>
      %dma_start3A_48 = arith.constant 0 : i32
      %dma_start3A_49 = arith.constant 0 : i32
      %dma_start3A_50 = tpu.memref_slice %arg12[%dma_start3A_48, %dma_start3A_49] : memref<16x64xf32, #tpu.memory_space<vmem>> -> memref<1x64xf32, #tpu.memory_space<vmem>>
      %dma_start3A_51 = tpu.memref_squeeze %dma_start3A_50 : memref<1x64xf32, #tpu.memory_space<vmem>> -> memref<64xf32, #tpu.memory_space<vmem>>
      %dma_start3A_52 = arith.constant 0 : i32
      %dma_start3A_53 = tpu.memref_slice %arg6[%squeeze3A_47, %dma_start3A_52] : memref<1000x64xf32, #tpu.memory_space<hbm>> -> memref<1x64xf32, #tpu.memory_space<hbm>>
      %dma_start3A_54 = tpu.memref_squeeze %dma_start3A_53 : memref<1x64xf32, #tpu.memory_space<hbm>> -> memref<64xf32, #tpu.memory_space<hbm>>
      %dma_start3A_55 = arith.constant 0 : i32
      %dma_start3A_56 = tpu.memref_slice %arg12[%dma_start3A_48, %dma_start3A_55] : memref<16x64xf32, #tpu.memory_space<vmem>> -> memref<1x64xf32, #tpu.memory_space<vmem>>
      %dma_start3A_57 = tpu.memref_squeeze %dma_start3A_56 : memref<1x64xf32, #tpu.memory_space<vmem>> -> memref<64xf32, #tpu.memory_space<vmem>>
      %dma_start3A_58 = arith.constant 0 : i32
      %dma_start3A_59 = tpu.memref_slice %arg6[%squeeze3A_47, %dma_start3A_58] : memref<1000x64xf32, #tpu.memory_space<hbm>> -> memref<1x64xf32, #tpu.memory_space<hbm>>
      %dma_start3A_60 = tpu.memref_squeeze %dma_start3A_59 : memref<1x64xf32, #tpu.memory_space<hbm>> -> memref<64xf32, #tpu.memory_space<hbm>>
      tpu.enqueue_dma source(%dma_start3A_60 : memref<64xf32, #tpu.memory_space<hbm>>) target(%dma_start3A_57 : memref<64xf32, #tpu.memory_space<vmem>>) target_semaphore(%arg15 : memref<!tpu.dma_semaphore, #tpu.memory_space<semaphore_mem>>)
      %slice3A_61 = vector.extract_strided_slice %get3A_14 {offsets = [1], sizes = [1], strides = [1]} : vector<16xi32> to vector<1xi32>
      %squeeze3A_62 = vector.extract %slice3A_61[0] : i32 from vector<1xi32>
      %dma_start3A_63 = arith.constant 1 : i32
      %dma_start3A_64 = arith.constant 0 : i32
      %dma_start3A_65 = tpu.memref_slice %arg11[%dma_start3A_63, %dma_start3A_64] : memref<16x64xf32, #tpu.memory_space<vmem>> -> memref<1x64xf32, #tpu.memory_space<vmem>>
      %dma_start3A_66 = tpu.memref_squeeze %dma_start3A_65 : memref<1x64xf32, #tpu.memory_space<vmem>> -> memref<64xf32, #tpu.memory_space<vmem>>
      %dma_start3A_67 = arith.constant 0 : i32
      %dma_start3A_68 = tpu.memref_slice %arg5[%squeeze3A_62, %dma_start3A_67] : memref<1000000x64xf32, #tpu.memory_space<hbm>> -> memref<1x64xf32, #tpu.memory_space<hbm>>
      %dma_start3A_69 = tpu.memref_squeeze %dma_start3A_68 : memref<1x64xf32, #tpu.memory_space<hbm>> -> memref<64xf32, #tpu.memory_space<hbm>>
      %dma_start3A_70 = arith.constant 0 : i32
      %dma_start3A_71 = tpu.memref_slice %arg11[%dma_start3A_63, %dma_start3A_70] : memref<16x64xf32, #tpu.memory_space<vmem>> -> memref<1x64xf32, #tpu.memory_space<vmem>>
      %dma_start3A_72 = tpu.memref_squeeze %dma_start3A_71 : memref<1x64xf32, #tpu.memory_space<vmem>> -> memref<64xf32, #tpu.memory_space<vmem>>
      %dma_start3A_73 = arith.constant 0 : i32
      %dma_start3A_74 = tpu.memref_slice %arg5[%squeeze3A_62, %dma_start3A_73] : memref<1000000x64xf32, #tpu.memory_space<hbm>> -> memref<1x64xf32, #tpu.memory_space<hbm>>
      %dma_start3A_75 = tpu.memref_squeeze %dma_start3A_74 : memref<1x64xf32, #tpu.memory_space<hbm>> -> memref<64xf32, #tpu.memory_space<hbm>>
      tpu.enqueue_dma source(%dma_start3A_75 : memref<64xf32, #tpu.memory_space<hbm>>) target(%dma_start3A_72 : memref<64xf32, #tpu.memory_space<vmem>>) target_semaphore(%arg15 : memref<!tpu.dma_semaphore, #tpu.memory_space<semaphore_mem>>)
      %slice3A_76 = vector.extract_strided_slice %get3A_18 {offsets = [1], sizes = [1], strides = [1]} : vector<16xi32> to vector<1xi32>
      %squeeze3A_77 = vector.extract %slice3A_76[0] : i32 from vector<1xi32>
      %dma_start3A_78 = arith.constant 1 : i32
      %dma_start3A_79 = arith.constant 0 : i32
      %dma_start3A_80 = tpu.memref_slice %arg13[%dma_start3A_78, %dma_start3A_79] : memref<16x64xf32, #tpu.memory_space<vmem>> -> memref<1x64xf32, #tpu.memory_space<vmem>>
      %dma_start3A_81 = tpu.memref_squeeze %dma_start3A_80 : memref<1x64xf32, #tpu.memory_space<vmem>> -> memref<64xf32, #tpu.memory_space<vmem>>
      %dma_start3A_82 = arith.constant 0 : i32
      %dma_start3A_83 = tpu.memref_slice %arg5[%squeeze3A_77, %dma_start3A_82] : memref<1000000x64xf32, #tpu.memory_space<hbm>> -> memref<1x64xf32, #tpu.memory_space<hbm>>
      %dma_start3A_84 = tpu.memref_squeeze %dma_start3A_83 : memref<1x64xf32, #tpu.memory_space<hbm>> -> memref<64xf32, #tpu.memory_space<hbm>>
      %dma_start3A_85 = arith.constant 0 : i32
      %dma_start3A_86 = tpu.memref_slice %arg13[%dma_start3A_78, %dma_start3A_85] : memref<16x64xf32, #tpu.memory_space<vmem>> -> memref<1x64xf32, #tpu.memory_space<vmem>>
      %dma_start3A_87 = tpu.memref_squeeze %dma_start3A_86 : memref<1x64xf32, #tpu.memory_space<vmem>> -> memref<64xf32, #tpu.memory_space<vmem>>
      %dma_start3A_88 = arith.constant 0 : i32
      %dma_start3A_89 = tpu.memref_slice %arg5[%squeeze3A_77, %dma_start3A_88] : memref<1000000x64xf32, #tpu.memory_space<hbm>> -> memref<1x64xf32, #tpu.memory_space<hbm>>
      %dma_start3A_90 = tpu.memref_squeeze %dma_start3A_89 : memref<1x64xf32, #tpu.memory_space<hbm>> -> memref<64xf32, #tpu.memory_space<hbm>>
      tpu.enqueue_dma source(%dma_start3A_90 : memref<64xf32, #tpu.memory_space<hbm>>) target(%dma_start3A_87 : memref<64xf32, #tpu.memory_space<vmem>>) target_semaphore(%arg15 : memref<!tpu.dma_semaphore, #tpu.memory_space<semaphore_mem>>)
      %slice3A_91 = vector.extract_strided_slice %get3A_16 {offsets = [1], sizes = [1], strides = [1]} : vector<16xi32> to vector<1xi32>
      %squeeze3A_92 = vector.extract %slice3A_91[0] : i32 from vector<1xi32>
      %dma_start3A_93 = arith.constant 1 : i32
      %dma_start3A_94 = arith.constant 0 : i32
      %dma_start3A_95 = tpu.memref_slice %arg12[%dma_start3A_93, %dma_start3A_94] : memref<16x64xf32, #tpu.memory_space<vmem>> -> memref<1x64xf32, #tpu.memory_space<vmem>>
      %dma_start3A_96 = tpu.memref_squeeze %dma_start3A_95 : memref<1x64xf32, #tpu.memory_space<vmem>> -> memref<64xf32, #tpu.memory_space<vmem>>
      %dma_start3A_97 = arith.constant 0 : i32
      %dma_start3A_98 = tpu.memref_slice %arg6[%squeeze3A_92, %dma_start3A_97] : memref<1000x64xf32, #tpu.memory_space<hbm>> -> memref<1x64xf32, #tpu.memory_space<hbm>>
      %dma_start3A_99 = tpu.memref_squeeze %dma_start3A_98 : memref<1x64xf32, #tpu.memory_space<hbm>> -> memref<64xf32, #tpu.memory_space<hbm>>
      %dma_start3A_100 = arith.constant 0 : i32
      %dma_start3A_101 = tpu.memref_slice %arg12[%dma_start3A_93, %dma_start3A_100] : memref<16x64xf32, #tpu.memory_space<vmem>> -> memref<1x64xf32, #tpu.memory_space<vmem>>
      %dma_start3A_102 = tpu.memref_squeeze %dma_start3A_101 : memref<1x64xf32, #tpu.memory_space<vmem>> -> memref<64xf32, #tpu.memory_space<vmem>>
      %dma_start3A_103 = arith.constant 0 : i32
      %dma_start3A_104 = tpu.memref_slice %arg6[%squeeze3A_92, %dma_start3A_103] : memref<1000x64xf32, #tpu.memory_space<hbm>> -> memref<1x64xf32, #tpu.memory_space<hbm>>
      %dma_start3A_105 = tpu.memref_squeeze %dma_start3A_104 : memref<1x64xf32, #tpu.memory_space<hbm>> -> memref<64xf32, #tpu.memory_space<hbm>>
      tpu.enqueue_dma source(%dma_start3A_105 : memref<64xf32, #tpu.memory_space<hbm>>) target(%dma_start3A_102 : memref<64xf32, #tpu.memory_space<vmem>>) target_semaphore(%arg15 : memref<!tpu.dma_semaphore, #tpu.memory_space<semaphore_mem>>)
      %slice3A_106 = vector.extract_strided_slice %get3A_14 {offsets = [2], sizes = [1], strides = [1]} : vector<16xi32> to vector<1xi32>
      %squeeze3A_107 = vector.extract %slice3A_106[0] : i32 from vector<1xi32>
      %dma_start3A_108 = arith.constant 2 : i32
      %dma_start3A_109 = arith.constant 0 : i32
      %dma_start3A_110 = tpu.memref_slice %arg11[%dma_start3A_108, %dma_start3A_109] : memref<16x64xf32, #tpu.memory_space<vmem>> -> memref<1x64xf32, #tpu.memory_space<vmem>>
      %dma_start3A_111 = tpu.memref_squeeze %dma_start3A_110 : memref<1x64xf32, #tpu.memory_space<vmem>> -> memref<64xf32, #tpu.memory_space<vmem>>
      %dma_start3A_112 = arith.constant 0 : i32
      %dma_start3A_113 = tpu.memref_slice %arg5[%squeeze3A_107, %dma_start3A_112] : memref<1000000x64xf32, #tpu.memory_space<hbm>> -> memref<1x64xf32, #tpu.memory_space<hbm>>
      %dma_start3A_114 = tpu.memref_squeeze %dma_start3A_113 : memref<1x64xf32, #tpu.memory_space<hbm>> -> memref<64xf32, #tpu.memory_space<hbm>>
      %dma_start3A_115 = arith.constant 0 : i32
      %dma_start3A_116 = tpu.memref_slice %arg11[%dma_start3A_108, %dma_start3A_115] : memref<16x64xf32, #tpu.memory_space<vmem>> -> memref<1x64xf32, #tpu.memory_space<vmem>>
      %dma_start3A_117 = tpu.memref_squeeze %dma_start3A_116 : memref<1x64xf32, #tpu.memory_space<vmem>> -> memref<64xf32, #tpu.memory_space<vmem>>
      %dma_start3A_118 = arith.constant 0 : i32
      %dma_start3A_119 = tpu.memref_slice %arg5[%squeeze3A_107, %dma_start3A_118] : memref<1000000x64xf32, #tpu.memory_space<hbm>> -> memref<1x64xf32, #tpu.memory_space<hbm>>
      %dma_start3A_120 = tpu.memref_squeeze %dma_start3A_119 : memref<1x64xf32, #tpu.memory_space<hbm>> -> memref<64xf32, #tpu.memory_space<hbm>>
      tpu.enqueue_dma source(%dma_start3A_120 : memref<64xf32, #tpu.memory_space<hbm>>) target(%dma_start3A_117 : memref<64xf32, #tpu.memory_space<vmem>>) target_semaphore(%arg15 : memref<!tpu.dma_semaphore, #tpu.memory_space<semaphore_mem>>)
      %slice3A_121 = vector.extract_strided_slice %get3A_18 {offsets = [2], sizes = [1], strides = [1]} : vector<16xi32> to vector<1xi32>
      %squeeze3A_122 = vector.extract %slice3A_121[0] : i32 from vector<1xi32>
      %dma_start3A_123 = arith.constant 2 : i32
      %dma_start3A_124 = arith.constant 0 : i32
      %dma_start3A_125 = tpu.memref_slice %arg13[%dma_start3A_123, %dma_start3A_124] : memref<16x64xf32, #tpu.memory_space<vmem>> -> memref<1x64xf32, #tpu.memory_space<vmem>>
      %dma_start3A_126 = tpu.memref_squeeze %dma_start3A_125 : memref<1x64xf32, #tpu.memory_space<vmem>> -> memref<64xf32, #tpu.memory_space<vmem>>
      %dma_start3A_127 = arith.constant 0 : i32
      %dma_start3A_128 = tpu.memref_slice %arg5[%squeeze3A_122, %dma_start3A_127] : memref<1000000x64xf32, #tpu.memory_space<hbm>> -> memref<1x64xf32, #tpu.memory_space<hbm>>
      %dma_start3A_129 = tpu.memref_squeeze %dma_start3A_128 : memref<1x64xf32, #tpu.memory_space<hbm>> -> memref<64xf32, #tpu.memory_space<hbm>>
      %dma_start3A_130 = arith.constant 0 : i32
      %dma_start3A_131 = tpu.memref_slice %arg13[%dma_start3A_123, %dma_start3A_130] : memref<16x64xf32, #tpu.memory_space<vmem>> -> memref<1x64xf32, #tpu.memory_space<vmem>>
      %dma_start3A_132 = tpu.memref_squeeze %dma_start3A_131 : memref<1x64xf32, #tpu.memory_space<vmem>> -> memref<64xf32, #tpu.memory_space<vmem>>
      %dma_start3A_133 = arith.constant 0 : i32
      %dma_start3A_134 = tpu.memref_slice %arg5[%squeeze3A_122, %dma_start3A_133] : memref<1000000x64xf32, #tpu.memory_space<hbm>> -> memref<1x64xf32, #tpu.memory_space<hbm>>
      %dma_start3A_135 = tpu.memref_squeeze %dma_start3A_134 : memref<1x64xf32, #tpu.memory_space<hbm>> -> memref<64xf32, #tpu.memory_space<hbm>>
      tpu.enqueue_dma source(%dma_start3A_135 : memref<64xf32, #tpu.memory_space<hbm>>) target(%dma_start3A_132 : memref<64xf32, #tpu.memory_space<vmem>>) target_semaphore(%arg15 : memref<!tpu.dma_semaphore, #tpu.memory_space<semaphore_mem>>)
      %slice3A_136 = vector.extract_strided_slice %get3A_16 {offsets = [2], sizes = [1], strides = [1]} : vector<16xi32> to vector<1xi32>
      %squeeze3A_137 = vector.extract %slice3A_136[0] : i32 from vector<1xi32>
      %dma_start3A_138 = arith.constant 2 : i32
      %dma_start3A_139 = arith.constant 0 : i32
      %dma_start3A_140 = tpu.memref_slice %arg12[%dma_start3A_138, %dma_start3A_139] : memref<16x64xf32, #tpu.memory_space<vmem>> -> memref<1x64xf32, #tpu.memory_space<vmem>>
      %dma_start3A_141 = tpu.memref_squeeze %dma_start3A_140 : memref<1x64xf32, #tpu.memory_space<vmem>> -> memref<64xf32, #tpu.memory_space<vmem>>
      %dma_start3A_142 = arith.constant 0 : i32
      %dma_start3A_143 = tpu.memref_slice %arg6[%squeeze3A_137, %dma_start3A_142] : memref<1000x64xf32, #tpu.memory_space<hbm>> -> memref<1x64xf32, #tpu.memory_space<hbm>>
      %dma_start3A_144 = tpu.memref_squeeze %dma_start3A_143 : memref<1x64xf32, #tpu.memory_space<hbm>> -> memref<64xf32, #tpu.memory_space<hbm>>
      %dma_start3A_145 = arith.constant 0 : i32
      %dma_start3A_146 = tpu.memref_slice %arg12[%dma_start3A_138, %dma_start3A_145] : memref<16x64xf32, #tpu.memory_space<vmem>> -> memref<1x64xf32, #tpu.memory_space<vmem>>
      %dma_start3A_147 = tpu.memref_squeeze %dma_start3A_146 : memref<1x64xf32, #tpu.memory_space<vmem>> -> memref<64xf32, #tpu.memory_space<vmem>>
      %dma_start3A_148 = arith.constant 0 : i32
      %dma_start3A_149 = tpu.memref_slice %arg6[%squeeze3A_137, %dma_start3A_148] : memref<1000x64xf32, #tpu.memory_space<hbm>> -> memref<1x64xf32, #tpu.memory_space<hbm>>
      %dma_start3A_150 = tpu.memref_squeeze %dma_start3A_149 : memref<1x64xf32, #tpu.memory_space<hbm>> -> memref<64xf32, #tpu.memory_space<hbm>>
      tpu.enqueue_dma source(%dma_start3A_150 : memref<64xf32, #tpu.memory_space<hbm>>) target(%dma_start3A_147 : memref<64xf32, #tpu.memory_space<vmem>>) target_semaphore(%arg15 : memref<!tpu.dma_semaphore, #tpu.memory_space<semaphore_mem>>)
      %slice3A_151 = vector.extract_strided_slice %get3A_14 {offsets = [3], sizes = [1], strides = [1]} : vector<16xi32> to vector<1xi32>
      %squeeze3A_152 = vector.extract %slice3A_151[0] : i32 from vector<1xi32>
      %dma_start3A_153 = arith.constant 3 : i32
      %dma_start3A_154 = arith.constant 0 : i32
      %dma_start3A_155 = tpu.memref_slice %arg11[%dma_start3A_153, %dma_start3A_154] : memref<16x64xf32, #tpu.memory_space<vmem>> -> memref<1x64xf32, #tpu.memory_space<vmem>>
      %dma_start3A_156 = tpu.memref_squeeze %dma_start3A_155 : memref<1x64xf32, #tpu.memory_space<vmem>> -> memref<64xf32, #tpu.memory_space<vmem>>
      %dma_start3A_157 = arith.constant 0 : i32
      %dma_start3A_158 = tpu.memref_slice %arg5[%squeeze3A_152, %dma_start3A_157] : memref<1000000x64xf32, #tpu.memory_space<hbm>> -> memref<1x64xf32, #tpu.memory_space<hbm>>
      %dma_start3A_159 = tpu.memref_squeeze %dma_start3A_158 : memref<1x64xf32, #tpu.memory_space<hbm>> -> memref<64xf32, #tpu.memory_space<hbm>>
      %dma_start3A_160 = arith.constant 0 : i32
      %dma_start3A_161 = tpu.memref_slice %arg11[%dma_start3A_153, %dma_start3A_160] : memref<16x64xf32, #tpu.memory_space<vmem>> -> memref<1x64xf32, #tpu.memory_space<vmem>>
      %dma_start3A_162 = tpu.memref_squeeze %dma_start3A_161 : memref<1x64xf32, #tpu.memory_space<vmem>> -> memref<64xf32, #tpu.memory_space<vmem>>
      %dma_start3A_163 = arith.constant 0 : i32
      %dma_start3A_164 = tpu.memref_slice %arg5[%squeeze3A_152, %dma_start3A_163] : memref<1000000x64xf32, #tpu.memory_space<hbm>> -> memref<1x64xf32, #tpu.memory_space<hbm>>
      %dma_start3A_165 = tpu.memref_squeeze %dma_start3A_164 : memref<1x64xf32, #tpu.memory_space<hbm>> -> memref<64xf32, #tpu.memory_space<hbm>>
      tpu.enqueue_dma source(%dma_start3A_165 : memref<64xf32, #tpu.memory_space<hbm>>) target(%dma_start3A_162 : memref<64xf32, #tpu.memory_space<vmem>>) target_semaphore(%arg15 : memref<!tpu.dma_semaphore, #tpu.memory_space<semaphore_mem>>)
      %slice3A_166 = vector.extract_strided_slice %get3A_18 {offsets = [3], sizes = [1], strides = [1]} : vector<16xi32> to vector<1xi32>
      %squeeze3A_167 = vector.extract %slice3A_166[0] : i32 from vector<1xi32>
      %dma_start3A_168 = arith.constant 3 : i32
      %dma_start3A_169 = arith.constant 0 : i32
      %dma_start3A_170 = tpu.memref_slice %arg13[%dma_start3A_168, %dma_start3A_169] : memref<16x64xf32, #tpu.memory_space<vmem>> -> memref<1x64xf32, #tpu.memory_space<vmem>>
      %dma_start3A_171 = tpu.memref_squeeze %dma_start3A_170 : memref<1x64xf32, #tpu.memory_space<vmem>> -> memref<64xf32, #tpu.memory_space<vmem>>
      %dma_start3A_172 = arith.constant 0 : i32
      %dma_start3A_173 = tpu.memref_slice %arg5[%squeeze3A_167, %dma_start3A_172] : memref<1000000x64xf32, #tpu.memory_space<hbm>> -> memref<1x64xf32, #tpu.memory_space<hbm>>
      %dma_start3A_174 = tpu.memref_squeeze %dma_start3A_173 : memref<1x64xf32, #tpu.memory_space<hbm>> -> memref<64xf32, #tpu.memory_space<hbm>>
      %dma_start3A_175 = arith.constant 0 : i32
      %dma_start3A_176 = tpu.memref_slice %arg13[%dma_start3A_168, %dma_start3A_175] : memref<16x64xf32, #tpu.memory_space<vmem>> -> memref<1x64xf32, #tpu.memory_space<vmem>>
      %dma_start3A_177 = tpu.memref_squeeze %dma_start3A_176 : memref<1x64xf32, #tpu.memory_space<vmem>> -> memref<64xf32, #tpu.memory_space<vmem>>
      %dma_start3A_178 = arith.constant 0 : i32
      %dma_start3A_179 = tpu.memref_slice %arg5[%squeeze3A_167, %dma_start3A_178] : memref<1000000x64xf32, #tpu.memory_space<hbm>> -> memref<1x64xf32, #tpu.memory_space<hbm>>
      %dma_start3A_180 = tpu.memref_squeeze %dma_start3A_179 : memref<1x64xf32, #tpu.memory_space<hbm>> -> memref<64xf32, #tpu.memory_space<hbm>>
      tpu.enqueue_dma source(%dma_start3A_180 : memref<64xf32, #tpu.memory_space<hbm>>) target(%dma_start3A_177 : memref<64xf32, #tpu.memory_space<vmem>>) target_semaphore(%arg15 : memref<!tpu.dma_semaphore, #tpu.memory_space<semaphore_mem>>)
      %slice3A_181 = vector.extract_strided_slice %get3A_16 {offsets = [3], sizes = [1], strides = [1]} : vector<16xi32> to vector<1xi32>
      %squeeze3A_182 = vector.extract %slice3A_181[0] : i32 from vector<1xi32>
      %dma_start3A_183 = arith.constant 3 : i32
      %dma_start3A_184 = arith.constant 0 : i32
      %dma_start3A_185 = tpu.memref_slice %arg12[%dma_start3A_183, %dma_start3A_184] : memref<16x64xf32, #tpu.memory_space<vmem>> -> memref<1x64xf32, #tpu.memory_space<vmem>>
      %dma_start3A_186 = tpu.memref_squeeze %dma_start3A_185 : memref<1x64xf32, #tpu.memory_space<vmem>> -> memref<64xf32, #tpu.memory_space<vmem>>
      %dma_start3A_187 = arith.constant 0 : i32
      %dma_start3A_188 = tpu.memref_slice %arg6[%squeeze3A_182, %dma_start3A_187] : memref<1000x64xf32, #tpu.memory_space<hbm>> -> memref<1x64xf32, #tpu.memory_space<hbm>>
      %dma_start3A_189 = tpu.memref_squeeze %dma_start3A_188 : memref<1x64xf32, #tpu.memory_space<hbm>> -> memref<64xf32, #tpu.memory_space<hbm>>
      %dma_start3A_190 = arith.constant 0 : i32
      %dma_start3A_191 = tpu.memref_slice %arg12[%dma_start3A_183, %dma_start3A_190] : memref<16x64xf32, #tpu.memory_space<vmem>> -> memref<1x64xf32, #tpu.memory_space<vmem>>
      %dma_start3A_192 = tpu.memref_squeeze %dma_start3A_191 : memref<1x64xf32, #tpu.memory_space<vmem>> -> memref<64xf32, #tpu.memory_space<vmem>>
      %dma_start3A_193 = arith.constant 0 : i32
      %dma_start3A_194 = tpu.memref_slice %arg6[%squeeze3A_182, %dma_start3A_193] : memref<1000x64xf32, #tpu.memory_space<hbm>> -> memref<1x64xf32, #tpu.memory_space<hbm>>
      %dma_start3A_195 = tpu.memref_squeeze %dma_start3A_194 : memref<1x64xf32, #tpu.memory_space<hbm>> -> memref<64xf32, #tpu.memory_space<hbm>>
      tpu.enqueue_dma source(%dma_start3A_195 : memref<64xf32, #tpu.memory_space<hbm>>) target(%dma_start3A_192 : memref<64xf32, #tpu.memory_space<vmem>>) target_semaphore(%arg15 : memref<!tpu.dma_semaphore, #tpu.memory_space<semaphore_mem>>)
      %slice3A_196 = vector.extract_strided_slice %get3A_14 {offsets = [4], sizes = [1], strides = [1]} : vector<16xi32> to vector<1xi32>
      %squeeze3A_197 = vector.extract %slice3A_196[0] : i32 from vector<1xi32>
      %dma_start3A_198 = arith.constant 4 : i32
      %dma_start3A_199 = arith.constant 0 : i32
      %dma_start3A_200 = tpu.memref_slice %arg11[%dma_start3A_198, %dma_start3A_199] : memref<16x64xf32, #tpu.memory_space<vmem>> -> memref<1x64xf32, #tpu.memory_space<vmem>>
      %dma_start3A_201 = tpu.memref_squeeze %dma_start3A_200 : memref<1x64xf32, #tpu.memory_space<vmem>> -> memref<64xf32, #tpu.memory_space<vmem>>
      %dma_start3A_202 = arith.constant 0 : i32
      %dma_start3A_203 = tpu.memref_slice %arg5[%squeeze3A_197, %dma_start3A_202] : memref<1000000x64xf32, #tpu.memory_space<hbm>> -> memref<1x64xf32, #tpu.memory_space<hbm>>
      %dma_start3A_204 = tpu.memref_squeeze %dma_start3A_203 : memref<1x64xf32, #tpu.memory_space<hbm>> -> memref<64xf32, #tpu.memory_space<hbm>>
      %dma_start3A_205 = arith.constant 0 : i32
      %dma_start3A_206 = tpu.memref_slice %arg11[%dma_start3A_198, %dma_start3A_205] : memref<16x64xf32, #tpu.memory_space<vmem>> -> memref<1x64xf32, #tpu.memory_space<vmem>>
      %dma_start3A_207 = tpu.memref_squeeze %dma_start3A_206 : memref<1x64xf32, #tpu.memory_space<vmem>> -> memref<64xf32, #tpu.memory_space<vmem>>
      %dma_start3A_208 = arith.constant 0 : i32
      %dma_start3A_209 = tpu.memref_slice %arg5[%squeeze3A_197, %dma_start3A_208] : memref<1000000x64xf32, #tpu.memory_space<hbm>> -> memref<1x64xf32, #tpu.memory_space<hbm>>
      %dma_start3A_210 = tpu.memref_squeeze %dma_start3A_209 : memref<1x64xf32, #tpu.memory_space<hbm>> -> memref<64xf32, #tpu.memory_space<hbm>>
      tpu.enqueue_dma source(%dma_start3A_210 : memref<64xf32, #tpu.memory_space<hbm>>) target(%dma_start3A_207 : memref<64xf32, #tpu.memory_space<vmem>>) target_semaphore(%arg15 : memref<!tpu.dma_semaphore, #tpu.memory_space<semaphore_mem>>)
      %slice3A_211 = vector.extract_strided_slice %get3A_18 {offsets = [4], sizes = [1], strides = [1]} : vector<16xi32> to vector<1xi32>
      %squeeze3A_212 = vector.extract %slice3A_211[0] : i32 from vector<1xi32>
      %dma_start3A_213 = arith.constant 4 : i32
      %dma_start3A_214 = arith.constant 0 : i32
      %dma_start3A_215 = tpu.memref_slice %arg13[%dma_start3A_213, %dma_start3A_214] : memref<16x64xf32, #tpu.memory_space<vmem>> -> memref<1x64xf32, #tpu.memory_space<vmem>>
      %dma_start3A_216 = tpu.memref_squeeze %dma_start3A_215 : memref<1x64xf32, #tpu.memory_space<vmem>> -> memref<64xf32, #tpu.memory_space<vmem>>
      %dma_start3A_217 = arith.constant 0 : i32
      %dma_start3A_218 = tpu.memref_slice %arg5[%squeeze3A_212, %dma_start3A_217] : memref<1000000x64xf32, #tpu.memory_space<hbm>> -> memref<1x64xf32, #tpu.memory_space<hbm>>
      %dma_start3A_219 = tpu.memref_squeeze %dma_start3A_218 : memref<1x64xf32, #tpu.memory_space<hbm>> -> memref<64xf32, #tpu.memory_space<hbm>>
      %dma_start3A_220 = arith.constant 0 : i32
      %dma_start3A_221 = tpu.memref_slice %arg13[%dma_start3A_213, %dma_start3A_220] : memref<16x64xf32, #tpu.memory_space<vmem>> -> memref<1x64xf32, #tpu.memory_space<vmem>>
      %dma_start3A_222 = tpu.memref_squeeze %dma_start3A_221 : memref<1x64xf32, #tpu.memory_space<vmem>> -> memref<64xf32, #tpu.memory_space<vmem>>
      %dma_start3A_223 = arith.constant 0 : i32
      %dma_start3A_224 = tpu.memref_slice %arg5[%squeeze3A_212, %dma_start3A_223] : memref<1000000x64xf32, #tpu.memory_space<hbm>> -> memref<1x64xf32, #tpu.memory_space<hbm>>
      %dma_start3A_225 = tpu.memref_squeeze %dma_start3A_224 : memref<1x64xf32, #tpu.memory_space<hbm>> -> memref<64xf32, #tpu.memory_space<hbm>>
      tpu.enqueue_dma source(%dma_start3A_225 : memref<64xf32, #tpu.memory_space<hbm>>) target(%dma_start3A_222 : memref<64xf32, #tpu.memory_space<vmem>>) target_semaphore(%arg15 : memref<!tpu.dma_semaphore, #tpu.memory_space<semaphore_mem>>)
      %slice3A_226 = vector.extract_strided_slice %get3A_16 {offsets = [4], sizes = [1], strides = [1]} : vector<16xi32> to vector<1xi32>
      %squeeze3A_227 = vector.extract %slice3A_226[0] : i32 from vector<1xi32>
      %dma_start3A_228 = arith.constant 4 : i32
      %dma_start3A_229 = arith.constant 0 : i32
      %dma_start3A_230 = tpu.memref_slice %arg12[%dma_start3A_228, %dma_start3A_229] : memref<16x64xf32, #tpu.memory_space<vmem>> -> memref<1x64xf32, #tpu.memory_space<vmem>>
      %dma_start3A_231 = tpu.memref_squeeze %dma_start3A_230 : memref<1x64xf32, #tpu.memory_space<vmem>> -> memref<64xf32, #tpu.memory_space<vmem>>
      %dma_start3A_232 = arith.constant 0 : i32
      %dma_start3A_233 = tpu.memref_slice %arg6[%squeeze3A_227, %dma_start3A_232] : memref<1000x64xf32, #tpu.memory_space<hbm>> -> memref<1x64xf32, #tpu.memory_space<hbm>>
      %dma_start3A_234 = tpu.memref_squeeze %dma_start3A_233 : memref<1x64xf32, #tpu.memory_space<hbm>> -> memref<64xf32, #tpu.memory_space<hbm>>
      %dma_start3A_235 = arith.constant 0 : i32
      %dma_start3A_236 = tpu.memref_slice %arg12[%dma_start3A_228, %dma_start3A_235] : memref<16x64xf32, #tpu.memory_space<vmem>> -> memref<1x64xf32, #tpu.memory_space<vmem>>
      %dma_start3A_237 = tpu.memref_squeeze %dma_start3A_236 : memref<1x64xf32, #tpu.memory_space<vmem>> -> memref<64xf32, #tpu.memory_space<vmem>>
      %dma_start3A_238 = arith.constant 0 : i32
      %dma_start3A_239 = tpu.memref_slice %arg6[%squeeze3A_227, %dma_start3A_238] : memref<1000x64xf32, #tpu.memory_space<hbm>> -> memref<1x64xf32, #tpu.memory_space<hbm>>
      %dma_start3A_240 = tpu.memref_squeeze %dma_start3A_239 : memref<1x64xf32, #tpu.memory_space<hbm>> -> memref<64xf32, #tpu.memory_space<hbm>>
      tpu.enqueue_dma source(%dma_start3A_240 : memref<64xf32, #tpu.memory_space<hbm>>) target(%dma_start3A_237 : memref<64xf32, #tpu.memory_space<vmem>>) target_semaphore(%arg15 : memref<!tpu.dma_semaphore, #tpu.memory_space<semaphore_mem>>)
      %slice3A_241 = vector.extract_strided_slice %get3A_14 {offsets = [5], sizes = [1], strides = [1]} : vector<16xi32> to vector<1xi32>
      %squeeze3A_242 = vector.extract %slice3A_241[0] : i32 from vector<1xi32>
      %dma_start3A_243 = arith.constant 5 : i32
      %dma_start3A_244 = arith.constant 0 : i32
      %dma_start3A_245 = tpu.memref_slice %arg11[%dma_start3A_243, %dma_start3A_244] : memref<16x64xf32, #tpu.memory_space<vmem>> -> memref<1x64xf32, #tpu.memory_space<vmem>>
      %dma_start3A_246 = tpu.memref_squeeze %dma_start3A_245 : memref<1x64xf32, #tpu.memory_space<vmem>> -> memref<64xf32, #tpu.memory_space<vmem>>
      %dma_start3A_247 = arith.constant 0 : i32
      %dma_start3A_248 = tpu.memref_slice %arg5[%squeeze3A_242, %dma_start3A_247] : memref<1000000x64xf32, #tpu.memory_space<hbm>> -> memref<1x64xf32, #tpu.memory_space<hbm>>
      %dma_start3A_249 = tpu.memref_squeeze %dma_start3A_248 : memref<1x64xf32, #tpu.memory_space<hbm>> -> memref<64xf32, #tpu.memory_space<hbm>>
      %dma_start3A_250 = arith.constant 0 : i32
      %dma_start3A_251 = tpu.memref_slice %arg11[%dma_start3A_243, %dma_start3A_250] : memref<16x64xf32, #tpu.memory_space<vmem>> -> memref<1x64xf32, #tpu.memory_space<vmem>>
      %dma_start3A_252 = tpu.memref_squeeze %dma_start3A_251 : memref<1x64xf32, #tpu.memory_space<vmem>> -> memref<64xf32, #tpu.memory_space<vmem>>
      %dma_start3A_253 = arith.constant 0 : i32
      %dma_start3A_254 = tpu.memref_slice %arg5[%squeeze3A_242, %dma_start3A_253] : memref<1000000x64xf32, #tpu.memory_space<hbm>> -> memref<1x64xf32, #tpu.memory_space<hbm>>
      %dma_start3A_255 = tpu.memref_squeeze %dma_start3A_254 : memref<1x64xf32, #tpu.memory_space<hbm>> -> memref<64xf32, #tpu.memory_space<hbm>>
      tpu.enqueue_dma source(%dma_start3A_255 : memref<64xf32, #tpu.memory_space<hbm>>) target(%dma_start3A_252 : memref<64xf32, #tpu.memory_space<vmem>>) target_semaphore(%arg15 : memref<!tpu.dma_semaphore, #tpu.memory_space<semaphore_mem>>)
      %slice3A_256 = vector.extract_strided_slice %get3A_18 {offsets = [5], sizes = [1], strides = [1]} : vector<16xi32> to vector<1xi32>
      %squeeze3A_257 = vector.extract %slice3A_256[0] : i32 from vector<1xi32>
      %dma_start3A_258 = arith.constant 5 : i32
      %dma_start3A_259 = arith.constant 0 : i32
      %dma_start3A_260 = tpu.memref_slice %arg13[%dma_start3A_258, %dma_start3A_259] : memref<16x64xf32, #tpu.memory_space<vmem>> -> memref<1x64xf32, #tpu.memory_space<vmem>>
      %dma_start3A_261 = tpu.memref_squeeze %dma_start3A_260 : memref<1x64xf32, #tpu.memory_space<vmem>> -> memref<64xf32, #tpu.memory_space<vmem>>
      %dma_start3A_262 = arith.constant 0 : i32
      %dma_start3A_263 = tpu.memref_slice %arg5[%squeeze3A_257, %dma_start3A_262] : memref<1000000x64xf32, #tpu.memory_space<hbm>> -> memref<1x64xf32, #tpu.memory_space<hbm>>
      %dma_start3A_264 = tpu.memref_squeeze %dma_start3A_263 : memref<1x64xf32, #tpu.memory_space<hbm>> -> memref<64xf32, #tpu.memory_space<hbm>>
      %dma_start3A_265 = arith.constant 0 : i32
      %dma_start3A_266 = tpu.memref_slice %arg13[%dma_start3A_258, %dma_start3A_265] : memref<16x64xf32, #tpu.memory_space<vmem>> -> memref<1x64xf32, #tpu.memory_space<vmem>>
      %dma_start3A_267 = tpu.memref_squeeze %dma_start3A_266 : memref<1x64xf32, #tpu.memory_space<vmem>> -> memref<64xf32, #tpu.memory_space<vmem>>
      %dma_start3A_268 = arith.constant 0 : i32
      %dma_start3A_269 = tpu.memref_slice %arg5[%squeeze3A_257, %dma_start3A_268] : memref<1000000x64xf32, #tpu.memory_space<hbm>> -> memref<1x64xf32, #tpu.memory_space<hbm>>
      %dma_start3A_270 = tpu.memref_squeeze %dma_start3A_269 : memref<1x64xf32, #tpu.memory_space<hbm>> -> memref<64xf32, #tpu.memory_space<hbm>>
      tpu.enqueue_dma source(%dma_start3A_270 : memref<64xf32, #tpu.memory_space<hbm>>) target(%dma_start3A_267 : memref<64xf32, #tpu.memory_space<vmem>>) target_semaphore(%arg15 : memref<!tpu.dma_semaphore, #tpu.memory_space<semaphore_mem>>)
      %slice3A_271 = vector.extract_strided_slice %get3A_16 {offsets = [5], sizes = [1], strides = [1]} : vector<16xi32> to vector<1xi32>
      %squeeze3A_272 = vector.extract %slice3A_271[0] : i32 from vector<1xi32>
      %dma_start3A_273 = arith.constant 5 : i32
      %dma_start3A_274 = arith.constant 0 : i32
      %dma_start3A_275 = tpu.memref_slice %arg12[%dma_start3A_273, %dma_start3A_274] : memref<16x64xf32, #tpu.memory_space<vmem>> -> memref<1x64xf32, #tpu.memory_space<vmem>>
      %dma_start3A_276 = tpu.memref_squeeze %dma_start3A_275 : memref<1x64xf32, #tpu.memory_space<vmem>> -> memref<64xf32, #tpu.memory_space<vmem>>
      %dma_start3A_277 = arith.constant 0 : i32
      %dma_start3A_278 = tpu.memref_slice %arg6[%squeeze3A_272, %dma_start3A_277] : memref<1000x64xf32, #tpu.memory_space<hbm>> -> memref<1x64xf32, #tpu.memory_space<hbm>>
      %dma_start3A_279 = tpu.memref_squeeze %dma_start3A_278 : memref<1x64xf32, #tpu.memory_space<hbm>> -> memref<64xf32, #tpu.memory_space<hbm>>
      %dma_start3A_280 = arith.constant 0 : i32
      %dma_start3A_281 = tpu.memref_slice %arg12[%dma_start3A_273, %dma_start3A_280] : memref<16x64xf32, #tpu.memory_space<vmem>> -> memref<1x64xf32, #tpu.memory_space<vmem>>
      %dma_start3A_282 = tpu.memref_squeeze %dma_start3A_281 : memref<1x64xf32, #tpu.memory_space<vmem>> -> memref<64xf32, #tpu.memory_space<vmem>>
      %dma_start3A_283 = arith.constant 0 : i32
      %dma_start3A_284 = tpu.memref_slice %arg6[%squeeze3A_272, %dma_start3A_283] : memref<1000x64xf32, #tpu.memory_space<hbm>> -> memref<1x64xf32, #tpu.memory_space<hbm>>
      %dma_start3A_285 = tpu.memref_squeeze %dma_start3A_284 : memref<1x64xf32, #tpu.memory_space<hbm>> -> memref<64xf32, #tpu.memory_space<hbm>>
      tpu.enqueue_dma source(%dma_start3A_285 : memref<64xf32, #tpu.memory_space<hbm>>) target(%dma_start3A_282 : memref<64xf32, #tpu.memory_space<vmem>>) target_semaphore(%arg15 : memref<!tpu.dma_semaphore, #tpu.memory_space<semaphore_mem>>)
      %slice3A_286 = vector.extract_strided_slice %get3A_14 {offsets = [6], sizes = [1], strides = [1]} : vector<16xi32> to vector<1xi32>
      %squeeze3A_287 = vector.extract %slice3A_286[0] : i32 from vector<1xi32>
      %dma_start3A_288 = arith.constant 6 : i32
      %dma_start3A_289 = arith.constant 0 : i32
      %dma_start3A_290 = tpu.memref_slice %arg11[%dma_start3A_288, %dma_start3A_289] : memref<16x64xf32, #tpu.memory_space<vmem>> -> memref<1x64xf32, #tpu.memory_space<vmem>>
      %dma_start3A_291 = tpu.memref_squeeze %dma_start3A_290 : memref<1x64xf32, #tpu.memory_space<vmem>> -> memref<64xf32, #tpu.memory_space<vmem>>
      %dma_start3A_292 = arith.constant 0 : i32
      %dma_start3A_293 = tpu.memref_slice %arg5[%squeeze3A_287, %dma_start3A_292] : memref<1000000x64xf32, #tpu.memory_space<hbm>> -> memref<1x64xf32, #tpu.memory_space<hbm>>
      %dma_start3A_294 = tpu.memref_squeeze %dma_start3A_293 : memref<1x64xf32, #tpu.memory_space<hbm>> -> memref<64xf32, #tpu.memory_space<hbm>>
      %dma_start3A_295 = arith.constant 0 : i32
      %dma_start3A_296 = tpu.memref_slice %arg11[%dma_start3A_288, %dma_start3A_295] : memref<16x64xf32, #tpu.memory_space<vmem>> -> memref<1x64xf32, #tpu.memory_space<vmem>>
      %dma_start3A_297 = tpu.memref_squeeze %dma_start3A_296 : memref<1x64xf32, #tpu.memory_space<vmem>> -> memref<64xf32, #tpu.memory_space<vmem>>
      %dma_start3A_298 = arith.constant 0 : i32
      %dma_start3A_299 = tpu.memref_slice %arg5[%squeeze3A_287, %dma_start3A_298] : memref<1000000x64xf32, #tpu.memory_space<hbm>> -> memref<1x64xf32, #tpu.memory_space<hbm>>
      %dma_start3A_300 = tpu.memref_squeeze %dma_start3A_299 : memref<1x64xf32, #tpu.memory_space<hbm>> -> memref<64xf32, #tpu.memory_space<hbm>>
      tpu.enqueue_dma source(%dma_start3A_300 : memref<64xf32, #tpu.memory_space<hbm>>) target(%dma_start3A_297 : memref<64xf32, #tpu.memory_space<vmem>>) target_semaphore(%arg15 : memref<!tpu.dma_semaphore, #tpu.memory_space<semaphore_mem>>)
      %slice3A_301 = vector.extract_strided_slice %get3A_18 {offsets = [6], sizes = [1], strides = [1]} : vector<16xi32> to vector<1xi32>
      %squeeze3A_302 = vector.extract %slice3A_301[0] : i32 from vector<1xi32>
      %dma_start3A_303 = arith.constant 6 : i32
      %dma_start3A_304 = arith.constant 0 : i32
      %dma_start3A_305 = tpu.memref_slice %arg13[%dma_start3A_303, %dma_start3A_304] : memref<16x64xf32, #tpu.memory_space<vmem>> -> memref<1x64xf32, #tpu.memory_space<vmem>>
      %dma_start3A_306 = tpu.memref_squeeze %dma_start3A_305 : memref<1x64xf32, #tpu.memory_space<vmem>> -> memref<64xf32, #tpu.memory_space<vmem>>
      %dma_start3A_307 = arith.constant 0 : i32
      %dma_start3A_308 = tpu.memref_slice %arg5[%squeeze3A_302, %dma_start3A_307] : memref<1000000x64xf32, #tpu.memory_space<hbm>> -> memref<1x64xf32, #tpu.memory_space<hbm>>
      %dma_start3A_309 = tpu.memref_squeeze %dma_start3A_308 : memref<1x64xf32, #tpu.memory_space<hbm>> -> memref<64xf32, #tpu.memory_space<hbm>>
      %dma_start3A_310 = arith.constant 0 : i32
      %dma_start3A_311 = tpu.memref_slice %arg13[%dma_start3A_303, %dma_start3A_310] : memref<16x64xf32, #tpu.memory_space<vmem>> -> memref<1x64xf32, #tpu.memory_space<vmem>>
      %dma_start3A_312 = tpu.memref_squeeze %dma_start3A_311 : memref<1x64xf32, #tpu.memory_space<vmem>> -> memref<64xf32, #tpu.memory_space<vmem>>
      %dma_start3A_313 = arith.constant 0 : i32
      %dma_start3A_314 = tpu.memref_slice %arg5[%squeeze3A_302, %dma_start3A_313] : memref<1000000x64xf32, #tpu.memory_space<hbm>> -> memref<1x64xf32, #tpu.memory_space<hbm>>
      %dma_start3A_315 = tpu.memref_squeeze %dma_start3A_314 : memref<1x64xf32, #tpu.memory_space<hbm>> -> memref<64xf32, #tpu.memory_space<hbm>>
      tpu.enqueue_dma source(%dma_start3A_315 : memref<64xf32, #tpu.memory_space<hbm>>) target(%dma_start3A_312 : memref<64xf32, #tpu.memory_space<vmem>>) target_semaphore(%arg15 : memref<!tpu.dma_semaphore, #tpu.memory_space<semaphore_mem>>)
      %slice3A_316 = vector.extract_strided_slice %get3A_16 {offsets = [6], sizes = [1], strides = [1]} : vector<16xi32> to vector<1xi32>
      %squeeze3A_317 = vector.extract %slice3A_316[0] : i32 from vector<1xi32>
      %dma_start3A_318 = arith.constant 6 : i32
      %dma_start3A_319 = arith.constant 0 : i32
      %dma_start3A_320 = tpu.memref_slice %arg12[%dma_start3A_318, %dma_start3A_319] : memref<16x64xf32, #tpu.memory_space<vmem>> -> memref<1x64xf32, #tpu.memory_space<vmem>>
      %dma_start3A_321 = tpu.memref_squeeze %dma_start3A_320 : memref<1x64xf32, #tpu.memory_space<vmem>> -> memref<64xf32, #tpu.memory_space<vmem>>
      %dma_start3A_322 = arith.constant 0 : i32
      %dma_start3A_323 = tpu.memref_slice %arg6[%squeeze3A_317, %dma_start3A_322] : memref<1000x64xf32, #tpu.memory_space<hbm>> -> memref<1x64xf32, #tpu.memory_space<hbm>>
      %dma_start3A_324 = tpu.memref_squeeze %dma_start3A_323 : memref<1x64xf32, #tpu.memory_space<hbm>> -> memref<64xf32, #tpu.memory_space<hbm>>
      %dma_start3A_325 = arith.constant 0 : i32
      %dma_start3A_326 = tpu.memref_slice %arg12[%dma_start3A_318, %dma_start3A_325] : memref<16x64xf32, #tpu.memory_space<vmem>> -> memref<1x64xf32, #tpu.memory_space<vmem>>
      %dma_start3A_327 = tpu.memref_squeeze %dma_start3A_326 : memref<1x64xf32, #tpu.memory_space<vmem>> -> memref<64xf32, #tpu.memory_space<vmem>>
      %dma_start3A_328 = arith.constant 0 : i32
      %dma_start3A_329 = tpu.memref_slice %arg6[%squeeze3A_317, %dma_start3A_328] : memref<1000x64xf32, #tpu.memory_space<hbm>> -> memref<1x64xf32, #tpu.memory_space<hbm>>
      %dma_start3A_330 = tpu.memref_squeeze %dma_start3A_329 : memref<1x64xf32, #tpu.memory_space<hbm>> -> memref<64xf32, #tpu.memory_space<hbm>>
      tpu.enqueue_dma source(%dma_start3A_330 : memref<64xf32, #tpu.memory_space<hbm>>) target(%dma_start3A_327 : memref<64xf32, #tpu.memory_space<vmem>>) target_semaphore(%arg15 : memref<!tpu.dma_semaphore, #tpu.memory_space<semaphore_mem>>)
      %slice3A_331 = vector.extract_strided_slice %get3A_14 {offsets = [7], sizes = [1], strides = [1]} : vector<16xi32> to vector<1xi32>
      %squeeze3A_332 = vector.extract %slice3A_331[0] : i32 from vector<1xi32>
      %dma_start3A_333 = arith.constant 7 : i32
      %dma_start3A_334 = arith.constant 0 : i32
      %dma_start3A_335 = tpu.memref_slice %arg11[%dma_start3A_333, %dma_start3A_334] : memref<16x64xf32, #tpu.memory_space<vmem>> -> memref<1x64xf32, #tpu.memory_space<vmem>>
      %dma_start3A_336 = tpu.memref_squeeze %dma_start3A_335 : memref<1x64xf32, #tpu.memory_space<vmem>> -> memref<64xf32, #tpu.memory_space<vmem>>
      %dma_start3A_337 = arith.constant 0 : i32
      %dma_start3A_338 = tpu.memref_slice %arg5[%squeeze3A_332, %dma_start3A_337] : memref<1000000x64xf32, #tpu.memory_space<hbm>> -> memref<1x64xf32, #tpu.memory_space<hbm>>
      %dma_start3A_339 = tpu.memref_squeeze %dma_start3A_338 : memref<1x64xf32, #tpu.memory_space<hbm>> -> memref<64xf32, #tpu.memory_space<hbm>>
      %dma_start3A_340 = arith.constant 0 : i32
      %dma_start3A_341 = tpu.memref_slice %arg11[%dma_start3A_333, %dma_start3A_340] : memref<16x64xf32, #tpu.memory_space<vmem>> -> memref<1x64xf32, #tpu.memory_space<vmem>>
      %dma_start3A_342 = tpu.memref_squeeze %dma_start3A_341 : memref<1x64xf32, #tpu.memory_space<vmem>> -> memref<64xf32, #tpu.memory_space<vmem>>
      %dma_start3A_343 = arith.constant 0 : i32
      %dma_start3A_344 = tpu.memref_slice %arg5[%squeeze3A_332, %dma_start3A_343] : memref<1000000x64xf32, #tpu.memory_space<hbm>> -> memref<1x64xf32, #tpu.memory_space<hbm>>
      %dma_start3A_345 = tpu.memref_squeeze %dma_start3A_344 : memref<1x64xf32, #tpu.memory_space<hbm>> -> memref<64xf32, #tpu.memory_space<hbm>>
      tpu.enqueue_dma source(%dma_start3A_345 : memref<64xf32, #tpu.memory_space<hbm>>) target(%dma_start3A_342 : memref<64xf32, #tpu.memory_space<vmem>>) target_semaphore(%arg15 : memref<!tpu.dma_semaphore, #tpu.memory_space<semaphore_mem>>)
      %slice3A_346 = vector.extract_strided_slice %get3A_18 {offsets = [7], sizes = [1], strides = [1]} : vector<16xi32> to vector<1xi32>
      %squeeze3A_347 = vector.extract %slice3A_346[0] : i32 from vector<1xi32>
      %dma_start3A_348 = arith.constant 7 : i32
      %dma_start3A_349 = arith.constant 0 : i32
      %dma_start3A_350 = tpu.memref_slice %arg13[%dma_start3A_348, %dma_start3A_349] : memref<16x64xf32, #tpu.memory_space<vmem>> -> memref<1x64xf32, #tpu.memory_space<vmem>>
      %dma_start3A_351 = tpu.memref_squeeze %dma_start3A_350 : memref<1x64xf32, #tpu.memory_space<vmem>> -> memref<64xf32, #tpu.memory_space<vmem>>
      %dma_start3A_352 = arith.constant 0 : i32
      %dma_start3A_353 = tpu.memref_slice %arg5[%squeeze3A_347, %dma_start3A_352] : memref<1000000x64xf32, #tpu.memory_space<hbm>> -> memref<1x64xf32, #tpu.memory_space<hbm>>
      %dma_start3A_354 = tpu.memref_squeeze %dma_start3A_353 : memref<1x64xf32, #tpu.memory_space<hbm>> -> memref<64xf32, #tpu.memory_space<hbm>>
      %dma_start3A_355 = arith.constant 0 : i32
      %dma_start3A_356 = tpu.memref_slice %arg13[%dma_start3A_348, %dma_start3A_355] : memref<16x64xf32, #tpu.memory_space<vmem>> -> memref<1x64xf32, #tpu.memory_space<vmem>>
      %dma_start3A_357 = tpu.memref_squeeze %dma_start3A_356 : memref<1x64xf32, #tpu.memory_space<vmem>> -> memref<64xf32, #tpu.memory_space<vmem>>
      %dma_start3A_358 = arith.constant 0 : i32
      %dma_start3A_359 = tpu.memref_slice %arg5[%squeeze3A_347, %dma_start3A_358] : memref<1000000x64xf32, #tpu.memory_space<hbm>> -> memref<1x64xf32, #tpu.memory_space<hbm>>
      %dma_start3A_360 = tpu.memref_squeeze %dma_start3A_359 : memref<1x64xf32, #tpu.memory_space<hbm>> -> memref<64xf32, #tpu.memory_space<hbm>>
      tpu.enqueue_dma source(%dma_start3A_360 : memref<64xf32, #tpu.memory_space<hbm>>) target(%dma_start3A_357 : memref<64xf32, #tpu.memory_space<vmem>>) target_semaphore(%arg15 : memref<!tpu.dma_semaphore, #tpu.memory_space<semaphore_mem>>)
      %slice3A_361 = vector.extract_strided_slice %get3A_16 {offsets = [7], sizes = [1], strides = [1]} : vector<16xi32> to vector<1xi32>
      %squeeze3A_362 = vector.extract %slice3A_361[0] : i32 from vector<1xi32>
      %dma_start3A_363 = arith.constant 7 : i32
      %dma_start3A_364 = arith.constant 0 : i32
      %dma_start3A_365 = tpu.memref_slice %arg12[%dma_start3A_363, %dma_start3A_364] : memref<16x64xf32, #tpu.memory_space<vmem>> -> memref<1x64xf32, #tpu.memory_space<vmem>>
      %dma_start3A_366 = tpu.memref_squeeze %dma_start3A_365 : memref<1x64xf32, #tpu.memory_space<vmem>> -> memref<64xf32, #tpu.memory_space<vmem>>
      %dma_start3A_367 = arith.constant 0 : i32
      %dma_start3A_368 = tpu.memref_slice %arg6[%squeeze3A_362, %dma_start3A_367] : memref<1000x64xf32, #tpu.memory_space<hbm>> -> memref<1x64xf32, #tpu.memory_space<hbm>>
      %dma_start3A_369 = tpu.memref_squeeze %dma_start3A_368 : memref<1x64xf32, #tpu.memory_space<hbm>> -> memref<64xf32, #tpu.memory_space<hbm>>
      %dma_start3A_370 = arith.constant 0 : i32
      %dma_start3A_371 = tpu.memref_slice %arg12[%dma_start3A_363, %dma_start3A_370] : memref<16x64xf32, #tpu.memory_space<vmem>> -> memref<1x64xf32, #tpu.memory_space<vmem>>
      %dma_start3A_372 = tpu.memref_squeeze %dma_start3A_371 : memref<1x64xf32, #tpu.memory_space<vmem>> -> memref<64xf32, #tpu.memory_space<vmem>>
      %dma_start3A_373 = arith.constant 0 : i32
      %dma_start3A_374 = tpu.memref_slice %arg6[%squeeze3A_362, %dma_start3A_373] : memref<1000x64xf32, #tpu.memory_space<hbm>> -> memref<1x64xf32, #tpu.memory_space<hbm>>
      %dma_start3A_375 = tpu.memref_squeeze %dma_start3A_374 : memref<1x64xf32, #tpu.memory_space<hbm>> -> memref<64xf32, #tpu.memory_space<hbm>>
      tpu.enqueue_dma source(%dma_start3A_375 : memref<64xf32, #tpu.memory_space<hbm>>) target(%dma_start3A_372 : memref<64xf32, #tpu.memory_space<vmem>>) target_semaphore(%arg15 : memref<!tpu.dma_semaphore, #tpu.memory_space<semaphore_mem>>)
      %slice3A_376 = vector.extract_strided_slice %get3A_14 {offsets = [8], sizes = [1], strides = [1]} : vector<16xi32> to vector<1xi32>
      %squeeze3A_377 = vector.extract %slice3A_376[0] : i32 from vector<1xi32>
      %dma_start3A_378 = arith.constant 8 : i32
      %dma_start3A_379 = arith.constant 0 : i32
      %dma_start3A_380 = tpu.memref_slice %arg11[%dma_start3A_378, %dma_start3A_379] : memref<16x64xf32, #tpu.memory_space<vmem>> -> memref<1x64xf32, #tpu.memory_space<vmem>>
      %dma_start3A_381 = tpu.memref_squeeze %dma_start3A_380 : memref<1x64xf32, #tpu.memory_space<vmem>> -> memref<64xf32, #tpu.memory_space<vmem>>
      %dma_start3A_382 = arith.constant 0 : i32
      %dma_start3A_383 = tpu.memref_slice %arg5[%squeeze3A_377, %dma_start3A_382] : memref<1000000x64xf32, #tpu.memory_space<hbm>> -> memref<1x64xf32, #tpu.memory_space<hbm>>
      %dma_start3A_384 = tpu.memref_squeeze %dma_start3A_383 : memref<1x64xf32, #tpu.memory_space<hbm>> -> memref<64xf32, #tpu.memory_space<hbm>>
      %dma_start3A_385 = arith.constant 0 : i32
      %dma_start3A_386 = tpu.memref_slice %arg11[%dma_start3A_378, %dma_start3A_385] : memref<16x64xf32, #tpu.memory_space<vmem>> -> memref<1x64xf32, #tpu.memory_space<vmem>>
      %dma_start3A_387 = tpu.memref_squeeze %dma_start3A_386 : memref<1x64xf32, #tpu.memory_space<vmem>> -> memref<64xf32, #tpu.memory_space<vmem>>
      %dma_start3A_388 = arith.constant 0 : i32
      %dma_start3A_389 = tpu.memref_slice %arg5[%squeeze3A_377, %dma_start3A_388] : memref<1000000x64xf32, #tpu.memory_space<hbm>> -> memref<1x64xf32, #tpu.memory_space<hbm>>
      %dma_start3A_390 = tpu.memref_squeeze %dma_start3A_389 : memref<1x64xf32, #tpu.memory_space<hbm>> -> memref<64xf32, #tpu.memory_space<hbm>>
      tpu.enqueue_dma source(%dma_start3A_390 : memref<64xf32, #tpu.memory_space<hbm>>) target(%dma_start3A_387 : memref<64xf32, #tpu.memory_space<vmem>>) target_semaphore(%arg15 : memref<!tpu.dma_semaphore, #tpu.memory_space<semaphore_mem>>)
      %slice3A_391 = vector.extract_strided_slice %get3A_18 {offsets = [8], sizes = [1], strides = [1]} : vector<16xi32> to vector<1xi32>
      %squeeze3A_392 = vector.extract %slice3A_391[0] : i32 from vector<1xi32>
      %dma_start3A_393 = arith.constant 8 : i32
      %dma_start3A_394 = arith.constant 0 : i32
      %dma_start3A_395 = tpu.memref_slice %arg13[%dma_start3A_393, %dma_start3A_394] : memref<16x64xf32, #tpu.memory_space<vmem>> -> memref<1x64xf32, #tpu.memory_space<vmem>>
      %dma_start3A_396 = tpu.memref_squeeze %dma_start3A_395 : memref<1x64xf32, #tpu.memory_space<vmem>> -> memref<64xf32, #tpu.memory_space<vmem>>
      %dma_start3A_397 = arith.constant 0 : i32
      %dma_start3A_398 = tpu.memref_slice %arg5[%squeeze3A_392, %dma_start3A_397] : memref<1000000x64xf32, #tpu.memory_space<hbm>> -> memref<1x64xf32, #tpu.memory_space<hbm>>
      %dma_start3A_399 = tpu.memref_squeeze %dma_start3A_398 : memref<1x64xf32, #tpu.memory_space<hbm>> -> memref<64xf32, #tpu.memory_space<hbm>>
      %dma_start3A_400 = arith.constant 0 : i32
      %dma_start3A_401 = tpu.memref_slice %arg13[%dma_start3A_393, %dma_start3A_400] : memref<16x64xf32, #tpu.memory_space<vmem>> -> memref<1x64xf32, #tpu.memory_space<vmem>>
      %dma_start3A_402 = tpu.memref_squeeze %dma_start3A_401 : memref<1x64xf32, #tpu.memory_space<vmem>> -> memref<64xf32, #tpu.memory_space<vmem>>
      %dma_start3A_403 = arith.constant 0 : i32
      %dma_start3A_404 = tpu.memref_slice %arg5[%squeeze3A_392, %dma_start3A_403] : memref<1000000x64xf32, #tpu.memory_space<hbm>> -> memref<1x64xf32, #tpu.memory_space<hbm>>
      %dma_start3A_405 = tpu.memref_squeeze %dma_start3A_404 : memref<1x64xf32, #tpu.memory_space<hbm>> -> memref<64xf32, #tpu.memory_space<hbm>>
      tpu.enqueue_dma source(%dma_start3A_405 : memref<64xf32, #tpu.memory_space<hbm>>) target(%dma_start3A_402 : memref<64xf32, #tpu.memory_space<vmem>>) target_semaphore(%arg15 : memref<!tpu.dma_semaphore, #tpu.memory_space<semaphore_mem>>)
      %slice3A_406 = vector.extract_strided_slice %get3A_16 {offsets = [8], sizes = [1], strides = [1]} : vector<16xi32> to vector<1xi32>
      %squeeze3A_407 = vector.extract %slice3A_406[0] : i32 from vector<1xi32>
      %dma_start3A_408 = arith.constant 8 : i32
      %dma_start3A_409 = arith.constant 0 : i32
      %dma_start3A_410 = tpu.memref_slice %arg12[%dma_start3A_408, %dma_start3A_409] : memref<16x64xf32, #tpu.memory_space<vmem>> -> memref<1x64xf32, #tpu.memory_space<vmem>>
      %dma_start3A_411 = tpu.memref_squeeze %dma_start3A_410 : memref<1x64xf32, #tpu.memory_space<vmem>> -> memref<64xf32, #tpu.memory_space<vmem>>
      %dma_start3A_412 = arith.constant 0 : i32
      %dma_start3A_413 = tpu.memref_slice %arg6[%squeeze3A_407, %dma_start3A_412] : memref<1000x64xf32, #tpu.memory_space<hbm>> -> memref<1x64xf32, #tpu.memory_space<hbm>>
      %dma_start3A_414 = tpu.memref_squeeze %dma_start3A_413 : memref<1x64xf32, #tpu.memory_space<hbm>> -> memref<64xf32, #tpu.memory_space<hbm>>
      %dma_start3A_415 = arith.constant 0 : i32
      %dma_start3A_416 = tpu.memref_slice %arg12[%dma_start3A_408, %dma_start3A_415] : memref<16x64xf32, #tpu.memory_space<vmem>> -> memref<1x64xf32, #tpu.memory_space<vmem>>
      %dma_start3A_417 = tpu.memref_squeeze %dma_start3A_416 : memref<1x64xf32, #tpu.memory_space<vmem>> -> memref<64xf32, #tpu.memory_space<vmem>>
      %dma_start3A_418 = arith.constant 0 : i32
      %dma_start3A_419 = tpu.memref_slice %arg6[%squeeze3A_407, %dma_start3A_418] : memref<1000x64xf32, #tpu.memory_space<hbm>> -> memref<1x64xf32, #tpu.memory_space<hbm>>
      %dma_start3A_420 = tpu.memref_squeeze %dma_start3A_419 : memref<1x64xf32, #tpu.memory_space<hbm>> -> memref<64xf32, #tpu.memory_space<hbm>>
      tpu.enqueue_dma source(%dma_start3A_420 : memref<64xf32, #tpu.memory_space<hbm>>) target(%dma_start3A_417 : memref<64xf32, #tpu.memory_space<vmem>>) target_semaphore(%arg15 : memref<!tpu.dma_semaphore, #tpu.memory_space<semaphore_mem>>)
      %slice3A_421 = vector.extract_strided_slice %get3A_14 {offsets = [9], sizes = [1], strides = [1]} : vector<16xi32> to vector<1xi32>
      %squeeze3A_422 = vector.extract %slice3A_421[0] : i32 from vector<1xi32>
      %dma_start3A_423 = arith.constant 9 : i32
      %dma_start3A_424 = arith.constant 0 : i32
      %dma_start3A_425 = tpu.memref_slice %arg11[%dma_start3A_423, %dma_start3A_424] : memref<16x64xf32, #tpu.memory_space<vmem>> -> memref<1x64xf32, #tpu.memory_space<vmem>>
      %dma_start3A_426 = tpu.memref_squeeze %dma_start3A_425 : memref<1x64xf32, #tpu.memory_space<vmem>> -> memref<64xf32, #tpu.memory_space<vmem>>
      %dma_start3A_427 = arith.constant 0 : i32
      %dma_start3A_428 = tpu.memref_slice %arg5[%squeeze3A_422, %dma_start3A_427] : memref<1000000x64xf32, #tpu.memory_space<hbm>> -> memref<1x64xf32, #tpu.memory_space<hbm>>
      %dma_start3A_429 = tpu.memref_squeeze %dma_start3A_428 : memref<1x64xf32, #tpu.memory_space<hbm>> -> memref<64xf32, #tpu.memory_space<hbm>>
      %dma_start3A_430 = arith.constant 0 : i32
      %dma_start3A_431 = tpu.memref_slice %arg11[%dma_start3A_423, %dma_start3A_430] : memref<16x64xf32, #tpu.memory_space<vmem>> -> memref<1x64xf32, #tpu.memory_space<vmem>>
      %dma_start3A_432 = tpu.memref_squeeze %dma_start3A_431 : memref<1x64xf32, #tpu.memory_space<vmem>> -> memref<64xf32, #tpu.memory_space<vmem>>
      %dma_start3A_433 = arith.constant 0 : i32
      %dma_start3A_434 = tpu.memref_slice %arg5[%squeeze3A_422, %dma_start3A_433] : memref<1000000x64xf32, #tpu.memory_space<hbm>> -> memref<1x64xf32, #tpu.memory_space<hbm>>
      %dma_start3A_435 = tpu.memref_squeeze %dma_start3A_434 : memref<1x64xf32, #tpu.memory_space<hbm>> -> memref<64xf32, #tpu.memory_space<hbm>>
      tpu.enqueue_dma source(%dma_start3A_435 : memref<64xf32, #tpu.memory_space<hbm>>) target(%dma_start3A_432 : memref<64xf32, #tpu.memory_space<vmem>>) target_semaphore(%arg15 : memref<!tpu.dma_semaphore, #tpu.memory_space<semaphore_mem>>)
      %slice3A_436 = vector.extract_strided_slice %get3A_18 {offsets = [9], sizes = [1], strides = [1]} : vector<16xi32> to vector<1xi32>
      %squeeze3A_437 = vector.extract %slice3A_436[0] : i32 from vector<1xi32>
      %dma_start3A_438 = arith.constant 9 : i32
      %dma_start3A_439 = arith.constant 0 : i32
      %dma_start3A_440 = tpu.memref_slice %arg13[%dma_start3A_438, %dma_start3A_439] : memref<16x64xf32, #tpu.memory_space<vmem>> -> memref<1x64xf32, #tpu.memory_space<vmem>>
      %dma_start3A_441 = tpu.memref_squeeze %dma_start3A_440 : memref<1x64xf32, #tpu.memory_space<vmem>> -> memref<64xf32, #tpu.memory_space<vmem>>
      %dma_start3A_442 = arith.constant 0 : i32
      %dma_start3A_443 = tpu.memref_slice %arg5[%squeeze3A_437, %dma_start3A_442] : memref<1000000x64xf32, #tpu.memory_space<hbm>> -> memref<1x64xf32, #tpu.memory_space<hbm>>
      %dma_start3A_444 = tpu.memref_squeeze %dma_start3A_443 : memref<1x64xf32, #tpu.memory_space<hbm>> -> memref<64xf32, #tpu.memory_space<hbm>>
      %dma_start3A_445 = arith.constant 0 : i32
      %dma_start3A_446 = tpu.memref_slice %arg13[%dma_start3A_438, %dma_start3A_445] : memref<16x64xf32, #tpu.memory_space<vmem>> -> memref<1x64xf32, #tpu.memory_space<vmem>>
      %dma_start3A_447 = tpu.memref_squeeze %dma_start3A_446 : memref<1x64xf32, #tpu.memory_space<vmem>> -> memref<64xf32, #tpu.memory_space<vmem>>
      %dma_start3A_448 = arith.constant 0 : i32
      %dma_start3A_449 = tpu.memref_slice %arg5[%squeeze3A_437, %dma_start3A_448] : memref<1000000x64xf32, #tpu.memory_space<hbm>> -> memref<1x64xf32, #tpu.memory_space<hbm>>
      %dma_start3A_450 = tpu.memref_squeeze %dma_start3A_449 : memref<1x64xf32, #tpu.memory_space<hbm>> -> memref<64xf32, #tpu.memory_space<hbm>>
      tpu.enqueue_dma source(%dma_start3A_450 : memref<64xf32, #tpu.memory_space<hbm>>) target(%dma_start3A_447 : memref<64xf32, #tpu.memory_space<vmem>>) target_semaphore(%arg15 : memref<!tpu.dma_semaphore, #tpu.memory_space<semaphore_mem>>)
      %slice3A_451 = vector.extract_strided_slice %get3A_16 {offsets = [9], sizes = [1], strides = [1]} : vector<16xi32> to vector<1xi32>
      %squeeze3A_452 = vector.extract %slice3A_451[0] : i32 from vector<1xi32>
      %dma_start3A_453 = arith.constant 9 : i32
      %dma_start3A_454 = arith.constant 0 : i32
      %dma_start3A_455 = tpu.memref_slice %arg12[%dma_start3A_453, %dma_start3A_454] : memref<16x64xf32, #tpu.memory_space<vmem>> -> memref<1x64xf32, #tpu.memory_space<vmem>>
      %dma_start3A_456 = tpu.memref_squeeze %dma_start3A_455 : memref<1x64xf32, #tpu.memory_space<vmem>> -> memref<64xf32, #tpu.memory_space<vmem>>
      %dma_start3A_457 = arith.constant 0 : i32
      %dma_start3A_458 = tpu.memref_slice %arg6[%squeeze3A_452, %dma_start3A_457] : memref<1000x64xf32, #tpu.memory_space<hbm>> -> memref<1x64xf32, #tpu.memory_space<hbm>>
      %dma_start3A_459 = tpu.memref_squeeze %dma_start3A_458 : memref<1x64xf32, #tpu.memory_space<hbm>> -> memref<64xf32, #tpu.memory_space<hbm>>
      %dma_start3A_460 = arith.constant 0 : i32
      %dma_start3A_461 = tpu.memref_slice %arg12[%dma_start3A_453, %dma_start3A_460] : memref<16x64xf32, #tpu.memory_space<vmem>> -> memref<1x64xf32, #tpu.memory_space<vmem>>
      %dma_start3A_462 = tpu.memref_squeeze %dma_start3A_461 : memref<1x64xf32, #tpu.memory_space<vmem>> -> memref<64xf32, #tpu.memory_space<vmem>>
      %dma_start3A_463 = arith.constant 0 : i32
      %dma_start3A_464 = tpu.memref_slice %arg6[%squeeze3A_452, %dma_start3A_463] : memref<1000x64xf32, #tpu.memory_space<hbm>> -> memref<1x64xf32, #tpu.memory_space<hbm>>
      %dma_start3A_465 = tpu.memref_squeeze %dma_start3A_464 : memref<1x64xf32, #tpu.memory_space<hbm>> -> memref<64xf32, #tpu.memory_space<hbm>>
      tpu.enqueue_dma source(%dma_start3A_465 : memref<64xf32, #tpu.memory_space<hbm>>) target(%dma_start3A_462 : memref<64xf32, #tpu.memory_space<vmem>>) target_semaphore(%arg15 : memref<!tpu.dma_semaphore, #tpu.memory_space<semaphore_mem>>)
      %slice3A_466 = vector.extract_strided_slice %get3A_14 {offsets = [10], sizes = [1], strides = [1]} : vector<16xi32> to vector<1xi32>
      %squeeze3A_467 = vector.extract %slice3A_466[0] : i32 from vector<1xi32>
      %dma_start3A_468 = arith.constant 10 : i32
      %dma_start3A_469 = arith.constant 0 : i32
      %dma_start3A_470 = tpu.memref_slice %arg11[%dma_start3A_468, %dma_start3A_469] : memref<16x64xf32, #tpu.memory_space<vmem>> -> memref<1x64xf32, #tpu.memory_space<vmem>>
      %dma_start3A_471 = tpu.memref_squeeze %dma_start3A_470 : memref<1x64xf32, #tpu.memory_space<vmem>> -> memref<64xf32, #tpu.memory_space<vmem>>
      %dma_start3A_472 = arith.constant 0 : i32
      %dma_start3A_473 = tpu.memref_slice %arg5[%squeeze3A_467, %dma_start3A_472] : memref<1000000x64xf32, #tpu.memory_space<hbm>> -> memref<1x64xf32, #tpu.memory_space<hbm>>
      %dma_start3A_474 = tpu.memref_squeeze %dma_start3A_473 : memref<1x64xf32, #tpu.memory_space<hbm>> -> memref<64xf32, #tpu.memory_space<hbm>>
      %dma_start3A_475 = arith.constant 0 : i32
      %dma_start3A_476 = tpu.memref_slice %arg11[%dma_start3A_468, %dma_start3A_475] : memref<16x64xf32, #tpu.memory_space<vmem>> -> memref<1x64xf32, #tpu.memory_space<vmem>>
      %dma_start3A_477 = tpu.memref_squeeze %dma_start3A_476 : memref<1x64xf32, #tpu.memory_space<vmem>> -> memref<64xf32, #tpu.memory_space<vmem>>
      %dma_start3A_478 = arith.constant 0 : i32
      %dma_start3A_479 = tpu.memref_slice %arg5[%squeeze3A_467, %dma_start3A_478] : memref<1000000x64xf32, #tpu.memory_space<hbm>> -> memref<1x64xf32, #tpu.memory_space<hbm>>
      %dma_start3A_480 = tpu.memref_squeeze %dma_start3A_479 : memref<1x64xf32, #tpu.memory_space<hbm>> -> memref<64xf32, #tpu.memory_space<hbm>>
      tpu.enqueue_dma source(%dma_start3A_480 : memref<64xf32, #tpu.memory_space<hbm>>) target(%dma_start3A_477 : memref<64xf32, #tpu.memory_space<vmem>>) target_semaphore(%arg15 : memref<!tpu.dma_semaphore, #tpu.memory_space<semaphore_mem>>)
      %slice3A_481 = vector.extract_strided_slice %get3A_18 {offsets = [10], sizes = [1], strides = [1]} : vector<16xi32> to vector<1xi32>
      %squeeze3A_482 = vector.extract %slice3A_481[0] : i32 from vector<1xi32>
      %dma_start3A_483 = arith.constant 10 : i32
      %dma_start3A_484 = arith.constant 0 : i32
      %dma_start3A_485 = tpu.memref_slice %arg13[%dma_start3A_483, %dma_start3A_484] : memref<16x64xf32, #tpu.memory_space<vmem>> -> memref<1x64xf32, #tpu.memory_space<vmem>>
      %dma_start3A_486 = tpu.memref_squeeze %dma_start3A_485 : memref<1x64xf32, #tpu.memory_space<vmem>> -> memref<64xf32, #tpu.memory_space<vmem>>
      %dma_start3A_487 = arith.constant 0 : i32
      %dma_start3A_488 = tpu.memref_slice %arg5[%squeeze3A_482, %dma_start3A_487] : memref<1000000x64xf32, #tpu.memory_space<hbm>> -> memref<1x64xf32, #tpu.memory_space<hbm>>
      %dma_start3A_489 = tpu.memref_squeeze %dma_start3A_488 : memref<1x64xf32, #tpu.memory_space<hbm>> -> memref<64xf32, #tpu.memory_space<hbm>>
      %dma_start3A_490 = arith.constant 0 : i32
      %dma_start3A_491 = tpu.memref_slice %arg13[%dma_start3A_483, %dma_start3A_490] : memref<16x64xf32, #tpu.memory_space<vmem>> -> memref<1x64xf32, #tpu.memory_space<vmem>>
      %dma_start3A_492 = tpu.memref_squeeze %dma_start3A_491 : memref<1x64xf32, #tpu.memory_space<vmem>> -> memref<64xf32, #tpu.memory_space<vmem>>
      %dma_start3A_493 = arith.constant 0 : i32
      %dma_start3A_494 = tpu.memref_slice %arg5[%squeeze3A_482, %dma_start3A_493] : memref<1000000x64xf32, #tpu.memory_space<hbm>> -> memref<1x64xf32, #tpu.memory_space<hbm>>
      %dma_start3A_495 = tpu.memref_squeeze %dma_start3A_494 : memref<1x64xf32, #tpu.memory_space<hbm>> -> memref<64xf32, #tpu.memory_space<hbm>>
      tpu.enqueue_dma source(%dma_start3A_495 : memref<64xf32, #tpu.memory_space<hbm>>) target(%dma_start3A_492 : memref<64xf32, #tpu.memory_space<vmem>>) target_semaphore(%arg15 : memref<!tpu.dma_semaphore, #tpu.memory_space<semaphore_mem>>)
      %slice3A_496 = vector.extract_strided_slice %get3A_16 {offsets = [10], sizes = [1], strides = [1]} : vector<16xi32> to vector<1xi32>
      %squeeze3A_497 = vector.extract %slice3A_496[0] : i32 from vector<1xi32>
      %dma_start3A_498 = arith.constant 10 : i32
      %dma_start3A_499 = arith.constant 0 : i32
      %dma_start3A_500 = tpu.memref_slice %arg12[%dma_start3A_498, %dma_start3A_499] : memref<16x64xf32, #tpu.memory_space<vmem>> -> memref<1x64xf32, #tpu.memory_space<vmem>>
      %dma_start3A_501 = tpu.memref_squeeze %dma_start3A_500 : memref<1x64xf32, #tpu.memory_space<vmem>> -> memref<64xf32, #tpu.memory_space<vmem>>
      %dma_start3A_502 = arith.constant 0 : i32
      %dma_start3A_503 = tpu.memref_slice %arg6[%squeeze3A_497, %dma_start3A_502] : memref<1000x64xf32, #tpu.memory_space<hbm>> -> memref<1x64xf32, #tpu.memory_space<hbm>>
      %dma_start3A_504 = tpu.memref_squeeze %dma_start3A_503 : memref<1x64xf32, #tpu.memory_space<hbm>> -> memref<64xf32, #tpu.memory_space<hbm>>
      %dma_start3A_505 = arith.constant 0 : i32
      %dma_start3A_506 = tpu.memref_slice %arg12[%dma_start3A_498, %dma_start3A_505] : memref<16x64xf32, #tpu.memory_space<vmem>> -> memref<1x64xf32, #tpu.memory_space<vmem>>
      %dma_start3A_507 = tpu.memref_squeeze %dma_start3A_506 : memref<1x64xf32, #tpu.memory_space<vmem>> -> memref<64xf32, #tpu.memory_space<vmem>>
      %dma_start3A_508 = arith.constant 0 : i32
      %dma_start3A_509 = tpu.memref_slice %arg6[%squeeze3A_497, %dma_start3A_508] : memref<1000x64xf32, #tpu.memory_space<hbm>> -> memref<1x64xf32, #tpu.memory_space<hbm>>
      %dma_start3A_510 = tpu.memref_squeeze %dma_start3A_509 : memref<1x64xf32, #tpu.memory_space<hbm>> -> memref<64xf32, #tpu.memory_space<hbm>>
      tpu.enqueue_dma source(%dma_start3A_510 : memref<64xf32, #tpu.memory_space<hbm>>) target(%dma_start3A_507 : memref<64xf32, #tpu.memory_space<vmem>>) target_semaphore(%arg15 : memref<!tpu.dma_semaphore, #tpu.memory_space<semaphore_mem>>)
      %slice3A_511 = vector.extract_strided_slice %get3A_14 {offsets = [11], sizes = [1], strides = [1]} : vector<16xi32> to vector<1xi32>
      %squeeze3A_512 = vector.extract %slice3A_511[0] : i32 from vector<1xi32>
      %dma_start3A_513 = arith.constant 11 : i32
      %dma_start3A_514 = arith.constant 0 : i32
      %dma_start3A_515 = tpu.memref_slice %arg11[%dma_start3A_513, %dma_start3A_514] : memref<16x64xf32, #tpu.memory_space<vmem>> -> memref<1x64xf32, #tpu.memory_space<vmem>>
      %dma_start3A_516 = tpu.memref_squeeze %dma_start3A_515 : memref<1x64xf32, #tpu.memory_space<vmem>> -> memref<64xf32, #tpu.memory_space<vmem>>
      %dma_start3A_517 = arith.constant 0 : i32
      %dma_start3A_518 = tpu.memref_slice %arg5[%squeeze3A_512, %dma_start3A_517] : memref<1000000x64xf32, #tpu.memory_space<hbm>> -> memref<1x64xf32, #tpu.memory_space<hbm>>
      %dma_start3A_519 = tpu.memref_squeeze %dma_start3A_518 : memref<1x64xf32, #tpu.memory_space<hbm>> -> memref<64xf32, #tpu.memory_space<hbm>>
      %dma_start3A_520 = arith.constant 0 : i32
      %dma_start3A_521 = tpu.memref_slice %arg11[%dma_start3A_513, %dma_start3A_520] : memref<16x64xf32, #tpu.memory_space<vmem>> -> memref<1x64xf32, #tpu.memory_space<vmem>>
      %dma_start3A_522 = tpu.memref_squeeze %dma_start3A_521 : memref<1x64xf32, #tpu.memory_space<vmem>> -> memref<64xf32, #tpu.memory_space<vmem>>
      %dma_start3A_523 = arith.constant 0 : i32
      %dma_start3A_524 = tpu.memref_slice %arg5[%squeeze3A_512, %dma_start3A_523] : memref<1000000x64xf32, #tpu.memory_space<hbm>> -> memref<1x64xf32, #tpu.memory_space<hbm>>
      %dma_start3A_525 = tpu.memref_squeeze %dma_start3A_524 : memref<1x64xf32, #tpu.memory_space<hbm>> -> memref<64xf32, #tpu.memory_space<hbm>>
      tpu.enqueue_dma source(%dma_start3A_525 : memref<64xf32, #tpu.memory_space<hbm>>) target(%dma_start3A_522 : memref<64xf32, #tpu.memory_space<vmem>>) target_semaphore(%arg15 : memref<!tpu.dma_semaphore, #tpu.memory_space<semaphore_mem>>)
      %slice3A_526 = vector.extract_strided_slice %get3A_18 {offsets = [11], sizes = [1], strides = [1]} : vector<16xi32> to vector<1xi32>
      %squeeze3A_527 = vector.extract %slice3A_526[0] : i32 from vector<1xi32>
      %dma_start3A_528 = arith.constant 11 : i32
      %dma_start3A_529 = arith.constant 0 : i32
      %dma_start3A_530 = tpu.memref_slice %arg13[%dma_start3A_528, %dma_start3A_529] : memref<16x64xf32, #tpu.memory_space<vmem>> -> memref<1x64xf32, #tpu.memory_space<vmem>>
      %dma_start3A_531 = tpu.memref_squeeze %dma_start3A_530 : memref<1x64xf32, #tpu.memory_space<vmem>> -> memref<64xf32, #tpu.memory_space<vmem>>
      %dma_start3A_532 = arith.constant 0 : i32
      %dma_start3A_533 = tpu.memref_slice %arg5[%squeeze3A_527, %dma_start3A_532] : memref<1000000x64xf32, #tpu.memory_space<hbm>> -> memref<1x64xf32, #tpu.memory_space<hbm>>
      %dma_start3A_534 = tpu.memref_squeeze %dma_start3A_533 : memref<1x64xf32, #tpu.memory_space<hbm>> -> memref<64xf32, #tpu.memory_space<hbm>>
      %dma_start3A_535 = arith.constant 0 : i32
      %dma_start3A_536 = tpu.memref_slice %arg13[%dma_start3A_528, %dma_start3A_535] : memref<16x64xf32, #tpu.memory_space<vmem>> -> memref<1x64xf32, #tpu.memory_space<vmem>>
      %dma_start3A_537 = tpu.memref_squeeze %dma_start3A_536 : memref<1x64xf32, #tpu.memory_space<vmem>> -> memref<64xf32, #tpu.memory_space<vmem>>
      %dma_start3A_538 = arith.constant 0 : i32
      %dma_start3A_539 = tpu.memref_slice %arg5[%squeeze3A_527, %dma_start3A_538] : memref<1000000x64xf32, #tpu.memory_space<hbm>> -> memref<1x64xf32, #tpu.memory_space<hbm>>
      %dma_start3A_540 = tpu.memref_squeeze %dma_start3A_539 : memref<1x64xf32, #tpu.memory_space<hbm>> -> memref<64xf32, #tpu.memory_space<hbm>>
      tpu.enqueue_dma source(%dma_start3A_540 : memref<64xf32, #tpu.memory_space<hbm>>) target(%dma_start3A_537 : memref<64xf32, #tpu.memory_space<vmem>>) target_semaphore(%arg15 : memref<!tpu.dma_semaphore, #tpu.memory_space<semaphore_mem>>)
      %slice3A_541 = vector.extract_strided_slice %get3A_16 {offsets = [11], sizes = [1], strides = [1]} : vector<16xi32> to vector<1xi32>
      %squeeze3A_542 = vector.extract %slice3A_541[0] : i32 from vector<1xi32>
      %dma_start3A_543 = arith.constant 11 : i32
      %dma_start3A_544 = arith.constant 0 : i32
      %dma_start3A_545 = tpu.memref_slice %arg12[%dma_start3A_543, %dma_start3A_544] : memref<16x64xf32, #tpu.memory_space<vmem>> -> memref<1x64xf32, #tpu.memory_space<vmem>>
      %dma_start3A_546 = tpu.memref_squeeze %dma_start3A_545 : memref<1x64xf32, #tpu.memory_space<vmem>> -> memref<64xf32, #tpu.memory_space<vmem>>
      %dma_start3A_547 = arith.constant 0 : i32
      %dma_start3A_548 = tpu.memref_slice %arg6[%squeeze3A_542, %dma_start3A_547] : memref<1000x64xf32, #tpu.memory_space<hbm>> -> memref<1x64xf32, #tpu.memory_space<hbm>>
      %dma_start3A_549 = tpu.memref_squeeze %dma_start3A_548 : memref<1x64xf32, #tpu.memory_space<hbm>> -> memref<64xf32, #tpu.memory_space<hbm>>
      %dma_start3A_550 = arith.constant 0 : i32
      %dma_start3A_551 = tpu.memref_slice %arg12[%dma_start3A_543, %dma_start3A_550] : memref<16x64xf32, #tpu.memory_space<vmem>> -> memref<1x64xf32, #tpu.memory_space<vmem>>
      %dma_start3A_552 = tpu.memref_squeeze %dma_start3A_551 : memref<1x64xf32, #tpu.memory_space<vmem>> -> memref<64xf32, #tpu.memory_space<vmem>>
      %dma_start3A_553 = arith.constant 0 : i32
      %dma_start3A_554 = tpu.memref_slice %arg6[%squeeze3A_542, %dma_start3A_553] : memref<1000x64xf32, #tpu.memory_space<hbm>> -> memref<1x64xf32, #tpu.memory_space<hbm>>
      %dma_start3A_555 = tpu.memref_squeeze %dma_start3A_554 : memref<1x64xf32, #tpu.memory_space<hbm>> -> memref<64xf32, #tpu.memory_space<hbm>>
      tpu.enqueue_dma source(%dma_start3A_555 : memref<64xf32, #tpu.memory_space<hbm>>) target(%dma_start3A_552 : memref<64xf32, #tpu.memory_space<vmem>>) target_semaphore(%arg15 : memref<!tpu.dma_semaphore, #tpu.memory_space<semaphore_mem>>)
      %slice3A_556 = vector.extract_strided_slice %get3A_14 {offsets = [12], sizes = [1], strides = [1]} : vector<16xi32> to vector<1xi32>
      %squeeze3A_557 = vector.extract %slice3A_556[0] : i32 from vector<1xi32>
      %dma_start3A_558 = arith.constant 12 : i32
      %dma_start3A_559 = arith.constant 0 : i32
      %dma_start3A_560 = tpu.memref_slice %arg11[%dma_start3A_558, %dma_start3A_559] : memref<16x64xf32, #tpu.memory_space<vmem>> -> memref<1x64xf32, #tpu.memory_space<vmem>>
      %dma_start3A_561 = tpu.memref_squeeze %dma_start3A_560 : memref<1x64xf32, #tpu.memory_space<vmem>> -> memref<64xf32, #tpu.memory_space<vmem>>
      %dma_start3A_562 = arith.constant 0 : i32
      %dma_start3A_563 = tpu.memref_slice %arg5[%squeeze3A_557, %dma_start3A_562] : memref<1000000x64xf32, #tpu.memory_space<hbm>> -> memref<1x64xf32, #tpu.memory_space<hbm>>
      %dma_start3A_564 = tpu.memref_squeeze %dma_start3A_563 : memref<1x64xf32, #tpu.memory_space<hbm>> -> memref<64xf32, #tpu.memory_space<hbm>>
      %dma_start3A_565 = arith.constant 0 : i32
      %dma_start3A_566 = tpu.memref_slice %arg11[%dma_start3A_558, %dma_start3A_565] : memref<16x64xf32, #tpu.memory_space<vmem>> -> memref<1x64xf32, #tpu.memory_space<vmem>>
      %dma_start3A_567 = tpu.memref_squeeze %dma_start3A_566 : memref<1x64xf32, #tpu.memory_space<vmem>> -> memref<64xf32, #tpu.memory_space<vmem>>
      %dma_start3A_568 = arith.constant 0 : i32
      %dma_start3A_569 = tpu.memref_slice %arg5[%squeeze3A_557, %dma_start3A_568] : memref<1000000x64xf32, #tpu.memory_space<hbm>> -> memref<1x64xf32, #tpu.memory_space<hbm>>
      %dma_start3A_570 = tpu.memref_squeeze %dma_start3A_569 : memref<1x64xf32, #tpu.memory_space<hbm>> -> memref<64xf32, #tpu.memory_space<hbm>>
      tpu.enqueue_dma source(%dma_start3A_570 : memref<64xf32, #tpu.memory_space<hbm>>) target(%dma_start3A_567 : memref<64xf32, #tpu.memory_space<vmem>>) target_semaphore(%arg15 : memref<!tpu.dma_semaphore, #tpu.memory_space<semaphore_mem>>)
      %slice3A_571 = vector.extract_strided_slice %get3A_18 {offsets = [12], sizes = [1], strides = [1]} : vector<16xi32> to vector<1xi32>
      %squeeze3A_572 = vector.extract %slice3A_571[0] : i32 from vector<1xi32>
      %dma_start3A_573 = arith.constant 12 : i32
      %dma_start3A_574 = arith.constant 0 : i32
      %dma_start3A_575 = tpu.memref_slice %arg13[%dma_start3A_573, %dma_start3A_574] : memref<16x64xf32, #tpu.memory_space<vmem>> -> memref<1x64xf32, #tpu.memory_space<vmem>>
      %dma_start3A_576 = tpu.memref_squeeze %dma_start3A_575 : memref<1x64xf32, #tpu.memory_space<vmem>> -> memref<64xf32, #tpu.memory_space<vmem>>
      %dma_start3A_577 = arith.constant 0 : i32
      %dma_start3A_578 = tpu.memref_slice %arg5[%squeeze3A_572, %dma_start3A_577] : memref<1000000x64xf32, #tpu.memory_space<hbm>> -> memref<1x64xf32, #tpu.memory_space<hbm>>
      %dma_start3A_579 = tpu.memref_squeeze %dma_start3A_578 : memref<1x64xf32, #tpu.memory_space<hbm>> -> memref<64xf32, #tpu.memory_space<hbm>>
      %dma_start3A_580 = arith.constant 0 : i32
      %dma_start3A_581 = tpu.memref_slice %arg13[%dma_start3A_573, %dma_start3A_580] : memref<16x64xf32, #tpu.memory_space<vmem>> -> memref<1x64xf32, #tpu.memory_space<vmem>>
      %dma_start3A_582 = tpu.memref_squeeze %dma_start3A_581 : memref<1x64xf32, #tpu.memory_space<vmem>> -> memref<64xf32, #tpu.memory_space<vmem>>
      %dma_start3A_583 = arith.constant 0 : i32
      %dma_start3A_584 = tpu.memref_slice %arg5[%squeeze3A_572, %dma_start3A_583] : memref<1000000x64xf32, #tpu.memory_space<hbm>> -> memref<1x64xf32, #tpu.memory_space<hbm>>
      %dma_start3A_585 = tpu.memref_squeeze %dma_start3A_584 : memref<1x64xf32, #tpu.memory_space<hbm>> -> memref<64xf32, #tpu.memory_space<hbm>>
      tpu.enqueue_dma source(%dma_start3A_585 : memref<64xf32, #tpu.memory_space<hbm>>) target(%dma_start3A_582 : memref<64xf32, #tpu.memory_space<vmem>>) target_semaphore(%arg15 : memref<!tpu.dma_semaphore, #tpu.memory_space<semaphore_mem>>)
      %slice3A_586 = vector.extract_strided_slice %get3A_16 {offsets = [12], sizes = [1], strides = [1]} : vector<16xi32> to vector<1xi32>
      %squeeze3A_587 = vector.extract %slice3A_586[0] : i32 from vector<1xi32>
      %dma_start3A_588 = arith.constant 12 : i32
      %dma_start3A_589 = arith.constant 0 : i32
      %dma_start3A_590 = tpu.memref_slice %arg12[%dma_start3A_588, %dma_start3A_589] : memref<16x64xf32, #tpu.memory_space<vmem>> -> memref<1x64xf32, #tpu.memory_space<vmem>>
      %dma_start3A_591 = tpu.memref_squeeze %dma_start3A_590 : memref<1x64xf32, #tpu.memory_space<vmem>> -> memref<64xf32, #tpu.memory_space<vmem>>
      %dma_start3A_592 = arith.constant 0 : i32
      %dma_start3A_593 = tpu.memref_slice %arg6[%squeeze3A_587, %dma_start3A_592] : memref<1000x64xf32, #tpu.memory_space<hbm>> -> memref<1x64xf32, #tpu.memory_space<hbm>>
      %dma_start3A_594 = tpu.memref_squeeze %dma_start3A_593 : memref<1x64xf32, #tpu.memory_space<hbm>> -> memref<64xf32, #tpu.memory_space<hbm>>
      %dma_start3A_595 = arith.constant 0 : i32
      %dma_start3A_596 = tpu.memref_slice %arg12[%dma_start3A_588, %dma_start3A_595] : memref<16x64xf32, #tpu.memory_space<vmem>> -> memref<1x64xf32, #tpu.memory_space<vmem>>
      %dma_start3A_597 = tpu.memref_squeeze %dma_start3A_596 : memref<1x64xf32, #tpu.memory_space<vmem>> -> memref<64xf32, #tpu.memory_space<vmem>>
      %dma_start3A_598 = arith.constant 0 : i32
      %dma_start3A_599 = tpu.memref_slice %arg6[%squeeze3A_587, %dma_start3A_598] : memref<1000x64xf32, #tpu.memory_space<hbm>> -> memref<1x64xf32, #tpu.memory_space<hbm>>
      %dma_start3A_600 = tpu.memref_squeeze %dma_start3A_599 : memref<1x64xf32, #tpu.memory_space<hbm>> -> memref<64xf32, #tpu.memory_space<hbm>>
      tpu.enqueue_dma source(%dma_start3A_600 : memref<64xf32, #tpu.memory_space<hbm>>) target(%dma_start3A_597 : memref<64xf32, #tpu.memory_space<vmem>>) target_semaphore(%arg15 : memref<!tpu.dma_semaphore, #tpu.memory_space<semaphore_mem>>)
      %slice3A_601 = vector.extract_strided_slice %get3A_14 {offsets = [13], sizes = [1], strides = [1]} : vector<16xi32> to vector<1xi32>
      %squeeze3A_602 = vector.extract %slice3A_601[0] : i32 from vector<1xi32>
      %dma_start3A_603 = arith.constant 13 : i32
      %dma_start3A_604 = arith.constant 0 : i32
      %dma_start3A_605 = tpu.memref_slice %arg11[%dma_start3A_603, %dma_start3A_604] : memref<16x64xf32, #tpu.memory_space<vmem>> -> memref<1x64xf32, #tpu.memory_space<vmem>>
      %dma_start3A_606 = tpu.memref_squeeze %dma_start3A_605 : memref<1x64xf32, #tpu.memory_space<vmem>> -> memref<64xf32, #tpu.memory_space<vmem>>
      %dma_start3A_607 = arith.constant 0 : i32
      %dma_start3A_608 = tpu.memref_slice %arg5[%squeeze3A_602, %dma_start3A_607] : memref<1000000x64xf32, #tpu.memory_space<hbm>> -> memref<1x64xf32, #tpu.memory_space<hbm>>
      %dma_start3A_609 = tpu.memref_squeeze %dma_start3A_608 : memref<1x64xf32, #tpu.memory_space<hbm>> -> memref<64xf32, #tpu.memory_space<hbm>>
      %dma_start3A_610 = arith.constant 0 : i32
      %dma_start3A_611 = tpu.memref_slice %arg11[%dma_start3A_603, %dma_start3A_610] : memref<16x64xf32, #tpu.memory_space<vmem>> -> memref<1x64xf32, #tpu.memory_space<vmem>>
      %dma_start3A_612 = tpu.memref_squeeze %dma_start3A_611 : memref<1x64xf32, #tpu.memory_space<vmem>> -> memref<64xf32, #tpu.memory_space<vmem>>
      %dma_start3A_613 = arith.constant 0 : i32
      %dma_start3A_614 = tpu.memref_slice %arg5[%squeeze3A_602, %dma_start3A_613] : memref<1000000x64xf32, #tpu.memory_space<hbm>> -> memref<1x64xf32, #tpu.memory_space<hbm>>
      %dma_start3A_615 = tpu.memref_squeeze %dma_start3A_614 : memref<1x64xf32, #tpu.memory_space<hbm>> -> memref<64xf32, #tpu.memory_space<hbm>>
      tpu.enqueue_dma source(%dma_start3A_615 : memref<64xf32, #tpu.memory_space<hbm>>) target(%dma_start3A_612 : memref<64xf32, #tpu.memory_space<vmem>>) target_semaphore(%arg15 : memref<!tpu.dma_semaphore, #tpu.memory_space<semaphore_mem>>)
      %slice3A_616 = vector.extract_strided_slice %get3A_18 {offsets = [13], sizes = [1], strides = [1]} : vector<16xi32> to vector<1xi32>
      %squeeze3A_617 = vector.extract %slice3A_616[0] : i32 from vector<1xi32>
      %dma_start3A_618 = arith.constant 13 : i32
      %dma_start3A_619 = arith.constant 0 : i32
      %dma_start3A_620 = tpu.memref_slice %arg13[%dma_start3A_618, %dma_start3A_619] : memref<16x64xf32, #tpu.memory_space<vmem>> -> memref<1x64xf32, #tpu.memory_space<vmem>>
      %dma_start3A_621 = tpu.memref_squeeze %dma_start3A_620 : memref<1x64xf32, #tpu.memory_space<vmem>> -> memref<64xf32, #tpu.memory_space<vmem>>
      %dma_start3A_622 = arith.constant 0 : i32
      %dma_start3A_623 = tpu.memref_slice %arg5[%squeeze3A_617, %dma_start3A_622] : memref<1000000x64xf32, #tpu.memory_space<hbm>> -> memref<1x64xf32, #tpu.memory_space<hbm>>
      %dma_start3A_624 = tpu.memref_squeeze %dma_start3A_623 : memref<1x64xf32, #tpu.memory_space<hbm>> -> memref<64xf32, #tpu.memory_space<hbm>>
      %dma_start3A_625 = arith.constant 0 : i32
      %dma_start3A_626 = tpu.memref_slice %arg13[%dma_start3A_618, %dma_start3A_625] : memref<16x64xf32, #tpu.memory_space<vmem>> -> memref<1x64xf32, #tpu.memory_space<vmem>>
      %dma_start3A_627 = tpu.memref_squeeze %dma_start3A_626 : memref<1x64xf32, #tpu.memory_space<vmem>> -> memref<64xf32, #tpu.memory_space<vmem>>
      %dma_start3A_628 = arith.constant 0 : i32
      %dma_start3A_629 = tpu.memref_slice %arg5[%squeeze3A_617, %dma_start3A_628] : memref<1000000x64xf32, #tpu.memory_space<hbm>> -> memref<1x64xf32, #tpu.memory_space<hbm>>
      %dma_start3A_630 = tpu.memref_squeeze %dma_start3A_629 : memref<1x64xf32, #tpu.memory_space<hbm>> -> memref<64xf32, #tpu.memory_space<hbm>>
      tpu.enqueue_dma source(%dma_start3A_630 : memref<64xf32, #tpu.memory_space<hbm>>) target(%dma_start3A_627 : memref<64xf32, #tpu.memory_space<vmem>>) target_semaphore(%arg15 : memref<!tpu.dma_semaphore, #tpu.memory_space<semaphore_mem>>)
      %slice3A_631 = vector.extract_strided_slice %get3A_16 {offsets = [13], sizes = [1], strides = [1]} : vector<16xi32> to vector<1xi32>
      %squeeze3A_632 = vector.extract %slice3A_631[0] : i32 from vector<1xi32>
      %dma_start3A_633 = arith.constant 13 : i32
      %dma_start3A_634 = arith.constant 0 : i32
      %dma_start3A_635 = tpu.memref_slice %arg12[%dma_start3A_633, %dma_start3A_634] : memref<16x64xf32, #tpu.memory_space<vmem>> -> memref<1x64xf32, #tpu.memory_space<vmem>>
      %dma_start3A_636 = tpu.memref_squeeze %dma_start3A_635 : memref<1x64xf32, #tpu.memory_space<vmem>> -> memref<64xf32, #tpu.memory_space<vmem>>
      %dma_start3A_637 = arith.constant 0 : i32
      %dma_start3A_638 = tpu.memref_slice %arg6[%squeeze3A_632, %dma_start3A_637] : memref<1000x64xf32, #tpu.memory_space<hbm>> -> memref<1x64xf32, #tpu.memory_space<hbm>>
      %dma_start3A_639 = tpu.memref_squeeze %dma_start3A_638 : memref<1x64xf32, #tpu.memory_space<hbm>> -> memref<64xf32, #tpu.memory_space<hbm>>
      %dma_start3A_640 = arith.constant 0 : i32
      %dma_start3A_641 = tpu.memref_slice %arg12[%dma_start3A_633, %dma_start3A_640] : memref<16x64xf32, #tpu.memory_space<vmem>> -> memref<1x64xf32, #tpu.memory_space<vmem>>
      %dma_start3A_642 = tpu.memref_squeeze %dma_start3A_641 : memref<1x64xf32, #tpu.memory_space<vmem>> -> memref<64xf32, #tpu.memory_space<vmem>>
      %dma_start3A_643 = arith.constant 0 : i32
      %dma_start3A_644 = tpu.memref_slice %arg6[%squeeze3A_632, %dma_start3A_643] : memref<1000x64xf32, #tpu.memory_space<hbm>> -> memref<1x64xf32, #tpu.memory_space<hbm>>
      %dma_start3A_645 = tpu.memref_squeeze %dma_start3A_644 : memref<1x64xf32, #tpu.memory_space<hbm>> -> memref<64xf32, #tpu.memory_space<hbm>>
      tpu.enqueue_dma source(%dma_start3A_645 : memref<64xf32, #tpu.memory_space<hbm>>) target(%dma_start3A_642 : memref<64xf32, #tpu.memory_space<vmem>>) target_semaphore(%arg15 : memref<!tpu.dma_semaphore, #tpu.memory_space<semaphore_mem>>)
      %slice3A_646 = vector.extract_strided_slice %get3A_14 {offsets = [14], sizes = [1], strides = [1]} : vector<16xi32> to vector<1xi32>
      %squeeze3A_647 = vector.extract %slice3A_646[0] : i32 from vector<1xi32>
      %dma_start3A_648 = arith.constant 14 : i32
      %dma_start3A_649 = arith.constant 0 : i32
      %dma_start3A_650 = tpu.memref_slice %arg11[%dma_start3A_648, %dma_start3A_649] : memref<16x64xf32, #tpu.memory_space<vmem>> -> memref<1x64xf32, #tpu.memory_space<vmem>>
      %dma_start3A_651 = tpu.memref_squeeze %dma_start3A_650 : memref<1x64xf32, #tpu.memory_space<vmem>> -> memref<64xf32, #tpu.memory_space<vmem>>
      %dma_start3A_652 = arith.constant 0 : i32
      %dma_start3A_653 = tpu.memref_slice %arg5[%squeeze3A_647, %dma_start3A_652] : memref<1000000x64xf32, #tpu.memory_space<hbm>> -> memref<1x64xf32, #tpu.memory_space<hbm>>
      %dma_start3A_654 = tpu.memref_squeeze %dma_start3A_653 : memref<1x64xf32, #tpu.memory_space<hbm>> -> memref<64xf32, #tpu.memory_space<hbm>>
      %dma_start3A_655 = arith.constant 0 : i32
      %dma_start3A_656 = tpu.memref_slice %arg11[%dma_start3A_648, %dma_start3A_655] : memref<16x64xf32, #tpu.memory_space<vmem>> -> memref<1x64xf32, #tpu.memory_space<vmem>>
      %dma_start3A_657 = tpu.memref_squeeze %dma_start3A_656 : memref<1x64xf32, #tpu.memory_space<vmem>> -> memref<64xf32, #tpu.memory_space<vmem>>
      %dma_start3A_658 = arith.constant 0 : i32
      %dma_start3A_659 = tpu.memref_slice %arg5[%squeeze3A_647, %dma_start3A_658] : memref<1000000x64xf32, #tpu.memory_space<hbm>> -> memref<1x64xf32, #tpu.memory_space<hbm>>
      %dma_start3A_660 = tpu.memref_squeeze %dma_start3A_659 : memref<1x64xf32, #tpu.memory_space<hbm>> -> memref<64xf32, #tpu.memory_space<hbm>>
      tpu.enqueue_dma source(%dma_start3A_660 : memref<64xf32, #tpu.memory_space<hbm>>) target(%dma_start3A_657 : memref<64xf32, #tpu.memory_space<vmem>>) target_semaphore(%arg15 : memref<!tpu.dma_semaphore, #tpu.memory_space<semaphore_mem>>)
      %slice3A_661 = vector.extract_strided_slice %get3A_18 {offsets = [14], sizes = [1], strides = [1]} : vector<16xi32> to vector<1xi32>
      %squeeze3A_662 = vector.extract %slice3A_661[0] : i32 from vector<1xi32>
      %dma_start3A_663 = arith.constant 14 : i32
      %dma_start3A_664 = arith.constant 0 : i32
      %dma_start3A_665 = tpu.memref_slice %arg13[%dma_start3A_663, %dma_start3A_664] : memref<16x64xf32, #tpu.memory_space<vmem>> -> memref<1x64xf32, #tpu.memory_space<vmem>>
      %dma_start3A_666 = tpu.memref_squeeze %dma_start3A_665 : memref<1x64xf32, #tpu.memory_space<vmem>> -> memref<64xf32, #tpu.memory_space<vmem>>
      %dma_start3A_667 = arith.constant 0 : i32
      %dma_start3A_668 = tpu.memref_slice %arg5[%squeeze3A_662, %dma_start3A_667] : memref<1000000x64xf32, #tpu.memory_space<hbm>> -> memref<1x64xf32, #tpu.memory_space<hbm>>
      %dma_start3A_669 = tpu.memref_squeeze %dma_start3A_668 : memref<1x64xf32, #tpu.memory_space<hbm>> -> memref<64xf32, #tpu.memory_space<hbm>>
      %dma_start3A_670 = arith.constant 0 : i32
      %dma_start3A_671 = tpu.memref_slice %arg13[%dma_start3A_663, %dma_start3A_670] : memref<16x64xf32, #tpu.memory_space<vmem>> -> memref<1x64xf32, #tpu.memory_space<vmem>>
      %dma_start3A_672 = tpu.memref_squeeze %dma_start3A_671 : memref<1x64xf32, #tpu.memory_space<vmem>> -> memref<64xf32, #tpu.memory_space<vmem>>
      %dma_start3A_673 = arith.constant 0 : i32
      %dma_start3A_674 = tpu.memref_slice %arg5[%squeeze3A_662, %dma_start3A_673] : memref<1000000x64xf32, #tpu.memory_space<hbm>> -> memref<1x64xf32, #tpu.memory_space<hbm>>
      %dma_start3A_675 = tpu.memref_squeeze %dma_start3A_674 : memref<1x64xf32, #tpu.memory_space<hbm>> -> memref<64xf32, #tpu.memory_space<hbm>>
      tpu.enqueue_dma source(%dma_start3A_675 : memref<64xf32, #tpu.memory_space<hbm>>) target(%dma_start3A_672 : memref<64xf32, #tpu.memory_space<vmem>>) target_semaphore(%arg15 : memref<!tpu.dma_semaphore, #tpu.memory_space<semaphore_mem>>)
      %slice3A_676 = vector.extract_strided_slice %get3A_16 {offsets = [14], sizes = [1], strides = [1]} : vector<16xi32> to vector<1xi32>
      %squeeze3A_677 = vector.extract %slice3A_676[0] : i32 from vector<1xi32>
      %dma_start3A_678 = arith.constant 14 : i32
      %dma_start3A_679 = arith.constant 0 : i32
      %dma_start3A_680 = tpu.memref_slice %arg12[%dma_start3A_678, %dma_start3A_679] : memref<16x64xf32, #tpu.memory_space<vmem>> -> memref<1x64xf32, #tpu.memory_space<vmem>>
      %dma_start3A_681 = tpu.memref_squeeze %dma_start3A_680 : memref<1x64xf32, #tpu.memory_space<vmem>> -> memref<64xf32, #tpu.memory_space<vmem>>
      %dma_start3A_682 = arith.constant 0 : i32
      %dma_start3A_683 = tpu.memref_slice %arg6[%squeeze3A_677, %dma_start3A_682] : memref<1000x64xf32, #tpu.memory_space<hbm>> -> memref<1x64xf32, #tpu.memory_space<hbm>>
      %dma_start3A_684 = tpu.memref_squeeze %dma_start3A_683 : memref<1x64xf32, #tpu.memory_space<hbm>> -> memref<64xf32, #tpu.memory_space<hbm>>
      %dma_start3A_685 = arith.constant 0 : i32
      %dma_start3A_686 = tpu.memref_slice %arg12[%dma_start3A_678, %dma_start3A_685] : memref<16x64xf32, #tpu.memory_space<vmem>> -> memref<1x64xf32, #tpu.memory_space<vmem>>
      %dma_start3A_687 = tpu.memref_squeeze %dma_start3A_686 : memref<1x64xf32, #tpu.memory_space<vmem>> -> memref<64xf32, #tpu.memory_space<vmem>>
      %dma_start3A_688 = arith.constant 0 : i32
      %dma_start3A_689 = tpu.memref_slice %arg6[%squeeze3A_677, %dma_start3A_688] : memref<1000x64xf32, #tpu.memory_space<hbm>> -> memref<1x64xf32, #tpu.memory_space<hbm>>
      %dma_start3A_690 = tpu.memref_squeeze %dma_start3A_689 : memref<1x64xf32, #tpu.memory_space<hbm>> -> memref<64xf32, #tpu.memory_space<hbm>>
      tpu.enqueue_dma source(%dma_start3A_690 : memref<64xf32, #tpu.memory_space<hbm>>) target(%dma_start3A_687 : memref<64xf32, #tpu.memory_space<vmem>>) target_semaphore(%arg15 : memref<!tpu.dma_semaphore, #tpu.memory_space<semaphore_mem>>)
      %slice3A_691 = vector.extract_strided_slice %get3A_14 {offsets = [15], sizes = [1], strides = [1]} : vector<16xi32> to vector<1xi32>
      %squeeze3A_692 = vector.extract %slice3A_691[0] : i32 from vector<1xi32>
      %dma_start3A_693 = arith.constant 15 : i32
      %dma_start3A_694 = arith.constant 0 : i32
      %dma_start3A_695 = tpu.memref_slice %arg11[%dma_start3A_693, %dma_start3A_694] : memref<16x64xf32, #tpu.memory_space<vmem>> -> memref<1x64xf32, #tpu.memory_space<vmem>>
      %dma_start3A_696 = tpu.memref_squeeze %dma_start3A_695 : memref<1x64xf32, #tpu.memory_space<vmem>> -> memref<64xf32, #tpu.memory_space<vmem>>
      %dma_start3A_697 = arith.constant 0 : i32
      %dma_start3A_698 = tpu.memref_slice %arg5[%squeeze3A_692, %dma_start3A_697] : memref<1000000x64xf32, #tpu.memory_space<hbm>> -> memref<1x64xf32, #tpu.memory_space<hbm>>
      %dma_start3A_699 = tpu.memref_squeeze %dma_start3A_698 : memref<1x64xf32, #tpu.memory_space<hbm>> -> memref<64xf32, #tpu.memory_space<hbm>>
      %dma_start3A_700 = arith.constant 0 : i32
      %dma_start3A_701 = tpu.memref_slice %arg11[%dma_start3A_693, %dma_start3A_700] : memref<16x64xf32, #tpu.memory_space<vmem>> -> memref<1x64xf32, #tpu.memory_space<vmem>>
      %dma_start3A_702 = tpu.memref_squeeze %dma_start3A_701 : memref<1x64xf32, #tpu.memory_space<vmem>> -> memref<64xf32, #tpu.memory_space<vmem>>
      %dma_start3A_703 = arith.constant 0 : i32
      %dma_start3A_704 = tpu.memref_slice %arg5[%squeeze3A_692, %dma_start3A_703] : memref<1000000x64xf32, #tpu.memory_space<hbm>> -> memref<1x64xf32, #tpu.memory_space<hbm>>
      %dma_start3A_705 = tpu.memref_squeeze %dma_start3A_704 : memref<1x64xf32, #tpu.memory_space<hbm>> -> memref<64xf32, #tpu.memory_space<hbm>>
      tpu.enqueue_dma source(%dma_start3A_705 : memref<64xf32, #tpu.memory_space<hbm>>) target(%dma_start3A_702 : memref<64xf32, #tpu.memory_space<vmem>>) target_semaphore(%arg15 : memref<!tpu.dma_semaphore, #tpu.memory_space<semaphore_mem>>)
      %slice3A_706 = vector.extract_strided_slice %get3A_18 {offsets = [15], sizes = [1], strides = [1]} : vector<16xi32> to vector<1xi32>
      %squeeze3A_707 = vector.extract %slice3A_706[0] : i32 from vector<1xi32>
      %dma_start3A_708 = arith.constant 15 : i32
      %dma_start3A_709 = arith.constant 0 : i32
      %dma_start3A_710 = tpu.memref_slice %arg13[%dma_start3A_708, %dma_start3A_709] : memref<16x64xf32, #tpu.memory_space<vmem>> -> memref<1x64xf32, #tpu.memory_space<vmem>>
      %dma_start3A_711 = tpu.memref_squeeze %dma_start3A_710 : memref<1x64xf32, #tpu.memory_space<vmem>> -> memref<64xf32, #tpu.memory_space<vmem>>
      %dma_start3A_712 = arith.constant 0 : i32
      %dma_start3A_713 = tpu.memref_slice %arg5[%squeeze3A_707, %dma_start3A_712] : memref<1000000x64xf32, #tpu.memory_space<hbm>> -> memref<1x64xf32, #tpu.memory_space<hbm>>
      %dma_start3A_714 = tpu.memref_squeeze %dma_start3A_713 : memref<1x64xf32, #tpu.memory_space<hbm>> -> memref<64xf32, #tpu.memory_space<hbm>>
      %dma_start3A_715 = arith.constant 0 : i32
      %dma_start3A_716 = tpu.memref_slice %arg13[%dma_start3A_708, %dma_start3A_715] : memref<16x64xf32, #tpu.memory_space<vmem>> -> memref<1x64xf32, #tpu.memory_space<vmem>>
      %dma_start3A_717 = tpu.memref_squeeze %dma_start3A_716 : memref<1x64xf32, #tpu.memory_space<vmem>> -> memref<64xf32, #tpu.memory_space<vmem>>
      %dma_start3A_718 = arith.constant 0 : i32
      %dma_start3A_719 = tpu.memref_slice %arg5[%squeeze3A_707, %dma_start3A_718] : memref<1000000x64xf32, #tpu.memory_space<hbm>> -> memref<1x64xf32, #tpu.memory_space<hbm>>
      %dma_start3A_720 = tpu.memref_squeeze %dma_start3A_719 : memref<1x64xf32, #tpu.memory_space<hbm>> -> memref<64xf32, #tpu.memory_space<hbm>>
      tpu.enqueue_dma source(%dma_start3A_720 : memref<64xf32, #tpu.memory_space<hbm>>) target(%dma_start3A_717 : memref<64xf32, #tpu.memory_space<vmem>>) target_semaphore(%arg15 : memref<!tpu.dma_semaphore, #tpu.memory_space<semaphore_mem>>)
      %slice3A_721 = vector.extract_strided_slice %get3A_16 {offsets = [15], sizes = [1], strides = [1]} : vector<16xi32> to vector<1xi32>
      %squeeze3A_722 = vector.extract %slice3A_721[0] : i32 from vector<1xi32>
      %dma_start3A_723 = arith.constant 15 : i32
      %dma_start3A_724 = arith.constant 0 : i32
      %dma_start3A_725 = tpu.memref_slice %arg12[%dma_start3A_723, %dma_start3A_724] : memref<16x64xf32, #tpu.memory_space<vmem>> -> memref<1x64xf32, #tpu.memory_space<vmem>>
      %dma_start3A_726 = tpu.memref_squeeze %dma_start3A_725 : memref<1x64xf32, #tpu.memory_space<vmem>> -> memref<64xf32, #tpu.memory_space<vmem>>
      %dma_start3A_727 = arith.constant 0 : i32
      %dma_start3A_728 = tpu.memref_slice %arg6[%squeeze3A_722, %dma_start3A_727] : memref<1000x64xf32, #tpu.memory_space<hbm>> -> memref<1x64xf32, #tpu.memory_space<hbm>>
      %dma_start3A_729 = tpu.memref_squeeze %dma_start3A_728 : memref<1x64xf32, #tpu.memory_space<hbm>> -> memref<64xf32, #tpu.memory_space<hbm>>
      %dma_start3A_730 = arith.constant 0 : i32
      %dma_start3A_731 = tpu.memref_slice %arg12[%dma_start3A_723, %dma_start3A_730] : memref<16x64xf32, #tpu.memory_space<vmem>> -> memref<1x64xf32, #tpu.memory_space<vmem>>
      %dma_start3A_732 = tpu.memref_squeeze %dma_start3A_731 : memref<1x64xf32, #tpu.memory_space<vmem>> -> memref<64xf32, #tpu.memory_space<vmem>>
      %dma_start3A_733 = arith.constant 0 : i32
      %dma_start3A_734 = tpu.memref_slice %arg6[%squeeze3A_722, %dma_start3A_733] : memref<1000x64xf32, #tpu.memory_space<hbm>> -> memref<1x64xf32, #tpu.memory_space<hbm>>
      %dma_start3A_735 = tpu.memref_squeeze %dma_start3A_734 : memref<1x64xf32, #tpu.memory_space<hbm>> -> memref<64xf32, #tpu.memory_space<hbm>>
      tpu.enqueue_dma source(%dma_start3A_735 : memref<64xf32, #tpu.memory_space<hbm>>) target(%dma_start3A_732 : memref<64xf32, #tpu.memory_space<vmem>>) target_semaphore(%arg15 : memref<!tpu.dma_semaphore, #tpu.memory_space<semaphore_mem>>)
      %dma_wait3A = arith.constant 0 : i32
      %dma_wait3A_736 = arith.constant 0 : i32
      %dma_wait3A_737 = tpu.memref_slice %arg11[%dma_wait3A, %dma_wait3A_736] : memref<16x64xf32, #tpu.memory_space<vmem>> -> memref<1x64xf32, #tpu.memory_space<vmem>>
      %dma_wait3A_738 = tpu.memref_squeeze %dma_wait3A_737 : memref<1x64xf32, #tpu.memory_space<vmem>> -> memref<64xf32, #tpu.memory_space<vmem>>
      %dma_wait3A_739 = arith.constant 0 : i32
      %dma_wait3A_740 = tpu.memref_slice %arg5[%squeeze3A, %dma_wait3A_739] : memref<1000000x64xf32, #tpu.memory_space<hbm>> -> memref<1x64xf32, #tpu.memory_space<hbm>>
      %dma_wait3A_741 = tpu.memref_squeeze %dma_wait3A_740 : memref<1x64xf32, #tpu.memory_space<hbm>> -> memref<64xf32, #tpu.memory_space<hbm>>
      %dma_wait3A_742 = arith.constant 0 : i32
      %dma_wait3A_743 = tpu.memref_slice %arg11[%dma_wait3A, %dma_wait3A_742] : memref<16x64xf32, #tpu.memory_space<vmem>> -> memref<1x64xf32, #tpu.memory_space<vmem>>
      %dma_wait3A_744 = tpu.memref_squeeze %dma_wait3A_743 : memref<1x64xf32, #tpu.memory_space<vmem>> -> memref<64xf32, #tpu.memory_space<vmem>>
      %dma_wait3A_745 = arith.constant 0 : i32
      %dma_wait3A_746 = tpu.memref_slice %arg5[%squeeze3A, %dma_wait3A_745] : memref<1000000x64xf32, #tpu.memory_space<hbm>> -> memref<1x64xf32, #tpu.memory_space<hbm>>
      %dma_wait3A_747 = tpu.memref_squeeze %dma_wait3A_746 : memref<1x64xf32, #tpu.memory_space<hbm>> -> memref<64xf32, #tpu.memory_space<hbm>>
      tpu.wait_dma2 semaphore(%arg15 : memref<!tpu.dma_semaphore, #tpu.memory_space<semaphore_mem>>) src(%dma_wait3A_747 : memref<64xf32, #tpu.memory_space<hbm>>) dst(%dma_wait3A_744 : memref<64xf32, #tpu.memory_space<vmem>>)
      %dma_wait3A_748 = arith.constant 0 : i32
      %dma_wait3A_749 = arith.constant 0 : i32
      %dma_wait3A_750 = tpu.memref_slice %arg13[%dma_wait3A_748, %dma_wait3A_749] : memref<16x64xf32, #tpu.memory_space<vmem>> -> memref<1x64xf32, #tpu.memory_space<vmem>>
      %dma_wait3A_751 = tpu.memref_squeeze %dma_wait3A_750 : memref<1x64xf32, #tpu.memory_space<vmem>> -> memref<64xf32, #tpu.memory_space<vmem>>
      %dma_wait3A_752 = arith.constant 0 : i32
      %dma_wait3A_753 = tpu.memref_slice %arg5[%squeeze3A_32, %dma_wait3A_752] : memref<1000000x64xf32, #tpu.memory_space<hbm>> -> memref<1x64xf32, #tpu.memory_space<hbm>>
      %dma_wait3A_754 = tpu.memref_squeeze %dma_wait3A_753 : memref<1x64xf32, #tpu.memory_space<hbm>> -> memref<64xf32, #tpu.memory_space<hbm>>
      %dma_wait3A_755 = arith.constant 0 : i32
      %dma_wait3A_756 = tpu.memref_slice %arg13[%dma_wait3A_748, %dma_wait3A_755] : memref<16x64xf32, #tpu.memory_space<vmem>> -> memref<1x64xf32, #tpu.memory_space<vmem>>
      %dma_wait3A_757 = tpu.memref_squeeze %dma_wait3A_756 : memref<1x64xf32, #tpu.memory_space<vmem>> -> memref<64xf32, #tpu.memory_space<vmem>>
      %dma_wait3A_758 = arith.constant 0 : i32
      %dma_wait3A_759 = tpu.memref_slice %arg5[%squeeze3A_32, %dma_wait3A_758] : memref<1000000x64xf32, #tpu.memory_space<hbm>> -> memref<1x64xf32, #tpu.memory_space<hbm>>
      %dma_wait3A_760 = tpu.memref_squeeze %dma_wait3A_759 : memref<1x64xf32, #tpu.memory_space<hbm>> -> memref<64xf32, #tpu.memory_space<hbm>>
      tpu.wait_dma2 semaphore(%arg15 : memref<!tpu.dma_semaphore, #tpu.memory_space<semaphore_mem>>) src(%dma_wait3A_760 : memref<64xf32, #tpu.memory_space<hbm>>) dst(%dma_wait3A_757 : memref<64xf32, #tpu.memory_space<vmem>>)
      %dma_wait3A_761 = arith.constant 0 : i32
      %dma_wait3A_762 = arith.constant 0 : i32
      %dma_wait3A_763 = tpu.memref_slice %arg12[%dma_wait3A_761, %dma_wait3A_762] : memref<16x64xf32, #tpu.memory_space<vmem>> -> memref<1x64xf32, #tpu.memory_space<vmem>>
      %dma_wait3A_764 = tpu.memref_squeeze %dma_wait3A_763 : memref<1x64xf32, #tpu.memory_space<vmem>> -> memref<64xf32, #tpu.memory_space<vmem>>
      %dma_wait3A_765 = arith.constant 0 : i32
      %dma_wait3A_766 = tpu.memref_slice %arg6[%squeeze3A_47, %dma_wait3A_765] : memref<1000x64xf32, #tpu.memory_space<hbm>> -> memref<1x64xf32, #tpu.memory_space<hbm>>
      %dma_wait3A_767 = tpu.memref_squeeze %dma_wait3A_766 : memref<1x64xf32, #tpu.memory_space<hbm>> -> memref<64xf32, #tpu.memory_space<hbm>>
      %dma_wait3A_768 = arith.constant 0 : i32
      %dma_wait3A_769 = tpu.memref_slice %arg12[%dma_wait3A_761, %dma_wait3A_768] : memref<16x64xf32, #tpu.memory_space<vmem>> -> memref<1x64xf32, #tpu.memory_space<vmem>>
      %dma_wait3A_770 = tpu.memref_squeeze %dma_wait3A_769 : memref<1x64xf32, #tpu.memory_space<vmem>> -> memref<64xf32, #tpu.memory_space<vmem>>
      %dma_wait3A_771 = arith.constant 0 : i32
      %dma_wait3A_772 = tpu.memref_slice %arg6[%squeeze3A_47, %dma_wait3A_771] : memref<1000x64xf32, #tpu.memory_space<hbm>> -> memref<1x64xf32, #tpu.memory_space<hbm>>
      %dma_wait3A_773 = tpu.memref_squeeze %dma_wait3A_772 : memref<1x64xf32, #tpu.memory_space<hbm>> -> memref<64xf32, #tpu.memory_space<hbm>>
      tpu.wait_dma2 semaphore(%arg15 : memref<!tpu.dma_semaphore, #tpu.memory_space<semaphore_mem>>) src(%dma_wait3A_773 : memref<64xf32, #tpu.memory_space<hbm>>) dst(%dma_wait3A_770 : memref<64xf32, #tpu.memory_space<vmem>>)
      %dma_wait3A_774 = arith.constant 1 : i32
      %dma_wait3A_775 = arith.constant 0 : i32
      %dma_wait3A_776 = tpu.memref_slice %arg11[%dma_wait3A_774, %dma_wait3A_775] : memref<16x64xf32, #tpu.memory_space<vmem>> -> memref<1x64xf32, #tpu.memory_space<vmem>>
      %dma_wait3A_777 = tpu.memref_squeeze %dma_wait3A_776 : memref<1x64xf32, #tpu.memory_space<vmem>> -> memref<64xf32, #tpu.memory_space<vmem>>
      %dma_wait3A_778 = arith.constant 0 : i32
      %dma_wait3A_779 = tpu.memref_slice %arg5[%squeeze3A_62, %dma_wait3A_778] : memref<1000000x64xf32, #tpu.memory_space<hbm>> -> memref<1x64xf32, #tpu.memory_space<hbm>>
      %dma_wait3A_780 = tpu.memref_squeeze %dma_wait3A_779 : memref<1x64xf32, #tpu.memory_space<hbm>> -> memref<64xf32, #tpu.memory_space<hbm>>
      %dma_wait3A_781 = arith.constant 0 : i32
      %dma_wait3A_782 = tpu.memref_slice %arg11[%dma_wait3A_774, %dma_wait3A_781] : memref<16x64xf32, #tpu.memory_space<vmem>> -> memref<1x64xf32, #tpu.memory_space<vmem>>
      %dma_wait3A_783 = tpu.memref_squeeze %dma_wait3A_782 : memref<1x64xf32, #tpu.memory_space<vmem>> -> memref<64xf32, #tpu.memory_space<vmem>>
      %dma_wait3A_784 = arith.constant 0 : i32
      %dma_wait3A_785 = tpu.memref_slice %arg5[%squeeze3A_62, %dma_wait3A_784] : memref<1000000x64xf32, #tpu.memory_space<hbm>> -> memref<1x64xf32, #tpu.memory_space<hbm>>
      %dma_wait3A_786 = tpu.memref_squeeze %dma_wait3A_785 : memref<1x64xf32, #tpu.memory_space<hbm>> -> memref<64xf32, #tpu.memory_space<hbm>>
      tpu.wait_dma2 semaphore(%arg15 : memref<!tpu.dma_semaphore, #tpu.memory_space<semaphore_mem>>) src(%dma_wait3A_786 : memref<64xf32, #tpu.memory_space<hbm>>) dst(%dma_wait3A_783 : memref<64xf32, #tpu.memory_space<vmem>>)
      %dma_wait3A_787 = arith.constant 1 : i32
      %dma_wait3A_788 = arith.constant 0 : i32
      %dma_wait3A_789 = tpu.memref_slice %arg13[%dma_wait3A_787, %dma_wait3A_788] : memref<16x64xf32, #tpu.memory_space<vmem>> -> memref<1x64xf32, #tpu.memory_space<vmem>>
      %dma_wait3A_790 = tpu.memref_squeeze %dma_wait3A_789 : memref<1x64xf32, #tpu.memory_space<vmem>> -> memref<64xf32, #tpu.memory_space<vmem>>
      %dma_wait3A_791 = arith.constant 0 : i32
      %dma_wait3A_792 = tpu.memref_slice %arg5[%squeeze3A_77, %dma_wait3A_791] : memref<1000000x64xf32, #tpu.memory_space<hbm>> -> memref<1x64xf32, #tpu.memory_space<hbm>>
      %dma_wait3A_793 = tpu.memref_squeeze %dma_wait3A_792 : memref<1x64xf32, #tpu.memory_space<hbm>> -> memref<64xf32, #tpu.memory_space<hbm>>
      %dma_wait3A_794 = arith.constant 0 : i32
      %dma_wait3A_795 = tpu.memref_slice %arg13[%dma_wait3A_787, %dma_wait3A_794] : memref<16x64xf32, #tpu.memory_space<vmem>> -> memref<1x64xf32, #tpu.memory_space<vmem>>
      %dma_wait3A_796 = tpu.memref_squeeze %dma_wait3A_795 : memref<1x64xf32, #tpu.memory_space<vmem>> -> memref<64xf32, #tpu.memory_space<vmem>>
      %dma_wait3A_797 = arith.constant 0 : i32
      %dma_wait3A_798 = tpu.memref_slice %arg5[%squeeze3A_77, %dma_wait3A_797] : memref<1000000x64xf32, #tpu.memory_space<hbm>> -> memref<1x64xf32, #tpu.memory_space<hbm>>
      %dma_wait3A_799 = tpu.memref_squeeze %dma_wait3A_798 : memref<1x64xf32, #tpu.memory_space<hbm>> -> memref<64xf32, #tpu.memory_space<hbm>>
      tpu.wait_dma2 semaphore(%arg15 : memref<!tpu.dma_semaphore, #tpu.memory_space<semaphore_mem>>) src(%dma_wait3A_799 : memref<64xf32, #tpu.memory_space<hbm>>) dst(%dma_wait3A_796 : memref<64xf32, #tpu.memory_space<vmem>>)
      %dma_wait3A_800 = arith.constant 1 : i32
      %dma_wait3A_801 = arith.constant 0 : i32
      %dma_wait3A_802 = tpu.memref_slice %arg12[%dma_wait3A_800, %dma_wait3A_801] : memref<16x64xf32, #tpu.memory_space<vmem>> -> memref<1x64xf32, #tpu.memory_space<vmem>>
      %dma_wait3A_803 = tpu.memref_squeeze %dma_wait3A_802 : memref<1x64xf32, #tpu.memory_space<vmem>> -> memref<64xf32, #tpu.memory_space<vmem>>
      %dma_wait3A_804 = arith.constant 0 : i32
      %dma_wait3A_805 = tpu.memref_slice %arg6[%squeeze3A_92, %dma_wait3A_804] : memref<1000x64xf32, #tpu.memory_space<hbm>> -> memref<1x64xf32, #tpu.memory_space<hbm>>
      %dma_wait3A_806 = tpu.memref_squeeze %dma_wait3A_805 : memref<1x64xf32, #tpu.memory_space<hbm>> -> memref<64xf32, #tpu.memory_space<hbm>>
      %dma_wait3A_807 = arith.constant 0 : i32
      %dma_wait3A_808 = tpu.memref_slice %arg12[%dma_wait3A_800, %dma_wait3A_807] : memref<16x64xf32, #tpu.memory_space<vmem>> -> memref<1x64xf32, #tpu.memory_space<vmem>>
      %dma_wait3A_809 = tpu.memref_squeeze %dma_wait3A_808 : memref<1x64xf32, #tpu.memory_space<vmem>> -> memref<64xf32, #tpu.memory_space<vmem>>
      %dma_wait3A_810 = arith.constant 0 : i32
      %dma_wait3A_811 = tpu.memref_slice %arg6[%squeeze3A_92, %dma_wait3A_810] : memref<1000x64xf32, #tpu.memory_space<hbm>> -> memref<1x64xf32, #tpu.memory_space<hbm>>
      %dma_wait3A_812 = tpu.memref_squeeze %dma_wait3A_811 : memref<1x64xf32, #tpu.memory_space<hbm>> -> memref<64xf32, #tpu.memory_space<hbm>>
      tpu.wait_dma2 semaphore(%arg15 : memref<!tpu.dma_semaphore, #tpu.memory_space<semaphore_mem>>) src(%dma_wait3A_812 : memref<64xf32, #tpu.memory_space<hbm>>) dst(%dma_wait3A_809 : memref<64xf32, #tpu.memory_space<vmem>>)
      %dma_wait3A_813 = arith.constant 2 : i32
      %dma_wait3A_814 = arith.constant 0 : i32
      %dma_wait3A_815 = tpu.memref_slice %arg11[%dma_wait3A_813, %dma_wait3A_814] : memref<16x64xf32, #tpu.memory_space<vmem>> -> memref<1x64xf32, #tpu.memory_space<vmem>>
      %dma_wait3A_816 = tpu.memref_squeeze %dma_wait3A_815 : memref<1x64xf32, #tpu.memory_space<vmem>> -> memref<64xf32, #tpu.memory_space<vmem>>
      %dma_wait3A_817 = arith.constant 0 : i32
      %dma_wait3A_818 = tpu.memref_slice %arg5[%squeeze3A_107, %dma_wait3A_817] : memref<1000000x64xf32, #tpu.memory_space<hbm>> -> memref<1x64xf32, #tpu.memory_space<hbm>>
      %dma_wait3A_819 = tpu.memref_squeeze %dma_wait3A_818 : memref<1x64xf32, #tpu.memory_space<hbm>> -> memref<64xf32, #tpu.memory_space<hbm>>
      %dma_wait3A_820 = arith.constant 0 : i32
      %dma_wait3A_821 = tpu.memref_slice %arg11[%dma_wait3A_813, %dma_wait3A_820] : memref<16x64xf32, #tpu.memory_space<vmem>> -> memref<1x64xf32, #tpu.memory_space<vmem>>
      %dma_wait3A_822 = tpu.memref_squeeze %dma_wait3A_821 : memref<1x64xf32, #tpu.memory_space<vmem>> -> memref<64xf32, #tpu.memory_space<vmem>>
      %dma_wait3A_823 = arith.constant 0 : i32
      %dma_wait3A_824 = tpu.memref_slice %arg5[%squeeze3A_107, %dma_wait3A_823] : memref<1000000x64xf32, #tpu.memory_space<hbm>> -> memref<1x64xf32, #tpu.memory_space<hbm>>
      %dma_wait3A_825 = tpu.memref_squeeze %dma_wait3A_824 : memref<1x64xf32, #tpu.memory_space<hbm>> -> memref<64xf32, #tpu.memory_space<hbm>>
      tpu.wait_dma2 semaphore(%arg15 : memref<!tpu.dma_semaphore, #tpu.memory_space<semaphore_mem>>) src(%dma_wait3A_825 : memref<64xf32, #tpu.memory_space<hbm>>) dst(%dma_wait3A_822 : memref<64xf32, #tpu.memory_space<vmem>>)
      %dma_wait3A_826 = arith.constant 2 : i32
      %dma_wait3A_827 = arith.constant 0 : i32
      %dma_wait3A_828 = tpu.memref_slice %arg13[%dma_wait3A_826, %dma_wait3A_827] : memref<16x64xf32, #tpu.memory_space<vmem>> -> memref<1x64xf32, #tpu.memory_space<vmem>>
      %dma_wait3A_829 = tpu.memref_squeeze %dma_wait3A_828 : memref<1x64xf32, #tpu.memory_space<vmem>> -> memref<64xf32, #tpu.memory_space<vmem>>
      %dma_wait3A_830 = arith.constant 0 : i32
      %dma_wait3A_831 = tpu.memref_slice %arg5[%squeeze3A_122, %dma_wait3A_830] : memref<1000000x64xf32, #tpu.memory_space<hbm>> -> memref<1x64xf32, #tpu.memory_space<hbm>>
      %dma_wait3A_832 = tpu.memref_squeeze %dma_wait3A_831 : memref<1x64xf32, #tpu.memory_space<hbm>> -> memref<64xf32, #tpu.memory_space<hbm>>
      %dma_wait3A_833 = arith.constant 0 : i32
      %dma_wait3A_834 = tpu.memref_slice %arg13[%dma_wait3A_826, %dma_wait3A_833] : memref<16x64xf32, #tpu.memory_space<vmem>> -> memref<1x64xf32, #tpu.memory_space<vmem>>
      %dma_wait3A_835 = tpu.memref_squeeze %dma_wait3A_834 : memref<1x64xf32, #tpu.memory_space<vmem>> -> memref<64xf32, #tpu.memory_space<vmem>>
      %dma_wait3A_836 = arith.constant 0 : i32
      %dma_wait3A_837 = tpu.memref_slice %arg5[%squeeze3A_122, %dma_wait3A_836] : memref<1000000x64xf32, #tpu.memory_space<hbm>> -> memref<1x64xf32, #tpu.memory_space<hbm>>
      %dma_wait3A_838 = tpu.memref_squeeze %dma_wait3A_837 : memref<1x64xf32, #tpu.memory_space<hbm>> -> memref<64xf32, #tpu.memory_space<hbm>>
      tpu.wait_dma2 semaphore(%arg15 : memref<!tpu.dma_semaphore, #tpu.memory_space<semaphore_mem>>) src(%dma_wait3A_838 : memref<64xf32, #tpu.memory_space<hbm>>) dst(%dma_wait3A_835 : memref<64xf32, #tpu.memory_space<vmem>>)
      %dma_wait3A_839 = arith.constant 2 : i32
      %dma_wait3A_840 = arith.constant 0 : i32
      %dma_wait3A_841 = tpu.memref_slice %arg12[%dma_wait3A_839, %dma_wait3A_840] : memref<16x64xf32, #tpu.memory_space<vmem>> -> memref<1x64xf32, #tpu.memory_space<vmem>>
      %dma_wait3A_842 = tpu.memref_squeeze %dma_wait3A_841 : memref<1x64xf32, #tpu.memory_space<vmem>> -> memref<64xf32, #tpu.memory_space<vmem>>
      %dma_wait3A_843 = arith.constant 0 : i32
      %dma_wait3A_844 = tpu.memref_slice %arg6[%squeeze3A_137, %dma_wait3A_843] : memref<1000x64xf32, #tpu.memory_space<hbm>> -> memref<1x64xf32, #tpu.memory_space<hbm>>
      %dma_wait3A_845 = tpu.memref_squeeze %dma_wait3A_844 : memref<1x64xf32, #tpu.memory_space<hbm>> -> memref<64xf32, #tpu.memory_space<hbm>>
      %dma_wait3A_846 = arith.constant 0 : i32
      %dma_wait3A_847 = tpu.memref_slice %arg12[%dma_wait3A_839, %dma_wait3A_846] : memref<16x64xf32, #tpu.memory_space<vmem>> -> memref<1x64xf32, #tpu.memory_space<vmem>>
      %dma_wait3A_848 = tpu.memref_squeeze %dma_wait3A_847 : memref<1x64xf32, #tpu.memory_space<vmem>> -> memref<64xf32, #tpu.memory_space<vmem>>
      %dma_wait3A_849 = arith.constant 0 : i32
      %dma_wait3A_850 = tpu.memref_slice %arg6[%squeeze3A_137, %dma_wait3A_849] : memref<1000x64xf32, #tpu.memory_space<hbm>> -> memref<1x64xf32, #tpu.memory_space<hbm>>
      %dma_wait3A_851 = tpu.memref_squeeze %dma_wait3A_850 : memref<1x64xf32, #tpu.memory_space<hbm>> -> memref<64xf32, #tpu.memory_space<hbm>>
      tpu.wait_dma2 semaphore(%arg15 : memref<!tpu.dma_semaphore, #tpu.memory_space<semaphore_mem>>) src(%dma_wait3A_851 : memref<64xf32, #tpu.memory_space<hbm>>) dst(%dma_wait3A_848 : memref<64xf32, #tpu.memory_space<vmem>>)
      %dma_wait3A_852 = arith.constant 3 : i32
      %dma_wait3A_853 = arith.constant 0 : i32
      %dma_wait3A_854 = tpu.memref_slice %arg11[%dma_wait3A_852, %dma_wait3A_853] : memref<16x64xf32, #tpu.memory_space<vmem>> -> memref<1x64xf32, #tpu.memory_space<vmem>>
      %dma_wait3A_855 = tpu.memref_squeeze %dma_wait3A_854 : memref<1x64xf32, #tpu.memory_space<vmem>> -> memref<64xf32, #tpu.memory_space<vmem>>
      %dma_wait3A_856 = arith.constant 0 : i32
      %dma_wait3A_857 = tpu.memref_slice %arg5[%squeeze3A_152, %dma_wait3A_856] : memref<1000000x64xf32, #tpu.memory_space<hbm>> -> memref<1x64xf32, #tpu.memory_space<hbm>>
      %dma_wait3A_858 = tpu.memref_squeeze %dma_wait3A_857 : memref<1x64xf32, #tpu.memory_space<hbm>> -> memref<64xf32, #tpu.memory_space<hbm>>
      %dma_wait3A_859 = arith.constant 0 : i32
      %dma_wait3A_860 = tpu.memref_slice %arg11[%dma_wait3A_852, %dma_wait3A_859] : memref<16x64xf32, #tpu.memory_space<vmem>> -> memref<1x64xf32, #tpu.memory_space<vmem>>
      %dma_wait3A_861 = tpu.memref_squeeze %dma_wait3A_860 : memref<1x64xf32, #tpu.memory_space<vmem>> -> memref<64xf32, #tpu.memory_space<vmem>>
      %dma_wait3A_862 = arith.constant 0 : i32
      %dma_wait3A_863 = tpu.memref_slice %arg5[%squeeze3A_152, %dma_wait3A_862] : memref<1000000x64xf32, #tpu.memory_space<hbm>> -> memref<1x64xf32, #tpu.memory_space<hbm>>
      %dma_wait3A_864 = tpu.memref_squeeze %dma_wait3A_863 : memref<1x64xf32, #tpu.memory_space<hbm>> -> memref<64xf32, #tpu.memory_space<hbm>>
      tpu.wait_dma2 semaphore(%arg15 : memref<!tpu.dma_semaphore, #tpu.memory_space<semaphore_mem>>) src(%dma_wait3A_864 : memref<64xf32, #tpu.memory_space<hbm>>) dst(%dma_wait3A_861 : memref<64xf32, #tpu.memory_space<vmem>>)
      %dma_wait3A_865 = arith.constant 3 : i32
      %dma_wait3A_866 = arith.constant 0 : i32
      %dma_wait3A_867 = tpu.memref_slice %arg13[%dma_wait3A_865, %dma_wait3A_866] : memref<16x64xf32, #tpu.memory_space<vmem>> -> memref<1x64xf32, #tpu.memory_space<vmem>>
      %dma_wait3A_868 = tpu.memref_squeeze %dma_wait3A_867 : memref<1x64xf32, #tpu.memory_space<vmem>> -> memref<64xf32, #tpu.memory_space<vmem>>
      %dma_wait3A_869 = arith.constant 0 : i32
      %dma_wait3A_870 = tpu.memref_slice %arg5[%squeeze3A_167, %dma_wait3A_869] : memref<1000000x64xf32, #tpu.memory_space<hbm>> -> memref<1x64xf32, #tpu.memory_space<hbm>>
      %dma_wait3A_871 = tpu.memref_squeeze %dma_wait3A_870 : memref<1x64xf32, #tpu.memory_space<hbm>> -> memref<64xf32, #tpu.memory_space<hbm>>
      %dma_wait3A_872 = arith.constant 0 : i32
      %dma_wait3A_873 = tpu.memref_slice %arg13[%dma_wait3A_865, %dma_wait3A_872] : memref<16x64xf32, #tpu.memory_space<vmem>> -> memref<1x64xf32, #tpu.memory_space<vmem>>
      %dma_wait3A_874 = tpu.memref_squeeze %dma_wait3A_873 : memref<1x64xf32, #tpu.memory_space<vmem>> -> memref<64xf32, #tpu.memory_space<vmem>>
      %dma_wait3A_875 = arith.constant 0 : i32
      %dma_wait3A_876 = tpu.memref_slice %arg5[%squeeze3A_167, %dma_wait3A_875] : memref<1000000x64xf32, #tpu.memory_space<hbm>> -> memref<1x64xf32, #tpu.memory_space<hbm>>
      %dma_wait3A_877 = tpu.memref_squeeze %dma_wait3A_876 : memref<1x64xf32, #tpu.memory_space<hbm>> -> memref<64xf32, #tpu.memory_space<hbm>>
      tpu.wait_dma2 semaphore(%arg15 : memref<!tpu.dma_semaphore, #tpu.memory_space<semaphore_mem>>) src(%dma_wait3A_877 : memref<64xf32, #tpu.memory_space<hbm>>) dst(%dma_wait3A_874 : memref<64xf32, #tpu.memory_space<vmem>>)
      %dma_wait3A_878 = arith.constant 3 : i32
      %dma_wait3A_879 = arith.constant 0 : i32
      %dma_wait3A_880 = tpu.memref_slice %arg12[%dma_wait3A_878, %dma_wait3A_879] : memref<16x64xf32, #tpu.memory_space<vmem>> -> memref<1x64xf32, #tpu.memory_space<vmem>>
      %dma_wait3A_881 = tpu.memref_squeeze %dma_wait3A_880 : memref<1x64xf32, #tpu.memory_space<vmem>> -> memref<64xf32, #tpu.memory_space<vmem>>
      %dma_wait3A_882 = arith.constant 0 : i32
      %dma_wait3A_883 = tpu.memref_slice %arg6[%squeeze3A_182, %dma_wait3A_882] : memref<1000x64xf32, #tpu.memory_space<hbm>> -> memref<1x64xf32, #tpu.memory_space<hbm>>
      %dma_wait3A_884 = tpu.memref_squeeze %dma_wait3A_883 : memref<1x64xf32, #tpu.memory_space<hbm>> -> memref<64xf32, #tpu.memory_space<hbm>>
      %dma_wait3A_885 = arith.constant 0 : i32
      %dma_wait3A_886 = tpu.memref_slice %arg12[%dma_wait3A_878, %dma_wait3A_885] : memref<16x64xf32, #tpu.memory_space<vmem>> -> memref<1x64xf32, #tpu.memory_space<vmem>>
      %dma_wait3A_887 = tpu.memref_squeeze %dma_wait3A_886 : memref<1x64xf32, #tpu.memory_space<vmem>> -> memref<64xf32, #tpu.memory_space<vmem>>
      %dma_wait3A_888 = arith.constant 0 : i32
      %dma_wait3A_889 = tpu.memref_slice %arg6[%squeeze3A_182, %dma_wait3A_888] : memref<1000x64xf32, #tpu.memory_space<hbm>> -> memref<1x64xf32, #tpu.memory_space<hbm>>
      %dma_wait3A_890 = tpu.memref_squeeze %dma_wait3A_889 : memref<1x64xf32, #tpu.memory_space<hbm>> -> memref<64xf32, #tpu.memory_space<hbm>>
      tpu.wait_dma2 semaphore(%arg15 : memref<!tpu.dma_semaphore, #tpu.memory_space<semaphore_mem>>) src(%dma_wait3A_890 : memref<64xf32, #tpu.memory_space<hbm>>) dst(%dma_wait3A_887 : memref<64xf32, #tpu.memory_space<vmem>>)
      %dma_wait3A_891 = arith.constant 4 : i32
      %dma_wait3A_892 = arith.constant 0 : i32
      %dma_wait3A_893 = tpu.memref_slice %arg11[%dma_wait3A_891, %dma_wait3A_892] : memref<16x64xf32, #tpu.memory_space<vmem>> -> memref<1x64xf32, #tpu.memory_space<vmem>>
      %dma_wait3A_894 = tpu.memref_squeeze %dma_wait3A_893 : memref<1x64xf32, #tpu.memory_space<vmem>> -> memref<64xf32, #tpu.memory_space<vmem>>
      %dma_wait3A_895 = arith.constant 0 : i32
      %dma_wait3A_896 = tpu.memref_slice %arg5[%squeeze3A_197, %dma_wait3A_895] : memref<1000000x64xf32, #tpu.memory_space<hbm>> -> memref<1x64xf32, #tpu.memory_space<hbm>>
      %dma_wait3A_897 = tpu.memref_squeeze %dma_wait3A_896 : memref<1x64xf32, #tpu.memory_space<hbm>> -> memref<64xf32, #tpu.memory_space<hbm>>
      %dma_wait3A_898 = arith.constant 0 : i32
      %dma_wait3A_899 = tpu.memref_slice %arg11[%dma_wait3A_891, %dma_wait3A_898] : memref<16x64xf32, #tpu.memory_space<vmem>> -> memref<1x64xf32, #tpu.memory_space<vmem>>
      %dma_wait3A_900 = tpu.memref_squeeze %dma_wait3A_899 : memref<1x64xf32, #tpu.memory_space<vmem>> -> memref<64xf32, #tpu.memory_space<vmem>>
      %dma_wait3A_901 = arith.constant 0 : i32
      %dma_wait3A_902 = tpu.memref_slice %arg5[%squeeze3A_197, %dma_wait3A_901] : memref<1000000x64xf32, #tpu.memory_space<hbm>> -> memref<1x64xf32, #tpu.memory_space<hbm>>
      %dma_wait3A_903 = tpu.memref_squeeze %dma_wait3A_902 : memref<1x64xf32, #tpu.memory_space<hbm>> -> memref<64xf32, #tpu.memory_space<hbm>>
      tpu.wait_dma2 semaphore(%arg15 : memref<!tpu.dma_semaphore, #tpu.memory_space<semaphore_mem>>) src(%dma_wait3A_903 : memref<64xf32, #tpu.memory_space<hbm>>) dst(%dma_wait3A_900 : memref<64xf32, #tpu.memory_space<vmem>>)
      %dma_wait3A_904 = arith.constant 4 : i32
      %dma_wait3A_905 = arith.constant 0 : i32
      %dma_wait3A_906 = tpu.memref_slice %arg13[%dma_wait3A_904, %dma_wait3A_905] : memref<16x64xf32, #tpu.memory_space<vmem>> -> memref<1x64xf32, #tpu.memory_space<vmem>>
      %dma_wait3A_907 = tpu.memref_squeeze %dma_wait3A_906 : memref<1x64xf32, #tpu.memory_space<vmem>> -> memref<64xf32, #tpu.memory_space<vmem>>
      %dma_wait3A_908 = arith.constant 0 : i32
      %dma_wait3A_909 = tpu.memref_slice %arg5[%squeeze3A_212, %dma_wait3A_908] : memref<1000000x64xf32, #tpu.memory_space<hbm>> -> memref<1x64xf32, #tpu.memory_space<hbm>>
      %dma_wait3A_910 = tpu.memref_squeeze %dma_wait3A_909 : memref<1x64xf32, #tpu.memory_space<hbm>> -> memref<64xf32, #tpu.memory_space<hbm>>
      %dma_wait3A_911 = arith.constant 0 : i32
      %dma_wait3A_912 = tpu.memref_slice %arg13[%dma_wait3A_904, %dma_wait3A_911] : memref<16x64xf32, #tpu.memory_space<vmem>> -> memref<1x64xf32, #tpu.memory_space<vmem>>
      %dma_wait3A_913 = tpu.memref_squeeze %dma_wait3A_912 : memref<1x64xf32, #tpu.memory_space<vmem>> -> memref<64xf32, #tpu.memory_space<vmem>>
      %dma_wait3A_914 = arith.constant 0 : i32
      %dma_wait3A_915 = tpu.memref_slice %arg5[%squeeze3A_212, %dma_wait3A_914] : memref<1000000x64xf32, #tpu.memory_space<hbm>> -> memref<1x64xf32, #tpu.memory_space<hbm>>
      %dma_wait3A_916 = tpu.memref_squeeze %dma_wait3A_915 : memref<1x64xf32, #tpu.memory_space<hbm>> -> memref<64xf32, #tpu.memory_space<hbm>>
      tpu.wait_dma2 semaphore(%arg15 : memref<!tpu.dma_semaphore, #tpu.memory_space<semaphore_mem>>) src(%dma_wait3A_916 : memref<64xf32, #tpu.memory_space<hbm>>) dst(%dma_wait3A_913 : memref<64xf32, #tpu.memory_space<vmem>>)
      %dma_wait3A_917 = arith.constant 4 : i32
      %dma_wait3A_918 = arith.constant 0 : i32
      %dma_wait3A_919 = tpu.memref_slice %arg12[%dma_wait3A_917, %dma_wait3A_918] : memref<16x64xf32, #tpu.memory_space<vmem>> -> memref<1x64xf32, #tpu.memory_space<vmem>>
      %dma_wait3A_920 = tpu.memref_squeeze %dma_wait3A_919 : memref<1x64xf32, #tpu.memory_space<vmem>> -> memref<64xf32, #tpu.memory_space<vmem>>
      %dma_wait3A_921 = arith.constant 0 : i32
      %dma_wait3A_922 = tpu.memref_slice %arg6[%squeeze3A_227, %dma_wait3A_921] : memref<1000x64xf32, #tpu.memory_space<hbm>> -> memref<1x64xf32, #tpu.memory_space<hbm>>
      %dma_wait3A_923 = tpu.memref_squeeze %dma_wait3A_922 : memref<1x64xf32, #tpu.memory_space<hbm>> -> memref<64xf32, #tpu.memory_space<hbm>>
      %dma_wait3A_924 = arith.constant 0 : i32
      %dma_wait3A_925 = tpu.memref_slice %arg12[%dma_wait3A_917, %dma_wait3A_924] : memref<16x64xf32, #tpu.memory_space<vmem>> -> memref<1x64xf32, #tpu.memory_space<vmem>>
      %dma_wait3A_926 = tpu.memref_squeeze %dma_wait3A_925 : memref<1x64xf32, #tpu.memory_space<vmem>> -> memref<64xf32, #tpu.memory_space<vmem>>
      %dma_wait3A_927 = arith.constant 0 : i32
      %dma_wait3A_928 = tpu.memref_slice %arg6[%squeeze3A_227, %dma_wait3A_927] : memref<1000x64xf32, #tpu.memory_space<hbm>> -> memref<1x64xf32, #tpu.memory_space<hbm>>
      %dma_wait3A_929 = tpu.memref_squeeze %dma_wait3A_928 : memref<1x64xf32, #tpu.memory_space<hbm>> -> memref<64xf32, #tpu.memory_space<hbm>>
      tpu.wait_dma2 semaphore(%arg15 : memref<!tpu.dma_semaphore, #tpu.memory_space<semaphore_mem>>) src(%dma_wait3A_929 : memref<64xf32, #tpu.memory_space<hbm>>) dst(%dma_wait3A_926 : memref<64xf32, #tpu.memory_space<vmem>>)
      %dma_wait3A_930 = arith.constant 5 : i32
      %dma_wait3A_931 = arith.constant 0 : i32
      %dma_wait3A_932 = tpu.memref_slice %arg11[%dma_wait3A_930, %dma_wait3A_931] : memref<16x64xf32, #tpu.memory_space<vmem>> -> memref<1x64xf32, #tpu.memory_space<vmem>>
      %dma_wait3A_933 = tpu.memref_squeeze %dma_wait3A_932 : memref<1x64xf32, #tpu.memory_space<vmem>> -> memref<64xf32, #tpu.memory_space<vmem>>
      %dma_wait3A_934 = arith.constant 0 : i32
      %dma_wait3A_935 = tpu.memref_slice %arg5[%squeeze3A_242, %dma_wait3A_934] : memref<1000000x64xf32, #tpu.memory_space<hbm>> -> memref<1x64xf32, #tpu.memory_space<hbm>>
      %dma_wait3A_936 = tpu.memref_squeeze %dma_wait3A_935 : memref<1x64xf32, #tpu.memory_space<hbm>> -> memref<64xf32, #tpu.memory_space<hbm>>
      %dma_wait3A_937 = arith.constant 0 : i32
      %dma_wait3A_938 = tpu.memref_slice %arg11[%dma_wait3A_930, %dma_wait3A_937] : memref<16x64xf32, #tpu.memory_space<vmem>> -> memref<1x64xf32, #tpu.memory_space<vmem>>
      %dma_wait3A_939 = tpu.memref_squeeze %dma_wait3A_938 : memref<1x64xf32, #tpu.memory_space<vmem>> -> memref<64xf32, #tpu.memory_space<vmem>>
      %dma_wait3A_940 = arith.constant 0 : i32
      %dma_wait3A_941 = tpu.memref_slice %arg5[%squeeze3A_242, %dma_wait3A_940] : memref<1000000x64xf32, #tpu.memory_space<hbm>> -> memref<1x64xf32, #tpu.memory_space<hbm>>
      %dma_wait3A_942 = tpu.memref_squeeze %dma_wait3A_941 : memref<1x64xf32, #tpu.memory_space<hbm>> -> memref<64xf32, #tpu.memory_space<hbm>>
      tpu.wait_dma2 semaphore(%arg15 : memref<!tpu.dma_semaphore, #tpu.memory_space<semaphore_mem>>) src(%dma_wait3A_942 : memref<64xf32, #tpu.memory_space<hbm>>) dst(%dma_wait3A_939 : memref<64xf32, #tpu.memory_space<vmem>>)
      %dma_wait3A_943 = arith.constant 5 : i32
      %dma_wait3A_944 = arith.constant 0 : i32
      %dma_wait3A_945 = tpu.memref_slice %arg13[%dma_wait3A_943, %dma_wait3A_944] : memref<16x64xf32, #tpu.memory_space<vmem>> -> memref<1x64xf32, #tpu.memory_space<vmem>>
      %dma_wait3A_946 = tpu.memref_squeeze %dma_wait3A_945 : memref<1x64xf32, #tpu.memory_space<vmem>> -> memref<64xf32, #tpu.memory_space<vmem>>
      %dma_wait3A_947 = arith.constant 0 : i32
      %dma_wait3A_948 = tpu.memref_slice %arg5[%squeeze3A_257, %dma_wait3A_947] : memref<1000000x64xf32, #tpu.memory_space<hbm>> -> memref<1x64xf32, #tpu.memory_space<hbm>>
      %dma_wait3A_949 = tpu.memref_squeeze %dma_wait3A_948 : memref<1x64xf32, #tpu.memory_space<hbm>> -> memref<64xf32, #tpu.memory_space<hbm>>
      %dma_wait3A_950 = arith.constant 0 : i32
      %dma_wait3A_951 = tpu.memref_slice %arg13[%dma_wait3A_943, %dma_wait3A_950] : memref<16x64xf32, #tpu.memory_space<vmem>> -> memref<1x64xf32, #tpu.memory_space<vmem>>
      %dma_wait3A_952 = tpu.memref_squeeze %dma_wait3A_951 : memref<1x64xf32, #tpu.memory_space<vmem>> -> memref<64xf32, #tpu.memory_space<vmem>>
      %dma_wait3A_953 = arith.constant 0 : i32
      %dma_wait3A_954 = tpu.memref_slice %arg5[%squeeze3A_257, %dma_wait3A_953] : memref<1000000x64xf32, #tpu.memory_space<hbm>> -> memref<1x64xf32, #tpu.memory_space<hbm>>
      %dma_wait3A_955 = tpu.memref_squeeze %dma_wait3A_954 : memref<1x64xf32, #tpu.memory_space<hbm>> -> memref<64xf32, #tpu.memory_space<hbm>>
      tpu.wait_dma2 semaphore(%arg15 : memref<!tpu.dma_semaphore, #tpu.memory_space<semaphore_mem>>) src(%dma_wait3A_955 : memref<64xf32, #tpu.memory_space<hbm>>) dst(%dma_wait3A_952 : memref<64xf32, #tpu.memory_space<vmem>>)
      %dma_wait3A_956 = arith.constant 5 : i32
      %dma_wait3A_957 = arith.constant 0 : i32
      %dma_wait3A_958 = tpu.memref_slice %arg12[%dma_wait3A_956, %dma_wait3A_957] : memref<16x64xf32, #tpu.memory_space<vmem>> -> memref<1x64xf32, #tpu.memory_space<vmem>>
      %dma_wait3A_959 = tpu.memref_squeeze %dma_wait3A_958 : memref<1x64xf32, #tpu.memory_space<vmem>> -> memref<64xf32, #tpu.memory_space<vmem>>
      %dma_wait3A_960 = arith.constant 0 : i32
      %dma_wait3A_961 = tpu.memref_slice %arg6[%squeeze3A_272, %dma_wait3A_960] : memref<1000x64xf32, #tpu.memory_space<hbm>> -> memref<1x64xf32, #tpu.memory_space<hbm>>
      %dma_wait3A_962 = tpu.memref_squeeze %dma_wait3A_961 : memref<1x64xf32, #tpu.memory_space<hbm>> -> memref<64xf32, #tpu.memory_space<hbm>>
      %dma_wait3A_963 = arith.constant 0 : i32
      %dma_wait3A_964 = tpu.memref_slice %arg12[%dma_wait3A_956, %dma_wait3A_963] : memref<16x64xf32, #tpu.memory_space<vmem>> -> memref<1x64xf32, #tpu.memory_space<vmem>>
      %dma_wait3A_965 = tpu.memref_squeeze %dma_wait3A_964 : memref<1x64xf32, #tpu.memory_space<vmem>> -> memref<64xf32, #tpu.memory_space<vmem>>
      %dma_wait3A_966 = arith.constant 0 : i32
      %dma_wait3A_967 = tpu.memref_slice %arg6[%squeeze3A_272, %dma_wait3A_966] : memref<1000x64xf32, #tpu.memory_space<hbm>> -> memref<1x64xf32, #tpu.memory_space<hbm>>
      %dma_wait3A_968 = tpu.memref_squeeze %dma_wait3A_967 : memref<1x64xf32, #tpu.memory_space<hbm>> -> memref<64xf32, #tpu.memory_space<hbm>>
      tpu.wait_dma2 semaphore(%arg15 : memref<!tpu.dma_semaphore, #tpu.memory_space<semaphore_mem>>) src(%dma_wait3A_968 : memref<64xf32, #tpu.memory_space<hbm>>) dst(%dma_wait3A_965 : memref<64xf32, #tpu.memory_space<vmem>>)
      %dma_wait3A_969 = arith.constant 6 : i32
      %dma_wait3A_970 = arith.constant 0 : i32
      %dma_wait3A_971 = tpu.memref_slice %arg11[%dma_wait3A_969, %dma_wait3A_970] : memref<16x64xf32, #tpu.memory_space<vmem>> -> memref<1x64xf32, #tpu.memory_space<vmem>>
      %dma_wait3A_972 = tpu.memref_squeeze %dma_wait3A_971 : memref<1x64xf32, #tpu.memory_space<vmem>> -> memref<64xf32, #tpu.memory_space<vmem>>
      %dma_wait3A_973 = arith.constant 0 : i32
      %dma_wait3A_974 = tpu.memref_slice %arg5[%squeeze3A_287, %dma_wait3A_973] : memref<1000000x64xf32, #tpu.memory_space<hbm>> -> memref<1x64xf32, #tpu.memory_space<hbm>>
      %dma_wait3A_975 = tpu.memref_squeeze %dma_wait3A_974 : memref<1x64xf32, #tpu.memory_space<hbm>> -> memref<64xf32, #tpu.memory_space<hbm>>
      %dma_wait3A_976 = arith.constant 0 : i32
      %dma_wait3A_977 = tpu.memref_slice %arg11[%dma_wait3A_969, %dma_wait3A_976] : memref<16x64xf32, #tpu.memory_space<vmem>> -> memref<1x64xf32, #tpu.memory_space<vmem>>
      %dma_wait3A_978 = tpu.memref_squeeze %dma_wait3A_977 : memref<1x64xf32, #tpu.memory_space<vmem>> -> memref<64xf32, #tpu.memory_space<vmem>>
      %dma_wait3A_979 = arith.constant 0 : i32
      %dma_wait3A_980 = tpu.memref_slice %arg5[%squeeze3A_287, %dma_wait3A_979] : memref<1000000x64xf32, #tpu.memory_space<hbm>> -> memref<1x64xf32, #tpu.memory_space<hbm>>
      %dma_wait3A_981 = tpu.memref_squeeze %dma_wait3A_980 : memref<1x64xf32, #tpu.memory_space<hbm>> -> memref<64xf32, #tpu.memory_space<hbm>>
      tpu.wait_dma2 semaphore(%arg15 : memref<!tpu.dma_semaphore, #tpu.memory_space<semaphore_mem>>) src(%dma_wait3A_981 : memref<64xf32, #tpu.memory_space<hbm>>) dst(%dma_wait3A_978 : memref<64xf32, #tpu.memory_space<vmem>>)
      %dma_wait3A_982 = arith.constant 6 : i32
      %dma_wait3A_983 = arith.constant 0 : i32
      %dma_wait3A_984 = tpu.memref_slice %arg13[%dma_wait3A_982, %dma_wait3A_983] : memref<16x64xf32, #tpu.memory_space<vmem>> -> memref<1x64xf32, #tpu.memory_space<vmem>>
      %dma_wait3A_985 = tpu.memref_squeeze %dma_wait3A_984 : memref<1x64xf32, #tpu.memory_space<vmem>> -> memref<64xf32, #tpu.memory_space<vmem>>
      %dma_wait3A_986 = arith.constant 0 : i32
      %dma_wait3A_987 = tpu.memref_slice %arg5[%squeeze3A_302, %dma_wait3A_986] : memref<1000000x64xf32, #tpu.memory_space<hbm>> -> memref<1x64xf32, #tpu.memory_space<hbm>>
      %dma_wait3A_988 = tpu.memref_squeeze %dma_wait3A_987 : memref<1x64xf32, #tpu.memory_space<hbm>> -> memref<64xf32, #tpu.memory_space<hbm>>
      %dma_wait3A_989 = arith.constant 0 : i32
      %dma_wait3A_990 = tpu.memref_slice %arg13[%dma_wait3A_982, %dma_wait3A_989] : memref<16x64xf32, #tpu.memory_space<vmem>> -> memref<1x64xf32, #tpu.memory_space<vmem>>
      %dma_wait3A_991 = tpu.memref_squeeze %dma_wait3A_990 : memref<1x64xf32, #tpu.memory_space<vmem>> -> memref<64xf32, #tpu.memory_space<vmem>>
      %dma_wait3A_992 = arith.constant 0 : i32
      %dma_wait3A_993 = tpu.memref_slice %arg5[%squeeze3A_302, %dma_wait3A_992] : memref<1000000x64xf32, #tpu.memory_space<hbm>> -> memref<1x64xf32, #tpu.memory_space<hbm>>
      %dma_wait3A_994 = tpu.memref_squeeze %dma_wait3A_993 : memref<1x64xf32, #tpu.memory_space<hbm>> -> memref<64xf32, #tpu.memory_space<hbm>>
      tpu.wait_dma2 semaphore(%arg15 : memref<!tpu.dma_semaphore, #tpu.memory_space<semaphore_mem>>) src(%dma_wait3A_994 : memref<64xf32, #tpu.memory_space<hbm>>) dst(%dma_wait3A_991 : memref<64xf32, #tpu.memory_space<vmem>>)
      %dma_wait3A_995 = arith.constant 6 : i32
      %dma_wait3A_996 = arith.constant 0 : i32
      %dma_wait3A_997 = tpu.memref_slice %arg12[%dma_wait3A_995, %dma_wait3A_996] : memref<16x64xf32, #tpu.memory_space<vmem>> -> memref<1x64xf32, #tpu.memory_space<vmem>>
      %dma_wait3A_998 = tpu.memref_squeeze %dma_wait3A_997 : memref<1x64xf32, #tpu.memory_space<vmem>> -> memref<64xf32, #tpu.memory_space<vmem>>
      %dma_wait3A_999 = arith.constant 0 : i32
      %dma_wait3A_1000 = tpu.memref_slice %arg6[%squeeze3A_317, %dma_wait3A_999] : memref<1000x64xf32, #tpu.memory_space<hbm>> -> memref<1x64xf32, #tpu.memory_space<hbm>>
      %dma_wait3A_1001 = tpu.memref_squeeze %dma_wait3A_1000 : memref<1x64xf32, #tpu.memory_space<hbm>> -> memref<64xf32, #tpu.memory_space<hbm>>
      %dma_wait3A_1002 = arith.constant 0 : i32
      %dma_wait3A_1003 = tpu.memref_slice %arg12[%dma_wait3A_995, %dma_wait3A_1002] : memref<16x64xf32, #tpu.memory_space<vmem>> -> memref<1x64xf32, #tpu.memory_space<vmem>>
      %dma_wait3A_1004 = tpu.memref_squeeze %dma_wait3A_1003 : memref<1x64xf32, #tpu.memory_space<vmem>> -> memref<64xf32, #tpu.memory_space<vmem>>
      %dma_wait3A_1005 = arith.constant 0 : i32
      %dma_wait3A_1006 = tpu.memref_slice %arg6[%squeeze3A_317, %dma_wait3A_1005] : memref<1000x64xf32, #tpu.memory_space<hbm>> -> memref<1x64xf32, #tpu.memory_space<hbm>>
      %dma_wait3A_1007 = tpu.memref_squeeze %dma_wait3A_1006 : memref<1x64xf32, #tpu.memory_space<hbm>> -> memref<64xf32, #tpu.memory_space<hbm>>
      tpu.wait_dma2 semaphore(%arg15 : memref<!tpu.dma_semaphore, #tpu.memory_space<semaphore_mem>>) src(%dma_wait3A_1007 : memref<64xf32, #tpu.memory_space<hbm>>) dst(%dma_wait3A_1004 : memref<64xf32, #tpu.memory_space<vmem>>)
      %dma_wait3A_1008 = arith.constant 7 : i32
      %dma_wait3A_1009 = arith.constant 0 : i32
      %dma_wait3A_1010 = tpu.memref_slice %arg11[%dma_wait3A_1008, %dma_wait3A_1009] : memref<16x64xf32, #tpu.memory_space<vmem>> -> memref<1x64xf32, #tpu.memory_space<vmem>>
      %dma_wait3A_1011 = tpu.memref_squeeze %dma_wait3A_1010 : memref<1x64xf32, #tpu.memory_space<vmem>> -> memref<64xf32, #tpu.memory_space<vmem>>
      %dma_wait3A_1012 = arith.constant 0 : i32
      %dma_wait3A_1013 = tpu.memref_slice %arg5[%squeeze3A_332, %dma_wait3A_1012] : memref<1000000x64xf32, #tpu.memory_space<hbm>> -> memref<1x64xf32, #tpu.memory_space<hbm>>
      %dma_wait3A_1014 = tpu.memref_squeeze %dma_wait3A_1013 : memref<1x64xf32, #tpu.memory_space<hbm>> -> memref<64xf32, #tpu.memory_space<hbm>>
      %dma_wait3A_1015 = arith.constant 0 : i32
      %dma_wait3A_1016 = tpu.memref_slice %arg11[%dma_wait3A_1008, %dma_wait3A_1015] : memref<16x64xf32, #tpu.memory_space<vmem>> -> memref<1x64xf32, #tpu.memory_space<vmem>>
      %dma_wait3A_1017 = tpu.memref_squeeze %dma_wait3A_1016 : memref<1x64xf32, #tpu.memory_space<vmem>> -> memref<64xf32, #tpu.memory_space<vmem>>
      %dma_wait3A_1018 = arith.constant 0 : i32
      %dma_wait3A_1019 = tpu.memref_slice %arg5[%squeeze3A_332, %dma_wait3A_1018] : memref<1000000x64xf32, #tpu.memory_space<hbm>> -> memref<1x64xf32, #tpu.memory_space<hbm>>
      %dma_wait3A_1020 = tpu.memref_squeeze %dma_wait3A_1019 : memref<1x64xf32, #tpu.memory_space<hbm>> -> memref<64xf32, #tpu.memory_space<hbm>>
      tpu.wait_dma2 semaphore(%arg15 : memref<!tpu.dma_semaphore, #tpu.memory_space<semaphore_mem>>) src(%dma_wait3A_1020 : memref<64xf32, #tpu.memory_space<hbm>>) dst(%dma_wait3A_1017 : memref<64xf32, #tpu.memory_space<vmem>>)
      %dma_wait3A_1021 = arith.constant 7 : i32
      %dma_wait3A_1022 = arith.constant 0 : i32
      %dma_wait3A_1023 = tpu.memref_slice %arg13[%dma_wait3A_1021, %dma_wait3A_1022] : memref<16x64xf32, #tpu.memory_space<vmem>> -> memref<1x64xf32, #tpu.memory_space<vmem>>
      %dma_wait3A_1024 = tpu.memref_squeeze %dma_wait3A_1023 : memref<1x64xf32, #tpu.memory_space<vmem>> -> memref<64xf32, #tpu.memory_space<vmem>>
      %dma_wait3A_1025 = arith.constant 0 : i32
      %dma_wait3A_1026 = tpu.memref_slice %arg5[%squeeze3A_347, %dma_wait3A_1025] : memref<1000000x64xf32, #tpu.memory_space<hbm>> -> memref<1x64xf32, #tpu.memory_space<hbm>>
      %dma_wait3A_1027 = tpu.memref_squeeze %dma_wait3A_1026 : memref<1x64xf32, #tpu.memory_space<hbm>> -> memref<64xf32, #tpu.memory_space<hbm>>
      %dma_wait3A_1028 = arith.constant 0 : i32
      %dma_wait3A_1029 = tpu.memref_slice %arg13[%dma_wait3A_1021, %dma_wait3A_1028] : memref<16x64xf32, #tpu.memory_space<vmem>> -> memref<1x64xf32, #tpu.memory_space<vmem>>
      %dma_wait3A_1030 = tpu.memref_squeeze %dma_wait3A_1029 : memref<1x64xf32, #tpu.memory_space<vmem>> -> memref<64xf32, #tpu.memory_space<vmem>>
      %dma_wait3A_1031 = arith.constant 0 : i32
      %dma_wait3A_1032 = tpu.memref_slice %arg5[%squeeze3A_347, %dma_wait3A_1031] : memref<1000000x64xf32, #tpu.memory_space<hbm>> -> memref<1x64xf32, #tpu.memory_space<hbm>>
      %dma_wait3A_1033 = tpu.memref_squeeze %dma_wait3A_1032 : memref<1x64xf32, #tpu.memory_space<hbm>> -> memref<64xf32, #tpu.memory_space<hbm>>
      tpu.wait_dma2 semaphore(%arg15 : memref<!tpu.dma_semaphore, #tpu.memory_space<semaphore_mem>>) src(%dma_wait3A_1033 : memref<64xf32, #tpu.memory_space<hbm>>) dst(%dma_wait3A_1030 : memref<64xf32, #tpu.memory_space<vmem>>)
      %dma_wait3A_1034 = arith.constant 7 : i32
      %dma_wait3A_1035 = arith.constant 0 : i32
      %dma_wait3A_1036 = tpu.memref_slice %arg12[%dma_wait3A_1034, %dma_wait3A_1035] : memref<16x64xf32, #tpu.memory_space<vmem>> -> memref<1x64xf32, #tpu.memory_space<vmem>>
      %dma_wait3A_1037 = tpu.memref_squeeze %dma_wait3A_1036 : memref<1x64xf32, #tpu.memory_space<vmem>> -> memref<64xf32, #tpu.memory_space<vmem>>
      %dma_wait3A_1038 = arith.constant 0 : i32
      %dma_wait3A_1039 = tpu.memref_slice %arg6[%squeeze3A_362, %dma_wait3A_1038] : memref<1000x64xf32, #tpu.memory_space<hbm>> -> memref<1x64xf32, #tpu.memory_space<hbm>>
      %dma_wait3A_1040 = tpu.memref_squeeze %dma_wait3A_1039 : memref<1x64xf32, #tpu.memory_space<hbm>> -> memref<64xf32, #tpu.memory_space<hbm>>
      %dma_wait3A_1041 = arith.constant 0 : i32
      %dma_wait3A_1042 = tpu.memref_slice %arg12[%dma_wait3A_1034, %dma_wait3A_1041] : memref<16x64xf32, #tpu.memory_space<vmem>> -> memref<1x64xf32, #tpu.memory_space<vmem>>
      %dma_wait3A_1043 = tpu.memref_squeeze %dma_wait3A_1042 : memref<1x64xf32, #tpu.memory_space<vmem>> -> memref<64xf32, #tpu.memory_space<vmem>>
      %dma_wait3A_1044 = arith.constant 0 : i32
      %dma_wait3A_1045 = tpu.memref_slice %arg6[%squeeze3A_362, %dma_wait3A_1044] : memref<1000x64xf32, #tpu.memory_space<hbm>> -> memref<1x64xf32, #tpu.memory_space<hbm>>
      %dma_wait3A_1046 = tpu.memref_squeeze %dma_wait3A_1045 : memref<1x64xf32, #tpu.memory_space<hbm>> -> memref<64xf32, #tpu.memory_space<hbm>>
      tpu.wait_dma2 semaphore(%arg15 : memref<!tpu.dma_semaphore, #tpu.memory_space<semaphore_mem>>) src(%dma_wait3A_1046 : memref<64xf32, #tpu.memory_space<hbm>>) dst(%dma_wait3A_1043 : memref<64xf32, #tpu.memory_space<vmem>>)
      %dma_wait3A_1047 = arith.constant 8 : i32
      %dma_wait3A_1048 = arith.constant 0 : i32
      %dma_wait3A_1049 = tpu.memref_slice %arg11[%dma_wait3A_1047, %dma_wait3A_1048] : memref<16x64xf32, #tpu.memory_space<vmem>> -> memref<1x64xf32, #tpu.memory_space<vmem>>
      %dma_wait3A_1050 = tpu.memref_squeeze %dma_wait3A_1049 : memref<1x64xf32, #tpu.memory_space<vmem>> -> memref<64xf32, #tpu.memory_space<vmem>>
      %dma_wait3A_1051 = arith.constant 0 : i32
      %dma_wait3A_1052 = tpu.memref_slice %arg5[%squeeze3A_377, %dma_wait3A_1051] : memref<1000000x64xf32, #tpu.memory_space<hbm>> -> memref<1x64xf32, #tpu.memory_space<hbm>>
      %dma_wait3A_1053 = tpu.memref_squeeze %dma_wait3A_1052 : memref<1x64xf32, #tpu.memory_space<hbm>> -> memref<64xf32, #tpu.memory_space<hbm>>
      %dma_wait3A_1054 = arith.constant 0 : i32
      %dma_wait3A_1055 = tpu.memref_slice %arg11[%dma_wait3A_1047, %dma_wait3A_1054] : memref<16x64xf32, #tpu.memory_space<vmem>> -> memref<1x64xf32, #tpu.memory_space<vmem>>
      %dma_wait3A_1056 = tpu.memref_squeeze %dma_wait3A_1055 : memref<1x64xf32, #tpu.memory_space<vmem>> -> memref<64xf32, #tpu.memory_space<vmem>>
      %dma_wait3A_1057 = arith.constant 0 : i32
      %dma_wait3A_1058 = tpu.memref_slice %arg5[%squeeze3A_377, %dma_wait3A_1057] : memref<1000000x64xf32, #tpu.memory_space<hbm>> -> memref<1x64xf32, #tpu.memory_space<hbm>>
      %dma_wait3A_1059 = tpu.memref_squeeze %dma_wait3A_1058 : memref<1x64xf32, #tpu.memory_space<hbm>> -> memref<64xf32, #tpu.memory_space<hbm>>
      tpu.wait_dma2 semaphore(%arg15 : memref<!tpu.dma_semaphore, #tpu.memory_space<semaphore_mem>>) src(%dma_wait3A_1059 : memref<64xf32, #tpu.memory_space<hbm>>) dst(%dma_wait3A_1056 : memref<64xf32, #tpu.memory_space<vmem>>)
      %dma_wait3A_1060 = arith.constant 8 : i32
      %dma_wait3A_1061 = arith.constant 0 : i32
      %dma_wait3A_1062 = tpu.memref_slice %arg13[%dma_wait3A_1060, %dma_wait3A_1061] : memref<16x64xf32, #tpu.memory_space<vmem>> -> memref<1x64xf32, #tpu.memory_space<vmem>>
      %dma_wait3A_1063 = tpu.memref_squeeze %dma_wait3A_1062 : memref<1x64xf32, #tpu.memory_space<vmem>> -> memref<64xf32, #tpu.memory_space<vmem>>
      %dma_wait3A_1064 = arith.constant 0 : i32
      %dma_wait3A_1065 = tpu.memref_slice %arg5[%squeeze3A_392, %dma_wait3A_1064] : memref<1000000x64xf32, #tpu.memory_space<hbm>> -> memref<1x64xf32, #tpu.memory_space<hbm>>
      %dma_wait3A_1066 = tpu.memref_squeeze %dma_wait3A_1065 : memref<1x64xf32, #tpu.memory_space<hbm>> -> memref<64xf32, #tpu.memory_space<hbm>>
      %dma_wait3A_1067 = arith.constant 0 : i32
      %dma_wait3A_1068 = tpu.memref_slice %arg13[%dma_wait3A_1060, %dma_wait3A_1067] : memref<16x64xf32, #tpu.memory_space<vmem>> -> memref<1x64xf32, #tpu.memory_space<vmem>>
      %dma_wait3A_1069 = tpu.memref_squeeze %dma_wait3A_1068 : memref<1x64xf32, #tpu.memory_space<vmem>> -> memref<64xf32, #tpu.memory_space<vmem>>
      %dma_wait3A_1070 = arith.constant 0 : i32
      %dma_wait3A_1071 = tpu.memref_slice %arg5[%squeeze3A_392, %dma_wait3A_1070] : memref<1000000x64xf32, #tpu.memory_space<hbm>> -> memref<1x64xf32, #tpu.memory_space<hbm>>
      %dma_wait3A_1072 = tpu.memref_squeeze %dma_wait3A_1071 : memref<1x64xf32, #tpu.memory_space<hbm>> -> memref<64xf32, #tpu.memory_space<hbm>>
      tpu.wait_dma2 semaphore(%arg15 : memref<!tpu.dma_semaphore, #tpu.memory_space<semaphore_mem>>) src(%dma_wait3A_1072 : memref<64xf32, #tpu.memory_space<hbm>>) dst(%dma_wait3A_1069 : memref<64xf32, #tpu.memory_space<vmem>>)
      %dma_wait3A_1073 = arith.constant 8 : i32
      %dma_wait3A_1074 = arith.constant 0 : i32
      %dma_wait3A_1075 = tpu.memref_slice %arg12[%dma_wait3A_1073, %dma_wait3A_1074] : memref<16x64xf32, #tpu.memory_space<vmem>> -> memref<1x64xf32, #tpu.memory_space<vmem>>
      %dma_wait3A_1076 = tpu.memref_squeeze %dma_wait3A_1075 : memref<1x64xf32, #tpu.memory_space<vmem>> -> memref<64xf32, #tpu.memory_space<vmem>>
      %dma_wait3A_1077 = arith.constant 0 : i32
      %dma_wait3A_1078 = tpu.memref_slice %arg6[%squeeze3A_407, %dma_wait3A_1077] : memref<1000x64xf32, #tpu.memory_space<hbm>> -> memref<1x64xf32, #tpu.memory_space<hbm>>
      %dma_wait3A_1079 = tpu.memref_squeeze %dma_wait3A_1078 : memref<1x64xf32, #tpu.memory_space<hbm>> -> memref<64xf32, #tpu.memory_space<hbm>>
      %dma_wait3A_1080 = arith.constant 0 : i32
      %dma_wait3A_1081 = tpu.memref_slice %arg12[%dma_wait3A_1073, %dma_wait3A_1080] : memref<16x64xf32, #tpu.memory_space<vmem>> -> memref<1x64xf32, #tpu.memory_space<vmem>>
      %dma_wait3A_1082 = tpu.memref_squeeze %dma_wait3A_1081 : memref<1x64xf32, #tpu.memory_space<vmem>> -> memref<64xf32, #tpu.memory_space<vmem>>
      %dma_wait3A_1083 = arith.constant 0 : i32
      %dma_wait3A_1084 = tpu.memref_slice %arg6[%squeeze3A_407, %dma_wait3A_1083] : memref<1000x64xf32, #tpu.memory_space<hbm>> -> memref<1x64xf32, #tpu.memory_space<hbm>>
      %dma_wait3A_1085 = tpu.memref_squeeze %dma_wait3A_1084 : memref<1x64xf32, #tpu.memory_space<hbm>> -> memref<64xf32, #tpu.memory_space<hbm>>
      tpu.wait_dma2 semaphore(%arg15 : memref<!tpu.dma_semaphore, #tpu.memory_space<semaphore_mem>>) src(%dma_wait3A_1085 : memref<64xf32, #tpu.memory_space<hbm>>) dst(%dma_wait3A_1082 : memref<64xf32, #tpu.memory_space<vmem>>)
      %dma_wait3A_1086 = arith.constant 9 : i32
      %dma_wait3A_1087 = arith.constant 0 : i32
      %dma_wait3A_1088 = tpu.memref_slice %arg11[%dma_wait3A_1086, %dma_wait3A_1087] : memref<16x64xf32, #tpu.memory_space<vmem>> -> memref<1x64xf32, #tpu.memory_space<vmem>>
      %dma_wait3A_1089 = tpu.memref_squeeze %dma_wait3A_1088 : memref<1x64xf32, #tpu.memory_space<vmem>> -> memref<64xf32, #tpu.memory_space<vmem>>
      %dma_wait3A_1090 = arith.constant 0 : i32
      %dma_wait3A_1091 = tpu.memref_slice %arg5[%squeeze3A_422, %dma_wait3A_1090] : memref<1000000x64xf32, #tpu.memory_space<hbm>> -> memref<1x64xf32, #tpu.memory_space<hbm>>
      %dma_wait3A_1092 = tpu.memref_squeeze %dma_wait3A_1091 : memref<1x64xf32, #tpu.memory_space<hbm>> -> memref<64xf32, #tpu.memory_space<hbm>>
      %dma_wait3A_1093 = arith.constant 0 : i32
      %dma_wait3A_1094 = tpu.memref_slice %arg11[%dma_wait3A_1086, %dma_wait3A_1093] : memref<16x64xf32, #tpu.memory_space<vmem>> -> memref<1x64xf32, #tpu.memory_space<vmem>>
      %dma_wait3A_1095 = tpu.memref_squeeze %dma_wait3A_1094 : memref<1x64xf32, #tpu.memory_space<vmem>> -> memref<64xf32, #tpu.memory_space<vmem>>
      %dma_wait3A_1096 = arith.constant 0 : i32
      %dma_wait3A_1097 = tpu.memref_slice %arg5[%squeeze3A_422, %dma_wait3A_1096] : memref<1000000x64xf32, #tpu.memory_space<hbm>> -> memref<1x64xf32, #tpu.memory_space<hbm>>
      %dma_wait3A_1098 = tpu.memref_squeeze %dma_wait3A_1097 : memref<1x64xf32, #tpu.memory_space<hbm>> -> memref<64xf32, #tpu.memory_space<hbm>>
      tpu.wait_dma2 semaphore(%arg15 : memref<!tpu.dma_semaphore, #tpu.memory_space<semaphore_mem>>) src(%dma_wait3A_1098 : memref<64xf32, #tpu.memory_space<hbm>>) dst(%dma_wait3A_1095 : memref<64xf32, #tpu.memory_space<vmem>>)
      %dma_wait3A_1099 = arith.constant 9 : i32
      %dma_wait3A_1100 = arith.constant 0 : i32
      %dma_wait3A_1101 = tpu.memref_slice %arg13[%dma_wait3A_1099, %dma_wait3A_1100] : memref<16x64xf32, #tpu.memory_space<vmem>> -> memref<1x64xf32, #tpu.memory_space<vmem>>
      %dma_wait3A_1102 = tpu.memref_squeeze %dma_wait3A_1101 : memref<1x64xf32, #tpu.memory_space<vmem>> -> memref<64xf32, #tpu.memory_space<vmem>>
      %dma_wait3A_1103 = arith.constant 0 : i32
      %dma_wait3A_1104 = tpu.memref_slice %arg5[%squeeze3A_437, %dma_wait3A_1103] : memref<1000000x64xf32, #tpu.memory_space<hbm>> -> memref<1x64xf32, #tpu.memory_space<hbm>>
      %dma_wait3A_1105 = tpu.memref_squeeze %dma_wait3A_1104 : memref<1x64xf32, #tpu.memory_space<hbm>> -> memref<64xf32, #tpu.memory_space<hbm>>
      %dma_wait3A_1106 = arith.constant 0 : i32
      %dma_wait3A_1107 = tpu.memref_slice %arg13[%dma_wait3A_1099, %dma_wait3A_1106] : memref<16x64xf32, #tpu.memory_space<vmem>> -> memref<1x64xf32, #tpu.memory_space<vmem>>
      %dma_wait3A_1108 = tpu.memref_squeeze %dma_wait3A_1107 : memref<1x64xf32, #tpu.memory_space<vmem>> -> memref<64xf32, #tpu.memory_space<vmem>>
      %dma_wait3A_1109 = arith.constant 0 : i32
      %dma_wait3A_1110 = tpu.memref_slice %arg5[%squeeze3A_437, %dma_wait3A_1109] : memref<1000000x64xf32, #tpu.memory_space<hbm>> -> memref<1x64xf32, #tpu.memory_space<hbm>>
      %dma_wait3A_1111 = tpu.memref_squeeze %dma_wait3A_1110 : memref<1x64xf32, #tpu.memory_space<hbm>> -> memref<64xf32, #tpu.memory_space<hbm>>
      tpu.wait_dma2 semaphore(%arg15 : memref<!tpu.dma_semaphore, #tpu.memory_space<semaphore_mem>>) src(%dma_wait3A_1111 : memref<64xf32, #tpu.memory_space<hbm>>) dst(%dma_wait3A_1108 : memref<64xf32, #tpu.memory_space<vmem>>)
      %dma_wait3A_1112 = arith.constant 9 : i32
      %dma_wait3A_1113 = arith.constant 0 : i32
      %dma_wait3A_1114 = tpu.memref_slice %arg12[%dma_wait3A_1112, %dma_wait3A_1113] : memref<16x64xf32, #tpu.memory_space<vmem>> -> memref<1x64xf32, #tpu.memory_space<vmem>>
      %dma_wait3A_1115 = tpu.memref_squeeze %dma_wait3A_1114 : memref<1x64xf32, #tpu.memory_space<vmem>> -> memref<64xf32, #tpu.memory_space<vmem>>
      %dma_wait3A_1116 = arith.constant 0 : i32
      %dma_wait3A_1117 = tpu.memref_slice %arg6[%squeeze3A_452, %dma_wait3A_1116] : memref<1000x64xf32, #tpu.memory_space<hbm>> -> memref<1x64xf32, #tpu.memory_space<hbm>>
      %dma_wait3A_1118 = tpu.memref_squeeze %dma_wait3A_1117 : memref<1x64xf32, #tpu.memory_space<hbm>> -> memref<64xf32, #tpu.memory_space<hbm>>
      %dma_wait3A_1119 = arith.constant 0 : i32
      %dma_wait3A_1120 = tpu.memref_slice %arg12[%dma_wait3A_1112, %dma_wait3A_1119] : memref<16x64xf32, #tpu.memory_space<vmem>> -> memref<1x64xf32, #tpu.memory_space<vmem>>
      %dma_wait3A_1121 = tpu.memref_squeeze %dma_wait3A_1120 : memref<1x64xf32, #tpu.memory_space<vmem>> -> memref<64xf32, #tpu.memory_space<vmem>>
      %dma_wait3A_1122 = arith.constant 0 : i32
      %dma_wait3A_1123 = tpu.memref_slice %arg6[%squeeze3A_452, %dma_wait3A_1122] : memref<1000x64xf32, #tpu.memory_space<hbm>> -> memref<1x64xf32, #tpu.memory_space<hbm>>
      %dma_wait3A_1124 = tpu.memref_squeeze %dma_wait3A_1123 : memref<1x64xf32, #tpu.memory_space<hbm>> -> memref<64xf32, #tpu.memory_space<hbm>>
      tpu.wait_dma2 semaphore(%arg15 : memref<!tpu.dma_semaphore, #tpu.memory_space<semaphore_mem>>) src(%dma_wait3A_1124 : memref<64xf32, #tpu.memory_space<hbm>>) dst(%dma_wait3A_1121 : memref<64xf32, #tpu.memory_space<vmem>>)
      %dma_wait3A_1125 = arith.constant 10 : i32
      %dma_wait3A_1126 = arith.constant 0 : i32
      %dma_wait3A_1127 = tpu.memref_slice %arg11[%dma_wait3A_1125, %dma_wait3A_1126] : memref<16x64xf32, #tpu.memory_space<vmem>> -> memref<1x64xf32, #tpu.memory_space<vmem>>
      %dma_wait3A_1128 = tpu.memref_squeeze %dma_wait3A_1127 : memref<1x64xf32, #tpu.memory_space<vmem>> -> memref<64xf32, #tpu.memory_space<vmem>>
      %dma_wait3A_1129 = arith.constant 0 : i32
      %dma_wait3A_1130 = tpu.memref_slice %arg5[%squeeze3A_467, %dma_wait3A_1129] : memref<1000000x64xf32, #tpu.memory_space<hbm>> -> memref<1x64xf32, #tpu.memory_space<hbm>>
      %dma_wait3A_1131 = tpu.memref_squeeze %dma_wait3A_1130 : memref<1x64xf32, #tpu.memory_space<hbm>> -> memref<64xf32, #tpu.memory_space<hbm>>
      %dma_wait3A_1132 = arith.constant 0 : i32
      %dma_wait3A_1133 = tpu.memref_slice %arg11[%dma_wait3A_1125, %dma_wait3A_1132] : memref<16x64xf32, #tpu.memory_space<vmem>> -> memref<1x64xf32, #tpu.memory_space<vmem>>
      %dma_wait3A_1134 = tpu.memref_squeeze %dma_wait3A_1133 : memref<1x64xf32, #tpu.memory_space<vmem>> -> memref<64xf32, #tpu.memory_space<vmem>>
      %dma_wait3A_1135 = arith.constant 0 : i32
      %dma_wait3A_1136 = tpu.memref_slice %arg5[%squeeze3A_467, %dma_wait3A_1135] : memref<1000000x64xf32, #tpu.memory_space<hbm>> -> memref<1x64xf32, #tpu.memory_space<hbm>>
      %dma_wait3A_1137 = tpu.memref_squeeze %dma_wait3A_1136 : memref<1x64xf32, #tpu.memory_space<hbm>> -> memref<64xf32, #tpu.memory_space<hbm>>
      tpu.wait_dma2 semaphore(%arg15 : memref<!tpu.dma_semaphore, #tpu.memory_space<semaphore_mem>>) src(%dma_wait3A_1137 : memref<64xf32, #tpu.memory_space<hbm>>) dst(%dma_wait3A_1134 : memref<64xf32, #tpu.memory_space<vmem>>)
      %dma_wait3A_1138 = arith.constant 10 : i32
      %dma_wait3A_1139 = arith.constant 0 : i32
      %dma_wait3A_1140 = tpu.memref_slice %arg13[%dma_wait3A_1138, %dma_wait3A_1139] : memref<16x64xf32, #tpu.memory_space<vmem>> -> memref<1x64xf32, #tpu.memory_space<vmem>>
      %dma_wait3A_1141 = tpu.memref_squeeze %dma_wait3A_1140 : memref<1x64xf32, #tpu.memory_space<vmem>> -> memref<64xf32, #tpu.memory_space<vmem>>
      %dma_wait3A_1142 = arith.constant 0 : i32
      %dma_wait3A_1143 = tpu.memref_slice %arg5[%squeeze3A_482, %dma_wait3A_1142] : memref<1000000x64xf32, #tpu.memory_space<hbm>> -> memref<1x64xf32, #tpu.memory_space<hbm>>
      %dma_wait3A_1144 = tpu.memref_squeeze %dma_wait3A_1143 : memref<1x64xf32, #tpu.memory_space<hbm>> -> memref<64xf32, #tpu.memory_space<hbm>>
      %dma_wait3A_1145 = arith.constant 0 : i32
      %dma_wait3A_1146 = tpu.memref_slice %arg13[%dma_wait3A_1138, %dma_wait3A_1145] : memref<16x64xf32, #tpu.memory_space<vmem>> -> memref<1x64xf32, #tpu.memory_space<vmem>>
      %dma_wait3A_1147 = tpu.memref_squeeze %dma_wait3A_1146 : memref<1x64xf32, #tpu.memory_space<vmem>> -> memref<64xf32, #tpu.memory_space<vmem>>
      %dma_wait3A_1148 = arith.constant 0 : i32
      %dma_wait3A_1149 = tpu.memref_slice %arg5[%squeeze3A_482, %dma_wait3A_1148] : memref<1000000x64xf32, #tpu.memory_space<hbm>> -> memref<1x64xf32, #tpu.memory_space<hbm>>
      %dma_wait3A_1150 = tpu.memref_squeeze %dma_wait3A_1149 : memref<1x64xf32, #tpu.memory_space<hbm>> -> memref<64xf32, #tpu.memory_space<hbm>>
      tpu.wait_dma2 semaphore(%arg15 : memref<!tpu.dma_semaphore, #tpu.memory_space<semaphore_mem>>) src(%dma_wait3A_1150 : memref<64xf32, #tpu.memory_space<hbm>>) dst(%dma_wait3A_1147 : memref<64xf32, #tpu.memory_space<vmem>>)
      %dma_wait3A_1151 = arith.constant 10 : i32
      %dma_wait3A_1152 = arith.constant 0 : i32
      %dma_wait3A_1153 = tpu.memref_slice %arg12[%dma_wait3A_1151, %dma_wait3A_1152] : memref<16x64xf32, #tpu.memory_space<vmem>> -> memref<1x64xf32, #tpu.memory_space<vmem>>
      %dma_wait3A_1154 = tpu.memref_squeeze %dma_wait3A_1153 : memref<1x64xf32, #tpu.memory_space<vmem>> -> memref<64xf32, #tpu.memory_space<vmem>>
      %dma_wait3A_1155 = arith.constant 0 : i32
      %dma_wait3A_1156 = tpu.memref_slice %arg6[%squeeze3A_497, %dma_wait3A_1155] : memref<1000x64xf32, #tpu.memory_space<hbm>> -> memref<1x64xf32, #tpu.memory_space<hbm>>
      %dma_wait3A_1157 = tpu.memref_squeeze %dma_wait3A_1156 : memref<1x64xf32, #tpu.memory_space<hbm>> -> memref<64xf32, #tpu.memory_space<hbm>>
      %dma_wait3A_1158 = arith.constant 0 : i32
      %dma_wait3A_1159 = tpu.memref_slice %arg12[%dma_wait3A_1151, %dma_wait3A_1158] : memref<16x64xf32, #tpu.memory_space<vmem>> -> memref<1x64xf32, #tpu.memory_space<vmem>>
      %dma_wait3A_1160 = tpu.memref_squeeze %dma_wait3A_1159 : memref<1x64xf32, #tpu.memory_space<vmem>> -> memref<64xf32, #tpu.memory_space<vmem>>
      %dma_wait3A_1161 = arith.constant 0 : i32
      %dma_wait3A_1162 = tpu.memref_slice %arg6[%squeeze3A_497, %dma_wait3A_1161] : memref<1000x64xf32, #tpu.memory_space<hbm>> -> memref<1x64xf32, #tpu.memory_space<hbm>>
      %dma_wait3A_1163 = tpu.memref_squeeze %dma_wait3A_1162 : memref<1x64xf32, #tpu.memory_space<hbm>> -> memref<64xf32, #tpu.memory_space<hbm>>
      tpu.wait_dma2 semaphore(%arg15 : memref<!tpu.dma_semaphore, #tpu.memory_space<semaphore_mem>>) src(%dma_wait3A_1163 : memref<64xf32, #tpu.memory_space<hbm>>) dst(%dma_wait3A_1160 : memref<64xf32, #tpu.memory_space<vmem>>)
      %dma_wait3A_1164 = arith.constant 11 : i32
      %dma_wait3A_1165 = arith.constant 0 : i32
      %dma_wait3A_1166 = tpu.memref_slice %arg11[%dma_wait3A_1164, %dma_wait3A_1165] : memref<16x64xf32, #tpu.memory_space<vmem>> -> memref<1x64xf32, #tpu.memory_space<vmem>>
      %dma_wait3A_1167 = tpu.memref_squeeze %dma_wait3A_1166 : memref<1x64xf32, #tpu.memory_space<vmem>> -> memref<64xf32, #tpu.memory_space<vmem>>
      %dma_wait3A_1168 = arith.constant 0 : i32
      %dma_wait3A_1169 = tpu.memref_slice %arg5[%squeeze3A_512, %dma_wait3A_1168] : memref<1000000x64xf32, #tpu.memory_space<hbm>> -> memref<1x64xf32, #tpu.memory_space<hbm>>
      %dma_wait3A_1170 = tpu.memref_squeeze %dma_wait3A_1169 : memref<1x64xf32, #tpu.memory_space<hbm>> -> memref<64xf32, #tpu.memory_space<hbm>>
      %dma_wait3A_1171 = arith.constant 0 : i32
      %dma_wait3A_1172 = tpu.memref_slice %arg11[%dma_wait3A_1164, %dma_wait3A_1171] : memref<16x64xf32, #tpu.memory_space<vmem>> -> memref<1x64xf32, #tpu.memory_space<vmem>>
      %dma_wait3A_1173 = tpu.memref_squeeze %dma_wait3A_1172 : memref<1x64xf32, #tpu.memory_space<vmem>> -> memref<64xf32, #tpu.memory_space<vmem>>
      %dma_wait3A_1174 = arith.constant 0 : i32
      %dma_wait3A_1175 = tpu.memref_slice %arg5[%squeeze3A_512, %dma_wait3A_1174] : memref<1000000x64xf32, #tpu.memory_space<hbm>> -> memref<1x64xf32, #tpu.memory_space<hbm>>
      %dma_wait3A_1176 = tpu.memref_squeeze %dma_wait3A_1175 : memref<1x64xf32, #tpu.memory_space<hbm>> -> memref<64xf32, #tpu.memory_space<hbm>>
      tpu.wait_dma2 semaphore(%arg15 : memref<!tpu.dma_semaphore, #tpu.memory_space<semaphore_mem>>) src(%dma_wait3A_1176 : memref<64xf32, #tpu.memory_space<hbm>>) dst(%dma_wait3A_1173 : memref<64xf32, #tpu.memory_space<vmem>>)
      %dma_wait3A_1177 = arith.constant 11 : i32
      %dma_wait3A_1178 = arith.constant 0 : i32
      %dma_wait3A_1179 = tpu.memref_slice %arg13[%dma_wait3A_1177, %dma_wait3A_1178] : memref<16x64xf32, #tpu.memory_space<vmem>> -> memref<1x64xf32, #tpu.memory_space<vmem>>
      %dma_wait3A_1180 = tpu.memref_squeeze %dma_wait3A_1179 : memref<1x64xf32, #tpu.memory_space<vmem>> -> memref<64xf32, #tpu.memory_space<vmem>>
      %dma_wait3A_1181 = arith.constant 0 : i32
      %dma_wait3A_1182 = tpu.memref_slice %arg5[%squeeze3A_527, %dma_wait3A_1181] : memref<1000000x64xf32, #tpu.memory_space<hbm>> -> memref<1x64xf32, #tpu.memory_space<hbm>>
      %dma_wait3A_1183 = tpu.memref_squeeze %dma_wait3A_1182 : memref<1x64xf32, #tpu.memory_space<hbm>> -> memref<64xf32, #tpu.memory_space<hbm>>
      %dma_wait3A_1184 = arith.constant 0 : i32
      %dma_wait3A_1185 = tpu.memref_slice %arg13[%dma_wait3A_1177, %dma_wait3A_1184] : memref<16x64xf32, #tpu.memory_space<vmem>> -> memref<1x64xf32, #tpu.memory_space<vmem>>
      %dma_wait3A_1186 = tpu.memref_squeeze %dma_wait3A_1185 : memref<1x64xf32, #tpu.memory_space<vmem>> -> memref<64xf32, #tpu.memory_space<vmem>>
      %dma_wait3A_1187 = arith.constant 0 : i32
      %dma_wait3A_1188 = tpu.memref_slice %arg5[%squeeze3A_527, %dma_wait3A_1187] : memref<1000000x64xf32, #tpu.memory_space<hbm>> -> memref<1x64xf32, #tpu.memory_space<hbm>>
      %dma_wait3A_1189 = tpu.memref_squeeze %dma_wait3A_1188 : memref<1x64xf32, #tpu.memory_space<hbm>> -> memref<64xf32, #tpu.memory_space<hbm>>
      tpu.wait_dma2 semaphore(%arg15 : memref<!tpu.dma_semaphore, #tpu.memory_space<semaphore_mem>>) src(%dma_wait3A_1189 : memref<64xf32, #tpu.memory_space<hbm>>) dst(%dma_wait3A_1186 : memref<64xf32, #tpu.memory_space<vmem>>)
      %dma_wait3A_1190 = arith.constant 11 : i32
      %dma_wait3A_1191 = arith.constant 0 : i32
      %dma_wait3A_1192 = tpu.memref_slice %arg12[%dma_wait3A_1190, %dma_wait3A_1191] : memref<16x64xf32, #tpu.memory_space<vmem>> -> memref<1x64xf32, #tpu.memory_space<vmem>>
      %dma_wait3A_1193 = tpu.memref_squeeze %dma_wait3A_1192 : memref<1x64xf32, #tpu.memory_space<vmem>> -> memref<64xf32, #tpu.memory_space<vmem>>
      %dma_wait3A_1194 = arith.constant 0 : i32
      %dma_wait3A_1195 = tpu.memref_slice %arg6[%squeeze3A_542, %dma_wait3A_1194] : memref<1000x64xf32, #tpu.memory_space<hbm>> -> memref<1x64xf32, #tpu.memory_space<hbm>>
      %dma_wait3A_1196 = tpu.memref_squeeze %dma_wait3A_1195 : memref<1x64xf32, #tpu.memory_space<hbm>> -> memref<64xf32, #tpu.memory_space<hbm>>
      %dma_wait3A_1197 = arith.constant 0 : i32
      %dma_wait3A_1198 = tpu.memref_slice %arg12[%dma_wait3A_1190, %dma_wait3A_1197] : memref<16x64xf32, #tpu.memory_space<vmem>> -> memref<1x64xf32, #tpu.memory_space<vmem>>
      %dma_wait3A_1199 = tpu.memref_squeeze %dma_wait3A_1198 : memref<1x64xf32, #tpu.memory_space<vmem>> -> memref<64xf32, #tpu.memory_space<vmem>>
      %dma_wait3A_1200 = arith.constant 0 : i32
      %dma_wait3A_1201 = tpu.memref_slice %arg6[%squeeze3A_542, %dma_wait3A_1200] : memref<1000x64xf32, #tpu.memory_space<hbm>> -> memref<1x64xf32, #tpu.memory_space<hbm>>
      %dma_wait3A_1202 = tpu.memref_squeeze %dma_wait3A_1201 : memref<1x64xf32, #tpu.memory_space<hbm>> -> memref<64xf32, #tpu.memory_space<hbm>>
      tpu.wait_dma2 semaphore(%arg15 : memref<!tpu.dma_semaphore, #tpu.memory_space<semaphore_mem>>) src(%dma_wait3A_1202 : memref<64xf32, #tpu.memory_space<hbm>>) dst(%dma_wait3A_1199 : memref<64xf32, #tpu.memory_space<vmem>>)
      %dma_wait3A_1203 = arith.constant 12 : i32
      %dma_wait3A_1204 = arith.constant 0 : i32
      %dma_wait3A_1205 = tpu.memref_slice %arg11[%dma_wait3A_1203, %dma_wait3A_1204] : memref<16x64xf32, #tpu.memory_space<vmem>> -> memref<1x64xf32, #tpu.memory_space<vmem>>
      %dma_wait3A_1206 = tpu.memref_squeeze %dma_wait3A_1205 : memref<1x64xf32, #tpu.memory_space<vmem>> -> memref<64xf32, #tpu.memory_space<vmem>>
      %dma_wait3A_1207 = arith.constant 0 : i32
      %dma_wait3A_1208 = tpu.memref_slice %arg5[%squeeze3A_557, %dma_wait3A_1207] : memref<1000000x64xf32, #tpu.memory_space<hbm>> -> memref<1x64xf32, #tpu.memory_space<hbm>>
      %dma_wait3A_1209 = tpu.memref_squeeze %dma_wait3A_1208 : memref<1x64xf32, #tpu.memory_space<hbm>> -> memref<64xf32, #tpu.memory_space<hbm>>
      %dma_wait3A_1210 = arith.constant 0 : i32
      %dma_wait3A_1211 = tpu.memref_slice %arg11[%dma_wait3A_1203, %dma_wait3A_1210] : memref<16x64xf32, #tpu.memory_space<vmem>> -> memref<1x64xf32, #tpu.memory_space<vmem>>
      %dma_wait3A_1212 = tpu.memref_squeeze %dma_wait3A_1211 : memref<1x64xf32, #tpu.memory_space<vmem>> -> memref<64xf32, #tpu.memory_space<vmem>>
      %dma_wait3A_1213 = arith.constant 0 : i32
      %dma_wait3A_1214 = tpu.memref_slice %arg5[%squeeze3A_557, %dma_wait3A_1213] : memref<1000000x64xf32, #tpu.memory_space<hbm>> -> memref<1x64xf32, #tpu.memory_space<hbm>>
      %dma_wait3A_1215 = tpu.memref_squeeze %dma_wait3A_1214 : memref<1x64xf32, #tpu.memory_space<hbm>> -> memref<64xf32, #tpu.memory_space<hbm>>
      tpu.wait_dma2 semaphore(%arg15 : memref<!tpu.dma_semaphore, #tpu.memory_space<semaphore_mem>>) src(%dma_wait3A_1215 : memref<64xf32, #tpu.memory_space<hbm>>) dst(%dma_wait3A_1212 : memref<64xf32, #tpu.memory_space<vmem>>)
      %dma_wait3A_1216 = arith.constant 12 : i32
      %dma_wait3A_1217 = arith.constant 0 : i32
      %dma_wait3A_1218 = tpu.memref_slice %arg13[%dma_wait3A_1216, %dma_wait3A_1217] : memref<16x64xf32, #tpu.memory_space<vmem>> -> memref<1x64xf32, #tpu.memory_space<vmem>>
      %dma_wait3A_1219 = tpu.memref_squeeze %dma_wait3A_1218 : memref<1x64xf32, #tpu.memory_space<vmem>> -> memref<64xf32, #tpu.memory_space<vmem>>
      %dma_wait3A_1220 = arith.constant 0 : i32
      %dma_wait3A_1221 = tpu.memref_slice %arg5[%squeeze3A_572, %dma_wait3A_1220] : memref<1000000x64xf32, #tpu.memory_space<hbm>> -> memref<1x64xf32, #tpu.memory_space<hbm>>
      %dma_wait3A_1222 = tpu.memref_squeeze %dma_wait3A_1221 : memref<1x64xf32, #tpu.memory_space<hbm>> -> memref<64xf32, #tpu.memory_space<hbm>>
      %dma_wait3A_1223 = arith.constant 0 : i32
      %dma_wait3A_1224 = tpu.memref_slice %arg13[%dma_wait3A_1216, %dma_wait3A_1223] : memref<16x64xf32, #tpu.memory_space<vmem>> -> memref<1x64xf32, #tpu.memory_space<vmem>>
      %dma_wait3A_1225 = tpu.memref_squeeze %dma_wait3A_1224 : memref<1x64xf32, #tpu.memory_space<vmem>> -> memref<64xf32, #tpu.memory_space<vmem>>
      %dma_wait3A_1226 = arith.constant 0 : i32
      %dma_wait3A_1227 = tpu.memref_slice %arg5[%squeeze3A_572, %dma_wait3A_1226] : memref<1000000x64xf32, #tpu.memory_space<hbm>> -> memref<1x64xf32, #tpu.memory_space<hbm>>
      %dma_wait3A_1228 = tpu.memref_squeeze %dma_wait3A_1227 : memref<1x64xf32, #tpu.memory_space<hbm>> -> memref<64xf32, #tpu.memory_space<hbm>>
      tpu.wait_dma2 semaphore(%arg15 : memref<!tpu.dma_semaphore, #tpu.memory_space<semaphore_mem>>) src(%dma_wait3A_1228 : memref<64xf32, #tpu.memory_space<hbm>>) dst(%dma_wait3A_1225 : memref<64xf32, #tpu.memory_space<vmem>>)
      %dma_wait3A_1229 = arith.constant 12 : i32
      %dma_wait3A_1230 = arith.constant 0 : i32
      %dma_wait3A_1231 = tpu.memref_slice %arg12[%dma_wait3A_1229, %dma_wait3A_1230] : memref<16x64xf32, #tpu.memory_space<vmem>> -> memref<1x64xf32, #tpu.memory_space<vmem>>
      %dma_wait3A_1232 = tpu.memref_squeeze %dma_wait3A_1231 : memref<1x64xf32, #tpu.memory_space<vmem>> -> memref<64xf32, #tpu.memory_space<vmem>>
      %dma_wait3A_1233 = arith.constant 0 : i32
      %dma_wait3A_1234 = tpu.memref_slice %arg6[%squeeze3A_587, %dma_wait3A_1233] : memref<1000x64xf32, #tpu.memory_space<hbm>> -> memref<1x64xf32, #tpu.memory_space<hbm>>
      %dma_wait3A_1235 = tpu.memref_squeeze %dma_wait3A_1234 : memref<1x64xf32, #tpu.memory_space<hbm>> -> memref<64xf32, #tpu.memory_space<hbm>>
      %dma_wait3A_1236 = arith.constant 0 : i32
      %dma_wait3A_1237 = tpu.memref_slice %arg12[%dma_wait3A_1229, %dma_wait3A_1236] : memref<16x64xf32, #tpu.memory_space<vmem>> -> memref<1x64xf32, #tpu.memory_space<vmem>>
      %dma_wait3A_1238 = tpu.memref_squeeze %dma_wait3A_1237 : memref<1x64xf32, #tpu.memory_space<vmem>> -> memref<64xf32, #tpu.memory_space<vmem>>
      %dma_wait3A_1239 = arith.constant 0 : i32
      %dma_wait3A_1240 = tpu.memref_slice %arg6[%squeeze3A_587, %dma_wait3A_1239] : memref<1000x64xf32, #tpu.memory_space<hbm>> -> memref<1x64xf32, #tpu.memory_space<hbm>>
      %dma_wait3A_1241 = tpu.memref_squeeze %dma_wait3A_1240 : memref<1x64xf32, #tpu.memory_space<hbm>> -> memref<64xf32, #tpu.memory_space<hbm>>
      tpu.wait_dma2 semaphore(%arg15 : memref<!tpu.dma_semaphore, #tpu.memory_space<semaphore_mem>>) src(%dma_wait3A_1241 : memref<64xf32, #tpu.memory_space<hbm>>) dst(%dma_wait3A_1238 : memref<64xf32, #tpu.memory_space<vmem>>)
      %dma_wait3A_1242 = arith.constant 13 : i32
      %dma_wait3A_1243 = arith.constant 0 : i32
      %dma_wait3A_1244 = tpu.memref_slice %arg11[%dma_wait3A_1242, %dma_wait3A_1243] : memref<16x64xf32, #tpu.memory_space<vmem>> -> memref<1x64xf32, #tpu.memory_space<vmem>>
      %dma_wait3A_1245 = tpu.memref_squeeze %dma_wait3A_1244 : memref<1x64xf32, #tpu.memory_space<vmem>> -> memref<64xf32, #tpu.memory_space<vmem>>
      %dma_wait3A_1246 = arith.constant 0 : i32
      %dma_wait3A_1247 = tpu.memref_slice %arg5[%squeeze3A_602, %dma_wait3A_1246] : memref<1000000x64xf32, #tpu.memory_space<hbm>> -> memref<1x64xf32, #tpu.memory_space<hbm>>
      %dma_wait3A_1248 = tpu.memref_squeeze %dma_wait3A_1247 : memref<1x64xf32, #tpu.memory_space<hbm>> -> memref<64xf32, #tpu.memory_space<hbm>>
      %dma_wait3A_1249 = arith.constant 0 : i32
      %dma_wait3A_1250 = tpu.memref_slice %arg11[%dma_wait3A_1242, %dma_wait3A_1249] : memref<16x64xf32, #tpu.memory_space<vmem>> -> memref<1x64xf32, #tpu.memory_space<vmem>>
      %dma_wait3A_1251 = tpu.memref_squeeze %dma_wait3A_1250 : memref<1x64xf32, #tpu.memory_space<vmem>> -> memref<64xf32, #tpu.memory_space<vmem>>
      %dma_wait3A_1252 = arith.constant 0 : i32
      %dma_wait3A_1253 = tpu.memref_slice %arg5[%squeeze3A_602, %dma_wait3A_1252] : memref<1000000x64xf32, #tpu.memory_space<hbm>> -> memref<1x64xf32, #tpu.memory_space<hbm>>
      %dma_wait3A_1254 = tpu.memref_squeeze %dma_wait3A_1253 : memref<1x64xf32, #tpu.memory_space<hbm>> -> memref<64xf32, #tpu.memory_space<hbm>>
      tpu.wait_dma2 semaphore(%arg15 : memref<!tpu.dma_semaphore, #tpu.memory_space<semaphore_mem>>) src(%dma_wait3A_1254 : memref<64xf32, #tpu.memory_space<hbm>>) dst(%dma_wait3A_1251 : memref<64xf32, #tpu.memory_space<vmem>>)
      %dma_wait3A_1255 = arith.constant 13 : i32
      %dma_wait3A_1256 = arith.constant 0 : i32
      %dma_wait3A_1257 = tpu.memref_slice %arg13[%dma_wait3A_1255, %dma_wait3A_1256] : memref<16x64xf32, #tpu.memory_space<vmem>> -> memref<1x64xf32, #tpu.memory_space<vmem>>
      %dma_wait3A_1258 = tpu.memref_squeeze %dma_wait3A_1257 : memref<1x64xf32, #tpu.memory_space<vmem>> -> memref<64xf32, #tpu.memory_space<vmem>>
      %dma_wait3A_1259 = arith.constant 0 : i32
      %dma_wait3A_1260 = tpu.memref_slice %arg5[%squeeze3A_617, %dma_wait3A_1259] : memref<1000000x64xf32, #tpu.memory_space<hbm>> -> memref<1x64xf32, #tpu.memory_space<hbm>>
      %dma_wait3A_1261 = tpu.memref_squeeze %dma_wait3A_1260 : memref<1x64xf32, #tpu.memory_space<hbm>> -> memref<64xf32, #tpu.memory_space<hbm>>
      %dma_wait3A_1262 = arith.constant 0 : i32
      %dma_wait3A_1263 = tpu.memref_slice %arg13[%dma_wait3A_1255, %dma_wait3A_1262] : memref<16x64xf32, #tpu.memory_space<vmem>> -> memref<1x64xf32, #tpu.memory_space<vmem>>
      %dma_wait3A_1264 = tpu.memref_squeeze %dma_wait3A_1263 : memref<1x64xf32, #tpu.memory_space<vmem>> -> memref<64xf32, #tpu.memory_space<vmem>>
      %dma_wait3A_1265 = arith.constant 0 : i32
      %dma_wait3A_1266 = tpu.memref_slice %arg5[%squeeze3A_617, %dma_wait3A_1265] : memref<1000000x64xf32, #tpu.memory_space<hbm>> -> memref<1x64xf32, #tpu.memory_space<hbm>>
      %dma_wait3A_1267 = tpu.memref_squeeze %dma_wait3A_1266 : memref<1x64xf32, #tpu.memory_space<hbm>> -> memref<64xf32, #tpu.memory_space<hbm>>
      tpu.wait_dma2 semaphore(%arg15 : memref<!tpu.dma_semaphore, #tpu.memory_space<semaphore_mem>>) src(%dma_wait3A_1267 : memref<64xf32, #tpu.memory_space<hbm>>) dst(%dma_wait3A_1264 : memref<64xf32, #tpu.memory_space<vmem>>)
      %dma_wait3A_1268 = arith.constant 13 : i32
      %dma_wait3A_1269 = arith.constant 0 : i32
      %dma_wait3A_1270 = tpu.memref_slice %arg12[%dma_wait3A_1268, %dma_wait3A_1269] : memref<16x64xf32, #tpu.memory_space<vmem>> -> memref<1x64xf32, #tpu.memory_space<vmem>>
      %dma_wait3A_1271 = tpu.memref_squeeze %dma_wait3A_1270 : memref<1x64xf32, #tpu.memory_space<vmem>> -> memref<64xf32, #tpu.memory_space<vmem>>
      %dma_wait3A_1272 = arith.constant 0 : i32
      %dma_wait3A_1273 = tpu.memref_slice %arg6[%squeeze3A_632, %dma_wait3A_1272] : memref<1000x64xf32, #tpu.memory_space<hbm>> -> memref<1x64xf32, #tpu.memory_space<hbm>>
      %dma_wait3A_1274 = tpu.memref_squeeze %dma_wait3A_1273 : memref<1x64xf32, #tpu.memory_space<hbm>> -> memref<64xf32, #tpu.memory_space<hbm>>
      %dma_wait3A_1275 = arith.constant 0 : i32
      %dma_wait3A_1276 = tpu.memref_slice %arg12[%dma_wait3A_1268, %dma_wait3A_1275] : memref<16x64xf32, #tpu.memory_space<vmem>> -> memref<1x64xf32, #tpu.memory_space<vmem>>
      %dma_wait3A_1277 = tpu.memref_squeeze %dma_wait3A_1276 : memref<1x64xf32, #tpu.memory_space<vmem>> -> memref<64xf32, #tpu.memory_space<vmem>>
      %dma_wait3A_1278 = arith.constant 0 : i32
      %dma_wait3A_1279 = tpu.memref_slice %arg6[%squeeze3A_632, %dma_wait3A_1278] : memref<1000x64xf32, #tpu.memory_space<hbm>> -> memref<1x64xf32, #tpu.memory_space<hbm>>
      %dma_wait3A_1280 = tpu.memref_squeeze %dma_wait3A_1279 : memref<1x64xf32, #tpu.memory_space<hbm>> -> memref<64xf32, #tpu.memory_space<hbm>>
      tpu.wait_dma2 semaphore(%arg15 : memref<!tpu.dma_semaphore, #tpu.memory_space<semaphore_mem>>) src(%dma_wait3A_1280 : memref<64xf32, #tpu.memory_space<hbm>>) dst(%dma_wait3A_1277 : memref<64xf32, #tpu.memory_space<vmem>>)
      %dma_wait3A_1281 = arith.constant 14 : i32
      %dma_wait3A_1282 = arith.constant 0 : i32
      %dma_wait3A_1283 = tpu.memref_slice %arg11[%dma_wait3A_1281, %dma_wait3A_1282] : memref<16x64xf32, #tpu.memory_space<vmem>> -> memref<1x64xf32, #tpu.memory_space<vmem>>
      %dma_wait3A_1284 = tpu.memref_squeeze %dma_wait3A_1283 : memref<1x64xf32, #tpu.memory_space<vmem>> -> memref<64xf32, #tpu.memory_space<vmem>>
      %dma_wait3A_1285 = arith.constant 0 : i32
      %dma_wait3A_1286 = tpu.memref_slice %arg5[%squeeze3A_647, %dma_wait3A_1285] : memref<1000000x64xf32, #tpu.memory_space<hbm>> -> memref<1x64xf32, #tpu.memory_space<hbm>>
      %dma_wait3A_1287 = tpu.memref_squeeze %dma_wait3A_1286 : memref<1x64xf32, #tpu.memory_space<hbm>> -> memref<64xf32, #tpu.memory_space<hbm>>
      %dma_wait3A_1288 = arith.constant 0 : i32
      %dma_wait3A_1289 = tpu.memref_slice %arg11[%dma_wait3A_1281, %dma_wait3A_1288] : memref<16x64xf32, #tpu.memory_space<vmem>> -> memref<1x64xf32, #tpu.memory_space<vmem>>
      %dma_wait3A_1290 = tpu.memref_squeeze %dma_wait3A_1289 : memref<1x64xf32, #tpu.memory_space<vmem>> -> memref<64xf32, #tpu.memory_space<vmem>>
      %dma_wait3A_1291 = arith.constant 0 : i32
      %dma_wait3A_1292 = tpu.memref_slice %arg5[%squeeze3A_647, %dma_wait3A_1291] : memref<1000000x64xf32, #tpu.memory_space<hbm>> -> memref<1x64xf32, #tpu.memory_space<hbm>>
      %dma_wait3A_1293 = tpu.memref_squeeze %dma_wait3A_1292 : memref<1x64xf32, #tpu.memory_space<hbm>> -> memref<64xf32, #tpu.memory_space<hbm>>
      tpu.wait_dma2 semaphore(%arg15 : memref<!tpu.dma_semaphore, #tpu.memory_space<semaphore_mem>>) src(%dma_wait3A_1293 : memref<64xf32, #tpu.memory_space<hbm>>) dst(%dma_wait3A_1290 : memref<64xf32, #tpu.memory_space<vmem>>)
      %dma_wait3A_1294 = arith.constant 14 : i32
      %dma_wait3A_1295 = arith.constant 0 : i32
      %dma_wait3A_1296 = tpu.memref_slice %arg13[%dma_wait3A_1294, %dma_wait3A_1295] : memref<16x64xf32, #tpu.memory_space<vmem>> -> memref<1x64xf32, #tpu.memory_space<vmem>>
      %dma_wait3A_1297 = tpu.memref_squeeze %dma_wait3A_1296 : memref<1x64xf32, #tpu.memory_space<vmem>> -> memref<64xf32, #tpu.memory_space<vmem>>
      %dma_wait3A_1298 = arith.constant 0 : i32
      %dma_wait3A_1299 = tpu.memref_slice %arg5[%squeeze3A_662, %dma_wait3A_1298] : memref<1000000x64xf32, #tpu.memory_space<hbm>> -> memref<1x64xf32, #tpu.memory_space<hbm>>
      %dma_wait3A_1300 = tpu.memref_squeeze %dma_wait3A_1299 : memref<1x64xf32, #tpu.memory_space<hbm>> -> memref<64xf32, #tpu.memory_space<hbm>>
      %dma_wait3A_1301 = arith.constant 0 : i32
      %dma_wait3A_1302 = tpu.memref_slice %arg13[%dma_wait3A_1294, %dma_wait3A_1301] : memref<16x64xf32, #tpu.memory_space<vmem>> -> memref<1x64xf32, #tpu.memory_space<vmem>>
      %dma_wait3A_1303 = tpu.memref_squeeze %dma_wait3A_1302 : memref<1x64xf32, #tpu.memory_space<vmem>> -> memref<64xf32, #tpu.memory_space<vmem>>
      %dma_wait3A_1304 = arith.constant 0 : i32
      %dma_wait3A_1305 = tpu.memref_slice %arg5[%squeeze3A_662, %dma_wait3A_1304] : memref<1000000x64xf32, #tpu.memory_space<hbm>> -> memref<1x64xf32, #tpu.memory_space<hbm>>
      %dma_wait3A_1306 = tpu.memref_squeeze %dma_wait3A_1305 : memref<1x64xf32, #tpu.memory_space<hbm>> -> memref<64xf32, #tpu.memory_space<hbm>>
      tpu.wait_dma2 semaphore(%arg15 : memref<!tpu.dma_semaphore, #tpu.memory_space<semaphore_mem>>) src(%dma_wait3A_1306 : memref<64xf32, #tpu.memory_space<hbm>>) dst(%dma_wait3A_1303 : memref<64xf32, #tpu.memory_space<vmem>>)
      %dma_wait3A_1307 = arith.constant 14 : i32
      %dma_wait3A_1308 = arith.constant 0 : i32
      %dma_wait3A_1309 = tpu.memref_slice %arg12[%dma_wait3A_1307, %dma_wait3A_1308] : memref<16x64xf32, #tpu.memory_space<vmem>> -> memref<1x64xf32, #tpu.memory_space<vmem>>
      %dma_wait3A_1310 = tpu.memref_squeeze %dma_wait3A_1309 : memref<1x64xf32, #tpu.memory_space<vmem>> -> memref<64xf32, #tpu.memory_space<vmem>>
      %dma_wait3A_1311 = arith.constant 0 : i32
      %dma_wait3A_1312 = tpu.memref_slice %arg6[%squeeze3A_677, %dma_wait3A_1311] : memref<1000x64xf32, #tpu.memory_space<hbm>> -> memref<1x64xf32, #tpu.memory_space<hbm>>
      %dma_wait3A_1313 = tpu.memref_squeeze %dma_wait3A_1312 : memref<1x64xf32, #tpu.memory_space<hbm>> -> memref<64xf32, #tpu.memory_space<hbm>>
      %dma_wait3A_1314 = arith.constant 0 : i32
      %dma_wait3A_1315 = tpu.memref_slice %arg12[%dma_wait3A_1307, %dma_wait3A_1314] : memref<16x64xf32, #tpu.memory_space<vmem>> -> memref<1x64xf32, #tpu.memory_space<vmem>>
      %dma_wait3A_1316 = tpu.memref_squeeze %dma_wait3A_1315 : memref<1x64xf32, #tpu.memory_space<vmem>> -> memref<64xf32, #tpu.memory_space<vmem>>
      %dma_wait3A_1317 = arith.constant 0 : i32
      %dma_wait3A_1318 = tpu.memref_slice %arg6[%squeeze3A_677, %dma_wait3A_1317] : memref<1000x64xf32, #tpu.memory_space<hbm>> -> memref<1x64xf32, #tpu.memory_space<hbm>>
      %dma_wait3A_1319 = tpu.memref_squeeze %dma_wait3A_1318 : memref<1x64xf32, #tpu.memory_space<hbm>> -> memref<64xf32, #tpu.memory_space<hbm>>
      tpu.wait_dma2 semaphore(%arg15 : memref<!tpu.dma_semaphore, #tpu.memory_space<semaphore_mem>>) src(%dma_wait3A_1319 : memref<64xf32, #tpu.memory_space<hbm>>) dst(%dma_wait3A_1316 : memref<64xf32, #tpu.memory_space<vmem>>)
      %dma_wait3A_1320 = arith.constant 15 : i32
      %dma_wait3A_1321 = arith.constant 0 : i32
      %dma_wait3A_1322 = tpu.memref_slice %arg11[%dma_wait3A_1320, %dma_wait3A_1321] : memref<16x64xf32, #tpu.memory_space<vmem>> -> memref<1x64xf32, #tpu.memory_space<vmem>>
      %dma_wait3A_1323 = tpu.memref_squeeze %dma_wait3A_1322 : memref<1x64xf32, #tpu.memory_space<vmem>> -> memref<64xf32, #tpu.memory_space<vmem>>
      %dma_wait3A_1324 = arith.constant 0 : i32
      %dma_wait3A_1325 = tpu.memref_slice %arg5[%squeeze3A_692, %dma_wait3A_1324] : memref<1000000x64xf32, #tpu.memory_space<hbm>> -> memref<1x64xf32, #tpu.memory_space<hbm>>
      %dma_wait3A_1326 = tpu.memref_squeeze %dma_wait3A_1325 : memref<1x64xf32, #tpu.memory_space<hbm>> -> memref<64xf32, #tpu.memory_space<hbm>>
      %dma_wait3A_1327 = arith.constant 0 : i32
      %dma_wait3A_1328 = tpu.memref_slice %arg11[%dma_wait3A_1320, %dma_wait3A_1327] : memref<16x64xf32, #tpu.memory_space<vmem>> -> memref<1x64xf32, #tpu.memory_space<vmem>>
      %dma_wait3A_1329 = tpu.memref_squeeze %dma_wait3A_1328 : memref<1x64xf32, #tpu.memory_space<vmem>> -> memref<64xf32, #tpu.memory_space<vmem>>
      %dma_wait3A_1330 = arith.constant 0 : i32
      %dma_wait3A_1331 = tpu.memref_slice %arg5[%squeeze3A_692, %dma_wait3A_1330] : memref<1000000x64xf32, #tpu.memory_space<hbm>> -> memref<1x64xf32, #tpu.memory_space<hbm>>
      %dma_wait3A_1332 = tpu.memref_squeeze %dma_wait3A_1331 : memref<1x64xf32, #tpu.memory_space<hbm>> -> memref<64xf32, #tpu.memory_space<hbm>>
      tpu.wait_dma2 semaphore(%arg15 : memref<!tpu.dma_semaphore, #tpu.memory_space<semaphore_mem>>) src(%dma_wait3A_1332 : memref<64xf32, #tpu.memory_space<hbm>>) dst(%dma_wait3A_1329 : memref<64xf32, #tpu.memory_space<vmem>>)
      %dma_wait3A_1333 = arith.constant 15 : i32
      %dma_wait3A_1334 = arith.constant 0 : i32
      %dma_wait3A_1335 = tpu.memref_slice %arg13[%dma_wait3A_1333, %dma_wait3A_1334] : memref<16x64xf32, #tpu.memory_space<vmem>> -> memref<1x64xf32, #tpu.memory_space<vmem>>
      %dma_wait3A_1336 = tpu.memref_squeeze %dma_wait3A_1335 : memref<1x64xf32, #tpu.memory_space<vmem>> -> memref<64xf32, #tpu.memory_space<vmem>>
      %dma_wait3A_1337 = arith.constant 0 : i32
      %dma_wait3A_1338 = tpu.memref_slice %arg5[%squeeze3A_707, %dma_wait3A_1337] : memref<1000000x64xf32, #tpu.memory_space<hbm>> -> memref<1x64xf32, #tpu.memory_space<hbm>>
      %dma_wait3A_1339 = tpu.memref_squeeze %dma_wait3A_1338 : memref<1x64xf32, #tpu.memory_space<hbm>> -> memref<64xf32, #tpu.memory_space<hbm>>
      %dma_wait3A_1340 = arith.constant 0 : i32
      %dma_wait3A_1341 = tpu.memref_slice %arg13[%dma_wait3A_1333, %dma_wait3A_1340] : memref<16x64xf32, #tpu.memory_space<vmem>> -> memref<1x64xf32, #tpu.memory_space<vmem>>
      %dma_wait3A_1342 = tpu.memref_squeeze %dma_wait3A_1341 : memref<1x64xf32, #tpu.memory_space<vmem>> -> memref<64xf32, #tpu.memory_space<vmem>>
      %dma_wait3A_1343 = arith.constant 0 : i32
      %dma_wait3A_1344 = tpu.memref_slice %arg5[%squeeze3A_707, %dma_wait3A_1343] : memref<1000000x64xf32, #tpu.memory_space<hbm>> -> memref<1x64xf32, #tpu.memory_space<hbm>>
      %dma_wait3A_1345 = tpu.memref_squeeze %dma_wait3A_1344 : memref<1x64xf32, #tpu.memory_space<hbm>> -> memref<64xf32, #tpu.memory_space<hbm>>
      tpu.wait_dma2 semaphore(%arg15 : memref<!tpu.dma_semaphore, #tpu.memory_space<semaphore_mem>>) src(%dma_wait3A_1345 : memref<64xf32, #tpu.memory_space<hbm>>) dst(%dma_wait3A_1342 : memref<64xf32, #tpu.memory_space<vmem>>)
      %dma_wait3A_1346 = arith.constant 15 : i32
      %dma_wait3A_1347 = arith.constant 0 : i32
      %dma_wait3A_1348 = tpu.memref_slice %arg12[%dma_wait3A_1346, %dma_wait3A_1347] : memref<16x64xf32, #tpu.memory_space<vmem>> -> memref<1x64xf32, #tpu.memory_space<vmem>>
      %dma_wait3A_1349 = tpu.memref_squeeze %dma_wait3A_1348 : memref<1x64xf32, #tpu.memory_space<vmem>> -> memref<64xf32, #tpu.memory_space<vmem>>
      %dma_wait3A_1350 = arith.constant 0 : i32
      %dma_wait3A_1351 = tpu.memref_slice %arg6[%squeeze3A_722, %dma_wait3A_1350] : memref<1000x64xf32, #tpu.memory_space<hbm>> -> memref<1x64xf32, #tpu.memory_space<hbm>>
      %dma_wait3A_1352 = tpu.memref_squeeze %dma_wait3A_1351 : memref<1x64xf32, #tpu.memory_space<hbm>> -> memref<64xf32, #tpu.memory_space<hbm>>
      %dma_wait3A_1353 = arith.constant 0 : i32
      %dma_wait3A_1354 = tpu.memref_slice %arg12[%dma_wait3A_1346, %dma_wait3A_1353] : memref<16x64xf32, #tpu.memory_space<vmem>> -> memref<1x64xf32, #tpu.memory_space<vmem>>
      %dma_wait3A_1355 = tpu.memref_squeeze %dma_wait3A_1354 : memref<1x64xf32, #tpu.memory_space<vmem>> -> memref<64xf32, #tpu.memory_space<vmem>>
      %dma_wait3A_1356 = arith.constant 0 : i32
      %dma_wait3A_1357 = tpu.memref_slice %arg6[%squeeze3A_722, %dma_wait3A_1356] : memref<1000x64xf32, #tpu.memory_space<hbm>> -> memref<1x64xf32, #tpu.memory_space<hbm>>
      %dma_wait3A_1358 = tpu.memref_squeeze %dma_wait3A_1357 : memref<1x64xf32, #tpu.memory_space<hbm>> -> memref<64xf32, #tpu.memory_space<hbm>>
      tpu.wait_dma2 semaphore(%arg15 : memref<!tpu.dma_semaphore, #tpu.memory_space<semaphore_mem>>) src(%dma_wait3A_1358 : memref<64xf32, #tpu.memory_space<hbm>>) dst(%dma_wait3A_1355 : memref<64xf32, #tpu.memory_space<vmem>>)
      %broadcast_in_dim3A = arith.constant 0.000000e+00 : f32
      %broadcast_in_dim3A_1359 = vector.broadcast %broadcast_in_dim3A : f32 to vector<16xf32>
      %get3A_1360 = arith.constant 0 : i32
      %get3A_1361 = arith.index_cast %get3A_1360 : i32 to index
      %get3A_1362 = arith.constant 0 : index
      %get3A_1363 = tpu.vector_load %arg11[%get3A_1361, %get3A_1362] {strides = array<i32>} : memref<16x64xf32, #tpu.memory_space<vmem>>, vector<16xf32>,
      %get3A_1364 = arith.constant 0 : i32
      %get3A_1365 = arith.index_cast %get3A_1364 : i32 to index
      %get3A_1366 = arith.constant 0 : index
      %get3A_1367 = tpu.vector_load %arg12[%get3A_1365, %get3A_1366] {strides = array<i32>} : memref<16x64xf32, #tpu.memory_space<vmem>>, vector<16xf32>,
      %mul3A_1368 = arith.mulf %get3A_1363, %get3A_1367 : vector<16xf32>
      %get3A_1369 = arith.constant 0 : i32
      %get3A_1370 = arith.index_cast %get3A_1369 : i32 to index
      %get3A_1371 = arith.constant 0 : index
      %get3A_1372 = tpu.vector_load %arg13[%get3A_1370, %get3A_1371] {strides = array<i32>} : memref<16x64xf32, #tpu.memory_space<vmem>>, vector<16xf32>,
      %mul3A_1373 = arith.mulf %mul3A_1368, %get3A_1372 : vector<16xf32>
      %get3A_1374 = arith.constant 0 : i32
      %get3A_1375 = arith.index_cast %get3A_1374 : i32 to index
      %get3A_1376 = arith.constant 16 : index
      %get3A_1377 = tpu.vector_load %arg11[%get3A_1375, %get3A_1376] {strides = array<i32>} : memref<16x64xf32, #tpu.memory_space<vmem>>, vector<16xf32>,
      %get3A_1378 = arith.constant 0 : i32
      %get3A_1379 = arith.index_cast %get3A_1378 : i32 to index
      %get3A_1380 = arith.constant 16 : index
      %get3A_1381 = tpu.vector_load %arg12[%get3A_1379, %get3A_1380] {strides = array<i32>} : memref<16x64xf32, #tpu.memory_space<vmem>>, vector<16xf32>,
      %mul3A_1382 = arith.mulf %get3A_1377, %get3A_1381 : vector<16xf32>
      %get3A_1383 = arith.constant 0 : i32
      %get3A_1384 = arith.index_cast %get3A_1383 : i32 to index
      %get3A_1385 = arith.constant 16 : index
      %get3A_1386 = tpu.vector_load %arg13[%get3A_1384, %get3A_1385] {strides = array<i32>} : memref<16x64xf32, #tpu.memory_space<vmem>>, vector<16xf32>,
      %mul3A_1387 = arith.mulf %mul3A_1382, %get3A_1386 : vector<16xf32>
      %add3A_1388 = arith.addf %mul3A_1373, %mul3A_1387 : vector<16xf32>
      %get3A_1389 = arith.constant 0 : i32
      %get3A_1390 = arith.index_cast %get3A_1389 : i32 to index
      %get3A_1391 = arith.constant 32 : index
      %get3A_1392 = tpu.vector_load %arg11[%get3A_1390, %get3A_1391] {strides = array<i32>} : memref<16x64xf32, #tpu.memory_space<vmem>>, vector<16xf32>,
      %get3A_1393 = arith.constant 0 : i32
      %get3A_1394 = arith.index_cast %get3A_1393 : i32 to index
      %get3A_1395 = arith.constant 32 : index
      %get3A_1396 = tpu.vector_load %arg12[%get3A_1394, %get3A_1395] {strides = array<i32>} : memref<16x64xf32, #tpu.memory_space<vmem>>, vector<16xf32>,
      %mul3A_1397 = arith.mulf %get3A_1392, %get3A_1396 : vector<16xf32>
      %get3A_1398 = arith.constant 0 : i32
      %get3A_1399 = arith.index_cast %get3A_1398 : i32 to index
      %get3A_1400 = arith.constant 32 : index
      %get3A_1401 = tpu.vector_load %arg13[%get3A_1399, %get3A_1400] {strides = array<i32>} : memref<16x64xf32, #tpu.memory_space<vmem>>, vector<16xf32>,
      %mul3A_1402 = arith.mulf %mul3A_1397, %get3A_1401 : vector<16xf32>
      %add3A_1403 = arith.addf %add3A_1388, %mul3A_1402 : vector<16xf32>
      %get3A_1404 = arith.constant 0 : i32
      %get3A_1405 = arith.index_cast %get3A_1404 : i32 to index
      %get3A_1406 = arith.constant 48 : index
      %get3A_1407 = tpu.vector_load %arg11[%get3A_1405, %get3A_1406] {strides = array<i32>} : memref<16x64xf32, #tpu.memory_space<vmem>>, vector<16xf32>,
      %get3A_1408 = arith.constant 0 : i32
      %get3A_1409 = arith.index_cast %get3A_1408 : i32 to index
      %get3A_1410 = arith.constant 48 : index
      %get3A_1411 = tpu.vector_load %arg12[%get3A_1409, %get3A_1410] {strides = array<i32>} : memref<16x64xf32, #tpu.memory_space<vmem>>, vector<16xf32>,
      %mul3A_1412 = arith.mulf %get3A_1407, %get3A_1411 : vector<16xf32>
      %get3A_1413 = arith.constant 0 : i32
      %get3A_1414 = arith.index_cast %get3A_1413 : i32 to index
      %get3A_1415 = arith.constant 48 : index
      %get3A_1416 = tpu.vector_load %arg13[%get3A_1414, %get3A_1415] {strides = array<i32>} : memref<16x64xf32, #tpu.memory_space<vmem>>, vector<16xf32>,
      %mul3A_1417 = arith.mulf %mul3A_1412, %get3A_1416 : vector<16xf32>
      %add3A_1418 = arith.addf %add3A_1403, %mul3A_1417 : vector<16xf32>
      %reduce_sum3A = arith.constant true
      %reduce_sum3A_1419 = vector.broadcast %reduce_sum3A : i1 to vector<16xi1>
      %reduce_sum3A_1420 = tpu.scan <sum>, %add3A_1418 masked %reduce_sum3A_1419 : vector<16xf32>, vector<16xi1> -> vector<16xf32>
      %reduce_sum3A_1421 = vector.extract %reduce_sum3A_1420[15] : f32 from vector<16xf32>
      %eq3A = arith.constant 0 : i32
      %eq3A_1422 = vector.broadcast %eq3A : i32 to vector<16xi32>
      %eq3A_1423 = arith.cmpi eq, %iota3A, %eq3A_1422 : vector<16xi32>
      %broadcast_in_dim3A_1424 = vector.broadcast %reduce_sum3A_1421 : f32 to vector<16xf32>
      %select_n3A = arith.select %eq3A_1423, %broadcast_in_dim3A_1424, %broadcast_in_dim3A_1359 : vector<16xi1>, vector<16xf32>
      %get3A_1425 = arith.constant 1 : i32
      %get3A_1426 = arith.index_cast %get3A_1425 : i32 to index
      %get3A_1427 = arith.constant 0 : index
      %get3A_1428 = tpu.vector_load %arg11[%get3A_1426, %get3A_1427] {strides = array<i32>} : memref<16x64xf32, #tpu.memory_space<vmem>>, vector<16xf32>,
      %get3A_1429 = arith.constant 1 : i32
      %get3A_1430 = arith.index_cast %get3A_1429 : i32 to index
      %get3A_1431 = arith.constant 0 : index
      %get3A_1432 = tpu.vector_load %arg12[%get3A_1430, %get3A_1431] {strides = array<i32>} : memref<16x64xf32, #tpu.memory_space<vmem>>, vector<16xf32>,
      %mul3A_1433 = arith.mulf %get3A_1428, %get3A_1432 : vector<16xf32>
      %get3A_1434 = arith.constant 1 : i32
      %get3A_1435 = arith.index_cast %get3A_1434 : i32 to index
      %get3A_1436 = arith.constant 0 : index
      %get3A_1437 = tpu.vector_load %arg13[%get3A_1435, %get3A_1436] {strides = array<i32>} : memref<16x64xf32, #tpu.memory_space<vmem>>, vector<16xf32>,
      %mul3A_1438 = arith.mulf %mul3A_1433, %get3A_1437 : vector<16xf32>
      %get3A_1439 = arith.constant 1 : i32
      %get3A_1440 = arith.index_cast %get3A_1439 : i32 to index
      %get3A_1441 = arith.constant 16 : index
      %get3A_1442 = tpu.vector_load %arg11[%get3A_1440, %get3A_1441] {strides = array<i32>} : memref<16x64xf32, #tpu.memory_space<vmem>>, vector<16xf32>,
      %get3A_1443 = arith.constant 1 : i32
      %get3A_1444 = arith.index_cast %get3A_1443 : i32 to index
      %get3A_1445 = arith.constant 16 : index
      %get3A_1446 = tpu.vector_load %arg12[%get3A_1444, %get3A_1445] {strides = array<i32>} : memref<16x64xf32, #tpu.memory_space<vmem>>, vector<16xf32>,
      %mul3A_1447 = arith.mulf %get3A_1442, %get3A_1446 : vector<16xf32>
      %get3A_1448 = arith.constant 1 : i32
      %get3A_1449 = arith.index_cast %get3A_1448 : i32 to index
      %get3A_1450 = arith.constant 16 : index
      %get3A_1451 = tpu.vector_load %arg13[%get3A_1449, %get3A_1450] {strides = array<i32>} : memref<16x64xf32, #tpu.memory_space<vmem>>, vector<16xf32>,
      %mul3A_1452 = arith.mulf %mul3A_1447, %get3A_1451 : vector<16xf32>
      %add3A_1453 = arith.addf %mul3A_1438, %mul3A_1452 : vector<16xf32>
      %get3A_1454 = arith.constant 1 : i32
      %get3A_1455 = arith.index_cast %get3A_1454 : i32 to index
      %get3A_1456 = arith.constant 32 : index
      %get3A_1457 = tpu.vector_load %arg11[%get3A_1455, %get3A_1456] {strides = array<i32>} : memref<16x64xf32, #tpu.memory_space<vmem>>, vector<16xf32>,
      %get3A_1458 = arith.constant 1 : i32
      %get3A_1459 = arith.index_cast %get3A_1458 : i32 to index
      %get3A_1460 = arith.constant 32 : index
      %get3A_1461 = tpu.vector_load %arg12[%get3A_1459, %get3A_1460] {strides = array<i32>} : memref<16x64xf32, #tpu.memory_space<vmem>>, vector<16xf32>,
      %mul3A_1462 = arith.mulf %get3A_1457, %get3A_1461 : vector<16xf32>
      %get3A_1463 = arith.constant 1 : i32
      %get3A_1464 = arith.index_cast %get3A_1463 : i32 to index
      %get3A_1465 = arith.constant 32 : index
      %get3A_1466 = tpu.vector_load %arg13[%get3A_1464, %get3A_1465] {strides = array<i32>} : memref<16x64xf32, #tpu.memory_space<vmem>>, vector<16xf32>,
      %mul3A_1467 = arith.mulf %mul3A_1462, %get3A_1466 : vector<16xf32>
      %add3A_1468 = arith.addf %add3A_1453, %mul3A_1467 : vector<16xf32>
      %get3A_1469 = arith.constant 1 : i32
      %get3A_1470 = arith.index_cast %get3A_1469 : i32 to index
      %get3A_1471 = arith.constant 48 : index
      %get3A_1472 = tpu.vector_load %arg11[%get3A_1470, %get3A_1471] {strides = array<i32>} : memref<16x64xf32, #tpu.memory_space<vmem>>, vector<16xf32>,
      %get3A_1473 = arith.constant 1 : i32
      %get3A_1474 = arith.index_cast %get3A_1473 : i32 to index
      %get3A_1475 = arith.constant 48 : index
      %get3A_1476 = tpu.vector_load %arg12[%get3A_1474, %get3A_1475] {strides = array<i32>} : memref<16x64xf32, #tpu.memory_space<vmem>>, vector<16xf32>,
      %mul3A_1477 = arith.mulf %get3A_1472, %get3A_1476 : vector<16xf32>
      %get3A_1478 = arith.constant 1 : i32
      %get3A_1479 = arith.index_cast %get3A_1478 : i32 to index
      %get3A_1480 = arith.constant 48 : index
      %get3A_1481 = tpu.vector_load %arg13[%get3A_1479, %get3A_1480] {strides = array<i32>} : memref<16x64xf32, #tpu.memory_space<vmem>>, vector<16xf32>,
      %mul3A_1482 = arith.mulf %mul3A_1477, %get3A_1481 : vector<16xf32>
      %add3A_1483 = arith.addf %add3A_1468, %mul3A_1482 : vector<16xf32>
      %reduce_sum3A_1484 = arith.constant true
      %reduce_sum3A_1485 = vector.broadcast %reduce_sum3A_1484 : i1 to vector<16xi1>
      %reduce_sum3A_1486 = tpu.scan <sum>, %add3A_1483 masked %reduce_sum3A_1485 : vector<16xf32>, vector<16xi1> -> vector<16xf32>
      %reduce_sum3A_1487 = vector.extract %reduce_sum3A_1486[15] : f32 from vector<16xf32>
      %eq3A_1488 = arith.constant 1 : i32
      %eq3A_1489 = vector.broadcast %eq3A_1488 : i32 to vector<16xi32>
      %eq3A_1490 = arith.cmpi eq, %iota3A, %eq3A_1489 : vector<16xi32>
      %broadcast_in_dim3A_1491 = vector.broadcast %reduce_sum3A_1487 : f32 to vector<16xf32>
      %select_n3A_1492 = arith.select %eq3A_1490, %broadcast_in_dim3A_1491, %select_n3A : vector<16xi1>, vector<16xf32>
      %get3A_1493 = arith.constant 2 : i32
      %get3A_1494 = arith.index_cast %get3A_1493 : i32 to index
      %get3A_1495 = arith.constant 0 : index
      %get3A_1496 = tpu.vector_load %arg11[%get3A_1494, %get3A_1495] {strides = array<i32>} : memref<16x64xf32, #tpu.memory_space<vmem>>, vector<16xf32>,
      %get3A_1497 = arith.constant 2 : i32
      %get3A_1498 = arith.index_cast %get3A_1497 : i32 to index
      %get3A_1499 = arith.constant 0 : index
      %get3A_1500 = tpu.vector_load %arg12[%get3A_1498, %get3A_1499] {strides = array<i32>} : memref<16x64xf32, #tpu.memory_space<vmem>>, vector<16xf32>,
      %mul3A_1501 = arith.mulf %get3A_1496, %get3A_1500 : vector<16xf32>
      %get3A_1502 = arith.constant 2 : i32
      %get3A_1503 = arith.index_cast %get3A_1502 : i32 to index
      %get3A_1504 = arith.constant 0 : index
      %get3A_1505 = tpu.vector_load %arg13[%get3A_1503, %get3A_1504] {strides = array<i32>} : memref<16x64xf32, #tpu.memory_space<vmem>>, vector<16xf32>,
      %mul3A_1506 = arith.mulf %mul3A_1501, %get3A_1505 : vector<16xf32>
      %get3A_1507 = arith.constant 2 : i32
      %get3A_1508 = arith.index_cast %get3A_1507 : i32 to index
      %get3A_1509 = arith.constant 16 : index
      %get3A_1510 = tpu.vector_load %arg11[%get3A_1508, %get3A_1509] {strides = array<i32>} : memref<16x64xf32, #tpu.memory_space<vmem>>, vector<16xf32>,
      %get3A_1511 = arith.constant 2 : i32
      %get3A_1512 = arith.index_cast %get3A_1511 : i32 to index
      %get3A_1513 = arith.constant 16 : index
      %get3A_1514 = tpu.vector_load %arg12[%get3A_1512, %get3A_1513] {strides = array<i32>} : memref<16x64xf32, #tpu.memory_space<vmem>>, vector<16xf32>,
      %mul3A_1515 = arith.mulf %get3A_1510, %get3A_1514 : vector<16xf32>
      %get3A_1516 = arith.constant 2 : i32
      %get3A_1517 = arith.index_cast %get3A_1516 : i32 to index
      %get3A_1518 = arith.constant 16 : index
      %get3A_1519 = tpu.vector_load %arg13[%get3A_1517, %get3A_1518] {strides = array<i32>} : memref<16x64xf32, #tpu.memory_space<vmem>>, vector<16xf32>,
      %mul3A_1520 = arith.mulf %mul3A_1515, %get3A_1519 : vector<16xf32>
      %add3A_1521 = arith.addf %mul3A_1506, %mul3A_1520 : vector<16xf32>
      %get3A_1522 = arith.constant 2 : i32
      %get3A_1523 = arith.index_cast %get3A_1522 : i32 to index
      %get3A_1524 = arith.constant 32 : index
      %get3A_1525 = tpu.vector_load %arg11[%get3A_1523, %get3A_1524] {strides = array<i32>} : memref<16x64xf32, #tpu.memory_space<vmem>>, vector<16xf32>,
      %get3A_1526 = arith.constant 2 : i32
      %get3A_1527 = arith.index_cast %get3A_1526 : i32 to index
      %get3A_1528 = arith.constant 32 : index
      %get3A_1529 = tpu.vector_load %arg12[%get3A_1527, %get3A_1528] {strides = array<i32>} : memref<16x64xf32, #tpu.memory_space<vmem>>, vector<16xf32>,
      %mul3A_1530 = arith.mulf %get3A_1525, %get3A_1529 : vector<16xf32>
      %get3A_1531 = arith.constant 2 : i32
      %get3A_1532 = arith.index_cast %get3A_1531 : i32 to index
      %get3A_1533 = arith.constant 32 : index
      %get3A_1534 = tpu.vector_load %arg13[%get3A_1532, %get3A_1533] {strides = array<i32>} : memref<16x64xf32, #tpu.memory_space<vmem>>, vector<16xf32>,
      %mul3A_1535 = arith.mulf %mul3A_1530, %get3A_1534 : vector<16xf32>
      %add3A_1536 = arith.addf %add3A_1521, %mul3A_1535 : vector<16xf32>
      %get3A_1537 = arith.constant 2 : i32
      %get3A_1538 = arith.index_cast %get3A_1537 : i32 to index
      %get3A_1539 = arith.constant 48 : index
      %get3A_1540 = tpu.vector_load %arg11[%get3A_1538, %get3A_1539] {strides = array<i32>} : memref<16x64xf32, #tpu.memory_space<vmem>>, vector<16xf32>,
      %get3A_1541 = arith.constant 2 : i32
      %get3A_1542 = arith.index_cast %get3A_1541 : i32 to index
      %get3A_1543 = arith.constant 48 : index
      %get3A_1544 = tpu.vector_load %arg12[%get3A_1542, %get3A_1543] {strides = array<i32>} : memref<16x64xf32, #tpu.memory_space<vmem>>, vector<16xf32>,
      %mul3A_1545 = arith.mulf %get3A_1540, %get3A_1544 : vector<16xf32>
      %get3A_1546 = arith.constant 2 : i32
      %get3A_1547 = arith.index_cast %get3A_1546 : i32 to index
      %get3A_1548 = arith.constant 48 : index
      %get3A_1549 = tpu.vector_load %arg13[%get3A_1547, %get3A_1548] {strides = array<i32>} : memref<16x64xf32, #tpu.memory_space<vmem>>, vector<16xf32>,
      %mul3A_1550 = arith.mulf %mul3A_1545, %get3A_1549 : vector<16xf32>
      %add3A_1551 = arith.addf %add3A_1536, %mul3A_1550 : vector<16xf32>
      %reduce_sum3A_1552 = arith.constant true
      %reduce_sum3A_1553 = vector.broadcast %reduce_sum3A_1552 : i1 to vector<16xi1>
      %reduce_sum3A_1554 = tpu.scan <sum>, %add3A_1551 masked %reduce_sum3A_1553 : vector<16xf32>, vector<16xi1> -> vector<16xf32>
      %reduce_sum3A_1555 = vector.extract %reduce_sum3A_1554[15] : f32 from vector<16xf32>
      %eq3A_1556 = arith.constant 2 : i32
      %eq3A_1557 = vector.broadcast %eq3A_1556 : i32 to vector<16xi32>
      %eq3A_1558 = arith.cmpi eq, %iota3A, %eq3A_1557 : vector<16xi32>
      %broadcast_in_dim3A_1559 = vector.broadcast %reduce_sum3A_1555 : f32 to vector<16xf32>
      %select_n3A_1560 = arith.select %eq3A_1558, %broadcast_in_dim3A_1559, %select_n3A_1492 : vector<16xi1>, vector<16xf32>
      %get3A_1561 = arith.constant 3 : i32
      %get3A_1562 = arith.index_cast %get3A_1561 : i32 to index
      %get3A_1563 = arith.constant 0 : index
      %get3A_1564 = tpu.vector_load %arg11[%get3A_1562, %get3A_1563] {strides = array<i32>} : memref<16x64xf32, #tpu.memory_space<vmem>>, vector<16xf32>,
      %get3A_1565 = arith.constant 3 : i32
      %get3A_1566 = arith.index_cast %get3A_1565 : i32 to index
      %get3A_1567 = arith.constant 0 : index
      %get3A_1568 = tpu.vector_load %arg12[%get3A_1566, %get3A_1567] {strides = array<i32>} : memref<16x64xf32, #tpu.memory_space<vmem>>, vector<16xf32>,
      %mul3A_1569 = arith.mulf %get3A_1564, %get3A_1568 : vector<16xf32>
      %get3A_1570 = arith.constant 3 : i32
      %get3A_1571 = arith.index_cast %get3A_1570 : i32 to index
      %get3A_1572 = arith.constant 0 : index
      %get3A_1573 = tpu.vector_load %arg13[%get3A_1571, %get3A_1572] {strides = array<i32>} : memref<16x64xf32, #tpu.memory_space<vmem>>, vector<16xf32>,
      %mul3A_1574 = arith.mulf %mul3A_1569, %get3A_1573 : vector<16xf32>
      %get3A_1575 = arith.constant 3 : i32
      %get3A_1576 = arith.index_cast %get3A_1575 : i32 to index
      %get3A_1577 = arith.constant 16 : index
      %get3A_1578 = tpu.vector_load %arg11[%get3A_1576, %get3A_1577] {strides = array<i32>} : memref<16x64xf32, #tpu.memory_space<vmem>>, vector<16xf32>,
      %get3A_1579 = arith.constant 3 : i32
      %get3A_1580 = arith.index_cast %get3A_1579 : i32 to index
      %get3A_1581 = arith.constant 16 : index
      %get3A_1582 = tpu.vector_load %arg12[%get3A_1580, %get3A_1581] {strides = array<i32>} : memref<16x64xf32, #tpu.memory_space<vmem>>, vector<16xf32>,
      %mul3A_1583 = arith.mulf %get3A_1578, %get3A_1582 : vector<16xf32>
      %get3A_1584 = arith.constant 3 : i32
      %get3A_1585 = arith.index_cast %get3A_1584 : i32 to index
      %get3A_1586 = arith.constant 16 : index
      %get3A_1587 = tpu.vector_load %arg13[%get3A_1585, %get3A_1586] {strides = array<i32>} : memref<16x64xf32, #tpu.memory_space<vmem>>, vector<16xf32>,
      %mul3A_1588 = arith.mulf %mul3A_1583, %get3A_1587 : vector<16xf32>
      %add3A_1589 = arith.addf %mul3A_1574, %mul3A_1588 : vector<16xf32>
      %get3A_1590 = arith.constant 3 : i32
      %get3A_1591 = arith.index_cast %get3A_1590 : i32 to index
      %get3A_1592 = arith.constant 32 : index
      %get3A_1593 = tpu.vector_load %arg11[%get3A_1591, %get3A_1592] {strides = array<i32>} : memref<16x64xf32, #tpu.memory_space<vmem>>, vector<16xf32>,
      %get3A_1594 = arith.constant 3 : i32
      %get3A_1595 = arith.index_cast %get3A_1594 : i32 to index
      %get3A_1596 = arith.constant 32 : index
      %get3A_1597 = tpu.vector_load %arg12[%get3A_1595, %get3A_1596] {strides = array<i32>} : memref<16x64xf32, #tpu.memory_space<vmem>>, vector<16xf32>,
      %mul3A_1598 = arith.mulf %get3A_1593, %get3A_1597 : vector<16xf32>
      %get3A_1599 = arith.constant 3 : i32
      %get3A_1600 = arith.index_cast %get3A_1599 : i32 to index
      %get3A_1601 = arith.constant 32 : index
      %get3A_1602 = tpu.vector_load %arg13[%get3A_1600, %get3A_1601] {strides = array<i32>} : memref<16x64xf32, #tpu.memory_space<vmem>>, vector<16xf32>,
      %mul3A_1603 = arith.mulf %mul3A_1598, %get3A_1602 : vector<16xf32>
      %add3A_1604 = arith.addf %add3A_1589, %mul3A_1603 : vector<16xf32>
      %get3A_1605 = arith.constant 3 : i32
      %get3A_1606 = arith.index_cast %get3A_1605 : i32 to index
      %get3A_1607 = arith.constant 48 : index
      %get3A_1608 = tpu.vector_load %arg11[%get3A_1606, %get3A_1607] {strides = array<i32>} : memref<16x64xf32, #tpu.memory_space<vmem>>, vector<16xf32>,
      %get3A_1609 = arith.constant 3 : i32
      %get3A_1610 = arith.index_cast %get3A_1609 : i32 to index
      %get3A_1611 = arith.constant 48 : index
      %get3A_1612 = tpu.vector_load %arg12[%get3A_1610, %get3A_1611] {strides = array<i32>} : memref<16x64xf32, #tpu.memory_space<vmem>>, vector<16xf32>,
      %mul3A_1613 = arith.mulf %get3A_1608, %get3A_1612 : vector<16xf32>
      %get3A_1614 = arith.constant 3 : i32
      %get3A_1615 = arith.index_cast %get3A_1614 : i32 to index
      %get3A_1616 = arith.constant 48 : index
      %get3A_1617 = tpu.vector_load %arg13[%get3A_1615, %get3A_1616] {strides = array<i32>} : memref<16x64xf32, #tpu.memory_space<vmem>>, vector<16xf32>,
      %mul3A_1618 = arith.mulf %mul3A_1613, %get3A_1617 : vector<16xf32>
      %add3A_1619 = arith.addf %add3A_1604, %mul3A_1618 : vector<16xf32>
      %reduce_sum3A_1620 = arith.constant true
      %reduce_sum3A_1621 = vector.broadcast %reduce_sum3A_1620 : i1 to vector<16xi1>
      %reduce_sum3A_1622 = tpu.scan <sum>, %add3A_1619 masked %reduce_sum3A_1621 : vector<16xf32>, vector<16xi1> -> vector<16xf32>
      %reduce_sum3A_1623 = vector.extract %reduce_sum3A_1622[15] : f32 from vector<16xf32>
      %eq3A_1624 = arith.constant 3 : i32
      %eq3A_1625 = vector.broadcast %eq3A_1624 : i32 to vector<16xi32>
      %eq3A_1626 = arith.cmpi eq, %iota3A, %eq3A_1625 : vector<16xi32>
      %broadcast_in_dim3A_1627 = vector.broadcast %reduce_sum3A_1623 : f32 to vector<16xf32>
      %select_n3A_1628 = arith.select %eq3A_1626, %broadcast_in_dim3A_1627, %select_n3A_1560 : vector<16xi1>, vector<16xf32>
      %get3A_1629 = arith.constant 4 : i32
      %get3A_1630 = arith.index_cast %get3A_1629 : i32 to index
      %get3A_1631 = arith.constant 0 : index
      %get3A_1632 = tpu.vector_load %arg11[%get3A_1630, %get3A_1631] {strides = array<i32>} : memref<16x64xf32, #tpu.memory_space<vmem>>, vector<16xf32>,
      %get3A_1633 = arith.constant 4 : i32
      %get3A_1634 = arith.index_cast %get3A_1633 : i32 to index
      %get3A_1635 = arith.constant 0 : index
      %get3A_1636 = tpu.vector_load %arg12[%get3A_1634, %get3A_1635] {strides = array<i32>} : memref<16x64xf32, #tpu.memory_space<vmem>>, vector<16xf32>,
      %mul3A_1637 = arith.mulf %get3A_1632, %get3A_1636 : vector<16xf32>
      %get3A_1638 = arith.constant 4 : i32
      %get3A_1639 = arith.index_cast %get3A_1638 : i32 to index
      %get3A_1640 = arith.constant 0 : index
      %get3A_1641 = tpu.vector_load %arg13[%get3A_1639, %get3A_1640] {strides = array<i32>} : memref<16x64xf32, #tpu.memory_space<vmem>>, vector<16xf32>,
      %mul3A_1642 = arith.mulf %mul3A_1637, %get3A_1641 : vector<16xf32>
      %get3A_1643 = arith.constant 4 : i32
      %get3A_1644 = arith.index_cast %get3A_1643 : i32 to index
      %get3A_1645 = arith.constant 16 : index
      %get3A_1646 = tpu.vector_load %arg11[%get3A_1644, %get3A_1645] {strides = array<i32>} : memref<16x64xf32, #tpu.memory_space<vmem>>, vector<16xf32>,
      %get3A_1647 = arith.constant 4 : i32
      %get3A_1648 = arith.index_cast %get3A_1647 : i32 to index
      %get3A_1649 = arith.constant 16 : index
      %get3A_1650 = tpu.vector_load %arg12[%get3A_1648, %get3A_1649] {strides = array<i32>} : memref<16x64xf32, #tpu.memory_space<vmem>>, vector<16xf32>,
      %mul3A_1651 = arith.mulf %get3A_1646, %get3A_1650 : vector<16xf32>
      %get3A_1652 = arith.constant 4 : i32
      %get3A_1653 = arith.index_cast %get3A_1652 : i32 to index
      %get3A_1654 = arith.constant 16 : index
      %get3A_1655 = tpu.vector_load %arg13[%get3A_1653, %get3A_1654] {strides = array<i32>} : memref<16x64xf32, #tpu.memory_space<vmem>>, vector<16xf32>,
      %mul3A_1656 = arith.mulf %mul3A_1651, %get3A_1655 : vector<16xf32>
      %add3A_1657 = arith.addf %mul3A_1642, %mul3A_1656 : vector<16xf32>
      %get3A_1658 = arith.constant 4 : i32
      %get3A_1659 = arith.index_cast %get3A_1658 : i32 to index
      %get3A_1660 = arith.constant 32 : index
      %get3A_1661 = tpu.vector_load %arg11[%get3A_1659, %get3A_1660] {strides = array<i32>} : memref<16x64xf32, #tpu.memory_space<vmem>>, vector<16xf32>,
      %get3A_1662 = arith.constant 4 : i32
      %get3A_1663 = arith.index_cast %get3A_1662 : i32 to index
      %get3A_1664 = arith.constant 32 : index
      %get3A_1665 = tpu.vector_load %arg12[%get3A_1663, %get3A_1664] {strides = array<i32>} : memref<16x64xf32, #tpu.memory_space<vmem>>, vector<16xf32>,
      %mul3A_1666 = arith.mulf %get3A_1661, %get3A_1665 : vector<16xf32>
      %get3A_1667 = arith.constant 4 : i32
      %get3A_1668 = arith.index_cast %get3A_1667 : i32 to index
      %get3A_1669 = arith.constant 32 : index
      %get3A_1670 = tpu.vector_load %arg13[%get3A_1668, %get3A_1669] {strides = array<i32>} : memref<16x64xf32, #tpu.memory_space<vmem>>, vector<16xf32>,
      %mul3A_1671 = arith.mulf %mul3A_1666, %get3A_1670 : vector<16xf32>
      %add3A_1672 = arith.addf %add3A_1657, %mul3A_1671 : vector<16xf32>
      %get3A_1673 = arith.constant 4 : i32
      %get3A_1674 = arith.index_cast %get3A_1673 : i32 to index
      %get3A_1675 = arith.constant 48 : index
      %get3A_1676 = tpu.vector_load %arg11[%get3A_1674, %get3A_1675] {strides = array<i32>} : memref<16x64xf32, #tpu.memory_space<vmem>>, vector<16xf32>,
      %get3A_1677 = arith.constant 4 : i32
      %get3A_1678 = arith.index_cast %get3A_1677 : i32 to index
      %get3A_1679 = arith.constant 48 : index
      %get3A_1680 = tpu.vector_load %arg12[%get3A_1678, %get3A_1679] {strides = array<i32>} : memref<16x64xf32, #tpu.memory_space<vmem>>, vector<16xf32>,
      %mul3A_1681 = arith.mulf %get3A_1676, %get3A_1680 : vector<16xf32>
      %get3A_1682 = arith.constant 4 : i32
      %get3A_1683 = arith.index_cast %get3A_1682 : i32 to index
      %get3A_1684 = arith.constant 48 : index
      %get3A_1685 = tpu.vector_load %arg13[%get3A_1683, %get3A_1684] {strides = array<i32>} : memref<16x64xf32, #tpu.memory_space<vmem>>, vector<16xf32>,
      %mul3A_1686 = arith.mulf %mul3A_1681, %get3A_1685 : vector<16xf32>
      %add3A_1687 = arith.addf %add3A_1672, %mul3A_1686 : vector<16xf32>
      %reduce_sum3A_1688 = arith.constant true
      %reduce_sum3A_1689 = vector.broadcast %reduce_sum3A_1688 : i1 to vector<16xi1>
      %reduce_sum3A_1690 = tpu.scan <sum>, %add3A_1687 masked %reduce_sum3A_1689 : vector<16xf32>, vector<16xi1> -> vector<16xf32>
      %reduce_sum3A_1691 = vector.extract %reduce_sum3A_1690[15] : f32 from vector<16xf32>
      %eq3A_1692 = arith.constant 4 : i32
      %eq3A_1693 = vector.broadcast %eq3A_1692 : i32 to vector<16xi32>
      %eq3A_1694 = arith.cmpi eq, %iota3A, %eq3A_1693 : vector<16xi32>
      %broadcast_in_dim3A_1695 = vector.broadcast %reduce_sum3A_1691 : f32 to vector<16xf32>
      %select_n3A_1696 = arith.select %eq3A_1694, %broadcast_in_dim3A_1695, %select_n3A_1628 : vector<16xi1>, vector<16xf32>
      %get3A_1697 = arith.constant 5 : i32
      %get3A_1698 = arith.index_cast %get3A_1697 : i32 to index
      %get3A_1699 = arith.constant 0 : index
      %get3A_1700 = tpu.vector_load %arg11[%get3A_1698, %get3A_1699] {strides = array<i32>} : memref<16x64xf32, #tpu.memory_space<vmem>>, vector<16xf32>,
      %get3A_1701 = arith.constant 5 : i32
      %get3A_1702 = arith.index_cast %get3A_1701 : i32 to index
      %get3A_1703 = arith.constant 0 : index
      %get3A_1704 = tpu.vector_load %arg12[%get3A_1702, %get3A_1703] {strides = array<i32>} : memref<16x64xf32, #tpu.memory_space<vmem>>, vector<16xf32>,
      %mul3A_1705 = arith.mulf %get3A_1700, %get3A_1704 : vector<16xf32>
      %get3A_1706 = arith.constant 5 : i32
      %get3A_1707 = arith.index_cast %get3A_1706 : i32 to index
      %get3A_1708 = arith.constant 0 : index
      %get3A_1709 = tpu.vector_load %arg13[%get3A_1707, %get3A_1708] {strides = array<i32>} : memref<16x64xf32, #tpu.memory_space<vmem>>, vector<16xf32>,
      %mul3A_1710 = arith.mulf %mul3A_1705, %get3A_1709 : vector<16xf32>
      %get3A_1711 = arith.constant 5 : i32
      %get3A_1712 = arith.index_cast %get3A_1711 : i32 to index
      %get3A_1713 = arith.constant 16 : index
      %get3A_1714 = tpu.vector_load %arg11[%get3A_1712, %get3A_1713] {strides = array<i32>} : memref<16x64xf32, #tpu.memory_space<vmem>>, vector<16xf32>,
      %get3A_1715 = arith.constant 5 : i32
      %get3A_1716 = arith.index_cast %get3A_1715 : i32 to index
      %get3A_1717 = arith.constant 16 : index
      %get3A_1718 = tpu.vector_load %arg12[%get3A_1716, %get3A_1717] {strides = array<i32>} : memref<16x64xf32, #tpu.memory_space<vmem>>, vector<16xf32>,
      %mul3A_1719 = arith.mulf %get3A_1714, %get3A_1718 : vector<16xf32>
      %get3A_1720 = arith.constant 5 : i32
      %get3A_1721 = arith.index_cast %get3A_1720 : i32 to index
      %get3A_1722 = arith.constant 16 : index
      %get3A_1723 = tpu.vector_load %arg13[%get3A_1721, %get3A_1722] {strides = array<i32>} : memref<16x64xf32, #tpu.memory_space<vmem>>, vector<16xf32>,
      %mul3A_1724 = arith.mulf %mul3A_1719, %get3A_1723 : vector<16xf32>
      %add3A_1725 = arith.addf %mul3A_1710, %mul3A_1724 : vector<16xf32>
      %get3A_1726 = arith.constant 5 : i32
      %get3A_1727 = arith.index_cast %get3A_1726 : i32 to index
      %get3A_1728 = arith.constant 32 : index
      %get3A_1729 = tpu.vector_load %arg11[%get3A_1727, %get3A_1728] {strides = array<i32>} : memref<16x64xf32, #tpu.memory_space<vmem>>, vector<16xf32>,
      %get3A_1730 = arith.constant 5 : i32
      %get3A_1731 = arith.index_cast %get3A_1730 : i32 to index
      %get3A_1732 = arith.constant 32 : index
      %get3A_1733 = tpu.vector_load %arg12[%get3A_1731, %get3A_1732] {strides = array<i32>} : memref<16x64xf32, #tpu.memory_space<vmem>>, vector<16xf32>,
      %mul3A_1734 = arith.mulf %get3A_1729, %get3A_1733 : vector<16xf32>
      %get3A_1735 = arith.constant 5 : i32
      %get3A_1736 = arith.index_cast %get3A_1735 : i32 to index
      %get3A_1737 = arith.constant 32 : index
      %get3A_1738 = tpu.vector_load %arg13[%get3A_1736, %get3A_1737] {strides = array<i32>} : memref<16x64xf32, #tpu.memory_space<vmem>>, vector<16xf32>,
      %mul3A_1739 = arith.mulf %mul3A_1734, %get3A_1738 : vector<16xf32>
      %add3A_1740 = arith.addf %add3A_1725, %mul3A_1739 : vector<16xf32>
      %get3A_1741 = arith.constant 5 : i32
      %get3A_1742 = arith.index_cast %get3A_1741 : i32 to index
      %get3A_1743 = arith.constant 48 : index
      %get3A_1744 = tpu.vector_load %arg11[%get3A_1742, %get3A_1743] {strides = array<i32>} : memref<16x64xf32, #tpu.memory_space<vmem>>, vector<16xf32>,
      %get3A_1745 = arith.constant 5 : i32
      %get3A_1746 = arith.index_cast %get3A_1745 : i32 to index
      %get3A_1747 = arith.constant 48 : index
      %get3A_1748 = tpu.vector_load %arg12[%get3A_1746, %get3A_1747] {strides = array<i32>} : memref<16x64xf32, #tpu.memory_space<vmem>>, vector<16xf32>,
      %mul3A_1749 = arith.mulf %get3A_1744, %get3A_1748 : vector<16xf32>
      %get3A_1750 = arith.constant 5 : i32
      %get3A_1751 = arith.index_cast %get3A_1750 : i32 to index
      %get3A_1752 = arith.constant 48 : index
      %get3A_1753 = tpu.vector_load %arg13[%get3A_1751, %get3A_1752] {strides = array<i32>} : memref<16x64xf32, #tpu.memory_space<vmem>>, vector<16xf32>,
      %mul3A_1754 = arith.mulf %mul3A_1749, %get3A_1753 : vector<16xf32>
      %add3A_1755 = arith.addf %add3A_1740, %mul3A_1754 : vector<16xf32>
      %reduce_sum3A_1756 = arith.constant true
      %reduce_sum3A_1757 = vector.broadcast %reduce_sum3A_1756 : i1 to vector<16xi1>
      %reduce_sum3A_1758 = tpu.scan <sum>, %add3A_1755 masked %reduce_sum3A_1757 : vector<16xf32>, vector<16xi1> -> vector<16xf32>
      %reduce_sum3A_1759 = vector.extract %reduce_sum3A_1758[15] : f32 from vector<16xf32>
      %eq3A_1760 = arith.constant 5 : i32
      %eq3A_1761 = vector.broadcast %eq3A_1760 : i32 to vector<16xi32>
      %eq3A_1762 = arith.cmpi eq, %iota3A, %eq3A_1761 : vector<16xi32>
      %broadcast_in_dim3A_1763 = vector.broadcast %reduce_sum3A_1759 : f32 to vector<16xf32>
      %select_n3A_1764 = arith.select %eq3A_1762, %broadcast_in_dim3A_1763, %select_n3A_1696 : vector<16xi1>, vector<16xf32>
      %get3A_1765 = arith.constant 6 : i32
      %get3A_1766 = arith.index_cast %get3A_1765 : i32 to index
      %get3A_1767 = arith.constant 0 : index
      %get3A_1768 = tpu.vector_load %arg11[%get3A_1766, %get3A_1767] {strides = array<i32>} : memref<16x64xf32, #tpu.memory_space<vmem>>, vector<16xf32>,
      %get3A_1769 = arith.constant 6 : i32
      %get3A_1770 = arith.index_cast %get3A_1769 : i32 to index
      %get3A_1771 = arith.constant 0 : index
      %get3A_1772 = tpu.vector_load %arg12[%get3A_1770, %get3A_1771] {strides = array<i32>} : memref<16x64xf32, #tpu.memory_space<vmem>>, vector<16xf32>,
      %mul3A_1773 = arith.mulf %get3A_1768, %get3A_1772 : vector<16xf32>
      %get3A_1774 = arith.constant 6 : i32
      %get3A_1775 = arith.index_cast %get3A_1774 : i32 to index
      %get3A_1776 = arith.constant 0 : index
      %get3A_1777 = tpu.vector_load %arg13[%get3A_1775, %get3A_1776] {strides = array<i32>} : memref<16x64xf32, #tpu.memory_space<vmem>>, vector<16xf32>,
      %mul3A_1778 = arith.mulf %mul3A_1773, %get3A_1777 : vector<16xf32>
      %get3A_1779 = arith.constant 6 : i32
      %get3A_1780 = arith.index_cast %get3A_1779 : i32 to index
      %get3A_1781 = arith.constant 16 : index
      %get3A_1782 = tpu.vector_load %arg11[%get3A_1780, %get3A_1781] {strides = array<i32>} : memref<16x64xf32, #tpu.memory_space<vmem>>, vector<16xf32>,
      %get3A_1783 = arith.constant 6 : i32
      %get3A_1784 = arith.index_cast %get3A_1783 : i32 to index
      %get3A_1785 = arith.constant 16 : index
      %get3A_1786 = tpu.vector_load %arg12[%get3A_1784, %get3A_1785] {strides = array<i32>} : memref<16x64xf32, #tpu.memory_space<vmem>>, vector<16xf32>,
      %mul3A_1787 = arith.mulf %get3A_1782, %get3A_1786 : vector<16xf32>
      %get3A_1788 = arith.constant 6 : i32
      %get3A_1789 = arith.index_cast %get3A_1788 : i32 to index
      %get3A_1790 = arith.constant 16 : index
      %get3A_1791 = tpu.vector_load %arg13[%get3A_1789, %get3A_1790] {strides = array<i32>} : memref<16x64xf32, #tpu.memory_space<vmem>>, vector<16xf32>,
      %mul3A_1792 = arith.mulf %mul3A_1787, %get3A_1791 : vector<16xf32>
      %add3A_1793 = arith.addf %mul3A_1778, %mul3A_1792 : vector<16xf32>
      %get3A_1794 = arith.constant 6 : i32
      %get3A_1795 = arith.index_cast %get3A_1794 : i32 to index
      %get3A_1796 = arith.constant 32 : index
      %get3A_1797 = tpu.vector_load %arg11[%get3A_1795, %get3A_1796] {strides = array<i32>} : memref<16x64xf32, #tpu.memory_space<vmem>>, vector<16xf32>,
      %get3A_1798 = arith.constant 6 : i32
      %get3A_1799 = arith.index_cast %get3A_1798 : i32 to index
      %get3A_1800 = arith.constant 32 : index
      %get3A_1801 = tpu.vector_load %arg12[%get3A_1799, %get3A_1800] {strides = array<i32>} : memref<16x64xf32, #tpu.memory_space<vmem>>, vector<16xf32>,
      %mul3A_1802 = arith.mulf %get3A_1797, %get3A_1801 : vector<16xf32>
      %get3A_1803 = arith.constant 6 : i32
      %get3A_1804 = arith.index_cast %get3A_1803 : i32 to index
      %get3A_1805 = arith.constant 32 : index
      %get3A_1806 = tpu.vector_load %arg13[%get3A_1804, %get3A_1805] {strides = array<i32>} : memref<16x64xf32, #tpu.memory_space<vmem>>, vector<16xf32>,
      %mul3A_1807 = arith.mulf %mul3A_1802, %get3A_1806 : vector<16xf32>
      %add3A_1808 = arith.addf %add3A_1793, %mul3A_1807 : vector<16xf32>
      %get3A_1809 = arith.constant 6 : i32
      %get3A_1810 = arith.index_cast %get3A_1809 : i32 to index
      %get3A_1811 = arith.constant 48 : index
      %get3A_1812 = tpu.vector_load %arg11[%get3A_1810, %get3A_1811] {strides = array<i32>} : memref<16x64xf32, #tpu.memory_space<vmem>>, vector<16xf32>,
      %get3A_1813 = arith.constant 6 : i32
      %get3A_1814 = arith.index_cast %get3A_1813 : i32 to index
      %get3A_1815 = arith.constant 48 : index
      %get3A_1816 = tpu.vector_load %arg12[%get3A_1814, %get3A_1815] {strides = array<i32>} : memref<16x64xf32, #tpu.memory_space<vmem>>, vector<16xf32>,
      %mul3A_1817 = arith.mulf %get3A_1812, %get3A_1816 : vector<16xf32>
      %get3A_1818 = arith.constant 6 : i32
      %get3A_1819 = arith.index_cast %get3A_1818 : i32 to index
      %get3A_1820 = arith.constant 48 : index
      %get3A_1821 = tpu.vector_load %arg13[%get3A_1819, %get3A_1820] {strides = array<i32>} : memref<16x64xf32, #tpu.memory_space<vmem>>, vector<16xf32>,
      %mul3A_1822 = arith.mulf %mul3A_1817, %get3A_1821 : vector<16xf32>
      %add3A_1823 = arith.addf %add3A_1808, %mul3A_1822 : vector<16xf32>
      %reduce_sum3A_1824 = arith.constant true
      %reduce_sum3A_1825 = vector.broadcast %reduce_sum3A_1824 : i1 to vector<16xi1>
      %reduce_sum3A_1826 = tpu.scan <sum>, %add3A_1823 masked %reduce_sum3A_1825 : vector<16xf32>, vector<16xi1> -> vector<16xf32>
      %reduce_sum3A_1827 = vector.extract %reduce_sum3A_1826[15] : f32 from vector<16xf32>
      %eq3A_1828 = arith.constant 6 : i32
      %eq3A_1829 = vector.broadcast %eq3A_1828 : i32 to vector<16xi32>
      %eq3A_1830 = arith.cmpi eq, %iota3A, %eq3A_1829 : vector<16xi32>
      %broadcast_in_dim3A_1831 = vector.broadcast %reduce_sum3A_1827 : f32 to vector<16xf32>
      %select_n3A_1832 = arith.select %eq3A_1830, %broadcast_in_dim3A_1831, %select_n3A_1764 : vector<16xi1>, vector<16xf32>
      %get3A_1833 = arith.constant 7 : i32
      %get3A_1834 = arith.index_cast %get3A_1833 : i32 to index
      %get3A_1835 = arith.constant 0 : index
      %get3A_1836 = tpu.vector_load %arg11[%get3A_1834, %get3A_1835] {strides = array<i32>} : memref<16x64xf32, #tpu.memory_space<vmem>>, vector<16xf32>,
      %get3A_1837 = arith.constant 7 : i32
      %get3A_1838 = arith.index_cast %get3A_1837 : i32 to index
      %get3A_1839 = arith.constant 0 : index
      %get3A_1840 = tpu.vector_load %arg12[%get3A_1838, %get3A_1839] {strides = array<i32>} : memref<16x64xf32, #tpu.memory_space<vmem>>, vector<16xf32>,
      %mul3A_1841 = arith.mulf %get3A_1836, %get3A_1840 : vector<16xf32>
      %get3A_1842 = arith.constant 7 : i32
      %get3A_1843 = arith.index_cast %get3A_1842 : i32 to index
      %get3A_1844 = arith.constant 0 : index
      %get3A_1845 = tpu.vector_load %arg13[%get3A_1843, %get3A_1844] {strides = array<i32>} : memref<16x64xf32, #tpu.memory_space<vmem>>, vector<16xf32>,
      %mul3A_1846 = arith.mulf %mul3A_1841, %get3A_1845 : vector<16xf32>
      %get3A_1847 = arith.constant 7 : i32
      %get3A_1848 = arith.index_cast %get3A_1847 : i32 to index
      %get3A_1849 = arith.constant 16 : index
      %get3A_1850 = tpu.vector_load %arg11[%get3A_1848, %get3A_1849] {strides = array<i32>} : memref<16x64xf32, #tpu.memory_space<vmem>>, vector<16xf32>,
      %get3A_1851 = arith.constant 7 : i32
      %get3A_1852 = arith.index_cast %get3A_1851 : i32 to index
      %get3A_1853 = arith.constant 16 : index
      %get3A_1854 = tpu.vector_load %arg12[%get3A_1852, %get3A_1853] {strides = array<i32>} : memref<16x64xf32, #tpu.memory_space<vmem>>, vector<16xf32>,
      %mul3A_1855 = arith.mulf %get3A_1850, %get3A_1854 : vector<16xf32>
      %get3A_1856 = arith.constant 7 : i32
      %get3A_1857 = arith.index_cast %get3A_1856 : i32 to index
      %get3A_1858 = arith.constant 16 : index
      %get3A_1859 = tpu.vector_load %arg13[%get3A_1857, %get3A_1858] {strides = array<i32>} : memref<16x64xf32, #tpu.memory_space<vmem>>, vector<16xf32>,
      %mul3A_1860 = arith.mulf %mul3A_1855, %get3A_1859 : vector<16xf32>
      %add3A_1861 = arith.addf %mul3A_1846, %mul3A_1860 : vector<16xf32>
      %get3A_1862 = arith.constant 7 : i32
      %get3A_1863 = arith.index_cast %get3A_1862 : i32 to index
      %get3A_1864 = arith.constant 32 : index
      %get3A_1865 = tpu.vector_load %arg11[%get3A_1863, %get3A_1864] {strides = array<i32>} : memref<16x64xf32, #tpu.memory_space<vmem>>, vector<16xf32>,
      %get3A_1866 = arith.constant 7 : i32
      %get3A_1867 = arith.index_cast %get3A_1866 : i32 to index
      %get3A_1868 = arith.constant 32 : index
      %get3A_1869 = tpu.vector_load %arg12[%get3A_1867, %get3A_1868] {strides = array<i32>} : memref<16x64xf32, #tpu.memory_space<vmem>>, vector<16xf32>,
      %mul3A_1870 = arith.mulf %get3A_1865, %get3A_1869 : vector<16xf32>
      %get3A_1871 = arith.constant 7 : i32
      %get3A_1872 = arith.index_cast %get3A_1871 : i32 to index
      %get3A_1873 = arith.constant 32 : index
      %get3A_1874 = tpu.vector_load %arg13[%get3A_1872, %get3A_1873] {strides = array<i32>} : memref<16x64xf32, #tpu.memory_space<vmem>>, vector<16xf32>,
      %mul3A_1875 = arith.mulf %mul3A_1870, %get3A_1874 : vector<16xf32>
      %add3A_1876 = arith.addf %add3A_1861, %mul3A_1875 : vector<16xf32>
      %get3A_1877 = arith.constant 7 : i32
      %get3A_1878 = arith.index_cast %get3A_1877 : i32 to index
      %get3A_1879 = arith.constant 48 : index
      %get3A_1880 = tpu.vector_load %arg11[%get3A_1878, %get3A_1879] {strides = array<i32>} : memref<16x64xf32, #tpu.memory_space<vmem>>, vector<16xf32>,
      %get3A_1881 = arith.constant 7 : i32
      %get3A_1882 = arith.index_cast %get3A_1881 : i32 to index
      %get3A_1883 = arith.constant 48 : index
      %get3A_1884 = tpu.vector_load %arg12[%get3A_1882, %get3A_1883] {strides = array<i32>} : memref<16x64xf32, #tpu.memory_space<vmem>>, vector<16xf32>,
      %mul3A_1885 = arith.mulf %get3A_1880, %get3A_1884 : vector<16xf32>
      %get3A_1886 = arith.constant 7 : i32
      %get3A_1887 = arith.index_cast %get3A_1886 : i32 to index
      %get3A_1888 = arith.constant 48 : index
      %get3A_1889 = tpu.vector_load %arg13[%get3A_1887, %get3A_1888] {strides = array<i32>} : memref<16x64xf32, #tpu.memory_space<vmem>>, vector<16xf32>,
      %mul3A_1890 = arith.mulf %mul3A_1885, %get3A_1889 : vector<16xf32>
      %add3A_1891 = arith.addf %add3A_1876, %mul3A_1890 : vector<16xf32>
      %reduce_sum3A_1892 = arith.constant true
      %reduce_sum3A_1893 = vector.broadcast %reduce_sum3A_1892 : i1 to vector<16xi1>
      %reduce_sum3A_1894 = tpu.scan <sum>, %add3A_1891 masked %reduce_sum3A_1893 : vector<16xf32>, vector<16xi1> -> vector<16xf32>
      %reduce_sum3A_1895 = vector.extract %reduce_sum3A_1894[15] : f32 from vector<16xf32>
      %eq3A_1896 = arith.constant 7 : i32
      %eq3A_1897 = vector.broadcast %eq3A_1896 : i32 to vector<16xi32>
      %eq3A_1898 = arith.cmpi eq, %iota3A, %eq3A_1897 : vector<16xi32>
      %broadcast_in_dim3A_1899 = vector.broadcast %reduce_sum3A_1895 : f32 to vector<16xf32>
      %select_n3A_1900 = arith.select %eq3A_1898, %broadcast_in_dim3A_1899, %select_n3A_1832 : vector<16xi1>, vector<16xf32>
      %get3A_1901 = arith.constant 8 : i32
      %get3A_1902 = arith.index_cast %get3A_1901 : i32 to index
      %get3A_1903 = arith.constant 0 : index
      %get3A_1904 = tpu.vector_load %arg11[%get3A_1902, %get3A_1903] {strides = array<i32>} : memref<16x64xf32, #tpu.memory_space<vmem>>, vector<16xf32>,
      %get3A_1905 = arith.constant 8 : i32
      %get3A_1906 = arith.index_cast %get3A_1905 : i32 to index
      %get3A_1907 = arith.constant 0 : index
      %get3A_1908 = tpu.vector_load %arg12[%get3A_1906, %get3A_1907] {strides = array<i32>} : memref<16x64xf32, #tpu.memory_space<vmem>>, vector<16xf32>,
      %mul3A_1909 = arith.mulf %get3A_1904, %get3A_1908 : vector<16xf32>
      %get3A_1910 = arith.constant 8 : i32
      %get3A_1911 = arith.index_cast %get3A_1910 : i32 to index
      %get3A_1912 = arith.constant 0 : index
      %get3A_1913 = tpu.vector_load %arg13[%get3A_1911, %get3A_1912] {strides = array<i32>} : memref<16x64xf32, #tpu.memory_space<vmem>>, vector<16xf32>,
      %mul3A_1914 = arith.mulf %mul3A_1909, %get3A_1913 : vector<16xf32>
      %get3A_1915 = arith.constant 8 : i32
      %get3A_1916 = arith.index_cast %get3A_1915 : i32 to index
      %get3A_1917 = arith.constant 16 : index
      %get3A_1918 = tpu.vector_load %arg11[%get3A_1916, %get3A_1917] {strides = array<i32>} : memref<16x64xf32, #tpu.memory_space<vmem>>, vector<16xf32>,
      %get3A_1919 = arith.constant 8 : i32
      %get3A_1920 = arith.index_cast %get3A_1919 : i32 to index
      %get3A_1921 = arith.constant 16 : index
      %get3A_1922 = tpu.vector_load %arg12[%get3A_1920, %get3A_1921] {strides = array<i32>} : memref<16x64xf32, #tpu.memory_space<vmem>>, vector<16xf32>,
      %mul3A_1923 = arith.mulf %get3A_1918, %get3A_1922 : vector<16xf32>
      %get3A_1924 = arith.constant 8 : i32
      %get3A_1925 = arith.index_cast %get3A_1924 : i32 to index
      %get3A_1926 = arith.constant 16 : index
      %get3A_1927 = tpu.vector_load %arg13[%get3A_1925, %get3A_1926] {strides = array<i32>} : memref<16x64xf32, #tpu.memory_space<vmem>>, vector<16xf32>,
      %mul3A_1928 = arith.mulf %mul3A_1923, %get3A_1927 : vector<16xf32>
      %add3A_1929 = arith.addf %mul3A_1914, %mul3A_1928 : vector<16xf32>
      %get3A_1930 = arith.constant 8 : i32
      %get3A_1931 = arith.index_cast %get3A_1930 : i32 to index
      %get3A_1932 = arith.constant 32 : index
      %get3A_1933 = tpu.vector_load %arg11[%get3A_1931, %get3A_1932] {strides = array<i32>} : memref<16x64xf32, #tpu.memory_space<vmem>>, vector<16xf32>,
      %get3A_1934 = arith.constant 8 : i32
      %get3A_1935 = arith.index_cast %get3A_1934 : i32 to index
      %get3A_1936 = arith.constant 32 : index
      %get3A_1937 = tpu.vector_load %arg12[%get3A_1935, %get3A_1936] {strides = array<i32>} : memref<16x64xf32, #tpu.memory_space<vmem>>, vector<16xf32>,
      %mul3A_1938 = arith.mulf %get3A_1933, %get3A_1937 : vector<16xf32>
      %get3A_1939 = arith.constant 8 : i32
      %get3A_1940 = arith.index_cast %get3A_1939 : i32 to index
      %get3A_1941 = arith.constant 32 : index
      %get3A_1942 = tpu.vector_load %arg13[%get3A_1940, %get3A_1941] {strides = array<i32>} : memref<16x64xf32, #tpu.memory_space<vmem>>, vector<16xf32>,
      %mul3A_1943 = arith.mulf %mul3A_1938, %get3A_1942 : vector<16xf32>
      %add3A_1944 = arith.addf %add3A_1929, %mul3A_1943 : vector<16xf32>
      %get3A_1945 = arith.constant 8 : i32
      %get3A_1946 = arith.index_cast %get3A_1945 : i32 to index
      %get3A_1947 = arith.constant 48 : index
      %get3A_1948 = tpu.vector_load %arg11[%get3A_1946, %get3A_1947] {strides = array<i32>} : memref<16x64xf32, #tpu.memory_space<vmem>>, vector<16xf32>,
      %get3A_1949 = arith.constant 8 : i32
      %get3A_1950 = arith.index_cast %get3A_1949 : i32 to index
      %get3A_1951 = arith.constant 48 : index
      %get3A_1952 = tpu.vector_load %arg12[%get3A_1950, %get3A_1951] {strides = array<i32>} : memref<16x64xf32, #tpu.memory_space<vmem>>, vector<16xf32>,
      %mul3A_1953 = arith.mulf %get3A_1948, %get3A_1952 : vector<16xf32>
      %get3A_1954 = arith.constant 8 : i32
      %get3A_1955 = arith.index_cast %get3A_1954 : i32 to index
      %get3A_1956 = arith.constant 48 : index
      %get3A_1957 = tpu.vector_load %arg13[%get3A_1955, %get3A_1956] {strides = array<i32>} : memref<16x64xf32, #tpu.memory_space<vmem>>, vector<16xf32>,
      %mul3A_1958 = arith.mulf %mul3A_1953, %get3A_1957 : vector<16xf32>
      %add3A_1959 = arith.addf %add3A_1944, %mul3A_1958 : vector<16xf32>
      %reduce_sum3A_1960 = arith.constant true
      %reduce_sum3A_1961 = vector.broadcast %reduce_sum3A_1960 : i1 to vector<16xi1>
      %reduce_sum3A_1962 = tpu.scan <sum>, %add3A_1959 masked %reduce_sum3A_1961 : vector<16xf32>, vector<16xi1> -> vector<16xf32>
      %reduce_sum3A_1963 = vector.extract %reduce_sum3A_1962[15] : f32 from vector<16xf32>
      %eq3A_1964 = arith.constant 8 : i32
      %eq3A_1965 = vector.broadcast %eq3A_1964 : i32 to vector<16xi32>
      %eq3A_1966 = arith.cmpi eq, %iota3A, %eq3A_1965 : vector<16xi32>
      %broadcast_in_dim3A_1967 = vector.broadcast %reduce_sum3A_1963 : f32 to vector<16xf32>
      %select_n3A_1968 = arith.select %eq3A_1966, %broadcast_in_dim3A_1967, %select_n3A_1900 : vector<16xi1>, vector<16xf32>
      %get3A_1969 = arith.constant 9 : i32
      %get3A_1970 = arith.index_cast %get3A_1969 : i32 to index
      %get3A_1971 = arith.constant 0 : index
      %get3A_1972 = tpu.vector_load %arg11[%get3A_1970, %get3A_1971] {strides = array<i32>} : memref<16x64xf32, #tpu.memory_space<vmem>>, vector<16xf32>,
      %get3A_1973 = arith.constant 9 : i32
      %get3A_1974 = arith.index_cast %get3A_1973 : i32 to index
      %get3A_1975 = arith.constant 0 : index
      %get3A_1976 = tpu.vector_load %arg12[%get3A_1974, %get3A_1975] {strides = array<i32>} : memref<16x64xf32, #tpu.memory_space<vmem>>, vector<16xf32>,
      %mul3A_1977 = arith.mulf %get3A_1972, %get3A_1976 : vector<16xf32>
      %get3A_1978 = arith.constant 9 : i32
      %get3A_1979 = arith.index_cast %get3A_1978 : i32 to index
      %get3A_1980 = arith.constant 0 : index
      %get3A_1981 = tpu.vector_load %arg13[%get3A_1979, %get3A_1980] {strides = array<i32>} : memref<16x64xf32, #tpu.memory_space<vmem>>, vector<16xf32>,
      %mul3A_1982 = arith.mulf %mul3A_1977, %get3A_1981 : vector<16xf32>
      %get3A_1983 = arith.constant 9 : i32
      %get3A_1984 = arith.index_cast %get3A_1983 : i32 to index
      %get3A_1985 = arith.constant 16 : index
      %get3A_1986 = tpu.vector_load %arg11[%get3A_1984, %get3A_1985] {strides = array<i32>} : memref<16x64xf32, #tpu.memory_space<vmem>>, vector<16xf32>,
      %get3A_1987 = arith.constant 9 : i32
      %get3A_1988 = arith.index_cast %get3A_1987 : i32 to index
      %get3A_1989 = arith.constant 16 : index
      %get3A_1990 = tpu.vector_load %arg12[%get3A_1988, %get3A_1989] {strides = array<i32>} : memref<16x64xf32, #tpu.memory_space<vmem>>, vector<16xf32>,
      %mul3A_1991 = arith.mulf %get3A_1986, %get3A_1990 : vector<16xf32>
      %get3A_1992 = arith.constant 9 : i32
      %get3A_1993 = arith.index_cast %get3A_1992 : i32 to index
      %get3A_1994 = arith.constant 16 : index
      %get3A_1995 = tpu.vector_load %arg13[%get3A_1993, %get3A_1994] {strides = array<i32>} : memref<16x64xf32, #tpu.memory_space<vmem>>, vector<16xf32>,
      %mul3A_1996 = arith.mulf %mul3A_1991, %get3A_1995 : vector<16xf32>
      %add3A_1997 = arith.addf %mul3A_1982, %mul3A_1996 : vector<16xf32>
      %get3A_1998 = arith.constant 9 : i32
      %get3A_1999 = arith.index_cast %get3A_1998 : i32 to index
      %get3A_2000 = arith.constant 32 : index
      %get3A_2001 = tpu.vector_load %arg11[%get3A_1999, %get3A_2000] {strides = array<i32>} : memref<16x64xf32, #tpu.memory_space<vmem>>, vector<16xf32>,
      %get3A_2002 = arith.constant 9 : i32
      %get3A_2003 = arith.index_cast %get3A_2002 : i32 to index
      %get3A_2004 = arith.constant 32 : index
      %get3A_2005 = tpu.vector_load %arg12[%get3A_2003, %get3A_2004] {strides = array<i32>} : memref<16x64xf32, #tpu.memory_space<vmem>>, vector<16xf32>,
      %mul3A_2006 = arith.mulf %get3A_2001, %get3A_2005 : vector<16xf32>
      %get3A_2007 = arith.constant 9 : i32
      %get3A_2008 = arith.index_cast %get3A_2007 : i32 to index
      %get3A_2009 = arith.constant 32 : index
      %get3A_2010 = tpu.vector_load %arg13[%get3A_2008, %get3A_2009] {strides = array<i32>} : memref<16x64xf32, #tpu.memory_space<vmem>>, vector<16xf32>,
      %mul3A_2011 = arith.mulf %mul3A_2006, %get3A_2010 : vector<16xf32>
      %add3A_2012 = arith.addf %add3A_1997, %mul3A_2011 : vector<16xf32>
      %get3A_2013 = arith.constant 9 : i32
      %get3A_2014 = arith.index_cast %get3A_2013 : i32 to index
      %get3A_2015 = arith.constant 48 : index
      %get3A_2016 = tpu.vector_load %arg11[%get3A_2014, %get3A_2015] {strides = array<i32>} : memref<16x64xf32, #tpu.memory_space<vmem>>, vector<16xf32>,
      %get3A_2017 = arith.constant 9 : i32
      %get3A_2018 = arith.index_cast %get3A_2017 : i32 to index
      %get3A_2019 = arith.constant 48 : index
      %get3A_2020 = tpu.vector_load %arg12[%get3A_2018, %get3A_2019] {strides = array<i32>} : memref<16x64xf32, #tpu.memory_space<vmem>>, vector<16xf32>,
      %mul3A_2021 = arith.mulf %get3A_2016, %get3A_2020 : vector<16xf32>
      %get3A_2022 = arith.constant 9 : i32
      %get3A_2023 = arith.index_cast %get3A_2022 : i32 to index
      %get3A_2024 = arith.constant 48 : index
      %get3A_2025 = tpu.vector_load %arg13[%get3A_2023, %get3A_2024] {strides = array<i32>} : memref<16x64xf32, #tpu.memory_space<vmem>>, vector<16xf32>,
      %mul3A_2026 = arith.mulf %mul3A_2021, %get3A_2025 : vector<16xf32>
      %add3A_2027 = arith.addf %add3A_2012, %mul3A_2026 : vector<16xf32>
      %reduce_sum3A_2028 = arith.constant true
      %reduce_sum3A_2029 = vector.broadcast %reduce_sum3A_2028 : i1 to vector<16xi1>
      %reduce_sum3A_2030 = tpu.scan <sum>, %add3A_2027 masked %reduce_sum3A_2029 : vector<16xf32>, vector<16xi1> -> vector<16xf32>
      %reduce_sum3A_2031 = vector.extract %reduce_sum3A_2030[15] : f32 from vector<16xf32>
      %eq3A_2032 = arith.constant 9 : i32
      %eq3A_2033 = vector.broadcast %eq3A_2032 : i32 to vector<16xi32>
      %eq3A_2034 = arith.cmpi eq, %iota3A, %eq3A_2033 : vector<16xi32>
      %broadcast_in_dim3A_2035 = vector.broadcast %reduce_sum3A_2031 : f32 to vector<16xf32>
      %select_n3A_2036 = arith.select %eq3A_2034, %broadcast_in_dim3A_2035, %select_n3A_1968 : vector<16xi1>, vector<16xf32>
      %get3A_2037 = arith.constant 10 : i32
      %get3A_2038 = arith.index_cast %get3A_2037 : i32 to index
      %get3A_2039 = arith.constant 0 : index
      %get3A_2040 = tpu.vector_load %arg11[%get3A_2038, %get3A_2039] {strides = array<i32>} : memref<16x64xf32, #tpu.memory_space<vmem>>, vector<16xf32>,
      %get3A_2041 = arith.constant 10 : i32
      %get3A_2042 = arith.index_cast %get3A_2041 : i32 to index
      %get3A_2043 = arith.constant 0 : index
      %get3A_2044 = tpu.vector_load %arg12[%get3A_2042, %get3A_2043] {strides = array<i32>} : memref<16x64xf32, #tpu.memory_space<vmem>>, vector<16xf32>,
      %mul3A_2045 = arith.mulf %get3A_2040, %get3A_2044 : vector<16xf32>
      %get3A_2046 = arith.constant 10 : i32
      %get3A_2047 = arith.index_cast %get3A_2046 : i32 to index
      %get3A_2048 = arith.constant 0 : index
      %get3A_2049 = tpu.vector_load %arg13[%get3A_2047, %get3A_2048] {strides = array<i32>} : memref<16x64xf32, #tpu.memory_space<vmem>>, vector<16xf32>,
      %mul3A_2050 = arith.mulf %mul3A_2045, %get3A_2049 : vector<16xf32>
      %get3A_2051 = arith.constant 10 : i32
      %get3A_2052 = arith.index_cast %get3A_2051 : i32 to index
      %get3A_2053 = arith.constant 16 : index
      %get3A_2054 = tpu.vector_load %arg11[%get3A_2052, %get3A_2053] {strides = array<i32>} : memref<16x64xf32, #tpu.memory_space<vmem>>, vector<16xf32>,
      %get3A_2055 = arith.constant 10 : i32
      %get3A_2056 = arith.index_cast %get3A_2055 : i32 to index
      %get3A_2057 = arith.constant 16 : index
      %get3A_2058 = tpu.vector_load %arg12[%get3A_2056, %get3A_2057] {strides = array<i32>} : memref<16x64xf32, #tpu.memory_space<vmem>>, vector<16xf32>,
      %mul3A_2059 = arith.mulf %get3A_2054, %get3A_2058 : vector<16xf32>
      %get3A_2060 = arith.constant 10 : i32
      %get3A_2061 = arith.index_cast %get3A_2060 : i32 to index
      %get3A_2062 = arith.constant 16 : index
      %get3A_2063 = tpu.vector_load %arg13[%get3A_2061, %get3A_2062] {strides = array<i32>} : memref<16x64xf32, #tpu.memory_space<vmem>>, vector<16xf32>,
      %mul3A_2064 = arith.mulf %mul3A_2059, %get3A_2063 : vector<16xf32>
      %add3A_2065 = arith.addf %mul3A_2050, %mul3A_2064 : vector<16xf32>
      %get3A_2066 = arith.constant 10 : i32
      %get3A_2067 = arith.index_cast %get3A_2066 : i32 to index
      %get3A_2068 = arith.constant 32 : index
      %get3A_2069 = tpu.vector_load %arg11[%get3A_2067, %get3A_2068] {strides = array<i32>} : memref<16x64xf32, #tpu.memory_space<vmem>>, vector<16xf32>,
      %get3A_2070 = arith.constant 10 : i32
      %get3A_2071 = arith.index_cast %get3A_2070 : i32 to index
      %get3A_2072 = arith.constant 32 : index
      %get3A_2073 = tpu.vector_load %arg12[%get3A_2071, %get3A_2072] {strides = array<i32>} : memref<16x64xf32, #tpu.memory_space<vmem>>, vector<16xf32>,
      %mul3A_2074 = arith.mulf %get3A_2069, %get3A_2073 : vector<16xf32>
      %get3A_2075 = arith.constant 10 : i32
      %get3A_2076 = arith.index_cast %get3A_2075 : i32 to index
      %get3A_2077 = arith.constant 32 : index
      %get3A_2078 = tpu.vector_load %arg13[%get3A_2076, %get3A_2077] {strides = array<i32>} : memref<16x64xf32, #tpu.memory_space<vmem>>, vector<16xf32>,
      %mul3A_2079 = arith.mulf %mul3A_2074, %get3A_2078 : vector<16xf32>
      %add3A_2080 = arith.addf %add3A_2065, %mul3A_2079 : vector<16xf32>
      %get3A_2081 = arith.constant 10 : i32
      %get3A_2082 = arith.index_cast %get3A_2081 : i32 to index
      %get3A_2083 = arith.constant 48 : index
      %get3A_2084 = tpu.vector_load %arg11[%get3A_2082, %get3A_2083] {strides = array<i32>} : memref<16x64xf32, #tpu.memory_space<vmem>>, vector<16xf32>,
      %get3A_2085 = arith.constant 10 : i32
      %get3A_2086 = arith.index_cast %get3A_2085 : i32 to index
      %get3A_2087 = arith.constant 48 : index
      %get3A_2088 = tpu.vector_load %arg12[%get3A_2086, %get3A_2087] {strides = array<i32>} : memref<16x64xf32, #tpu.memory_space<vmem>>, vector<16xf32>,
      %mul3A_2089 = arith.mulf %get3A_2084, %get3A_2088 : vector<16xf32>
      %get3A_2090 = arith.constant 10 : i32
      %get3A_2091 = arith.index_cast %get3A_2090 : i32 to index
      %get3A_2092 = arith.constant 48 : index
      %get3A_2093 = tpu.vector_load %arg13[%get3A_2091, %get3A_2092] {strides = array<i32>} : memref<16x64xf32, #tpu.memory_space<vmem>>, vector<16xf32>,
      %mul3A_2094 = arith.mulf %mul3A_2089, %get3A_2093 : vector<16xf32>
      %add3A_2095 = arith.addf %add3A_2080, %mul3A_2094 : vector<16xf32>
      %reduce_sum3A_2096 = arith.constant true
      %reduce_sum3A_2097 = vector.broadcast %reduce_sum3A_2096 : i1 to vector<16xi1>
      %reduce_sum3A_2098 = tpu.scan <sum>, %add3A_2095 masked %reduce_sum3A_2097 : vector<16xf32>, vector<16xi1> -> vector<16xf32>
      %reduce_sum3A_2099 = vector.extract %reduce_sum3A_2098[15] : f32 from vector<16xf32>
      %eq3A_2100 = arith.constant 10 : i32
      %eq3A_2101 = vector.broadcast %eq3A_2100 : i32 to vector<16xi32>
      %eq3A_2102 = arith.cmpi eq, %iota3A, %eq3A_2101 : vector<16xi32>
      %broadcast_in_dim3A_2103 = vector.broadcast %reduce_sum3A_2099 : f32 to vector<16xf32>
      %select_n3A_2104 = arith.select %eq3A_2102, %broadcast_in_dim3A_2103, %select_n3A_2036 : vector<16xi1>, vector<16xf32>
      %get3A_2105 = arith.constant 11 : i32
      %get3A_2106 = arith.index_cast %get3A_2105 : i32 to index
      %get3A_2107 = arith.constant 0 : index
      %get3A_2108 = tpu.vector_load %arg11[%get3A_2106, %get3A_2107] {strides = array<i32>} : memref<16x64xf32, #tpu.memory_space<vmem>>, vector<16xf32>,
      %get3A_2109 = arith.constant 11 : i32
      %get3A_2110 = arith.index_cast %get3A_2109 : i32 to index
      %get3A_2111 = arith.constant 0 : index
      %get3A_2112 = tpu.vector_load %arg12[%get3A_2110, %get3A_2111] {strides = array<i32>} : memref<16x64xf32, #tpu.memory_space<vmem>>, vector<16xf32>,
      %mul3A_2113 = arith.mulf %get3A_2108, %get3A_2112 : vector<16xf32>
      %get3A_2114 = arith.constant 11 : i32
      %get3A_2115 = arith.index_cast %get3A_2114 : i32 to index
      %get3A_2116 = arith.constant 0 : index
      %get3A_2117 = tpu.vector_load %arg13[%get3A_2115, %get3A_2116] {strides = array<i32>} : memref<16x64xf32, #tpu.memory_space<vmem>>, vector<16xf32>,
      %mul3A_2118 = arith.mulf %mul3A_2113, %get3A_2117 : vector<16xf32>
      %get3A_2119 = arith.constant 11 : i32
      %get3A_2120 = arith.index_cast %get3A_2119 : i32 to index
      %get3A_2121 = arith.constant 16 : index
      %get3A_2122 = tpu.vector_load %arg11[%get3A_2120, %get3A_2121] {strides = array<i32>} : memref<16x64xf32, #tpu.memory_space<vmem>>, vector<16xf32>,
      %get3A_2123 = arith.constant 11 : i32
      %get3A_2124 = arith.index_cast %get3A_2123 : i32 to index
      %get3A_2125 = arith.constant 16 : index
      %get3A_2126 = tpu.vector_load %arg12[%get3A_2124, %get3A_2125] {strides = array<i32>} : memref<16x64xf32, #tpu.memory_space<vmem>>, vector<16xf32>,
      %mul3A_2127 = arith.mulf %get3A_2122, %get3A_2126 : vector<16xf32>
      %get3A_2128 = arith.constant 11 : i32
      %get3A_2129 = arith.index_cast %get3A_2128 : i32 to index
      %get3A_2130 = arith.constant 16 : index
      %get3A_2131 = tpu.vector_load %arg13[%get3A_2129, %get3A_2130] {strides = array<i32>} : memref<16x64xf32, #tpu.memory_space<vmem>>, vector<16xf32>,
      %mul3A_2132 = arith.mulf %mul3A_2127, %get3A_2131 : vector<16xf32>
      %add3A_2133 = arith.addf %mul3A_2118, %mul3A_2132 : vector<16xf32>
      %get3A_2134 = arith.constant 11 : i32
      %get3A_2135 = arith.index_cast %get3A_2134 : i32 to index
      %get3A_2136 = arith.constant 32 : index
      %get3A_2137 = tpu.vector_load %arg11[%get3A_2135, %get3A_2136] {strides = array<i32>} : memref<16x64xf32, #tpu.memory_space<vmem>>, vector<16xf32>,
      %get3A_2138 = arith.constant 11 : i32
      %get3A_2139 = arith.index_cast %get3A_2138 : i32 to index
      %get3A_2140 = arith.constant 32 : index
      %get3A_2141 = tpu.vector_load %arg12[%get3A_2139, %get3A_2140] {strides = array<i32>} : memref<16x64xf32, #tpu.memory_space<vmem>>, vector<16xf32>,
      %mul3A_2142 = arith.mulf %get3A_2137, %get3A_2141 : vector<16xf32>
      %get3A_2143 = arith.constant 11 : i32
      %get3A_2144 = arith.index_cast %get3A_2143 : i32 to index
      %get3A_2145 = arith.constant 32 : index
      %get3A_2146 = tpu.vector_load %arg13[%get3A_2144, %get3A_2145] {strides = array<i32>} : memref<16x64xf32, #tpu.memory_space<vmem>>, vector<16xf32>,
      %mul3A_2147 = arith.mulf %mul3A_2142, %get3A_2146 : vector<16xf32>
      %add3A_2148 = arith.addf %add3A_2133, %mul3A_2147 : vector<16xf32>
      %get3A_2149 = arith.constant 11 : i32
      %get3A_2150 = arith.index_cast %get3A_2149 : i32 to index
      %get3A_2151 = arith.constant 48 : index
      %get3A_2152 = tpu.vector_load %arg11[%get3A_2150, %get3A_2151] {strides = array<i32>} : memref<16x64xf32, #tpu.memory_space<vmem>>, vector<16xf32>,
      %get3A_2153 = arith.constant 11 : i32
      %get3A_2154 = arith.index_cast %get3A_2153 : i32 to index
      %get3A_2155 = arith.constant 48 : index
      %get3A_2156 = tpu.vector_load %arg12[%get3A_2154, %get3A_2155] {strides = array<i32>} : memref<16x64xf32, #tpu.memory_space<vmem>>, vector<16xf32>,
      %mul3A_2157 = arith.mulf %get3A_2152, %get3A_2156 : vector<16xf32>
      %get3A_2158 = arith.constant 11 : i32
      %get3A_2159 = arith.index_cast %get3A_2158 : i32 to index
      %get3A_2160 = arith.constant 48 : index
      %get3A_2161 = tpu.vector_load %arg13[%get3A_2159, %get3A_2160] {strides = array<i32>} : memref<16x64xf32, #tpu.memory_space<vmem>>, vector<16xf32>,
      %mul3A_2162 = arith.mulf %mul3A_2157, %get3A_2161 : vector<16xf32>
      %add3A_2163 = arith.addf %add3A_2148, %mul3A_2162 : vector<16xf32>
      %reduce_sum3A_2164 = arith.constant true
      %reduce_sum3A_2165 = vector.broadcast %reduce_sum3A_2164 : i1 to vector<16xi1>
      %reduce_sum3A_2166 = tpu.scan <sum>, %add3A_2163 masked %reduce_sum3A_2165 : vector<16xf32>, vector<16xi1> -> vector<16xf32>
      %reduce_sum3A_2167 = vector.extract %reduce_sum3A_2166[15] : f32 from vector<16xf32>
      %eq3A_2168 = arith.constant 11 : i32
      %eq3A_2169 = vector.broadcast %eq3A_2168 : i32 to vector<16xi32>
      %eq3A_2170 = arith.cmpi eq, %iota3A, %eq3A_2169 : vector<16xi32>
      %broadcast_in_dim3A_2171 = vector.broadcast %reduce_sum3A_2167 : f32 to vector<16xf32>
      %select_n3A_2172 = arith.select %eq3A_2170, %broadcast_in_dim3A_2171, %select_n3A_2104 : vector<16xi1>, vector<16xf32>
      %get3A_2173 = arith.constant 12 : i32
      %get3A_2174 = arith.index_cast %get3A_2173 : i32 to index
      %get3A_2175 = arith.constant 0 : index
      %get3A_2176 = tpu.vector_load %arg11[%get3A_2174, %get3A_2175] {strides = array<i32>} : memref<16x64xf32, #tpu.memory_space<vmem>>, vector<16xf32>,
      %get3A_2177 = arith.constant 12 : i32
      %get3A_2178 = arith.index_cast %get3A_2177 : i32 to index
      %get3A_2179 = arith.constant 0 : index
      %get3A_2180 = tpu.vector_load %arg12[%get3A_2178, %get3A_2179] {strides = array<i32>} : memref<16x64xf32, #tpu.memory_space<vmem>>, vector<16xf32>,
      %mul3A_2181 = arith.mulf %get3A_2176, %get3A_2180 : vector<16xf32>
      %get3A_2182 = arith.constant 12 : i32
      %get3A_2183 = arith.index_cast %get3A_2182 : i32 to index
      %get3A_2184 = arith.constant 0 : index
      %get3A_2185 = tpu.vector_load %arg13[%get3A_2183, %get3A_2184] {strides = array<i32>} : memref<16x64xf32, #tpu.memory_space<vmem>>, vector<16xf32>,
      %mul3A_2186 = arith.mulf %mul3A_2181, %get3A_2185 : vector<16xf32>
      %get3A_2187 = arith.constant 12 : i32
      %get3A_2188 = arith.index_cast %get3A_2187 : i32 to index
      %get3A_2189 = arith.constant 16 : index
      %get3A_2190 = tpu.vector_load %arg11[%get3A_2188, %get3A_2189] {strides = array<i32>} : memref<16x64xf32, #tpu.memory_space<vmem>>, vector<16xf32>,
      %get3A_2191 = arith.constant 12 : i32
      %get3A_2192 = arith.index_cast %get3A_2191 : i32 to index
      %get3A_2193 = arith.constant 16 : index
      %get3A_2194 = tpu.vector_load %arg12[%get3A_2192, %get3A_2193] {strides = array<i32>} : memref<16x64xf32, #tpu.memory_space<vmem>>, vector<16xf32>,
      %mul3A_2195 = arith.mulf %get3A_2190, %get3A_2194 : vector<16xf32>
      %get3A_2196 = arith.constant 12 : i32
      %get3A_2197 = arith.index_cast %get3A_2196 : i32 to index
      %get3A_2198 = arith.constant 16 : index
      %get3A_2199 = tpu.vector_load %arg13[%get3A_2197, %get3A_2198] {strides = array<i32>} : memref<16x64xf32, #tpu.memory_space<vmem>>, vector<16xf32>,
      %mul3A_2200 = arith.mulf %mul3A_2195, %get3A_2199 : vector<16xf32>
      %add3A_2201 = arith.addf %mul3A_2186, %mul3A_2200 : vector<16xf32>
      %get3A_2202 = arith.constant 12 : i32
      %get3A_2203 = arith.index_cast %get3A_2202 : i32 to index
      %get3A_2204 = arith.constant 32 : index
      %get3A_2205 = tpu.vector_load %arg11[%get3A_2203, %get3A_2204] {strides = array<i32>} : memref<16x64xf32, #tpu.memory_space<vmem>>, vector<16xf32>,
      %get3A_2206 = arith.constant 12 : i32
      %get3A_2207 = arith.index_cast %get3A_2206 : i32 to index
      %get3A_2208 = arith.constant 32 : index
      %get3A_2209 = tpu.vector_load %arg12[%get3A_2207, %get3A_2208] {strides = array<i32>} : memref<16x64xf32, #tpu.memory_space<vmem>>, vector<16xf32>,
      %mul3A_2210 = arith.mulf %get3A_2205, %get3A_2209 : vector<16xf32>
      %get3A_2211 = arith.constant 12 : i32
      %get3A_2212 = arith.index_cast %get3A_2211 : i32 to index
      %get3A_2213 = arith.constant 32 : index
      %get3A_2214 = tpu.vector_load %arg13[%get3A_2212, %get3A_2213] {strides = array<i32>} : memref<16x64xf32, #tpu.memory_space<vmem>>, vector<16xf32>,
      %mul3A_2215 = arith.mulf %mul3A_2210, %get3A_2214 : vector<16xf32>
      %add3A_2216 = arith.addf %add3A_2201, %mul3A_2215 : vector<16xf32>
      %get3A_2217 = arith.constant 12 : i32
      %get3A_2218 = arith.index_cast %get3A_2217 : i32 to index
      %get3A_2219 = arith.constant 48 : index
      %get3A_2220 = tpu.vector_load %arg11[%get3A_2218, %get3A_2219] {strides = array<i32>} : memref<16x64xf32, #tpu.memory_space<vmem>>, vector<16xf32>,
      %get3A_2221 = arith.constant 12 : i32
      %get3A_2222 = arith.index_cast %get3A_2221 : i32 to index
      %get3A_2223 = arith.constant 48 : index
      %get3A_2224 = tpu.vector_load %arg12[%get3A_2222, %get3A_2223] {strides = array<i32>} : memref<16x64xf32, #tpu.memory_space<vmem>>, vector<16xf32>,
      %mul3A_2225 = arith.mulf %get3A_2220, %get3A_2224 : vector<16xf32>
      %get3A_2226 = arith.constant 12 : i32
      %get3A_2227 = arith.index_cast %get3A_2226 : i32 to index
      %get3A_2228 = arith.constant 48 : index
      %get3A_2229 = tpu.vector_load %arg13[%get3A_2227, %get3A_2228] {strides = array<i32>} : memref<16x64xf32, #tpu.memory_space<vmem>>, vector<16xf32>,
      %mul3A_2230 = arith.mulf %mul3A_2225, %get3A_2229 : vector<16xf32>
      %add3A_2231 = arith.addf %add3A_2216, %mul3A_2230 : vector<16xf32>
      %reduce_sum3A_2232 = arith.constant true
      %reduce_sum3A_2233 = vector.broadcast %reduce_sum3A_2232 : i1 to vector<16xi1>
      %reduce_sum3A_2234 = tpu.scan <sum>, %add3A_2231 masked %reduce_sum3A_2233 : vector<16xf32>, vector<16xi1> -> vector<16xf32>
      %reduce_sum3A_2235 = vector.extract %reduce_sum3A_2234[15] : f32 from vector<16xf32>
      %eq3A_2236 = arith.constant 12 : i32
      %eq3A_2237 = vector.broadcast %eq3A_2236 : i32 to vector<16xi32>
      %eq3A_2238 = arith.cmpi eq, %iota3A, %eq3A_2237 : vector<16xi32>
      %broadcast_in_dim3A_2239 = vector.broadcast %reduce_sum3A_2235 : f32 to vector<16xf32>
      %select_n3A_2240 = arith.select %eq3A_2238, %broadcast_in_dim3A_2239, %select_n3A_2172 : vector<16xi1>, vector<16xf32>
      %get3A_2241 = arith.constant 13 : i32
      %get3A_2242 = arith.index_cast %get3A_2241 : i32 to index
      %get3A_2243 = arith.constant 0 : index
      %get3A_2244 = tpu.vector_load %arg11[%get3A_2242, %get3A_2243] {strides = array<i32>} : memref<16x64xf32, #tpu.memory_space<vmem>>, vector<16xf32>,
      %get3A_2245 = arith.constant 13 : i32
      %get3A_2246 = arith.index_cast %get3A_2245 : i32 to index
      %get3A_2247 = arith.constant 0 : index
      %get3A_2248 = tpu.vector_load %arg12[%get3A_2246, %get3A_2247] {strides = array<i32>} : memref<16x64xf32, #tpu.memory_space<vmem>>, vector<16xf32>,
      %mul3A_2249 = arith.mulf %get3A_2244, %get3A_2248 : vector<16xf32>
      %get3A_2250 = arith.constant 13 : i32
      %get3A_2251 = arith.index_cast %get3A_2250 : i32 to index
      %get3A_2252 = arith.constant 0 : index
      %get3A_2253 = tpu.vector_load %arg13[%get3A_2251, %get3A_2252] {strides = array<i32>} : memref<16x64xf32, #tpu.memory_space<vmem>>, vector<16xf32>,
      %mul3A_2254 = arith.mulf %mul3A_2249, %get3A_2253 : vector<16xf32>
      %get3A_2255 = arith.constant 13 : i32
      %get3A_2256 = arith.index_cast %get3A_2255 : i32 to index
      %get3A_2257 = arith.constant 16 : index
      %get3A_2258 = tpu.vector_load %arg11[%get3A_2256, %get3A_2257] {strides = array<i32>} : memref<16x64xf32, #tpu.memory_space<vmem>>, vector<16xf32>,
      %get3A_2259 = arith.constant 13 : i32
      %get3A_2260 = arith.index_cast %get3A_2259 : i32 to index
      %get3A_2261 = arith.constant 16 : index
      %get3A_2262 = tpu.vector_load %arg12[%get3A_2260, %get3A_2261] {strides = array<i32>} : memref<16x64xf32, #tpu.memory_space<vmem>>, vector<16xf32>,
      %mul3A_2263 = arith.mulf %get3A_2258, %get3A_2262 : vector<16xf32>
      %get3A_2264 = arith.constant 13 : i32
      %get3A_2265 = arith.index_cast %get3A_2264 : i32 to index
      %get3A_2266 = arith.constant 16 : index
      %get3A_2267 = tpu.vector_load %arg13[%get3A_2265, %get3A_2266] {strides = array<i32>} : memref<16x64xf32, #tpu.memory_space<vmem>>, vector<16xf32>,
      %mul3A_2268 = arith.mulf %mul3A_2263, %get3A_2267 : vector<16xf32>
      %add3A_2269 = arith.addf %mul3A_2254, %mul3A_2268 : vector<16xf32>
      %get3A_2270 = arith.constant 13 : i32
      %get3A_2271 = arith.index_cast %get3A_2270 : i32 to index
      %get3A_2272 = arith.constant 32 : index
      %get3A_2273 = tpu.vector_load %arg11[%get3A_2271, %get3A_2272] {strides = array<i32>} : memref<16x64xf32, #tpu.memory_space<vmem>>, vector<16xf32>,
      %get3A_2274 = arith.constant 13 : i32
      %get3A_2275 = arith.index_cast %get3A_2274 : i32 to index
      %get3A_2276 = arith.constant 32 : index
      %get3A_2277 = tpu.vector_load %arg12[%get3A_2275, %get3A_2276] {strides = array<i32>} : memref<16x64xf32, #tpu.memory_space<vmem>>, vector<16xf32>,
      %mul3A_2278 = arith.mulf %get3A_2273, %get3A_2277 : vector<16xf32>
      %get3A_2279 = arith.constant 13 : i32
      %get3A_2280 = arith.index_cast %get3A_2279 : i32 to index
      %get3A_2281 = arith.constant 32 : index
      %get3A_2282 = tpu.vector_load %arg13[%get3A_2280, %get3A_2281] {strides = array<i32>} : memref<16x64xf32, #tpu.memory_space<vmem>>, vector<16xf32>,
      %mul3A_2283 = arith.mulf %mul3A_2278, %get3A_2282 : vector<16xf32>
      %add3A_2284 = arith.addf %add3A_2269, %mul3A_2283 : vector<16xf32>
      %get3A_2285 = arith.constant 13 : i32
      %get3A_2286 = arith.index_cast %get3A_2285 : i32 to index
      %get3A_2287 = arith.constant 48 : index
      %get3A_2288 = tpu.vector_load %arg11[%get3A_2286, %get3A_2287] {strides = array<i32>} : memref<16x64xf32, #tpu.memory_space<vmem>>, vector<16xf32>,
      %get3A_2289 = arith.constant 13 : i32
      %get3A_2290 = arith.index_cast %get3A_2289 : i32 to index
      %get3A_2291 = arith.constant 48 : index
      %get3A_2292 = tpu.vector_load %arg12[%get3A_2290, %get3A_2291] {strides = array<i32>} : memref<16x64xf32, #tpu.memory_space<vmem>>, vector<16xf32>,
      %mul3A_2293 = arith.mulf %get3A_2288, %get3A_2292 : vector<16xf32>
      %get3A_2294 = arith.constant 13 : i32
      %get3A_2295 = arith.index_cast %get3A_2294 : i32 to index
      %get3A_2296 = arith.constant 48 : index
      %get3A_2297 = tpu.vector_load %arg13[%get3A_2295, %get3A_2296] {strides = array<i32>} : memref<16x64xf32, #tpu.memory_space<vmem>>, vector<16xf32>,
      %mul3A_2298 = arith.mulf %mul3A_2293, %get3A_2297 : vector<16xf32>
      %add3A_2299 = arith.addf %add3A_2284, %mul3A_2298 : vector<16xf32>
      %reduce_sum3A_2300 = arith.constant true
      %reduce_sum3A_2301 = vector.broadcast %reduce_sum3A_2300 : i1 to vector<16xi1>
      %reduce_sum3A_2302 = tpu.scan <sum>, %add3A_2299 masked %reduce_sum3A_2301 : vector<16xf32>, vector<16xi1> -> vector<16xf32>
      %reduce_sum3A_2303 = vector.extract %reduce_sum3A_2302[15] : f32 from vector<16xf32>
      %eq3A_2304 = arith.constant 13 : i32
      %eq3A_2305 = vector.broadcast %eq3A_2304 : i32 to vector<16xi32>
      %eq3A_2306 = arith.cmpi eq, %iota3A, %eq3A_2305 : vector<16xi32>
      %broadcast_in_dim3A_2307 = vector.broadcast %reduce_sum3A_2303 : f32 to vector<16xf32>
      %select_n3A_2308 = arith.select %eq3A_2306, %broadcast_in_dim3A_2307, %select_n3A_2240 : vector<16xi1>, vector<16xf32>
      %get3A_2309 = arith.constant 14 : i32
      %get3A_2310 = arith.index_cast %get3A_2309 : i32 to index
      %get3A_2311 = arith.constant 0 : index
      %get3A_2312 = tpu.vector_load %arg11[%get3A_2310, %get3A_2311] {strides = array<i32>} : memref<16x64xf32, #tpu.memory_space<vmem>>, vector<16xf32>,
      %get3A_2313 = arith.constant 14 : i32
      %get3A_2314 = arith.index_cast %get3A_2313 : i32 to index
      %get3A_2315 = arith.constant 0 : index
      %get3A_2316 = tpu.vector_load %arg12[%get3A_2314, %get3A_2315] {strides = array<i32>} : memref<16x64xf32, #tpu.memory_space<vmem>>, vector<16xf32>,
      %mul3A_2317 = arith.mulf %get3A_2312, %get3A_2316 : vector<16xf32>
      %get3A_2318 = arith.constant 14 : i32
      %get3A_2319 = arith.index_cast %get3A_2318 : i32 to index
      %get3A_2320 = arith.constant 0 : index
      %get3A_2321 = tpu.vector_load %arg13[%get3A_2319, %get3A_2320] {strides = array<i32>} : memref<16x64xf32, #tpu.memory_space<vmem>>, vector<16xf32>,
      %mul3A_2322 = arith.mulf %mul3A_2317, %get3A_2321 : vector<16xf32>
      %get3A_2323 = arith.constant 14 : i32
      %get3A_2324 = arith.index_cast %get3A_2323 : i32 to index
      %get3A_2325 = arith.constant 16 : index
      %get3A_2326 = tpu.vector_load %arg11[%get3A_2324, %get3A_2325] {strides = array<i32>} : memref<16x64xf32, #tpu.memory_space<vmem>>, vector<16xf32>,
      %get3A_2327 = arith.constant 14 : i32
      %get3A_2328 = arith.index_cast %get3A_2327 : i32 to index
      %get3A_2329 = arith.constant 16 : index
      %get3A_2330 = tpu.vector_load %arg12[%get3A_2328, %get3A_2329] {strides = array<i32>} : memref<16x64xf32, #tpu.memory_space<vmem>>, vector<16xf32>,
      %mul3A_2331 = arith.mulf %get3A_2326, %get3A_2330 : vector<16xf32>
      %get3A_2332 = arith.constant 14 : i32
      %get3A_2333 = arith.index_cast %get3A_2332 : i32 to index
      %get3A_2334 = arith.constant 16 : index
      %get3A_2335 = tpu.vector_load %arg13[%get3A_2333, %get3A_2334] {strides = array<i32>} : memref<16x64xf32, #tpu.memory_space<vmem>>, vector<16xf32>,
      %mul3A_2336 = arith.mulf %mul3A_2331, %get3A_2335 : vector<16xf32>
      %add3A_2337 = arith.addf %mul3A_2322, %mul3A_2336 : vector<16xf32>
      %get3A_2338 = arith.constant 14 : i32
      %get3A_2339 = arith.index_cast %get3A_2338 : i32 to index
      %get3A_2340 = arith.constant 32 : index
      %get3A_2341 = tpu.vector_load %arg11[%get3A_2339, %get3A_2340] {strides = array<i32>} : memref<16x64xf32, #tpu.memory_space<vmem>>, vector<16xf32>,
      %get3A_2342 = arith.constant 14 : i32
      %get3A_2343 = arith.index_cast %get3A_2342 : i32 to index
      %get3A_2344 = arith.constant 32 : index
      %get3A_2345 = tpu.vector_load %arg12[%get3A_2343, %get3A_2344] {strides = array<i32>} : memref<16x64xf32, #tpu.memory_space<vmem>>, vector<16xf32>,
      %mul3A_2346 = arith.mulf %get3A_2341, %get3A_2345 : vector<16xf32>
      %get3A_2347 = arith.constant 14 : i32
      %get3A_2348 = arith.index_cast %get3A_2347 : i32 to index
      %get3A_2349 = arith.constant 32 : index
      %get3A_2350 = tpu.vector_load %arg13[%get3A_2348, %get3A_2349] {strides = array<i32>} : memref<16x64xf32, #tpu.memory_space<vmem>>, vector<16xf32>,
      %mul3A_2351 = arith.mulf %mul3A_2346, %get3A_2350 : vector<16xf32>
      %add3A_2352 = arith.addf %add3A_2337, %mul3A_2351 : vector<16xf32>
      %get3A_2353 = arith.constant 14 : i32
      %get3A_2354 = arith.index_cast %get3A_2353 : i32 to index
      %get3A_2355 = arith.constant 48 : index
      %get3A_2356 = tpu.vector_load %arg11[%get3A_2354, %get3A_2355] {strides = array<i32>} : memref<16x64xf32, #tpu.memory_space<vmem>>, vector<16xf32>,
      %get3A_2357 = arith.constant 14 : i32
      %get3A_2358 = arith.index_cast %get3A_2357 : i32 to index
      %get3A_2359 = arith.constant 48 : index
      %get3A_2360 = tpu.vector_load %arg12[%get3A_2358, %get3A_2359] {strides = array<i32>} : memref<16x64xf32, #tpu.memory_space<vmem>>, vector<16xf32>,
      %mul3A_2361 = arith.mulf %get3A_2356, %get3A_2360 : vector<16xf32>
      %get3A_2362 = arith.constant 14 : i32
      %get3A_2363 = arith.index_cast %get3A_2362 : i32 to index
      %get3A_2364 = arith.constant 48 : index
      %get3A_2365 = tpu.vector_load %arg13[%get3A_2363, %get3A_2364] {strides = array<i32>} : memref<16x64xf32, #tpu.memory_space<vmem>>, vector<16xf32>,
      %mul3A_2366 = arith.mulf %mul3A_2361, %get3A_2365 : vector<16xf32>
      %add3A_2367 = arith.addf %add3A_2352, %mul3A_2366 : vector<16xf32>
      %reduce_sum3A_2368 = arith.constant true
      %reduce_sum3A_2369 = vector.broadcast %reduce_sum3A_2368 : i1 to vector<16xi1>
      %reduce_sum3A_2370 = tpu.scan <sum>, %add3A_2367 masked %reduce_sum3A_2369 : vector<16xf32>, vector<16xi1> -> vector<16xf32>
      %reduce_sum3A_2371 = vector.extract %reduce_sum3A_2370[15] : f32 from vector<16xf32>
      %eq3A_2372 = arith.constant 14 : i32
      %eq3A_2373 = vector.broadcast %eq3A_2372 : i32 to vector<16xi32>
      %eq3A_2374 = arith.cmpi eq, %iota3A, %eq3A_2373 : vector<16xi32>
      %broadcast_in_dim3A_2375 = vector.broadcast %reduce_sum3A_2371 : f32 to vector<16xf32>
      %select_n3A_2376 = arith.select %eq3A_2374, %broadcast_in_dim3A_2375, %select_n3A_2308 : vector<16xi1>, vector<16xf32>
      %get3A_2377 = arith.constant 15 : i32
      %get3A_2378 = arith.index_cast %get3A_2377 : i32 to index
      %get3A_2379 = arith.constant 0 : index
      %get3A_2380 = tpu.vector_load %arg11[%get3A_2378, %get3A_2379] {strides = array<i32>} : memref<16x64xf32, #tpu.memory_space<vmem>>, vector<16xf32>,
      %get3A_2381 = arith.constant 15 : i32
      %get3A_2382 = arith.index_cast %get3A_2381 : i32 to index
      %get3A_2383 = arith.constant 0 : index
      %get3A_2384 = tpu.vector_load %arg12[%get3A_2382, %get3A_2383] {strides = array<i32>} : memref<16x64xf32, #tpu.memory_space<vmem>>, vector<16xf32>,
      %mul3A_2385 = arith.mulf %get3A_2380, %get3A_2384 : vector<16xf32>
      %get3A_2386 = arith.constant 15 : i32
      %get3A_2387 = arith.index_cast %get3A_2386 : i32 to index
      %get3A_2388 = arith.constant 0 : index
      %get3A_2389 = tpu.vector_load %arg13[%get3A_2387, %get3A_2388] {strides = array<i32>} : memref<16x64xf32, #tpu.memory_space<vmem>>, vector<16xf32>,
      %mul3A_2390 = arith.mulf %mul3A_2385, %get3A_2389 : vector<16xf32>
      %get3A_2391 = arith.constant 15 : i32
      %get3A_2392 = arith.index_cast %get3A_2391 : i32 to index
      %get3A_2393 = arith.constant 16 : index
      %get3A_2394 = tpu.vector_load %arg11[%get3A_2392, %get3A_2393] {strides = array<i32>} : memref<16x64xf32, #tpu.memory_space<vmem>>, vector<16xf32>,
      %get3A_2395 = arith.constant 15 : i32
      %get3A_2396 = arith.index_cast %get3A_2395 : i32 to index
      %get3A_2397 = arith.constant 16 : index
      %get3A_2398 = tpu.vector_load %arg12[%get3A_2396, %get3A_2397] {strides = array<i32>} : memref<16x64xf32, #tpu.memory_space<vmem>>, vector<16xf32>,
      %mul3A_2399 = arith.mulf %get3A_2394, %get3A_2398 : vector<16xf32>
      %get3A_2400 = arith.constant 15 : i32
      %get3A_2401 = arith.index_cast %get3A_2400 : i32 to index
      %get3A_2402 = arith.constant 16 : index
      %get3A_2403 = tpu.vector_load %arg13[%get3A_2401, %get3A_2402] {strides = array<i32>} : memref<16x64xf32, #tpu.memory_space<vmem>>, vector<16xf32>,
      %mul3A_2404 = arith.mulf %mul3A_2399, %get3A_2403 : vector<16xf32>
      %add3A_2405 = arith.addf %mul3A_2390, %mul3A_2404 : vector<16xf32>
      %get3A_2406 = arith.constant 15 : i32
      %get3A_2407 = arith.index_cast %get3A_2406 : i32 to index
      %get3A_2408 = arith.constant 32 : index
      %get3A_2409 = tpu.vector_load %arg11[%get3A_2407, %get3A_2408] {strides = array<i32>} : memref<16x64xf32, #tpu.memory_space<vmem>>, vector<16xf32>,
      %get3A_2410 = arith.constant 15 : i32
      %get3A_2411 = arith.index_cast %get3A_2410 : i32 to index
      %get3A_2412 = arith.constant 32 : index
      %get3A_2413 = tpu.vector_load %arg12[%get3A_2411, %get3A_2412] {strides = array<i32>} : memref<16x64xf32, #tpu.memory_space<vmem>>, vector<16xf32>,
      %mul3A_2414 = arith.mulf %get3A_2409, %get3A_2413 : vector<16xf32>
      %get3A_2415 = arith.constant 15 : i32
      %get3A_2416 = arith.index_cast %get3A_2415 : i32 to index
      %get3A_2417 = arith.constant 32 : index
      %get3A_2418 = tpu.vector_load %arg13[%get3A_2416, %get3A_2417] {strides = array<i32>} : memref<16x64xf32, #tpu.memory_space<vmem>>, vector<16xf32>,
      %mul3A_2419 = arith.mulf %mul3A_2414, %get3A_2418 : vector<16xf32>
      %add3A_2420 = arith.addf %add3A_2405, %mul3A_2419 : vector<16xf32>
      %get3A_2421 = arith.constant 15 : i32
      %get3A_2422 = arith.index_cast %get3A_2421 : i32 to index
      %get3A_2423 = arith.constant 48 : index
      %get3A_2424 = tpu.vector_load %arg11[%get3A_2422, %get3A_2423] {strides = array<i32>} : memref<16x64xf32, #tpu.memory_space<vmem>>, vector<16xf32>,
      %get3A_2425 = arith.constant 15 : i32
      %get3A_2426 = arith.index_cast %get3A_2425 : i32 to index
      %get3A_2427 = arith.constant 48 : index
      %get3A_2428 = tpu.vector_load %arg12[%get3A_2426, %get3A_2427] {strides = array<i32>} : memref<16x64xf32, #tpu.memory_space<vmem>>, vector<16xf32>,
      %mul3A_2429 = arith.mulf %get3A_2424, %get3A_2428 : vector<16xf32>
      %get3A_2430 = arith.constant 15 : i32
      %get3A_2431 = arith.index_cast %get3A_2430 : i32 to index
      %get3A_2432 = arith.constant 48 : index
      %get3A_2433 = tpu.vector_load %arg13[%get3A_2431, %get3A_2432] {strides = array<i32>} : memref<16x64xf32, #tpu.memory_space<vmem>>, vector<16xf32>,
      %mul3A_2434 = arith.mulf %mul3A_2429, %get3A_2433 : vector<16xf32>
      %add3A_2435 = arith.addf %add3A_2420, %mul3A_2434 : vector<16xf32>
      %reduce_sum3A_2436 = arith.constant true
      %reduce_sum3A_2437 = vector.broadcast %reduce_sum3A_2436 : i1 to vector<16xi1>
      %reduce_sum3A_2438 = tpu.scan <sum>, %add3A_2435 masked %reduce_sum3A_2437 : vector<16xf32>, vector<16xi1> -> vector<16xf32>
      %reduce_sum3A_2439 = vector.extract %reduce_sum3A_2438[15] : f32 from vector<16xf32>
      %eq3A_2440 = arith.constant 15 : i32
      %eq3A_2441 = vector.broadcast %eq3A_2440 : i32 to vector<16xi32>
      %eq3A_2442 = arith.cmpi eq, %iota3A, %eq3A_2441 : vector<16xi32>
      %broadcast_in_dim3A_2443 = vector.broadcast %reduce_sum3A_2439 : f32 to vector<16xf32>
      %select_n3A_2444 = arith.select %eq3A_2442, %broadcast_in_dim3A_2443, %select_n3A_2376 : vector<16xi1>, vector<16xf32>
      %swap3A = arith.index_cast %multiple_of3A_13 : i32 to index
      %swap3A_2445 = tpu.vector_load %arg14[%swap3A] {strides = array<i32>} : memref<512xf32, #tpu.memory_space<vmem>>, vector<16xf32>,
      tpu.vector_store %arg14[%swap3A], %select_n3A_2444 {strides = array<i32>} : memref<512xf32, #tpu.memory_space<vmem>>, vector<16xf32>,
      %scan3A_2446 = arith.constant 0 : i32
      scf.yield %scan3A_2446 : i32
    }
    %scan3A_8 = arith.constant 32 : i32
    "tpu.region"() ({
      %run_scoped3A = tpu.sem_alloc : memref<!tpu.dma_semaphore, #tpu.memory_space<semaphore_mem>>
      %dma_start3A = tpu.memref_slice %arg7[%multiple_of3A] : memref<16384xf32, #tpu.memory_space<hbm>> -> memref<512xf32, #tpu.memory_space<hbm>>
      %dma_start3A_9 = tpu.memref_slice %arg7[%multiple_of3A] : memref<16384xf32, #tpu.memory_space<hbm>> -> memref<512xf32, #tpu.memory_space<hbm>>
      tpu.enqueue_dma source(%arg14 : memref<512xf32, #tpu.memory_space<vmem>>) target(%dma_start3A_9 : memref<512xf32, #tpu.memory_space<hbm>>) target_semaphore(%run_scoped3A : memref<!tpu.dma_semaphore, #tpu.memory_space<semaphore_mem>>)
      %dma_wait3A = tpu.memref_slice %arg7[%multiple_of3A] : memref<16384xf32, #tpu.memory_space<hbm>> -> memref<512xf32, #tpu.memory_space<hbm>>
      %dma_wait3A_10 = tpu.memref_slice %arg7[%multiple_of3A] : memref<16384xf32, #tpu.memory_space<hbm>> -> memref<512xf32, #tpu.memory_space<hbm>>
      tpu.wait_dma2 semaphore(%run_scoped3A : memref<!tpu.dma_semaphore, #tpu.memory_space<semaphore_mem>>) src(%arg14 : memref<512xf32, #tpu.memory_space<vmem>>) dst(%dma_wait3A_10 : memref<512xf32, #tpu.memory_space<hbm>>)
      tpu.yield
    }) : () -> ()
    return
  }
}

</mosaic_0001>

<sc_bundles>
// kernel: _distmult.3.cloned.1.call-start
scs
__scs_entry_jumppad:
0x0: {  	(pc) =	sbr.rel $0x88, $3  }
0x1: {  	(tag) =	ssettag $0x0;
	lr =	simm.s32 $0x1  }
0x2: {  	[smem:$0x3F9C] =	sst lr;
	_ =	strace $0xD0000000  }
0x3: {  	_ = 	snop  }
0x4: {  	_ = 	snop  }
0x5: {  	_ = 	snop  }
0x6: {  	_ = 	snop  }
0x7: {  	_ = 	snop  }
__scs_overlays_trampoline_lowered:
0x8: {  	[smem:$0x3FAB] =	sst s0  }
0x9: {  	[smem:$0x3FAC] =	sst s1  }
0xa: {  	[smem:$0x3FAD] =	sst s2  }
0xb: {  	[smem:$0x3FAE] =	sst s3  }
0xc: {  	[smem:$0x3FAF] =	sst s4  }
0xd: {  	[smem:$0x3FB0] =	sst s5  }
0xe: {  	[smem:$0x3FB1] =	sst s6  }
0xf: {  	[smem:$0x3FB2] =	sst s7  }
0x10: {  	[smem:$0x3FB3] =	sst s8  }
0x11: {  	[smem:$0x3FB4] =	sst s9;
	s0 =	simm.s32 @!p0 $0x0  }
0x12: {  	s1 =	sld [smem:$0x3F9A];
	s0 =	simm.s32 @p0 $0x1  }
0x13: {  	[smem:$0x3FB5] =	sst s0;
	s0 =	simm.s32 @!p1 $0x0  }
0x14: {  	s2 =	sld [smem:$0x3F99];
	s0 =	simm.s32 @p1 $0x1  }
0x15: {  	[smem:$0x3FB6] =	sst s0;
	s0 =	simm.s32 @!p2 $0x0  }
0x16: {  	s3 =	sld [smem:$0x3FDB];
	s0 =	simm.s32 @p2 $0x1  }
0x17: {  	s4 =	simm.s32 $0x1BF5;
	[smem:$0x3FB8] =	sst s0  }
0x18: {  	s0 =	sld [smem:$0x3F9B];
	_ =	swait.ge [sflag:s4], $0x0  }
0x19: {  	s7 =	sld [smem:$0x3F9C]  }
0x1a: {  	s8 =	sadd.s32 $0xFFFFE003, lr  }
0x1b: {  	s9 =	sadd.s32 $0xFFFFFEF7, lr;
	s5 =	simm.s32 $0xFFFFFFFF;
	p2 =	slt.u32 s8, $0xFFFFF086  }
0x1c: {  	p1 =	slt.u32 s9, $0xF7A;
	s5 =	simm.s32 @!p2 $0x0  }
0x1d: {  	s5 =	simm.s32 @p1 $0x1;
	p0 =	seq.s32 s7, s2  }
0x1e: {  	s7 =	smul.u32 @!p0 $0xF7A, s2;
	p2 =	seq.s32 @!p0 s5, $0x0  }
0x1f: {  	s9 =	smul.u32 $0xF7A, s1;
	s8 =	simm.s32 @!p0 $0x1BF5;
	p2 =	por !p2, p0  }
0x20: {  	[sflag:s8] =	ssyncset.s32 @!p0 $0xFFFFF086;
	s6 =	sadd.s32 @!p0 s3, s7;
	s7 =	simm.s32 @!p0 $0x108  }
0x21: {  	s3 =	sadd.s32 s3, s9;
	s6 =	sadd.s32 @!p0 $0x88, s6;
	s7 =	simm.s32 @p2 $0x1082  }
0x22: {  	[simem:s7], [sflag:s8] =	dma.local @!p0 [hbm:s6], $0xF7A  }
0x23: {  	s9 =	sor.u32 $0xD0000000, s2;
	s6 =	simm.s32 $0x108;
	_ =	swait.ge @!p0 [sflag:s8], $0x0  }
0x24: {  	s3 =	sadd.s32 $0x88, s3;
	s6 =	simm.s32 @!p1 $0x1082;
	[sflag:s4] =	ssyncset.s32 $0xFFFFF086  }
0x25: {  	[simem:s6], [sflag:s4] =	dma.local [hbm:s3], $0xF7A  }
0x26: {  	[smem:$0x3F9C] =	sst s1;
	(tag) =	ssettag s2;
	_ =	strace s9  }
0x27: {  	s1 =	sld [smem:$0x3FAC]  }
0x28: {  	s2 =	sld [smem:$0x3FAD]  }
0x29: {  	s4 =	sld [smem:$0x3FAF]  }
0x2a: {  	p0 =	seq.s32 s5, $0x0;
	s5 =	sld [smem:$0x3FB0]  }
0x2b: {  	s6 =	sld [smem:$0x3FB1]  }
0x2c: {  	s7 =	sld [smem:$0x3FB2]  }
0x2d: {  	s3 =	simm.s32 $0x108;
	s8 =	sld [smem:$0x3FB3]  }
0x2e: {  	s3 =	simm.s32 @!p0 $0x1082;
	s9 =	sld [smem:$0x3FB4]  }
0x2f: {  	lr =	sadd.s32 s0, s3;
	s0 =	sld [smem:$0x3FAB]  }
0x30: {  	s3 =	sld [smem:$0x3FAE]  }
0x31: {  	[smem:$0x3FB7] =	sst s10  }
0x32: {  	s10 =	sld [smem:$0x3FB5];
	_ =	sdelay $0x3  }
0x33: {  	p0 =	seq.s32 s10, $0x1;
	s10 =	sld [smem:$0x3FB7];
	_ =	sdelay $0x3  }
0x34: {  	[smem:$0x3FB7] =	sst s10  }
0x35: {  	s10 =	sld [smem:$0x3FB6];
	_ =	sdelay $0x3  }
0x36: {  	p1 =	seq.s32 s10, $0x1;
	s10 =	sld [smem:$0x3FB7];
	_ =	sdelay $0x3  }
0x37: {  	[smem:$0x3FB7] =	sst s10  }
0x38: {  	s10 =	sld [smem:$0x3FB8]  }
0x39: {  	_ = 	snop;
	(pc) =	sbr.ind lr, $3  }
0x3a: {  	_ = 	snop  }
0x3b: {  	_ = 	snop  }
0x3c: {  	p2 =	seq.s32 s10, $0x1;
	s10 =	sld [smem:$0x3FB7]  }
0x3d: {  	_ =	shalt  }
0x3e: {  	_ =	shalt  }
0x3f: {  	_ =	shalt  }
0x40: {  	_ =	shalt  }
0x41: {  	_ =	shalt  }
0x42: {  	_ =	shalt  }
0x43: {  	_ =	shalt  }
0x44: {  	_ =	shalt  }
0x45: {  	_ =	shalt  }
0x46: {  	_ =	shalt  }
0x47: {  	_ =	shalt  }
0x48: {  	_ =	shalt  }
0x49: {  	_ =	shalt  }
0x4a: {  	_ =	shalt  }
0x4b: {  	_ =	shalt  }
0x4c: {  	_ =	shalt  }
0x4d: {  	_ =	shalt  }
0x4e: {  	_ =	shalt  }
0x4f: {  	_ =	shalt  }
0x50: {  	_ =	shalt  }
0x51: {  	_ =	shalt  }
0x52: {  	_ =	shalt  }
0x53: {  	_ =	shalt  }
0x54: {  	_ =	shalt  }
0x55: {  	_ =	shalt  }
0x56: {  	_ =	shalt  }
0x57: {  	_ =	shalt  }
0x58: {  	_ =	shalt  }
0x59: {  	_ =	shalt  }
0x5a: {  	_ =	shalt  }
0x5b: {  	_ =	shalt  }
0x5c: {  	_ =	shalt  }
0x5d: {  	_ =	shalt  }
0x5e: {  	_ =	shalt  }
0x5f: {  	_ =	shalt  }
0x60: {  	_ =	shalt  }
0x61: {  	_ =	shalt  }
0x62: {  	_ =	shalt  }
0x63: {  	_ =	shalt  }
0x64: {  	_ =	shalt  }
0x65: {  	_ =	shalt  }
0x66: {  	_ =	shalt  }
0x67: {  	_ =	shalt  }
0x68: {  	_ =	shalt  }
0x69: {  	_ =	shalt  }
0x6a: {  	_ =	shalt  }
0x6b: {  	_ =	shalt  }
0x6c: {  	_ =	shalt  }
0x6d: {  	_ =	shalt  }
0x6e: {  	_ =	shalt  }
0x6f: {  	_ =	shalt  }
0x70: {  	_ =	shalt  }
0x71: {  	_ =	shalt  }
0x72: {  	_ =	shalt  }
0x73: {  	_ =	shalt  }
0x74: {  	_ =	shalt  }
0x75: {  	_ =	shalt  }
0x76: {  	_ =	shalt  }
0x77: {  	_ =	shalt  }
0x78: {  	_ =	shalt  }
0x79: {  	_ =	shalt  }
0x7a: {  	_ =	shalt  }
0x7b: {  	_ =	shalt  }
0x7c: {  	_ =	shalt  }
0x7d: {  	_ =	shalt  }
0x7e: {  	_ =	shalt  }
0x7f: {  	_ =	shalt  }
0x80: {  	_ =	shalt  }
0x81: {  	_ =	shalt  }
0x82: {  	_ =	shalt  }
0x83: {  	_ =	shalt  }
0x84: {  	_ =	shalt  }
0x85: {  	_ =	shalt  }
0x86: {  	_ =	shalt  }
0x87: {  	_ =	shalt  }
.Lfunc_end0:
.L_simem_size_0:
called_computation_lowered:
.L_overlay_start_0:
0x88: {  	s2 =	sld [smem:$0x3FD9]  }
0x89: {  	s3 =	sld [smem:$0x3FFE];
	_ =	sdelay $0x1  }
0x8a: {  	s1 =	srdreg.scid  }
0x8b: {  	s0 =	sand.u32 $0x1, s1  }
0x8c: {  	s17 =	sshll.u32 s0, $0xA;
	s2 =	sadd.s32 s3, s2  }
0x8d: {  	s2 =	sadd.s32 s2, s17  }
0x8e: {  	[smem:$0x3FC3] =	sst s2  }
0x8f: {  	_ = 	snop  }
0x90: {  	s2 =	sld [smem:$0x3FC9]  }
0x91: {  	s18 =	sld [smem:$0x3FC8]  }
0x92: {  	s4 =	sld [smem:$0x3FC7]  }
0x93: {  	s5 =	sld [smem:$0x3FD0];
	(tm) =	ssettm $0x1  }
0x94: {  	s6 =	sld [smem:$0x3FFB];
	_ =	sdelay $0x3  }
0x95: {  	_ =	strace s6  }
0x96: {  	s6 =	sld [smem:$0x3FFC];
	_ =	sdelay $0x3  }
0x97: {  	_ =	strace s6  }
0x98: {  	s6 =	sld [smem:$0x3FFD];
	_ =	sdelay $0x3  }
0x99: {  	_ =	strace s6  }
0x9a: {  	_ =	strace $0x8FFFFFFF  }
0x9b: {  	s19 =	sld [smem:$0x3FDB];
	_ =	sdelay $0x1  }
0x9c: {  	s7 =	simm.s32 $_scs_section_size  }
0x9d: {  	s8 =	simm.s32 $_size__tile_overlayer_lowered;
	s9 =	simm.s32 $_tile_overlayer_lowered  }
0x9e: {  	s22 =	simm.s32 $0x1BFF;
	s21 =	sshll.u32 s9, $0x1;
	s6 =	sadd.s32 s7, s19  }
0x9f: {  	s10 =	simm.s32 $0x0;
	s20 =	sshll.u32 s8, $0x1;
	s8 =	sadd.s32 s21, s6  }
0xa0: {  	[timem:s10], [sflag:s22] =	dma.local [hbm:s8], s20  }
0xa1: {  	_ =	swait.ge [sflag:s22], s20  }
0xa2: {  	s7 =	ssub.s32 $0x0, s20;
	[sflag:s22] =	ssyncset.done $0x0  }
0xa3: {  	[sflag:s22] =	ssyncadd.s32 s7;
	_ =	sdelay $0x1  }
0xa4: {  	s23 =	simm.s32 $0x1B8B  }
0xa5: {  	_ =	swait.ge [sflag:s23], $0x1  }
0xa6: {  	[sflag:s23] =	ssyncset.done $0x0  }
0xa7: {  	s25 =	simm.s32 $0x1B8E;
	s24 =	sld [smem:$0x3FFE];
	[sflag:s23] =	ssyncadd.s32 $0xFFFFFFFF  }
0xa8: {  	s26 =	simm.s32 $execute0_lowered;
	[smem:$0x3FD2] =	sst s25  }
0xa9: {  	s8 =	sshll.u32 s26, $0x1;
	_ =	strace $0x80000046;
	[dreg:$0x1] =	wrdreg $0xFFFFFFFF  }
0xaa: {  	s28 =	simm.s32 $_size_execute0_lowered;
	s6 =	sadd.s32 s6, s8;
	[dreg:$0x0] =	wrdreg $0x0  }
0xab: {  	s8 =	sshll.u32 s28, $0x1;
	[dreg:$0x2] =	wrdreg s6  }
0xac: {  	[dreg:$0x3] =	wrdreg s8  }
0xad: {  	[dreg:$0x4] =	wrdreg $0xC0  }
0xae: {  	_ =	task [dreg:s10], $0x5FFFF  }
0xaf: {  	[dreg:$0x1] =	wrdreg $0xFFFFFFFF  }
0xb0: {  	[dreg:$0x0] =	wrdreg $0x60  }
0xb1: {  	[dreg:$0x2] =	wrdreg s2  }
0xb2: {  	[dreg:$0x3] =	wrdreg s18  }
0xb3: {  	[dreg:$0x4] =	wrdreg s4  }
0xb4: {  	[dreg:$0x5] =	wrdreg s24  }
0xb5: {  	[dreg:$0x6] =	wrdreg s5  }
0xb6: {  	[dreg:$0x7] =	wrdreg $0x9  }
0xb7: {  	_ =	task.clear_ibuf [dreg:s10], $0x8FFFF;
	_ =	strace $0x90000046  }
0xb8: {  	s29 =	simm.s32 $0x9;
	_ =	strace $0x80000048  }
0xb9: {  	_ =	swait.ge [sflag:s29], $0x1  }
0xba: {  	[sflag:s29] =	ssyncadd.s32 $0xFFFFFFFF  }
0xbb: {  	_ =	strace $0x90000048  }
0xbc: {  	_ =	sfence  }
0xbd: {  	s30 =	sld [smem:$0x0];
	_ =	sdelay $0x2  }
0xbe: {  	s31 =	sshll.u32 s1, $0xD;
	s1 =	sshrl.u32 s1, $0x2  }
0xbf: {  	s3 =	sand.u32 $0x4000, s31;
	s1 =	sadd.s32 s1, s30  }
0xc0: {  	s0 =	sor.u32 s3, s0;
	s1 =	sshll.u32 s1, $0x11  }
0xc1: {  	s0 =	sor.u32 s1, s0  }
0xc2: {  	s0 =	sadd.s32 $0x8F2B, s0  }
0xc3: {  	[sflag:s0] =	ssyncadd.remote.s32 $0x1  }
0xc4: {  	_ =	sfence.sel $0xFFFF  }
0xc5: {  	[dreg:$0x0] =	wrdreg $0xFFFFFFFF;
	(pc) =	sbr.abs _section_cstart, $3  }
0xc6: {  	[dreg:$0x1] =	wrdreg $0xFFFFFFFF  }
0xc7: {  	_ =	task.clear_ibuf [dreg:s10], $0x2FFFF;
	_ =	strace $0x9FFFFFFF  }
0xc8: {  	(tm) =	ssettm $0x7FFFFFFF  }
0xc9: {  	_ =	shalt  }
tec
execute0_lowered:
.L_overlay_start_1:
0x0: {  	(tag) =	ssettag $0x1  }
0x1: {  	s5 =	rddreg [dreg:$0x0]  }
0x2: {  	s6 =	rddreg [dreg:$0x1]  }
0x3: {  	s7 =	rddreg [dreg:$0x2]  }
0x4: {  	s3 =	rddreg [dreg:$0x3]  }
0x5: {  	s8 =	rddreg [dreg:$0x4]  }
0x6: {  	s0 =	rddreg [dreg:$0x5];
	s1 =	simm.s32 $0x0  }
0x7: {  	s2 =	simm.s32 $0x600;
	[smem:$0x7FF] =	sst s1  }
0x8: {  	s9 =	simm.s32 $0x1600;
	_ =	strace $0x80000047;
	[dreg:$0x6] =	wrdreg s2  }
0x9: {  	s10 =	simm.s32 $0xE00;
	[dreg:$0x7] =	wrdreg s9  }
0xa: {  	s11 =	simm.s32 $0x680;
	[dreg:$0x8] =	wrdreg s10  }
0xb: {  	s12 =	simm.s32 $0x1680;
	[dreg:$0x9] =	wrdreg s11  }
0xc: {  	s13 =	simm.s32 $0xE80;
	[dreg:$0xa] =	wrdreg s12  }
0xd: {  	s14 =	simm.s32 $0x700;
	[dreg:$0xb] =	wrdreg s13  }
0xe: {  	s15 =	simm.s32 $0x1700;
	[dreg:$0xc] =	wrdreg s14  }
0xf: {  	s16 =	simm.s32 $0xF00;
	[dreg:$0xd] =	wrdreg s15  }
0x10: {  	s17 =	simm.s32 $0x780;
	[dreg:$0xe] =	wrdreg s16  }
0x11: {  	s18 =	simm.s32 $0x1780;
	[dreg:$0xf] =	wrdreg s17  }
0x12: {  	s19 =	simm.s32 $0xF80;
	[dreg:$0x10] =	wrdreg s18  }
0x13: {  	s20 =	simm.s32 $0x800;
	[dreg:$0x11] =	wrdreg s19  }
0x14: {  	s21 =	simm.s32 $0x1800;
	[dreg:$0x12] =	wrdreg s20  }
0x15: {  	s22 =	simm.s32 $0x1000;
	[dreg:$0x13] =	wrdreg s21  }
0x16: {  	s23 =	simm.s32 $0x880;
	[dreg:$0x14] =	wrdreg s22  }
0x17: {  	s24 =	simm.s32 $0x1880;
	[dreg:$0x15] =	wrdreg s23  }
0x18: {  	s25 =	simm.s32 $0x1080;
	[dreg:$0x16] =	wrdreg s24  }
0x19: {  	s26 =	simm.s32 $0x900;
	[dreg:$0x17] =	wrdreg s25  }
0x1a: {  	s28 =	simm.s32 $0x1900;
	[dreg:$0x18] =	wrdreg s26  }
0x1b: {  	s29 =	simm.s32 $0x1100;
	[dreg:$0x19] =	wrdreg s28  }
0x1c: {  	s30 =	simm.s32 $0x980;
	[dreg:$0x1a] =	wrdreg s29  }
0x1d: {  	s31 =	simm.s32 $0x1980;
	[dreg:$0x1b] =	wrdreg s30  }
0x1e: {  	s4 =	simm.s32 $0x1180;
	[dreg:$0x1c] =	wrdreg s31  }
0x1f: {  	[dreg:$0x1d] =	wrdreg s4;
	s9 =	simm.s32 $0xA00  }
0x20: {  	s10 =	simm.s32 $0x1A00;
	[dreg:$0x1e] =	wrdreg s9  }
0x21: {  	s11 =	simm.s32 $0x1200;
	[dreg:$0x1f] =	wrdreg s10  }
0x22: {  	s12 =	simm.s32 $0xA80;
	[smem:$0x7E8] =	sst s11  }
0x23: {  	s13 =	simm.s32 $0x1A80;
	[smem:$0x7E9] =	sst s12  }
0x24: {  	s14 =	simm.s32 $0x1280;
	[smem:$0x7EA] =	sst s13  }
0x25: {  	s4 =	simm.s32 $0xB00;
	[smem:$0x7EB] =	sst s14  }
0x26: {  	s15 =	simm.s32 $0x1B00;
	[smem:$0x7EC] =	sst s4  }
0x27: {  	s16 =	simm.s32 $0x1300;
	[smem:$0x7ED] =	sst s15  }
0x28: {  	s17 =	simm.s32 $0x1B80;
	[smem:$0x7EE] =	sst s16  }
0x29: {  	s18 =	simm.s32 $0x1380;
	[smem:$0x7F0] =	sst s17  }
0x2a: {  	s19 =	simm.s32 $0xC00;
	[smem:$0x7F1] =	sst s18  }
0x2b: {  	s20 =	simm.s32 $0x1C00;
	[smem:$0x7F2] =	sst s19  }
0x2c: {  	s21 =	simm.s32 $0x1400;
	[smem:$0x7F3] =	sst s20  }
0x2d: {  	s23 =	simm.s32 $0xC80;
	[smem:$0x7F4] =	sst s21  }
0x2e: {  	s24 =	simm.s32 $0x1C80;
	[smem:$0x7F5] =	sst s23  }
0x2f: {  	s25 =	simm.s32 $0x1480;
	[smem:$0x7F6] =	sst s24  }
0x30: {  	s26 =	simm.s32 $0xD00;
	[smem:$0x7F7] =	sst s25  }
0x31: {  	s28 =	simm.s32 $0x1D00;
	[smem:$0x7F8] =	sst s26  }
0x32: {  	s2 =	sadd.s32 $0x4400, s3;
	s29 =	simm.s32 $0x1500;
	[smem:$0x7F9] =	sst s28  }
0x33: {  	s3 =	sadd.s32 $0x400, s3;
	s30 =	simm.s32 $0xD80;
	[smem:$0x7FA] =	sst s29  }
0x34: {  	s31 =	simm.s32 $0x1D80;
	s9 =	srdreg.scid;
	[smem:$0x7FB] =	sst s30  }
0x35: {  	s10 =	simm.s32 $0xB80;
	s4 =	stileid.u32;
	[smem:$0x7FC] =	sst s31  }
0x36: {  	s13 =	simm.s32 $0x1580;
	s14 =	simm.s32 $0x1E00;
	s15 =	simm.s32 $0x0  }
0x37: {  	[smem:$0x7EF] =	sst s10;
	s9 =	sand.u32 $0x1, s9;
	s22 =	sshll.u32 s4, $0x7  }
0x38: {  	vm0 =	vmmov $0x1;
	vm1 =	vmmov $0x3;
	vm2 =	vmmov $0x7;
	s10 =	simm.s32 $0x2;
	s11 =	ssub.s32 $0x2, s9;
	s9 =	sshll.u32 s9, $0x6  }
0x39: {  	vm3 =	vmmov $0xf;
	vm4 =	vmmov $0x1f;
	vm5 =	vmmov $0x3f;
	[smem:$0x7FD] =	sst s13;
	s12 =	sshrl.u32 s11, $0x1;
	s9 =	sor.u32 s9, s22  }
0x3a: {  	vm6 =	vmmov $0x7f;
	vm7 =	vmmov $0xff;
	vm8 =	vmmov $0x1ff;
	s13 =	simm.s32 $0x1;
	s11 =	ssub.s32 s11, s12;
	s5 =	sadd.s32 s5, s9  }
0x3b: {  	vm9 =	vmmov $0x3ff;
	vm10 =	vmmov $0x7ff;
	vm11 =	vmmov $0xfff;
	s6 =	sadd.s32 s6, s9;
	s7 =	sadd.s32 s7, s9;
	s8 =	sadd.s32 s8, s9  }
0x3c: {  	vm12 =	vmmov $0x1fff;
	vm13 =	vmmov $0x3fff;
	vm14 =	vmmov $0x7fff;
	s12 =	simm.s32 $0x400;
	s9 =	smax.u32 s11, $0x1;
	s11 =	simm.s32 $0x200  }
.LBB2_1:
0x3d: {  	[tilespmem:s1], [sflag:$0x2] =	stream.linear.gather [hbm4b:s5+s1], $0x200, $0x38;
	[tilespmem:$0x2000] =	vst v63  }
0x3e: {  	_ =	swait.ge [sflag:s10], $0x200  }
0x3f: {  	[sflag:s10] =	ssyncset.done $0x0  }
0x40: {  	[sflag:s10] =	ssyncadd.s32 $0xFFFFFE00  }
0x41: {  	[tilespmem:s11], [sflag:$0x2] =	stream.linear.gather [hbm4b:s6+s1], $0x200, $0x38;
	[tilespmem:$0x2000] =	vst v63  }
0x42: {  	_ =	swait.ge [sflag:s10], $0x200  }
0x43: {  	[sflag:s10] =	ssyncset.done $0x0  }
0x44: {  	[sflag:s10] =	ssyncadd.s32 $0xFFFFFE00  }
0x45: {  	[tilespmem:s12], [sflag:$0x2] =	stream.linear.gather [hbm4b:s7+s1], $0x200, $0x38;
	[tilespmem:$0x2000] =	vst v63  }
0x46: {  	_ =	swait.ge [sflag:s10], $0x200  }
0x47: {  	[sflag:s10] =	ssyncset.done $0x0  }
0x48: {  	s16 =	simm.s32 $0x0;
	[sflag:s10] =	ssyncadd.s32 $0xFFFFFE00  }
.LBB2_2:
0x49: {  	s17 =	sshra.s32 s16, $0x2  }
0x4a: {  	v0 =	vld [tilespmem:s17+$0x0];
	_ =	sdelay $0x1  }
0x4b: {  	v1 =	vld [tilespmem:s17+$0x400];
	_ =	sdelay $0x1  }
0x4c: {  	v47 =	vld [tilespmem:s17+$0x200]  }
0x4d: {  	v2 =	vshll.u32 v0, $0x4  }
0x4e: {  	(v2sf) =	vpush v2, $0x0  }
0x4f: {  	v1 =	vshll.u32 v1, $0x4  }
0x50: {  	(v2sf) =	vpush v1, $0x0  }
0x51: {  	v0 =	vshll.u32 v47, $0x4  }
0x52: {  	(v2sf) =	vpush v0, $0x0;
	_ =	sdelay $0x4  }
0x53: {  	(v2sf) =	vpush v2, $0x1;
	_ =	sdelay $0x5  }
0x54: {  	s18 =	spop (v2sf);
	(v2sf) =	vpush v1, $0x1;
	_ =	sdelay $0x1  }
0x55: {  	s21 =	spop (v2sf);
	(v2sf) =	vpush v0, $0x1;
	_ =	sdelay $0x1  }
0x56: {  	s23 =	spop (v2sf);
	(v2sf) =	vpush v2, $0x2;
	_ =	sdelay $0x4  }
0x57: {  	s25 =	spop (v2sf);
	(v2sf) =	vpush v1, $0x2;
	_ =	sdelay $0x5  }
0x58: {  	s28 =	spop (v2sf);
	(v2sf) =	vpush v0, $0x2  }
0x59: {  	s18 =	sand.u32 $0x1FFFFFF0, s18  }
0x5a: {  	s19 =	rddreg [dreg:$0x6];
	s18 =	sadd.s32 s2, s18;
	s30 =	spop (v2sf);
	(v2sf) =	vpush v2, $0x3  }
0x5b: {  	[tilespmem:s19], [sflag:$0x1] =	stream.linear.gather [hbm4b:s18+s1], $0x80, $0x38;
	[tilespmem:$0x2000] =	vst v63  }
0x5c: {  	s19 =	spop (v2sf);
	(v2sf) =	vpush v1, $0x3  }
0x5d: {  	s18 =	sand.u32 $0x1FFFFFF0, s21  }
0x5e: {  	s22 =	rddreg [dreg:$0x7];
	s18 =	sadd.s32 s2, s18  }
0x5f: {  	[tilespmem:s22], [sflag:$0x1] =	stream.linear.gather [hbm4b:s18+s1], $0x80, $0x38;
	[tilespmem:$0x2000] =	vst v63  }
0x60: {  	s18 =	sand.u32 $0x1FFFFFF0, s23  }
0x61: {  	s24 =	rddreg [dreg:$0x8];
	s18 =	sadd.s32 s3, s18;
	s21 =	spop (v2sf);
	(v2sf) =	vpush v0, $0x3  }
0x62: {  	[tilespmem:s24], [sflag:$0x1] =	stream.linear.gather [hbm4b:s18+s1], $0x80, $0x38;
	[tilespmem:$0x2000] =	vst v63  }
0x63: {  	s18 =	sand.u32 $0x1FFFFFF0, s25  }
0x64: {  	s26 =	rddreg [dreg:$0x9];
	s18 =	sadd.s32 s2, s18  }
0x65: {  	[tilespmem:s26], [sflag:$0x1] =	stream.linear.gather [hbm4b:s18+s1], $0x80, $0x38;
	[tilespmem:$0x2000] =	vst v63  }
0x66: {  	s18 =	sand.u32 $0x1FFFFFF0, s28  }
0x67: {  	s29 =	rddreg [dreg:$0xa];
	s18 =	sadd.s32 s2, s18;
	s23 =	spop (v2sf);
	(v2sf) =	vpush v2, $0x4  }
0x68: {  	[tilespmem:s29], [sflag:$0x1] =	stream.linear.gather [hbm4b:s18+s1], $0x80, $0x38;
	[tilespmem:$0x2000] =	vst v63  }
0x69: {  	s25 =	spop (v2sf);
	(v2sf) =	vpush v1, $0x4  }
0x6a: {  	s18 =	sand.u32 $0x1FFFFFF0, s30  }
0x6b: {  	s31 =	rddreg [dreg:$0xb];
	s18 =	sadd.s32 s3, s18;
	s28 =	spop (v2sf);
	(v2sf) =	vpush v0, $0x4  }
0x6c: {  	[tilespmem:s31], [sflag:$0x1] =	stream.linear.gather [hbm4b:s18+s1], $0x80, $0x38;
	[tilespmem:$0x2000] =	vst v63  }
0x6d: {  	s18 =	sand.u32 $0x1FFFFFF0, s19  }
0x6e: {  	s20 =	rddreg [dreg:$0xc];
	s18 =	sadd.s32 s2, s18  }
0x6f: {  	[tilespmem:s20], [sflag:$0x1] =	stream.linear.gather [hbm4b:s18+s1], $0x80, $0x38;
	[tilespmem:$0x2000] =	vst v63  }
0x70: {  	s18 =	sand.u32 $0x1FFFFFF0, s21;
	s30 =	spop (v2sf);
	(v2sf) =	vpush v2, $0x5  }
0x71: {  	s22 =	rddreg [dreg:$0xd];
	s18 =	sadd.s32 s2, s18  }
0x72: {  	[tilespmem:s22], [sflag:$0x1] =	stream.linear.gather [hbm4b:s18+s1], $0x80, $0x38;
	[tilespmem:$0x2000] =	vst v63  }
0x73: {  	s18 =	sand.u32 $0x1FFFFFF0, s23  }
0x74: {  	s24 =	rddreg [dreg:$0xe];
	s18 =	sadd.s32 s3, s18  }
0x75: {  	[tilespmem:s24], [sflag:$0x1] =	stream.linear.gather [hbm4b:s18+s1], $0x80, $0x38;
	[tilespmem:$0x2000] =	vst v63  }
0x76: {  	s19 =	spop (v2sf);
	(v2sf) =	vpush v1, $0x5  }
0x77: {  	s18 =	sand.u32 $0x1FFFFFF0, s25  }
0x78: {  	s26 =	rddreg [dreg:$0xf];
	s18 =	sadd.s32 s2, s18;
	s21 =	spop (v2sf);
	(v2sf) =	vpush v0, $0x5  }
0x79: {  	[tilespmem:s26], [sflag:$0x1] =	stream.linear.gather [hbm4b:s18+s1], $0x80, $0x38;
	[tilespmem:$0x2000] =	vst v63  }
0x7a: {  	s23 =	spop (v2sf);
	(v2sf) =	vpush v2, $0x6  }
0x7b: {  	s18 =	sand.u32 $0x1FFFFFF0, s28  }
0x7c: {  	s29 =	rddreg [dreg:$0x10];
	s18 =	sadd.s32 s2, s18  }
0x7d: {  	[tilespmem:s29], [sflag:$0x1] =	stream.linear.gather [hbm4b:s18+s1], $0x80, $0x38;
	[tilespmem:$0x2000] =	vst v63  }
0x7e: {  	s18 =	sand.u32 $0x1FFFFFF0, s30  }
0x7f: {  	s31 =	rddreg [dreg:$0x11];
	s18 =	sadd.s32 s3, s18;
	s25 =	spop (v2sf);
	(v2sf) =	vpush v1, $0x6  }
0x80: {  	[tilespmem:s31], [sflag:$0x1] =	stream.linear.gather [hbm4b:s18+s1], $0x80, $0x38;
	[tilespmem:$0x2000] =	vst v63  }
0x81: {  	s18 =	sand.u32 $0x1FFFFFF0, s19  }
0x82: {  	s20 =	rddreg [dreg:$0x12];
	s18 =	sadd.s32 s2, s18  }
0x83: {  	[tilespmem:s20], [sflag:$0x1] =	stream.linear.gather [hbm4b:s18+s1], $0x80, $0x38;
	[tilespmem:$0x2000] =	vst v63  }
0x84: {  	s18 =	sand.u32 $0x1FFFFFF0, s21  }
0x85: {  	s22 =	rddreg [dreg:$0x13];
	s18 =	sadd.s32 s2, s18;
	s28 =	spop (v2sf);
	(v2sf) =	vpush v0, $0x6  }
0x86: {  	[tilespmem:s22], [sflag:$0x1] =	stream.linear.gather [hbm4b:s18+s1], $0x80, $0x38;
	[tilespmem:$0x2000] =	vst v63  }
0x87: {  	s30 =	spop (v2sf);
	(v2sf) =	vpush v2, $0x7  }
0x88: {  	s18 =	sand.u32 $0x1FFFFFF0, s23  }
0x89: {  	s24 =	rddreg [dreg:$0x14];
	s18 =	sadd.s32 s3, s18;
	s19 =	spop (v2sf);
	(v2sf) =	vpush v1, $0x7  }
0x8a: {  	[tilespmem:s24], [sflag:$0x1] =	stream.linear.gather [hbm4b:s18+s1], $0x80, $0x38;
	[tilespmem:$0x2000] =	vst v63  }
0x8b: {  	s18 =	sand.u32 $0x1FFFFFF0, s25  }
0x8c: {  	s26 =	rddreg [dreg:$0x15];
	s18 =	sadd.s32 s2, s18  }
0x8d: {  	[tilespmem:s26], [sflag:$0x1] =	stream.linear.gather [hbm4b:s18+s1], $0x80, $0x38;
	[tilespmem:$0x2000] =	vst v63  }
0x8e: {  	s18 =	sand.u32 $0x1FFFFFF0, s28;
	s21 =	spop (v2sf);
	(v2sf) =	vpush v0, $0x7  }
0x8f: {  	s29 =	rddreg [dreg:$0x16];
	s18 =	sadd.s32 s2, s18  }
0x90: {  	[tilespmem:s29], [sflag:$0x1] =	stream.linear.gather [hbm4b:s18+s1], $0x80, $0x38;
	[tilespmem:$0x2000] =	vst v63  }
0x91: {  	s18 =	sand.u32 $0x1FFFFFF0, s30  }
0x92: {  	s31 =	rddreg [dreg:$0x17];
	s18 =	sadd.s32 s3, s18  }
0x93: {  	[tilespmem:s31], [sflag:$0x1] =	stream.linear.gather [hbm4b:s18+s1], $0x80, $0x38;
	[tilespmem:$0x2000] =	vst v63  }
0x94: {  	s23 =	spop (v2sf);
	(v2sf) =	vpush v2, $0x8  }
0x95: {  	s18 =	sand.u32 $0x1FFFFFF0, s19  }
0x96: {  	s20 =	rddreg [dreg:$0x18];
	s18 =	sadd.s32 s2, s18;
	s25 =	spop (v2sf);
	(v2sf) =	vpush v1, $0x8  }
0x97: {  	[tilespmem:s20], [sflag:$0x1] =	stream.linear.gather [hbm4b:s18+s1], $0x80, $0x38;
	[tilespmem:$0x2000] =	vst v63  }
0x98: {  	s28 =	spop (v2sf);
	(v2sf) =	vpush v0, $0x8  }
0x99: {  	s18 =	sand.u32 $0x1FFFFFF0, s21  }
0x9a: {  	s22 =	rddreg [dreg:$0x19];
	s18 =	sadd.s32 s2, s18  }
0x9b: {  	[tilespmem:s22], [sflag:$0x1] =	stream.linear.gather [hbm4b:s18+s1], $0x80, $0x38;
	[tilespmem:$0x2000] =	vst v63  }
0x9c: {  	s18 =	sand.u32 $0x1FFFFFF0, s23  }
0x9d: {  	s24 =	rddreg [dreg:$0x1a];
	s18 =	sadd.s32 s3, s18;
	s30 =	spop (v2sf);
	(v2sf) =	vpush v2, $0x9  }
0x9e: {  	[tilespmem:s24], [sflag:$0x1] =	stream.linear.gather [hbm4b:s18+s1], $0x80, $0x38;
	[tilespmem:$0x2000] =	vst v63  }
0x9f: {  	s18 =	sand.u32 $0x1FFFFFF0, s25  }
0xa0: {  	s26 =	rddreg [dreg:$0x1b];
	s18 =	sadd.s32 s2, s18  }
0xa1: {  	[tilespmem:s26], [sflag:$0x1] =	stream.linear.gather [hbm4b:s18+s1], $0x80, $0x38;
	[tilespmem:$0x2000] =	vst v63  }
0xa2: {  	s18 =	sand.u32 $0x1FFFFFF0, s28  }
0xa3: {  	s29 =	rddreg [dreg:$0x1c];
	s18 =	sadd.s32 s2, s18;
	s19 =	spop (v2sf);
	(v2sf) =	vpush v1, $0x9  }
0xa4: {  	[tilespmem:s29], [sflag:$0x1] =	stream.linear.gather [hbm4b:s18+s1], $0x80, $0x38;
	[tilespmem:$0x2000] =	vst v63  }
0xa5: {  	s21 =	spop (v2sf);
	(v2sf) =	vpush v0, $0x9  }
0xa6: {  	s18 =	sand.u32 $0x1FFFFFF0, s30  }
0xa7: {  	s31 =	rddreg [dreg:$0x1d];
	s18 =	sadd.s32 s3, s18;
	s23 =	spop (v2sf);
	(v2sf) =	vpush v2, $0xA  }
0xa8: {  	[tilespmem:s31], [sflag:$0x1] =	stream.linear.gather [hbm4b:s18+s1], $0x80, $0x38;
	[tilespmem:$0x2000] =	vst v63  }
0xa9: {  	s18 =	sand.u32 $0x1FFFFFF0, s19  }
0xaa: {  	s20 =	rddreg [dreg:$0x1e];
	s18 =	sadd.s32 s2, s18  }
0xab: {  	[tilespmem:s20], [sflag:$0x1] =	stream.linear.gather [hbm4b:s18+s1], $0x80, $0x38;
	[tilespmem:$0x2000] =	vst v63  }
0xac: {  	s22 =	rddreg [dreg:$0x1f];
	s18 =	sand.u32 $0x1FFFFFF0, s21;
	s25 =	spop (v2sf);
	(v2sf) =	vpush v1, $0xA  }
0xad: {  	s24 =	sld [smem:$0x7E8];
	s18 =	sadd.s32 s2, s18  }
0xae: {  	[tilespmem:s22], [sflag:$0x1] =	stream.linear.gather [hbm4b:s18+s1], $0x80, $0x38;
	[tilespmem:$0x2000] =	vst v63  }
0xaf: {  	s18 =	sand.u32 $0x1FFFFFF0, s23  }
0xb0: {  	s18 =	sadd.s32 s3, s18  }
0xb1: {  	[tilespmem:s24], [sflag:$0x1] =	stream.linear.gather [hbm4b:s18+s1], $0x80, $0x38;
	[tilespmem:$0x2000] =	vst v63  }
0xb2: {  	s26 =	sld [smem:$0x7E9];
	s28 =	spop (v2sf);
	(v2sf) =	vpush v0, $0xA  }
0xb3: {  	s18 =	sand.u32 $0x1FFFFFF0, s25  }
0xb4: {  	s18 =	sadd.s32 s2, s18;
	s30 =	spop (v2sf);
	(v2sf) =	vpush v2, $0xB  }
0xb5: {  	[tilespmem:s26], [sflag:$0x1] =	stream.linear.gather [hbm4b:s18+s1], $0x80, $0x38;
	[tilespmem:$0x2000] =	vst v63  }
0xb6: {  	s29 =	sld [smem:$0x7EA];
	s19 =	spop (v2sf);
	(v2sf) =	vpush v1, $0xB  }
0xb7: {  	s18 =	sand.u32 $0x1FFFFFF0, s28  }
0xb8: {  	s31 =	sld [smem:$0x7EB];
	s18 =	sadd.s32 s2, s18  }
0xb9: {  	[tilespmem:s29], [sflag:$0x1] =	stream.linear.gather [hbm4b:s18+s1], $0x80, $0x38;
	[tilespmem:$0x2000] =	vst v63  }
0xba: {  	s18 =	sand.u32 $0x1FFFFFF0, s30  }
0xbb: {  	s20 =	sld [smem:$0x7EC];
	s21 =	spop (v2sf);
	(v2sf) =	vpush v0, $0xB;
	s18 =	sadd.s32 s3, s18  }
0xbc: {  	[tilespmem:s31], [sflag:$0x1] =	stream.linear.gather [hbm4b:s18+s1], $0x80, $0x38;
	[tilespmem:$0x2000] =	vst v63  }
0xbd: {  	s18 =	sand.u32 $0x1FFFFFF0, s19  }
0xbe: {  	s22 =	sld [smem:$0x7ED];
	s18 =	sadd.s32 s2, s18  }
0xbf: {  	[tilespmem:s20], [sflag:$0x1] =	stream.linear.gather [hbm4b:s18+s1], $0x80, $0x38;
	[tilespmem:$0x2000] =	vst v63  }
0xc0: {  	s18 =	sand.u32 $0x1FFFFFF0, s21  }
0xc1: {  	s18 =	sadd.s32 s2, s18;
	s23 =	spop (v2sf);
	(v2sf) =	vpush v2, $0xC  }
0xc2: {  	[tilespmem:s22], [sflag:$0x1] =	stream.linear.gather [hbm4b:s18+s1], $0x80, $0x38;
	[tilespmem:$0x2000] =	vst v63  }
0xc3: {  	s24 =	sld [smem:$0x7EE];
	s25 =	spop (v2sf);
	(v2sf) =	vpush v1, $0xC  }
0xc4: {  	s18 =	sand.u32 $0x1FFFFFF0, s23  }
0xc5: {  	s26 =	sld [smem:$0x7EF];
	s18 =	sadd.s32 s3, s18;
	s28 =	spop (v2sf)  }
0xc6: {  	(v2sf) =	vpush v0, $0xC;
	[tilespmem:s24], [sflag:$0x1] =	stream.linear.gather [hbm4b:s18+s1], $0x80, $0x38;
	[tilespmem:$0x2000] =	vst v63  }
0xc7: {  	s18 =	sand.u32 $0x1FFFFFF0, s25  }
0xc8: {  	s29 =	sld [smem:$0x7F0];
	s18 =	sadd.s32 s2, s18  }
0xc9: {  	[tilespmem:s26], [sflag:$0x1] =	stream.linear.gather [hbm4b:s18+s1], $0x80, $0x38;
	[tilespmem:$0x2000] =	vst v63  }
0xca: {  	s30 =	spop (v2sf);
	(v2sf) =	vpush v2, $0xD;
	s18 =	sand.u32 $0x1FFFFFF0, s28  }
0xcb: {  	s31 =	sld [smem:$0x7F1];
	s18 =	sadd.s32 s2, s18  }
0xcc: {  	[tilespmem:s29], [sflag:$0x1] =	stream.linear.gather [hbm4b:s18+s1], $0x80, $0x38;
	[tilespmem:$0x2000] =	vst v63  }
0xcd: {  	s18 =	sand.u32 $0x1FFFFFF0, s30  }
0xce: {  	s18 =	sadd.s32 s3, s18  }
0xcf: {  	[tilespmem:s31], [sflag:$0x1] =	stream.linear.gather [hbm4b:s18+s1], $0x80, $0x38;
	[tilespmem:$0x2000] =	vst v63  }
0xd0: {  	s21 =	sld [smem:$0x7F2];
	s20 =	spop (v2sf);
	(v2sf) =	vpush v1, $0xD  }
0xd1: {  	s18 =	sand.u32 $0x1FFFFFF0, s20  }
0xd2: {  	s23 =	sld [smem:$0x7F3];
	s22 =	spop (v2sf);
	(v2sf) =	vpush v0, $0xD;
	s18 =	sadd.s32 s2, s18  }
0xd3: {  	[tilespmem:s21], [sflag:$0x1] =	stream.linear.gather [hbm4b:s18+s1], $0x80, $0x38;
	[tilespmem:$0x2000] =	vst v63  }
0xd4: {  	s18 =	sand.u32 $0x1FFFFFF0, s22  }
0xd5: {  	s24 =	spop (v2sf);
	s18 =	sadd.s32 s2, s18  }
0xd6: {  	[tilespmem:s23], [sflag:$0x1] =	stream.linear.gather [hbm4b:s18+s1], $0x80, $0x38;
	[tilespmem:$0x2000] =	vst v63  }
0xd7: {  	s19 =	sld [smem:$0x7F4];
	(v2sf) =	vpush v2, $0xE;
	_ =	sdelay $0x1  }
0xd8: {  	s25 =	spop (v2sf);
	(v2sf) =	vpush v1, $0xE;
	_ =	sdelay $0x1  }
0xd9: {  	s18 =	sand.u32 $0x1FFFFFF0, s24  }
0xda: {  	s18 =	sadd.s32 s3, s18;
	s26 =	sld [smem:$0x7F5]  }
0xdb: {  	[tilespmem:s19], [sflag:$0x1] =	stream.linear.gather [hbm4b:s18+s1], $0x80, $0x38;
	[tilespmem:$0x2000] =	vst v63  }
0xdc: {  	s18 =	sand.u32 $0x1FFFFFF0, s25  }
0xdd: {  	s18 =	sadd.s32 s2, s18;
	s28 =	spop (v2sf);
	(v2sf) =	vpush v0, $0xE  }
0xde: {  	[tilespmem:s26], [sflag:$0x1] =	stream.linear.gather [hbm4b:s18+s1], $0x80, $0x38;
	[tilespmem:$0x2000] =	vst v63  }
0xdf: {  	s29 =	sld [smem:$0x7F6];
	s30 =	spop (v2sf);
	(v2sf) =	vpush v2, $0xF  }
0xe0: {  	s18 =	sand.u32 $0x1FFFFFF0, s28  }
0xe1: {  	s31 =	sld [smem:$0x7F7];
	s18 =	sadd.s32 s2, s18  }
0xe2: {  	[tilespmem:s29], [sflag:$0x1] =	stream.linear.gather [hbm4b:s18+s1], $0x80, $0x38;
	[tilespmem:$0x2000] =	vst v63  }
0xe3: {  	s18 =	sand.u32 $0x1FFFFFF0, s30  }
0xe4: {  	s20 =	sld [smem:$0x7F8];
	s18 =	sadd.s32 s3, s18;
	s19 =	spop (v2sf);
	(v2sf) =	vpush v1, $0xF  }
0xe5: {  	[tilespmem:s31], [sflag:$0x1] =	stream.linear.gather [hbm4b:s18+s1], $0x80, $0x38;
	[tilespmem:$0x2000] =	vst v63  }
0xe6: {  	s18 =	sand.u32 $0x1FFFFFF0, s19;
	s21 =	spop (v2sf);
	(v2sf) =	vpush v0, $0xF  }
0xe7: {  	s22 =	sld [smem:$0x7F9];
	s18 =	sadd.s32 s2, s18  }
0xe8: {  	[tilespmem:s20], [sflag:$0x1] =	stream.linear.gather [hbm4b:s18+s1], $0x80, $0x38;
	[tilespmem:$0x2000] =	vst v63  }
0xe9: {  	s18 =	sand.u32 $0x1FFFFFF0, s21  }
0xea: {  	s18 =	sadd.s32 s2, s18  }
0xeb: {  	[tilespmem:s22], [sflag:$0x1] =	stream.linear.gather [hbm4b:s18+s1], $0x80, $0x38;
	[tilespmem:$0x2000] =	vst v63  }
0xec: {  	s24 =	sld [smem:$0x7FA];
	s23 =	spop (v2sf)  }
0xed: {  	s18 =	sand.u32 $0x1FFFFFF0, s23  }
0xee: {  	s26 =	sld [smem:$0x7FB];
	s25 =	spop (v2sf);
	s18 =	sadd.s32 s3, s18  }
0xef: {  	[tilespmem:s24], [sflag:$0x1] =	stream.linear.gather [hbm4b:s18+s1], $0x80, $0x38;
	[tilespmem:$0x2000] =	vst v63  }
0xf0: {  	s18 =	sand.u32 $0x1FFFFFF0, s25  }
0xf1: {  	s18 =	sadd.s32 s2, s18  }
0xf2: {  	[tilespmem:s26], [sflag:$0x1] =	stream.linear.gather [hbm4b:s18+s1], $0x80, $0x38;
	[tilespmem:$0x2000] =	vst v63  }
0xf3: {  	s29 =	sld [smem:$0x7FC];
	s28 =	spop (v2sf)  }
0xf4: {  	s18 =	sand.u32 $0x1FFFFFF0, s28  }
0xf5: {  	s31 =	sld [smem:$0x7FD];
	s30 =	spop (v2sf);
	s18 =	sadd.s32 s2, s18  }
0xf6: {  	[tilespmem:s29], [sflag:$0x1] =	stream.linear.gather [hbm4b:s18+s1], $0x80, $0x38;
	[tilespmem:$0x2000] =	vst v63  }
0xf7: {  	s18 =	sand.u32 $0x1FFFFFF0, s30  }
0xf8: {  	s18 =	sadd.s32 s3, s18  }
0xf9: {  	[tilespmem:s31], [sflag:$0x1] =	stream.linear.gather [hbm4b:s18+s1], $0x80, $0x38;
	[tilespmem:$0x2000] =	vst v63  }
0xfa: {  	_ =	swait.ge [sflag:s13], $0x80  }
0xfb: {  	[sflag:s13] =	ssyncset.done $0x0  }
0xfc: {  	[sflag:s13] =	ssyncadd.s32 $0xFFFFFF80  }
0xfd: {  	_ =	swait.ge [sflag:s13], $0x80  }
0xfe: {  	[sflag:s13] =	ssyncset.done $0x0  }
0xff: {  	[sflag:s13] =	ssyncadd.s32 $0xFFFFFF80  }
0x100: {  	_ =	swait.ge [sflag:s13], $0x80  }
0x101: {  	[sflag:s13] =	ssyncset.done $0x0  }
0x102: {  	[sflag:s13] =	ssyncadd.s32 $0xFFFFFF80  }
0x103: {  	_ =	swait.ge [sflag:s13], $0x80  }
0x104: {  	[sflag:s13] =	ssyncset.done $0x0  }
0x105: {  	[sflag:s13] =	ssyncadd.s32 $0xFFFFFF80  }
0x106: {  	_ =	swait.ge [sflag:s13], $0x80  }
0x107: {  	[sflag:s13] =	ssyncset.done $0x0  }
0x108: {  	[sflag:s13] =	ssyncadd.s32 $0xFFFFFF80  }
0x109: {  	_ =	swait.ge [sflag:s13], $0x80  }
0x10a: {  	[sflag:s13] =	ssyncset.done $0x0  }
0x10b: {  	[sflag:s13] =	ssyncadd.s32 $0xFFFFFF80  }
0x10c: {  	_ =	swait.ge [sflag:s13], $0x80  }
0x10d: {  	[sflag:s13] =	ssyncset.done $0x0  }
0x10e: {  	[sflag:s13] =	ssyncadd.s32 $0xFFFFFF80  }
0x10f: {  	_ =	swait.ge [sflag:s13], $0x80  }
0x110: {  	[sflag:s13] =	ssyncset.done $0x0  }
0x111: {  	[sflag:s13] =	ssyncadd.s32 $0xFFFFFF80  }
0x112: {  	_ =	swait.ge [sflag:s13], $0x80  }
0x113: {  	[sflag:s13] =	ssyncset.done $0x0  }
0x114: {  	[sflag:s13] =	ssyncadd.s32 $0xFFFFFF80  }
0x115: {  	_ =	swait.ge [sflag:s13], $0x80  }
0x116: {  	[sflag:s13] =	ssyncset.done $0x0  }
0x117: {  	[sflag:s13] =	ssyncadd.s32 $0xFFFFFF80  }
0x118: {  	_ =	swait.ge [sflag:s13], $0x80  }
0x119: {  	[sflag:s13] =	ssyncset.done $0x0  }
0x11a: {  	[sflag:s13] =	ssyncadd.s32 $0xFFFFFF80  }
0x11b: {  	_ =	swait.ge [sflag:s13], $0x80  }
0x11c: {  	[sflag:s13] =	ssyncset.done $0x0  }
0x11d: {  	[sflag:s13] =	ssyncadd.s32 $0xFFFFFF80  }
0x11e: {  	_ =	swait.ge [sflag:s13], $0x80  }
0x11f: {  	[sflag:s13] =	ssyncset.done $0x0  }
0x120: {  	[sflag:s13] =	ssyncadd.s32 $0xFFFFFF80  }
0x121: {  	_ =	swait.ge [sflag:s13], $0x80  }
0x122: {  	[sflag:s13] =	ssyncset.done $0x0  }
0x123: {  	[sflag:s13] =	ssyncadd.s32 $0xFFFFFF80  }
0x124: {  	_ =	swait.ge [sflag:s13], $0x80  }
0x125: {  	[sflag:s13] =	ssyncset.done $0x0  }
0x126: {  	[sflag:s13] =	ssyncadd.s32 $0xFFFFFF80  }
0x127: {  	_ =	swait.ge [sflag:s13], $0x80  }
0x128: {  	[sflag:s13] =	ssyncset.done $0x0  }
0x129: {  	[sflag:s13] =	ssyncadd.s32 $0xFFFFFF80  }
0x12a: {  	_ =	swait.ge [sflag:s13], $0x80  }
0x12b: {  	[sflag:s13] =	ssyncset.done $0x0  }
0x12c: {  	[sflag:s13] =	ssyncadd.s32 $0xFFFFFF80  }
0x12d: {  	_ =	swait.ge [sflag:s13], $0x80  }
0x12e: {  	[sflag:s13] =	ssyncset.done $0x0  }
0x12f: {  	[sflag:s13] =	ssyncadd.s32 $0xFFFFFF80  }
0x130: {  	_ =	swait.ge [sflag:s13], $0x80  }
0x131: {  	[sflag:s13] =	ssyncset.done $0x0  }
0x132: {  	[sflag:s13] =	ssyncadd.s32 $0xFFFFFF80  }
0x133: {  	_ =	swait.ge [sflag:s13], $0x80  }
0x134: {  	[sflag:s13] =	ssyncset.done $0x0  }
0x135: {  	[sflag:s13] =	ssyncadd.s32 $0xFFFFFF80  }
0x136: {  	_ =	swait.ge [sflag:s13], $0x80  }
0x137: {  	[sflag:s13] =	ssyncset.done $0x0  }
0x138: {  	[sflag:s13] =	ssyncadd.s32 $0xFFFFFF80  }
0x139: {  	_ =	swait.ge [sflag:s13], $0x80  }
0x13a: {  	[sflag:s13] =	ssyncset.done $0x0  }
0x13b: {  	[sflag:s13] =	ssyncadd.s32 $0xFFFFFF80  }
0x13c: {  	_ =	swait.ge [sflag:s13], $0x80  }
0x13d: {  	[sflag:s13] =	ssyncset.done $0x0  }
0x13e: {  	[sflag:s13] =	ssyncadd.s32 $0xFFFFFF80  }
0x13f: {  	_ =	swait.ge [sflag:s13], $0x80  }
0x140: {  	[sflag:s13] =	ssyncset.done $0x0  }
0x141: {  	[sflag:s13] =	ssyncadd.s32 $0xFFFFFF80  }
0x142: {  	_ =	swait.ge [sflag:s13], $0x80  }
0x143: {  	[sflag:s13] =	ssyncset.done $0x0  }
0x144: {  	[sflag:s13] =	ssyncadd.s32 $0xFFFFFF80  }
0x145: {  	_ =	swait.ge [sflag:s13], $0x80  }
0x146: {  	[sflag:s13] =	ssyncset.done $0x0  }
0x147: {  	[sflag:s13] =	ssyncadd.s32 $0xFFFFFF80  }
0x148: {  	_ =	swait.ge [sflag:s13], $0x80  }
0x149: {  	[sflag:s13] =	ssyncset.done $0x0  }
0x14a: {  	[sflag:s13] =	ssyncadd.s32 $0xFFFFFF80  }
0x14b: {  	_ =	swait.ge [sflag:s13], $0x80  }
0x14c: {  	[sflag:s13] =	ssyncset.done $0x0  }
0x14d: {  	[sflag:s13] =	ssyncadd.s32 $0xFFFFFF80  }
0x14e: {  	_ =	swait.ge [sflag:s13], $0x80  }
0x14f: {  	[sflag:s13] =	ssyncset.done $0x0  }
0x150: {  	[sflag:s13] =	ssyncadd.s32 $0xFFFFFF80  }
0x151: {  	_ =	swait.ge [sflag:s13], $0x80  }
0x152: {  	[sflag:s13] =	ssyncset.done $0x0  }
0x153: {  	[sflag:s13] =	ssyncadd.s32 $0xFFFFFF80  }
0x154: {  	_ =	swait.ge [sflag:s13], $0x80  }
0x155: {  	[sflag:s13] =	ssyncset.done $0x0  }
0x156: {  	[sflag:s13] =	ssyncadd.s32 $0xFFFFFF80  }
0x157: {  	_ =	swait.ge [sflag:s13], $0x80  }
0x158: {  	[sflag:s13] =	ssyncset.done $0x0  }
0x159: {  	[sflag:s13] =	ssyncadd.s32 $0xFFFFFF80  }
0x15a: {  	_ =	swait.ge [sflag:s13], $0x80  }
0x15b: {  	[sflag:s13] =	ssyncset.done $0x0  }
0x15c: {  	[sflag:s13] =	ssyncadd.s32 $0xFFFFFF80  }
0x15d: {  	_ =	swait.ge [sflag:s13], $0x80  }
0x15e: {  	[sflag:s13] =	ssyncset.done $0x0  }
0x15f: {  	[sflag:s13] =	ssyncadd.s32 $0xFFFFFF80  }
0x160: {  	_ =	swait.ge [sflag:s13], $0x80  }
0x161: {  	[sflag:s13] =	ssyncset.done $0x0  }
0x162: {  	[sflag:s13] =	ssyncadd.s32 $0xFFFFFF80  }
0x163: {  	_ =	swait.ge [sflag:s13], $0x80  }
0x164: {  	[sflag:s13] =	ssyncset.done $0x0  }
0x165: {  	[sflag:s13] =	ssyncadd.s32 $0xFFFFFF80  }
0x166: {  	_ =	swait.ge [sflag:s13], $0x80  }
0x167: {  	[sflag:s13] =	ssyncset.done $0x0  }
0x168: {  	[sflag:s13] =	ssyncadd.s32 $0xFFFFFF80  }
0x169: {  	_ =	swait.ge [sflag:s13], $0x80  }
0x16a: {  	[sflag:s13] =	ssyncset.done $0x0  }
0x16b: {  	[sflag:s13] =	ssyncadd.s32 $0xFFFFFF80  }
0x16c: {  	_ =	swait.ge [sflag:s13], $0x80  }
0x16d: {  	[sflag:s13] =	ssyncset.done $0x0  }
0x16e: {  	[sflag:s13] =	ssyncadd.s32 $0xFFFFFF80  }
0x16f: {  	_ =	swait.ge [sflag:s13], $0x80  }
0x170: {  	[sflag:s13] =	ssyncset.done $0x0  }
0x171: {  	[sflag:s13] =	ssyncadd.s32 $0xFFFFFF80  }
0x172: {  	_ =	swait.ge [sflag:s13], $0x80  }
0x173: {  	[sflag:s13] =	ssyncset.done $0x0  }
0x174: {  	[sflag:s13] =	ssyncadd.s32 $0xFFFFFF80  }
0x175: {  	_ =	swait.ge [sflag:s13], $0x80  }
0x176: {  	[sflag:s13] =	ssyncset.done $0x0  }
0x177: {  	[sflag:s13] =	ssyncadd.s32 $0xFFFFFF80  }
0x178: {  	_ =	swait.ge [sflag:s13], $0x80  }
0x179: {  	[sflag:s13] =	ssyncset.done $0x0  }
0x17a: {  	[sflag:s13] =	ssyncadd.s32 $0xFFFFFF80  }
0x17b: {  	_ =	swait.ge [sflag:s13], $0x80  }
0x17c: {  	[sflag:s13] =	ssyncset.done $0x0  }
0x17d: {  	[sflag:s13] =	ssyncadd.s32 $0xFFFFFF80  }
0x17e: {  	_ =	swait.ge [sflag:s13], $0x80  }
0x17f: {  	[sflag:s13] =	ssyncset.done $0x0  }
0x180: {  	[sflag:s13] =	ssyncadd.s32 $0xFFFFFF80  }
0x181: {  	_ =	swait.ge [sflag:s13], $0x80  }
0x182: {  	[sflag:s13] =	ssyncset.done $0x0  }
0x183: {  	[sflag:s13] =	ssyncadd.s32 $0xFFFFFF80  }
0x184: {  	_ =	swait.ge [sflag:s13], $0x80  }
0x185: {  	[sflag:s13] =	ssyncset.done $0x0  }
0x186: {  	[sflag:s13] =	ssyncadd.s32 $0xFFFFFF80  }
0x187: {  	_ =	swait.ge [sflag:s13], $0x80  }
0x188: {  	[sflag:s13] =	ssyncset.done $0x0  }
0x189: {  	[sflag:s13] =	ssyncadd.s32 $0xFFFFFF80  }
0x18a: {  	v47 =	vld [tilespmem:$0x18B0];
	_ =	sdelay $0x4  }
0x18b: {  	[tilespmem:$0x1FC20] =	vst v47;
	v47 =	vld [tilespmem:$0x1900];
	_ =	sdelay $0x4  }
0x18c: {  	[tilespmem:$0x1FC50] =	vst v47;
	v47 =	vld [tilespmem:$0x910];
	_ =	sdelay $0x4  }
0x18d: {  	[tilespmem:$0x1FC30] =	vst v47;
	v47 =	vld [tilespmem:$0x1110];
	_ =	sdelay $0x4  }
0x18e: {  	[tilespmem:$0x1FC40] =	vst v47;
	v47 =	vld [tilespmem:$0x1910];
	_ =	sdelay $0x4  }
0x18f: {  	[tilespmem:$0x1FC80] =	vst v47;
	v47 =	vld [tilespmem:$0x920];
	_ =	sdelay $0x4  }
0x190: {  	[tilespmem:$0x1FC60] =	vst v47;
	v47 =	vld [tilespmem:$0x1120];
	_ =	sdelay $0x4  }
0x191: {  	[tilespmem:$0x1FC70] =	vst v47;
	v47 =	vld [tilespmem:$0x1920];
	_ =	sdelay $0x4  }
0x192: {  	[tilespmem:$0x1FCB0] =	vst v47;
	v47 =	vld [tilespmem:$0x930];
	_ =	sdelay $0x4  }
0x193: {  	[tilespmem:$0x1FC90] =	vst v47;
	v47 =	vld [tilespmem:$0x1130];
	_ =	sdelay $0x4  }
0x194: {  	[tilespmem:$0x1FCA0] =	vst v47;
	v47 =	vld [tilespmem:$0x1930];
	_ =	sdelay $0x4  }
0x195: {  	[tilespmem:$0x1FCE0] =	vst v47;
	v47 =	vld [tilespmem:$0x980];
	_ =	sdelay $0x4  }
0x196: {  	[tilespmem:$0x1FCC0] =	vst v47;
	v47 =	vld [tilespmem:$0x1180];
	_ =	sdelay $0x4  }
0x197: {  	[tilespmem:$0x1FCD0] =	vst v47;
	v47 =	vld [tilespmem:$0x1980];
	_ =	sdelay $0x4  }
0x198: {  	[tilespmem:$0x1FD10] =	vst v47;
	v47 =	vld [tilespmem:$0x990];
	_ =	sdelay $0x4  }
0x199: {  	[tilespmem:$0x1FCF0] =	vst v47;
	v47 =	vld [tilespmem:$0x1190];
	_ =	sdelay $0x4  }
0x19a: {  	[tilespmem:$0x1FD00] =	vst v47;
	v47 =	vld [tilespmem:$0x1990];
	_ =	sdelay $0x4  }
0x19b: {  	[tilespmem:$0x1FD40] =	vst v47;
	v47 =	vld [tilespmem:$0x9A0];
	_ =	sdelay $0x4  }
0x19c: {  	[tilespmem:$0x1FD20] =	vst v47;
	v47 =	vld [tilespmem:$0x11A0];
	_ =	sdelay $0x4  }
0x19d: {  	[tilespmem:$0x1FD30] =	vst v47;
	v47 =	vld [tilespmem:$0x19A0];
	_ =	sdelay $0x4  }
0x19e: {  	[tilespmem:$0x1FD70] =	vst v47;
	v47 =	vld [tilespmem:$0x9B0];
	_ =	sdelay $0x4  }
0x19f: {  	[tilespmem:$0x1FD50] =	vst v47;
	v47 =	vld [tilespmem:$0x11B0];
	_ =	sdelay $0x4  }
0x1a0: {  	[tilespmem:$0x1FD60] =	vst v47;
	v47 =	vld [tilespmem:$0x19B0];
	_ =	sdelay $0x4  }
0x1a1: {  	[tilespmem:$0x1FDA0] =	vst v47;
	v47 =	vld [tilespmem:$0xA00];
	_ =	sdelay $0x4  }
0x1a2: {  	[tilespmem:$0x1FD80] =	vst v47;
	v47 =	vld [tilespmem:$0x1200];
	_ =	sdelay $0x4  }
0x1a3: {  	[tilespmem:$0x1FD90] =	vst v47;
	v47 =	vld [tilespmem:$0x1A00];
	_ =	sdelay $0x4  }
0x1a4: {  	[tilespmem:$0x1FDD0] =	vst v47;
	v47 =	vld [tilespmem:$0xA10];
	_ =	sdelay $0x4  }
0x1a5: {  	[tilespmem:$0x1FDB0] =	vst v47;
	v47 =	vld [tilespmem:$0x1210];
	_ =	sdelay $0x4  }
0x1a6: {  	[tilespmem:$0x1FDC0] =	vst v47;
	v47 =	vld [tilespmem:$0x1A10];
	_ =	sdelay $0x4  }
0x1a7: {  	[tilespmem:$0x1FE00] =	vst v47;
	v47 =	vld [tilespmem:$0xA20];
	_ =	sdelay $0x4  }
0x1a8: {  	[tilespmem:$0x1FDE0] =	vst v47;
	v47 =	vld [tilespmem:$0x1220];
	_ =	sdelay $0x3  }
0x1a9: {  	v44 =	vld [tilespmem:$0x600]  }
0x1aa: {  	[tilespmem:$0x1FDF0] =	vst v47;
	v47 =	vld [tilespmem:$0x1A20]  }
0x1ab: {  	v22 =	vld [tilespmem:$0xE00]  }
0x1ac: {  	v54 =	vld [tilespmem:$0x1600]  }
0x1ad: {  	v23 =	vld [tilespmem:$0x610]  }
0x1ae: {  	v0 =	vld [tilespmem:$0xE10]  }
0x1af: {  	[tilespmem:$0x1FE30] =	vst v47;
	v47 =	vld [tilespmem:$0xA30]  }
0x1b0: {  	v48 =	vld [tilespmem:$0x1610]  }
0x1b1: {  	v24 =	vld [tilespmem:$0x620]  }
0x1b2: {  	v1 =	vld [tilespmem:$0xE20]  }
0x1b3: {  	v49 =	vld [tilespmem:$0x1620]  }
0x1b4: {  	[tilespmem:$0x1FE10] =	vst v47;
	v47 =	vld [tilespmem:$0x1230]  }
0x1b5: {  	v25 =	vld [tilespmem:$0x630]  }
0x1b6: {  	v2 =	vld [tilespmem:$0xE30]  }
0x1b7: {  	v59 =	vld [tilespmem:$0x1630]  }
0x1b8: {  	v26 =	vld [tilespmem:$0x680]  }
0x1b9: {  	[tilespmem:$0x1FE20] =	vst v47;
	v47 =	vld [tilespmem:$0x1A30]  }
0x1ba: {  	v3 =	vld [tilespmem:$0xE80]  }
0x1bb: {  	v4 =	vld [tilespmem:$0x1680]  }
0x1bc: {  	v27 =	vld [tilespmem:$0x690]  }
0x1bd: {  	v5 =	vld [tilespmem:$0x1690]  }
0x1be: {  	[tilespmem:$0x1FE60] =	vst v47;
	v47 =	vld [tilespmem:$0xA80]  }
0x1bf: {  	v28 =	vld [tilespmem:$0x6A0]  }
0x1c0: {  	v57 =	vld [tilespmem:$0x16A0]  }
0x1c1: {  	v29 =	vld [tilespmem:$0x6B0]  }
0x1c2: {  	v6 =	vld [tilespmem:$0xEB0]  }
0x1c3: {  	[tilespmem:$0x1FE40] =	vst v47;
	v47 =	vld [tilespmem:$0x1280]  }
0x1c4: {  	v61 =	vld [tilespmem:$0x16B0]  }
0x1c5: {  	v30 =	vld [tilespmem:$0x700]  }
0x1c6: {  	v7 =	vld [tilespmem:$0xF00]  }
0x1c7: {  	v51 =	vld [tilespmem:$0x1700]  }
0x1c8: {  	[tilespmem:$0x1FE50] =	vst v47;
	v47 =	vld [tilespmem:$0x1A80]  }
0x1c9: {  	v31 =	vld [tilespmem:$0x710]  }
0x1ca: {  	v8 =	vld [tilespmem:$0xF10]  }
0x1cb: {  	v52 =	vld [tilespmem:$0x1710]  }
0x1cc: {  	v32 =	vld [tilespmem:$0x720]  }
0x1cd: {  	[tilespmem:$0x1FE90] =	vst v47;
	v47 =	vld [tilespmem:$0xA90]  }
0x1ce: {  	v9 =	vld [tilespmem:$0xF20]  }
0x1cf: {  	v53 =	vld [tilespmem:$0x1720]  }
0x1d0: {  	v33 =	vld [tilespmem:$0x730]  }
0x1d1: {  	v10 =	vld [tilespmem:$0xF30]  }
0x1d2: {  	[tilespmem:$0x1FE70] =	vst v47;
	v47 =	vld [tilespmem:$0x1290]  }
0x1d3: {  	v58 =	vld [tilespmem:$0x1730]  }
0x1d4: {  	v34 =	vld [tilespmem:$0x780]  }
0x1d5: {  	v11 =	vld [tilespmem:$0xF80]  }
0x1d6: {  	v55 =	vld [tilespmem:$0x1780]  }
0x1d7: {  	[tilespmem:$0x1FE80] =	vst v47;
	v47 =	vld [tilespmem:$0x1A90]  }
0x1d8: {  	v35 =	vld [tilespmem:$0x790]  }
0x1d9: {  	v12 =	vld [tilespmem:$0xF90]  }
0x1da: {  	v56 =	vld [tilespmem:$0x1790]  }
0x1db: {  	v36 =	vld [tilespmem:$0x7A0]  }
0x1dc: {  	[tilespmem:$0x1FEC0] =	vst v47;
	v47 =	vld [tilespmem:$0xAA0]  }
0x1dd: {  	v13 =	vld [tilespmem:$0xFA0]  }
0x1de: {  	v60 =	vld [tilespmem:$0x17A0]  }
0x1df: {  	v37 =	vld [tilespmem:$0x7B0]  }
0x1e0: {  	v14 =	vld [tilespmem:$0xFB0]  }
0x1e1: {  	[tilespmem:$0x1FEA0] =	vst v47;
	v47 =	vld [tilespmem:$0x12A0]  }
0x1e2: {  	v62 =	vld [tilespmem:$0x17B0]  }
0x1e3: {  	v38 =	vld [tilespmem:$0x800]  }
0x1e4: {  	v15 =	vld [tilespmem:$0x1000]  }
0x1e5: {  	v63 =	vld [tilespmem:$0x1800]  }
0x1e6: {  	[tilespmem:$0x1FEB0] =	vst v47;
	v47 =	vld [tilespmem:$0x1AA0]  }
0x1e7: {  	v39 =	vld [tilespmem:$0x810]  }
0x1e8: {  	v16 =	vld [tilespmem:$0x1010]  }
0x1e9: {  	v17 =	vld [tilespmem:$0x1810]  }
0x1ea: {  	v40 =	vld [tilespmem:$0x820]  }
0x1eb: {  	[tilespmem:$0x1FEF0] =	vst v47;
	v47 =	vld [tilespmem:$0xAB0]  }
0x1ec: {  	v41 =	vld [tilespmem:$0x830]  }
0x1ed: {  	v18 =	vld [tilespmem:$0x1030]  }
0x1ee: {  	v19 =	vld [tilespmem:$0x1830]  }
0x1ef: {  	v20 =	vld [tilespmem:$0x880]  }
0x1f0: {  	[tilespmem:$0x1FED0] =	vst v47;
	v47 =	vld [tilespmem:$0x12B0]  }
0x1f1: {  	v21 =	vld [tilespmem:$0x1880]  }
0x1f2: {  	v43 =	vld [tilespmem:$0x890]  }
0x1f3: {  	v42 =	vld [tilespmem:$0x1890]  }
0x1f4: {  	v46 =	vld [tilespmem:$0x8A0]  }
0x1f5: {  	[tilespmem:$0x1FEE0] =	vst v47;
	v47 =	vld [tilespmem:$0x1AB0]  }
0x1f6: {  	v45 =	vld [tilespmem:$0x18A0]  }
0x1f7: {  	v50 =	vld [tilespmem:$0x900]  }
0x1f8: {  	[tilespmem:$0x1FBA0] =	vst v4;
	v4 =	vld [tilespmem:$0xE90]  }
0x1f9: {  	[tilespmem:$0x1FBB0] =	vst v5;
	v5 =	vld [tilespmem:$0xEA0]  }
0x1fa: {  	[tilespmem:$0x1FF20] =	vst v47;
	v47 =	vld [tilespmem:$0xB00]  }
0x1fb: {  	[tilespmem:$0x1FBC0] =	vst v17;
	v17 =	vld [tilespmem:$0x1020]  }
0x1fc: {  	[tilespmem:$0x1FB80] =	vst v48;
	v48 =	vld [tilespmem:$0x1820]  }
0x1fd: {  	[tilespmem:$0x1FBD0] =	vst v19;
	v19 =	vld [tilespmem:$0x1080]  }
0x1fe: {  	[tilespmem:$0x1FBE0] =	vst v21;
	v21 =	vld [tilespmem:$0x1090]  }
0x1ff: {  	[tilespmem:$0x1FF00] =	vst v47;
	v47 =	vld [tilespmem:$0x1300]  }
0x200: {  	[tilespmem:$0x1FBF0] =	vst v42;
	v42 =	vld [tilespmem:$0x10A0]  }
0x201: {  	[tilespmem:$0x1FB90] =	vst v49;
	v49 =	vld [tilespmem:$0x8B0]  }
0x202: {  	[tilespmem:$0x1FC00] =	vst v45;
	v45 =	vld [tilespmem:$0x10B0]  }
0x203: {  	[tilespmem:$0x1FC10] =	vst v50;
	v50 =	vld [tilespmem:$0x1100]  }
0x204: {  	[tilespmem:$0x1FF10] =	vst v47;
	v47 =	vld [tilespmem:$0x1B00]  }
0x205: {  	v22 =	vmul.f32 v22, v44;
	v44 =	vld [tilespmem:$0x1B30]  }
0x206: {  	v1 =	vmul.f32 v1, v24;
	v24 =	vld [tilespmem:$0x1380]  }
0x207: {  	v0 =	vmul.f32 v0, v23;
	v23 =	vld [tilespmem:$0x1B80]  }
0x208: {  	v13 =	vmul.f32 v13, v36;
	v36 =	vld [tilespmem:$0xC30]  }
0x209: {  	[tilespmem:$0x1FF50] =	vst v47;
	v47 =	vld [tilespmem:$0xB10]  }
0x20a: {  	v14 =	vmul.f32 v14, v37;
	v37 =	vld [tilespmem:$0x1430]  }
0x20b: {  	v15 =	vmul.f32 v15, v38;
	v38 =	vld [tilespmem:$0x1C30]  }
0x20c: {  	v16 =	vmul.f32 v16, v39;
	v39 =	vld [tilespmem:$0x1FBC0]  }
0x20d: {  	v6 =	vmul.f32 v6, v29;
	v18 =	vmul.f32 v18, v41;
	v41 =	vld [tilespmem:$0x1FBE0]  }
0x20e: {  	v30 =	vmul.f32 v7, v30;
	[tilespmem:$0x1FF30] =	vst v47;
	v47 =	vld [tilespmem:$0x1310]  }
0x20f: {  	v33 =	vmul.f32 v10, v33;
	v7 =	vmul.f32 v61, v6;
	v61 =	vld [tilespmem:$0x1BB0]  }
0x210: {  	v34 =	vmul.f32 v11, v34;
	v6 =	vld [tilespmem:$0x1400]  }
0x211: {  	v11 =	vmul.f32 v58, v33;
	v33 =	vld [tilespmem:$0x1C10]  }
0x212: {  	v35 =	vmul.f32 v12, v35;
	v12 =	vmul.f32 v55, v34;
	v34 =	vld [tilespmem:$0xC20]  }
0x213: {  	v31 =	vmul.f32 v8, v31;
	[tilespmem:$0x1FF40] =	vst v47;
	v47 =	vld [tilespmem:$0x1B10]  }
0x214: {  	v8 =	vmul.f32 v51, v30;
	v30 =	vmul.f32 v56, v35;
	v35 =	vld [tilespmem:$0x1C20]  }
0x215: {  	[tilespmem:$0x1FFE0] =	vst v44;
	v44 =	vmul.f32 v54, v22;
	v54 =	vmul.f32 v2, v25;
	v25 =	vld [tilespmem:$0x1FB90]  }
0x216: {  	v22 =	vld [tilespmem:$0xB90]  }
0x217: {  	[tilespmem:$0x1FFF0] =	vst v23;
	v23 =	vld [tilespmem:$0x1390]  }
0x218: {  	[tilespmem:$0x1FF80] =	vst v47;
	v47 =	vld [tilespmem:$0xB20]  }
0x219: {  	v2 =	vld [tilespmem:$0xBB0]  }
0x21a: {  	v19 =	vmul.f32 v19, v20;
	v20 =	vld [tilespmem:$0x1420]  }
0x21b: {  	v17 =	vmul.f32 v17, v40;
	v40 =	vld [tilespmem:$0x1FBD0];
	v21 =	vmul.f32 v21, v43  }
0x21c: {  	v43 =	vmul.f32 v42, v46;
	v46 =	vmul.f32 v45, v49;
	v49 =	vld [tilespmem:$0x1FC10]  }
0x21d: {  	[tilespmem:$0x1FF60] =	vst v47;
	v47 =	vld [tilespmem:$0x1320]  }
0x21e: {  	v42 =	vld [tilespmem:$0xC90]  }
0x21f: {  	v16 =	vmul.f32 v39, v16;
	v39 =	vld [tilespmem:$0xC80]  }
0x220: {  	v17 =	vmul.f32 v48, v17;
	v48 =	vld [tilespmem:$0x1FC00]  }
0x221: {  	v19 =	vmul.f32 v41, v19;
	v41 =	vld [tilespmem:$0x1C80]  }
0x222: {  	v25 =	vmul.f32 v25, v1;
	[tilespmem:$0x1FF70] =	vst v47;
	v47 =	vld [tilespmem:$0x1B20]  }
0x223: {  	v1 =	vmul.f32 v3, v26;
	v26 =	vmul.f32 v59, v54;
	v54 =	vld [tilespmem:$0x1FBA0]  }
0x224: {  	v59 =	vmul.f32 v5, v28;
	v5 =	vld [tilespmem:$0x1FBB0]  }
0x225: {  	v3 =	vld [tilespmem:$0x13B0]  }
0x226: {  	v18 =	vmul.f32 v40, v18;
	v40 =	vld [tilespmem:$0x1480]  }
0x227: {  	[tilespmem:$0x1FFB0] =	vst v47;
	v47 =	vld [tilespmem:$0xB30]  }
0x228: {  	v22 =	vmul.f32 v23, v22;
	v23 =	vld [tilespmem:$0x1D20]  }
0x229: {  	v51 =	vld [tilespmem:$0x1FC30]  }
0x22a: {  	v29 =	vmul.f32 v57, v59;
	v57 =	vld [tilespmem:$0x13A0]  }
0x22b: {  	v59 =	vmul.f32 v52, v31;
	v31 =	vld [tilespmem:$0xC10]  }
0x22c: {  	[tilespmem:$0x1FF90] =	vst v47;
	v47 =	vld [tilespmem:$0x1330]  }
0x22d: {  	v2 =	vmul.f32 v3, v2;
	v3 =	vld [tilespmem:$0x1530]  }
0x22e: {  	v52 =	vld [tilespmem:$0x1FC40]  }
0x22f: {  	v56 =	vld [tilespmem:$0x1FC80]  }
0x230: {  	v55 =	vld [tilespmem:$0x1FC70]  }
0x231: {  	[tilespmem:$0x1FFA0] =	vst v47;
	v47 =	vld [tilespmem:$0xB80]  }
0x232: {  	v13 =	vmul.f32 v60, v13;
	v60 =	vld [tilespmem:$0x1FCB0]  }
0x233: {  	v14 =	vmul.f32 v62, v14;
	v62 =	vld [tilespmem:$0x1FCC0]  }
0x234: {  	v15 =	vmul.f32 v63, v15;
	v63 =	vld [tilespmem:$0x1FCD0]  }
0x235: {  	v58 =	vld [tilespmem:$0x1FC90]  }
0x236: {  	[tilespmem:$0x1FFC0] =	vst v47;
	v47 =	vld [tilespmem:$0x1FB80]  }
0x237: {  	v8 =	vadd.f32 v59, v8;
	v59 =	vld [tilespmem:$0x1FCA0]  }
0x238: {  	v45 =	vld [tilespmem:$0x1FCF0]  }
0x239: {  	v12 =	vadd.f32 v30, v12;
	v30 =	vmul.f32 v63, v62;
	v62 =	vld [tilespmem:$0x1FDD0]  }
0x23a: {  	v63 =	vld [tilespmem:$0x1FDE0]  }
0x23b: {  	[tilespmem:$0x1FFD0] =	vst v24;
	v24 =	vmul.f32 v47, v0;
	v47 =	vmul.f32 v4, v27;
	v4 =	vld [tilespmem:$0x1B90]  }
0x23c: {  	v27 =	vmul.f32 v54, v1;
	v1 =	vld [tilespmem:$0xC00]  }
0x23d: {  	v0 =	vld [tilespmem:$0x1C00]  }
0x23e: {  	v54 =	vmul.f32 v9, v32;
	v32 =	vld [tilespmem:$0x1410]  }
0x23f: {  	v28 =	vmul.f32 v5, v47;
	v47 =	vld [tilespmem:$0xBA0]  }
0x240: {  	v5 =	vld [tilespmem:$0x1BA0]  }
0x241: {  	v24 =	vadd.f32 v24, v44;
	v44 =	vld [tilespmem:$0x1FBF0]  }
0x242: {  	v10 =	vmul.f32 v53, v54;
	v53 =	vld [tilespmem:$0x1FC50]  }
0x243: {  	v54 =	vld [tilespmem:$0x1FC60]  }
0x244: {  	v27 =	vadd.f32 v28, v27;
	v28 =	vmul.f32 v48, v43;
	v43 =	vld [tilespmem:$0x1490]  }
0x245: {  	v48 =	vld [tilespmem:$0x1FD10]  }
0x246: {  	v1 =	vmul.f32 v6, v1;
	v6 =	vld [tilespmem:$0x1D30]  }
0x247: {  	v4 =	vmul.f32 v4, v22;
	v22 =	vld [tilespmem:$0xD80]  }
0x248: {  	v24 =	vadd.f32 v25, v24;
	v27 =	vadd.f32 v29, v27;
	v29 =	vmul.f32 v50, v49;
	v50 =	vld [tilespmem:$0x1FC20]  }
0x249: {  	v49 =	vld [tilespmem:$0x1FD20]  }
0x24a: {  	v24 =	vadd.f32 v26, v24;
	v26 =	vmul.f32 v52, v51;
	v51 =	vld [tilespmem:$0x1FD40]  }
0x24b: {  	v52 =	vld [tilespmem:$0x1FD50]  }
0x24c: {  	v21 =	vmul.f32 v44, v21;
	v44 =	vld [tilespmem:$0x1FCE0]  }
0x24d: {  	v7 =	vadd.f32 v7, v27;
	v27 =	vmul.f32 v53, v29;
	v53 =	vld [tilespmem:$0x1FD60]  }
0x24e: {  	v29 =	vmul.f32 v55, v54;
	v54 =	vld [tilespmem:$0x1FD70]  }
0x24f: {  	v55 =	vld [tilespmem:$0x1FD80]  }
0x250: {  	v9 =	vmul.f32 v56, v26;
	v56 =	vld [tilespmem:$0x1FD90]  }
0x251: {  	v25 =	vmul.f32 v50, v46;
	v46 =	vld [tilespmem:$0x1FD00]  }
0x252: {  	v50 =	vld [tilespmem:$0x1FD30]  }
0x253: {  	v26 =	vmul.f32 v59, v58;
	v58 =	vld [tilespmem:$0x1FDA0]  }
0x254: {  	v59 =	vld [tilespmem:$0x1FDB0]  }
0x255: {  	v12 =	vadd.f32 v13, v12;
	v13 =	vmul.f32 v48, v30;
	v48 =	vld [tilespmem:$0x1CA0];
	v29 =	vmul.f32 v60, v29  }
0x256: {  	v8 =	vadd.f32 v10, v8;
	v60 =	vld [tilespmem:$0x1FDC0];
	v10 =	vmul.f32 v44, v26;
	v26 =	vmul.f32 v46, v45  }
0x257: {  	v44 =	vld [tilespmem:$0x1C90];
	v30 =	vmul.f32 v50, v49  }
0x258: {  	v8 =	vadd.f32 v11, v8;
	v11 =	vmul.f32 v51, v26;
	v26 =	vmul.f32 v53, v52;
	v52 =	vld [tilespmem:$0x1FDF0]  }
0x259: {  	v53 =	vld [tilespmem:$0x1FE00]  }
0x25a: {  	v12 =	vadd.f32 v14, v12;
	v14 =	vmul.f32 v54, v30;
	v54 =	vld [tilespmem:$0x1FE10]  }
0x25b: {  	v30 =	vmul.f32 v56, v55;
	v55 =	vld [tilespmem:$0x1FE20]  }
0x25c: {  	v56 =	vld [tilespmem:$0x1FE30]  }
0x25d: {  	v15 =	vadd.f32 v16, v15;
	v16 =	vmul.f32 v58, v26;
	v58 =	vld [tilespmem:$0x1FE40]  }
0x25e: {  	v26 =	vmul.f32 v60, v59;
	v59 =	vld [tilespmem:$0x1FE50]  }
0x25f: {  	v60 =	vld [tilespmem:$0x1FE60]  }
0x260: {  	v19 =	vadd.f32 v21, v19;
	v21 =	vmul.f32 v62, v30;
	v62 =	vld [tilespmem:$0x1FE70];
	v30 =	vmul.f32 v52, v63  }
0x261: {  	v63 =	vld [tilespmem:$0x1FE80]  }
0x262: {  	v19 =	vadd.f32 v28, v19;
	v28 =	vmul.f32 v56, v30;
	v56 =	vld [tilespmem:$0x1FE90]  }
0x263: {  	v30 =	vmul.f32 v59, v58;
	v58 =	vld [tilespmem:$0x1FEA0]  }
0x264: {  	v15 =	vadd.f32 v17, v15;
	v17 =	vmul.f32 v53, v26;
	v26 =	vmul.f32 v55, v54;
	v59 =	vld [tilespmem:$0x1FEB0]  }
0x265: {  	v45 =	vld [tilespmem:$0xCA0]  }
0x266: {  	v15 =	vadd.f32 v18, v15;
	v18 =	vmul.f32 v60, v26;
	v60 =	vld [tilespmem:$0x1FEC0]  }
0x267: {  	v26 =	vmul.f32 v63, v62;
	v62 =	vld [tilespmem:$0x1FED0]  }
0x268: {  	v63 =	vld [tilespmem:$0x1FEE0]  }
0x269: {  	v19 =	vadd.f32 v25, v19;
	v25 =	vmul.f32 v56, v30;
	v30 =	vmul.f32 v59, v58;
	v58 =	vld [tilespmem:$0x1FEF0]  }
0x26a: {  	v59 =	vld [tilespmem:$0x1FF00]  }
0x26b: {  	v26 =	vmul.f32 v60, v26;
	v60 =	vld [tilespmem:$0x1FF10]  }
0x26c: {  	v46 =	vld [tilespmem:$0x14A0]  }
0x26d: {  	v49 =	vld [tilespmem:$0xCB0]  }
0x26e: {  	v9 =	vadd.f32 v9, v27;
	v27 =	vmul.f32 v63, v62;
	v62 =	vld [tilespmem:$0x1FF20]  }
0x26f: {  	v63 =	vld [tilespmem:$0x1FF30]  }
0x270: {  	v11 =	vadd.f32 v11, v13;
	v13 =	vmul.f32 v58, v30;
	v30 =	vmul.f32 v60, v59;
	v60 =	vld [tilespmem:$0x1FF40]  }
0x271: {  	v50 =	vld [tilespmem:$0x14B0]  }
0x272: {  	v51 =	vld [tilespmem:$0x1CB0]  }
0x273: {  	v52 =	vld [tilespmem:$0xD00]  }
0x274: {  	v27 =	vmul.f32 v62, v27;
	v62 =	vld [tilespmem:$0x1FF50]  }
0x275: {  	v9 =	vadd.f32 v29, v9;
	v29 =	vmul.f32 v60, v63;
	v63 =	vld [tilespmem:$0x1FF60]  }
0x276: {  	v60 =	vld [tilespmem:$0x1FF70]  }
0x277: {  	v53 =	vld [tilespmem:$0x1500]  }
0x278: {  	v54 =	vld [tilespmem:$0x1D00]  }
0x279: {  	v55 =	vld [tilespmem:$0xD10]  }
0x27a: {  	v11 =	vadd.f32 v14, v11;
	v17 =	vadd.f32 v17, v21;
	v14 =	vmul.f32 v62, v30;
	v62 =	vld [tilespmem:$0x1FF80]  }
0x27b: {  	v30 =	vmul.f32 v60, v63;
	v63 =	vld [tilespmem:$0x1FF90]  }
0x27c: {  	v17 =	vadd.f32 v28, v17;
	v28 =	vmul.f32 v32, v31;
	v60 =	vld [tilespmem:$0x1FFA0]  }
0x27d: {  	v31 =	vld [tilespmem:$0x1580]  }
0x27e: {  	v32 =	vmul.f32 v33, v28;
	v33 =	vmul.f32 v37, v36;
	v36 =	vld [tilespmem:$0xD90]  }
0x27f: {  	v56 =	vld [tilespmem:$0x1510]  }
0x280: {  	v9 =	vadd.f32 v10, v9;
	v10 =	vmul.f32 v62, v29;
	v62 =	vld [tilespmem:$0x1FFB0]  }
0x281: {  	v29 =	vmul.f32 v60, v63;
	v63 =	vld [tilespmem:$0x1FFE0]  }
0x282: {  	v37 =	vmul.f32 v38, v33;
	v38 =	vmul.f32 v43, v42;
	v42 =	vld [tilespmem:$0x1D90]  }
0x283: {  	v58 =	vld [tilespmem:$0x1D10]  }
0x284: {  	v2 =	vmul.f32 v61, v2;
	v60 =	vld [tilespmem:$0x1FFD0]  }
0x285: {  	v0 =	vmul.f32 v0, v1;
	v11 =	vadd.f32 v16, v11;
	v16 =	vmul.f32 v62, v30;
	v30 =	vld [tilespmem:$0x1FFC0]  }
0x286: {  	v17 =	vadd.f32 v18, v17;
	v59 =	vld [tilespmem:$0xD20];
	v21 =	vmul.f32 v63, v29;
	v63 =	vmul.f32 v57, v47  }
0x287: {  	v0 =	vadd.f32 v32, v0;
	v56 =	vmul.f32 v56, v55;
	v62 =	vld [tilespmem:$0x1FFF0];
	v29 =	vmul.f32 v20, v34  }
0x288: {  	v25 =	vadd.f32 v26, v25;
	v34 =	vld [tilespmem:$0x1D80];
	v20 =	vmul.f32 v31, v22;
	v5 =	vmul.f32 v5, v63  }
0x289: {  	v10 =	vadd.f32 v10, v14;
	v47 =	vld [tilespmem:$0xDA0];
	v1 =	vmul.f32 v35, v29;
	v35 =	vmul.f32 v40, v39  }
0x28a: {  	(xrf2) =	vadd.scan.msk.f32 $0xffff, v24;
	v13 =	vadd.f32 v13, v25;
	v39 =	vld [tilespmem:$0x1590];
	v63 =	vmul.f32 v58, v56;
	v30 =	vmul.f32 v60, v30  }
0x28b: {  	(xrf2) =	vadd.scan.msk.f32 $0xffff, v7;
	v10 =	vadd.f32 v16, v10;
	v60 =	vld [tilespmem:$0x1520];
	v40 =	vmul.f32 v41, v35;
	v41 =	vmul.f32 v46, v45  }
0x28c: {  	(xrf2) =	vadd.scan.msk.f32 $0xffff, v8;
	v13 =	vadd.f32 v27, v13;
	v22 =	vld [tilespmem:$0x15B0];
	v45 =	vmul.f32 v44, v38;
	v46 =	vmul.f32 v50, v49  }
0x28d: {  	(xrf2) =	vadd.scan.msk.f32 $0xffff, v12;
	v43 =	vadd.f32 v21, v10;
	v50 =	vmul.f32 v53, v52;
	v26 =	vmul.f32 v62, v30;
	v30 =	vld [tilespmem:$0xD30]  }
0x28e: {  	(xrf2) =	vadd.scan.msk.f32 $0xffff, v15;
	v52 =	vld [tilespmem:$0x15A0];
	v0 =	vadd.f32 v1, v0;
	v31 =	vmul.f32 v34, v20;
	v49 =	vmul.f32 v48, v41  }
0x28f: {  	(xrf2) =	vadd.scan.msk.f32 $0xffff, v19;
	v62 =	vld [tilespmem:$0xDB0];
	v53 =	vmul.f32 v51, v46;
	v4 =	vadd.f32 v4, v26;
	v29 =	vmul.f32 v39, v36  }
0x290: {  	(xrf2) =	vadd.scan.msk.f32 $0xffff, v9;
	v57 =	vld [tilespmem:$0x1DA0];
	v7 =	vmul.f32 v54, v50;
	v0 =	vadd.f32 v37, v0;
	v61 =	vmul.f32 v60, v59  }
0x291: {  	(xrf2) =	vadd.scan.msk.f32 $0xffff, v11;
	v4 =	vadd.f32 v5, v4;
	v5 =	vadd.f32 v45, v40;
	v10 =	vmul.f32 v42, v29  }
0x292: {  	(xrf2) =	vadd.scan.msk.f32 $0xffff, v17;
	v32 =	vld [tilespmem:$0x1DB0];
	v1 =	vadd.f32 v63, v7;
	v28 =	vmul.f32 v23, v61;
	v3 =	vmul.f32 v3, v30  }
0x293: {  	(xrf2) =	vadd.scan.msk.f32 $0xffff, v13;
	v33 =	vmul.f32 v52, v47;
	v2 =	vadd.f32 v2, v4;
	v4 =	vadd.f32 v49, v5  }
0x294: {  	v34, _, _ =	vpop (xrf2);
	(xrf2) =	vadd.scan.msk.f32 $0xffff, v43;
	v38 =	vmul.f32 v22, v62;
	v1 =	vadd.f32 v28, v1;
	v3 =	vmul.f32 v6, v3  }
0x295: {  	v35, _, _ =	vpop (xrf2);
	v36 =	vadd.f32 v10, v31;
	v37 =	vmul.f32 v57, v33;
	v4 =	vadd.f32 v53, v4;
	(xrf2) =	vadd.scan.msk.f32 $0xffff, v2  }
0x296: {  	v39, _, _ =	vpop (xrf2);
	v40 =	vbroadcast v34, $0xF;
	v5 =	vbroadcast v35, $0xF;
	(xrf2) =	vadd.scan.msk.f32 $0xffff, v0;
	v1 =	vadd.f32 v3, v1  }
0x297: {  	v41, _, _ =	vpop (xrf2);
	v43 =	vbroadcast v39, $0xF;
	v42 =	vmul.f32 v32, v38;
	v2 =	vadd.f32 v37, v36;
	(xrf2) =	vadd.scan.msk.f32 $0xffff, v4  }
0x298: {  	v44, _, _ =	vpop (xrf2);
	v0 =	vsel vm0, v40, v5;
	v3 =	vbroadcast v41, $0xF;
	(xrf2) =	vadd.scan.msk.f32 $0xffff, v1  }
0x299: {  	v45, _, _ =	vpop (xrf2);
	v5 =	vbroadcast v44, $0xF;
	v0 =	vsel vm1, v0, v43;
	v2 =	vadd.f32 v42, v2  }
0x29a: {  	v46, _, _ =	vpop (xrf2);
	v0 =	vsel vm2, v0, v3;
	v1 =	vbroadcast v45, $0xF  }
0x29b: {  	v47 =	vbroadcast v46, $0xF;
	v48, _, _ =	vpop (xrf2);
	v0 =	vsel vm3, v0, v5;
	(xrf2) =	vadd.scan.msk.f32 $0xffff, v2  }
0x29c: {  	v49, _, _ =	vpop (xrf2);
	v50 =	vbroadcast v48, $0xF;
	v0 =	vsel vm4, v0, v1  }
0x29d: {  	v51, _, _ =	vpop (xrf2);
	v2 =	vbroadcast v49, $0xF;
	v0 =	vsel vm5, v0, v47  }
0x29e: {  	v52, _, _ =	vpop (xrf2);
	v53 =	vbroadcast v51, $0xF;
	v0 =	vsel vm6, v0, v50  }
0x29f: {  	v55 =	vbroadcast v52, $0xF;
	v0 =	vsel vm7, v0, v2;
	v54, _, _ =	vpop (xrf2)  }
0x2a0: {  	v0 =	vsel vm8, v0, v53;
	v56, _, _ =	vpop (xrf2);
	v57 =	vbroadcast v54, $0xF  }
0x2a1: {  	v0 =	vsel vm9, v0, v55;
	v58, _, _ =	vpop (xrf2);
	v59 =	vbroadcast v56, $0xF  }
0x2a2: {  	p0 =	sne.s32 s16, $0x7C0;
	v60, _, _ =	vpop (xrf2);
	v0 =	vsel vm10, v0, v57;
	v61 =	vbroadcast v58, $0xF  }
.Ltmp0:
0x2a3: {  	v0 =	vsel vm11, v0, v59;
	v62 =	vbroadcast v60, $0xF;
	(pc) =	sbr.rel @p0 .LBB2_2-.Ltmp0, $4  }
0x2a4: {  	v0 =	vsel vm12, v0, v61  }
0x2a5: {  	v63, _, _ =	vpop (xrf2);
	v0 =	vsel vm13, v0, v62  }
0x2a6: {  	v0 =	vsel vm14, v0, v63  }
0x2a7: {  	s16 =	sadd.s32 $0x40, s16;
	[tilespmem:s17+$0x1E00] =	vst v0  }
0x2a8: {  	s15 =	sadd.s32 $0x1, s15  }
0x2a9: {  	p0 =	sne.s32 s15, s9  }
.Ltmp1:
0x2aa: {  	_ = 	snop;
	(pc) =	sbr.rel @p0 .LBB2_1-.Ltmp1, $4  }
0x2ab: {  	[hbm4b:s8+s1] =	stream.linear.scatter [tilespmem:s14], [sflag:$0x2], $0x200, $0x38;
	[tilespmem:$0x2000] =	vst v63  }
0x2ac: {  	_ =	swait.ge [sflag:s10], $0x200  }
0x2ad: {  	[sflag:s10] =	ssyncset.done $0x0  }
0x2ae: {  	[sflag:s10] =	ssyncadd.s32 $0xFFFFFE00  }
0x2af: {  	_ =	sfence.sel $0x180000  }
0x2b0: {  	[bflag:$0x0] =	sbarrier.arrive $0xFFFF  }
0x2b1: {  	p0 =	sne.s32 s4, $0x0;
	_ =	strace $0x90000047  }
0x2b2: {  	s0 =	sadd.s32 @!p0 $0x100000, s0;
	[bflag:$0x2] =	sbarrier.arrive $0xFFFF  }
0x2b3: {  	[sflag:s0] =	ssyncadd.tile.s32 @!p0 $0x1;
	_ =	shalt  }
.Lfunc_end2:
_tile_overlayer_lowered:
.L_overlay_start_2:
0x2b4: {  	(tag) =	ssettag $0x2  }
0x2b5: {  	s0 =	rddreg [dreg:$0x0];
	s2 =	stileid.u32  }
0x2b6: {  	s1 =	rddreg [dreg:$0x1];
	p0 =	sne.s32 s2, $0x0  }
0x2b7: {  	s3 =	rddreg [dreg:$0x2];
	[bflag:$0x3] =	sbarrier.arrive $0xFFFF;
	s2 =	simm.s32 @!p0 $0x1C02  }
0x2b8: {  	[timem:s3], [sflag:s2] =	dma.local @!p0 [hbm:s0], s1  }
0x2b9: {  	s0 =	simm.s32 @!p0 $0x2  }
0x2ba: {  	_ =	swait.ge @!p0 [sflag:s0], s1  }
0x2bb: {  	s1 =	ssub.s32 @!p0 $0x0, s1;
	[sflag:s0] =	ssyncset.done @!p0 $0x0  }
0x2bc: {  	[sflag:s0] =	ssyncadd.s32 @!p0 s1  }
0x2bd: {  	[bflag:$0x3] =	sbarrier.arrive $0xFFFF  }
0x2be: {  	_ =	shalt  }

</sc_bundles>
